<compile_context>
chip_gen: v7x
topology: tpu7x:2x2x1
jax: 0.10.2.dev20260603
libtpu: 0.0.44.dev20260713+nightly
codegen_flags: <defaults>
</compile_context>

<pallas_src>
import functools

import jax
import jax.numpy as jnp
from jax import lax
from jax.experimental import pallas as pl
from jax.experimental.pallas import tpu as pltpu
from jax.experimental.pallas import tpu_sc as plsc

N = 10000
E = 320000
B = 128
D = 128

NC = 2
NS = 16
NW = NC * NS
EW = E // NW
ES = E // NS
KG = 80
KE = 80
LANES = 16

F32 = jnp.float32


def _tables_body(h_ref, u_ref, n2g_ref, WA_ref, bA_ref, WC_ref, bC_ref,
                 WE_ref, bE_ref, WD_ref, bD_ref, WF_ref, bF_ref,
                 t1_ref, t2_ref, eh_ref, xb_ref):
    h = h_ref[...]
    u = u_ref[...]
    ah = jnp.dot(h, WA_ref[...], preferred_element_type=F32) + bA_ref[...]
    cu = jnp.dot(u, WC_ref[...], preferred_element_type=F32) + bC_ref[...]
    fu = jnp.dot(u, WF_ref[...], preferred_element_type=F32) + bF_ref[...]
    oh = (n2g_ref[...] == lax.broadcasted_iota(jnp.int32, (N, B), 1)).astype(F32)
    cua = jnp.dot(oh, cu, preferred_element_type=F32)
    h2 = jnp.dot(oh, fu, preferred_element_type=F32)
    dh = jnp.dot(h, WD_ref[...], preferred_element_type=F32) + bD_ref[...]
    t2_ref[...] = ah
    t1_ref[...] = ah + cua
    eh_ref[...] = jnp.dot(h, WE_ref[...], preferred_element_type=F32) + bE_ref[...]
    xb_ref[...] = dh + h2


def _tables_call(h, u, n2g_col, WA, bA, WC, bC, WE, bE, WD, bD, WF, bF):
    out = jax.ShapeDtypeStruct((N, D), F32)
    return pl.pallas_call(
        _tables_body,
        out_shape=(out, out, out, out),
    )(h, u, n2g_col, WA, bA, WC, bC, WE, bE, WD, bD, WF, bF)


_CE = 2000


def _z_body(e_ref, WB_ref, bB_ref, z_ref):
    z_ref[...] = jnp.dot(e_ref[...], WB_ref[...], preferred_element_type=F32) + bB_ref[...]


def _z_call(e, WB, bB):
    return pl.pallas_call(
        _z_body,
        grid=(E // _CE,),
        in_specs=[
            pl.BlockSpec((_CE, D), lambda i: (i, 0)),
            pl.BlockSpec((D, D), lambda i: (0, 0)),
            pl.BlockSpec((1, D), lambda i: (0, 0)),
        ],
        out_specs=pl.BlockSpec((_CE, D), lambda i: (i, 0)),
        out_shape=jax.ShapeDtypeStruct((E, D), F32),
    )(e, WB, bB)


def _sc_gather_body(z_hbm, src_hbm, dst_hbm, t1_hbm, t2_hbm,
                    r_hbm, stats_hbm,
                    src0, src1, dst0, dst1, g10, g11, g20, g21,
                    zb0, zb1, rb0, rb1, acc_v,
                    ssi0, ssi1, sdi0, sdi1, sz0, sz1,
                    sg10, sg11, sg20, sg21, sst0, sst1):
    c = lax.axis_index("c")
    s = lax.axis_index("s")
    wid = s * NC + c
    base_w = wid * EW
    n = EW // KG
    srcs = (src0, src1)
    dsts = (dst0, dst1)
    g1s = (g10, g11)
    g2s = (g20, g21)
    zbs = (zb0, zb1)
    rbs = (rb0, rb1)
    ssi = (ssi0, ssi1)
    sdi = (sdi0, sdi1)
    sz = (sz0, sz1)
    sg1 = (sg10, sg11)
    sg2 = (sg20, sg21)
    sst = (sst0, sst1)

    zero = jnp.zeros((LANES,), F32)
    for cc in range(D // LANES):
        acc_v[0, pl.ds(cc * LANES, LANES)] = zero
        acc_v[1, pl.ds(cc * LANES, LANES)] = zero

    def issue_in(k, b):
        base = base_w + k * KG
        pltpu.async_copy(src_hbm.at[pl.ds(base, KG)], srcs[b], ssi[b])
        pltpu.async_copy(dst_hbm.at[pl.ds(base, KG)], dsts[b], sdi[b])
        pltpu.async_copy(z_hbm.at[pl.ds(base, KG)], zbs[b], sz[b])

    def wait_idx(b):
        pltpu.make_async_copy(src_hbm.at[pl.ds(0, KG)], srcs[b], ssi[b]).wait()
        pltpu.make_async_copy(dst_hbm.at[pl.ds(0, KG)], dsts[b], sdi[b]).wait()

    def issue_gather(b):
        pltpu.async_copy(t1_hbm.at[srcs[b]], g1s[b], sg1[b])
        pltpu.async_copy(t2_hbm.at[dsts[b]], g2s[b], sg2[b])

    def wait_data(b):
        pltpu.make_async_copy(z_hbm.at[pl.ds(0, KG)], zbs[b], sz[b]).wait()
        pltpu.make_async_copy(z_hbm.at[pl.ds(0, KG)], g1s[b], sg1[b]).wait()
        pltpu.make_async_copy(z_hbm.at[pl.ds(0, KG)], g2s[b], sg2[b]).wait()

    def wait_store(b):
        pltpu.make_async_copy(rbs[b], r_hbm.at[pl.ds(0, KG)], sst[b]).wait()

    issue_in(0, 0)
    issue_in(1, 1)
    wait_idx(0)
    issue_gather(0)

    def pair(jp, carry):
        for b in range(2):
            k = 2 * jp + b
            o = 1 - b

            @pl.when(k < n)
            def _():
                @pl.when(k + 1 < n)
                def _():
                    wait_idx(o)
                    issue_gather(o)

                @pl.when(k >= 2)
                def _():
                    wait_store(b)

                wait_data(b)

                def row(i, rc):
                    news = []
                    newq = []
                    for cc in range(D // LANES):
                        sl = pl.ds(cc * LANES, LANES)
                        r = zbs[b][i, sl] + g1s[b][i, sl] + g2s[b][i, sl]
                        rbs[b][i, sl] = r
                        news.append(rc[cc] + r)
                        newq.append(rc[8 + cc] + r * r)
                    return tuple(news) + tuple(newq)

                fin = lax.fori_loop(0, KG, row, (zero,) * 16, unroll=False)
                for cc in range(D // LANES):
                    sl = pl.ds(cc * LANES, LANES)
                    acc_v[0, sl] = acc_v[0, sl] + fin[cc]
                    acc_v[1, sl] = acc_v[1, sl] + fin[8 + cc]

                pltpu.async_copy(
                    rbs[b], r_hbm.at[pl.ds(base_w + k * KG, KG)], sst[b])

                @pl.when(k + 2 < n)
                def _():
                    issue_in(k + 2, b)

        return carry

    lax.fori_loop(0, (n + 1) // 2, pair, 0, unroll=False)
    wait_store(0)
    wait_store(1)
    pltpu.sync_copy(acc_v, stats_hbm.at[wid])


def _sc_gather_call(z, src, dst, t1, t2):
    mesh = plsc.VectorSubcoreMesh(core_axis_name="c", subcore_axis_name="s")
    fn = functools.partial(
        pl.kernel,
        out_type=(
            jax.ShapeDtypeStruct((E, D), F32),
            jax.ShapeDtypeStruct((NW, 2, D), F32),
        ),
        mesh=mesh,
        scratch_types=(
            pltpu.VMEM((KG,), jnp.int32),
            pltpu.VMEM((KG,), jnp.int32),
            pltpu.VMEM((KG,), jnp.int32),
            pltpu.VMEM((KG,), jnp.int32),
            pltpu.VMEM((KG, D), F32),
            pltpu.VMEM((KG, D), F32),
            pltpu.VMEM((KG, D), F32),
            pltpu.VMEM((KG, D), F32),
            pltpu.VMEM((KG, D), F32),
            pltpu.VMEM((KG, D), F32),
            pltpu.VMEM((KG, D), F32),
            pltpu.VMEM((KG, D), F32),
            pltpu.VMEM((2, D), F32),
        ) + (pltpu.SemaphoreType.DMA,) * 12,
    )(_sc_gather_body)
    return fn(z, src, dst, t1, t2)


def _enew_body(r_ref, stats_ref, ge_ref, be_ref,
               en_ref, sgl_ref, sgr_ref):
    st = stats_ref[...]
    s0 = jnp.sum(st[:, 0, :], axis=0)
    s1 = jnp.sum(st[:, 1, :], axis=0)
    mu = s0 / float(E)
    var = s1 / float(E) - mu * mu
    rstd = lax.rsqrt(var + 1e-5)
    scale = (ge_ref[...][0] * rstd)[None, :]
    shift = (be_ref[...][0] - mu * ge_ref[...][0] * rstd)[None, :]
    en = jnp.maximum(r_ref[...] * scale + shift, 0.0)
    sg = 1.0 / (1.0 + jnp.exp(-en))
    en_ref[...] = en
    sgl_ref[...] = sg[:, :H]
    sgr_ref[...] = sg[:, H:]


def _enew_call(r, stats, gamma_e, beta_e):
    half = pl.BlockSpec((_CE, D // 2), lambda i: (i, 0))
    return pl.pallas_call(
        _enew_body,
        grid=(E // _CE,),
        in_specs=[
            pl.BlockSpec((_CE, D), lambda i: (i, 0)),
            pl.BlockSpec((NW, 2, D), lambda i: (0, 0, 0)),
            pl.BlockSpec((1, D), lambda i: (0, 0)),
            pl.BlockSpec((1, D), lambda i: (0, 0)),
        ],
        out_specs=(
            pl.BlockSpec((_CE, D), lambda i: (i, 0)),
            half, half,
        ),
        out_shape=(
            jax.ShapeDtypeStruct((E, D), F32),
            jax.ShapeDtypeStruct((E, H), F32),
            jax.ShapeDtypeStruct((E, H), F32),
        ),
    )(r, stats, gamma_e, beta_e)


H = D // 2


def _sc_scatter_body(sgl_hbm, sgr_hbm, src_hbm, dst_hbm, eh_hbm,
                     nd0_hbm, nd1_hbm,
                     ndT,
                     src0, src1, dst0, dst1,
                     a0, a1, g0, g1,
                     ssi0, ssi1, sdi0, sdi1, sa0, sa1,
                     sg0, sg1, scn0, scn1):
    c = lax.axis_index("c")
    s = lax.axis_index("s")
    srcs = (src0, src1)
    dsts = (dst0, dst1)
    aas = (a0, a1)
    gs = (g0, g1)
    ssi = (ssi0, ssi1)
    sdi = (sdi0, sdi1)
    sa = (sa0, sa1)
    sg = (sg0, sg1)
    scn = (scn0, scn1)
    n = ES // KE
    zero = jnp.zeros((LANES,), F32)

    def zrow(i, carry):
        for cc in range(D // LANES):
            g0[i, pl.ds(cc * LANES, LANES)] = zero
        return carry

    lax.fori_loop(0, KE, zrow, 0, unroll=False)

    nzc = N // KE

    def zchunk(k, carry):
        j = s + k * NS

        @pl.when(j < nzc)
        def _():
            pltpu.sync_copy(g0, ndT.at[pl.ds(j * KE, KE)])

        return carry

    lax.fori_loop(0, (nzc + NS - 1) // NS, zchunk, 0, unroll=False)
    plsc.subcore_barrier()

    def run_edges(sg_t, off):
        base_s = s * ES

        def issue_in(k, b):
            base = base_s + k * KE
            pltpu.async_copy(src_hbm.at[pl.ds(base, KE)], srcs[b], ssi[b])
            pltpu.async_copy(dst_hbm.at[pl.ds(base, KE)], dsts[b], sdi[b])
            pltpu.async_copy(sg_t.at[pl.ds(base, KE)], aas[b], sa[b])

        def wait_idx(b):
            pltpu.make_async_copy(src_hbm.at[pl.ds(0, KE)], srcs[b], ssi[b]).wait()
            pltpu.make_async_copy(dst_hbm.at[pl.ds(0, KE)], dsts[b], sdi[b]).wait()

        def issue_gather(b):
            pltpu.async_copy(eh_hbm.at[srcs[b]], gs[b], sg[b])

        def wait_scn(b):
            pltpu.make_async_copy(gs[b], ndT.at[pl.ds(0, KE)], scn[b]).wait()

        issue_in(0, 0)
        issue_in(1, 1)
        wait_idx(0)
        issue_gather(0)

        def pair(jp, carry):
            for b in range(2):
                k = 2 * jp + b
                o = 1 - b

                @pl.when(k < n)
                def _():
                    @pl.when(k + 1 < n)
                    def _():
                        wait_idx(o)
                        issue_gather(o)

                    pltpu.make_async_copy(
                        sg_t.at[pl.ds(0, KE)], aas[b], sa[b]).wait()
                    pltpu.make_async_copy(
                        eh_hbm.at[pl.ds(0, KE)], gs[b], sg[b]).wait()

                    def row(i, rc):
                        for cc in range(H // LANES):
                            sl = pl.ds(cc * LANES, LANES)
                            slo = pl.ds(off + cc * LANES, LANES)
                            slr = pl.ds(H + cc * LANES, LANES)
                            sv = aas[b][i, sl]
                            p = gs[b][i, slo] * sv
                            gs[b][i, sl] = p
                            gs[b][i, slr] = sv
                        return rc

                    lax.fori_loop(0, KE, row, 0, unroll=False)
                    pltpu.async_copy(gs[b], ndT.at[dsts[b]], scn[b], add=True)

                    @pl.when(k + 2 < n)
                    def _():
                        wait_scn(b)
                        issue_in(k + 2, b)

            return carry

        lax.fori_loop(0, (n + 1) // 2, pair, 0, unroll=False)
        wait_scn(0)
        wait_scn(1)

    @pl.when(c == 0)
    def _():
        run_edges(sgl_hbm, 0)

    @pl.when(c == 1)
    def _():
        run_edges(sgr_hbm, H)

    plsc.subcore_barrier()

    @pl.when(s == 0)
    def _():
        @pl.when(c == 0)
        def _():
            pltpu.sync_copy(ndT, nd0_hbm)

        @pl.when(c == 1)
        def _():
            pltpu.sync_copy(ndT, nd1_hbm)


def _sc_scatter_call(sgl, sgr, src, dst, eh):
    mesh = plsc.VectorSubcoreMesh(core_axis_name="c", subcore_axis_name="s")
    outn = jax.ShapeDtypeStruct((N, D), F32)
    fn = functools.partial(
        pl.kernel,
        out_type=(outn, outn),
        mesh=mesh,
        scratch_types=(
            pltpu.VMEM_SHARED((N, D), F32),
            pltpu.VMEM((KE,), jnp.int32),
            pltpu.VMEM((KE,), jnp.int32),
            pltpu.VMEM((KE,), jnp.int32),
            pltpu.VMEM((KE,), jnp.int32),
            pltpu.VMEM((KE, H), F32),
            pltpu.VMEM((KE, H), F32),
            pltpu.VMEM((KE, D), F32),
            pltpu.VMEM((KE, D), F32),
        ) + (pltpu.SemaphoreType.DMA,) * 10,
    )(_sc_scatter_body)
    return fn(sgl, sgr, src, dst, eh)


ES2 = E // (2 * NS)


def _sc_sb_body(en_hbm, dst_hbm, n2g_hbm,
                sb0_hbm, sb1_hbm, mc0_hbm, mc1_hbm,
                sbt, mct,
                dst0, dst1, gg0, gg1, e0, e1, ones_v,
                sdi0, sdi1, sgg0, sgg1, se0, se1,
                scs0, scs1, scm0, scm1):
    c = lax.axis_index("c")
    s = lax.axis_index("s")
    dsts = (dst0, dst1)
    ggs = (gg0, gg1)
    ees = (e0, e1)
    sdi = (sdi0, sdi1)
    sgg = (sgg0, sgg1)
    se = (se0, se1)
    scs = (scs0, scs1)
    scm = (scm0, scm1)
    n = ES2 // KE
    zero = jnp.zeros((LANES,), F32)
    one = jnp.full((LANES,), 1.0, F32)

    def zrow(i, carry):
        for cc in range(D // LANES):
            e0[i, pl.ds(cc * LANES, LANES)] = zero
            ones_v[i, pl.ds(cc * LANES, LANES)] = zero
        return carry

    lax.fori_loop(0, KE, zrow, 0, unroll=False)

    @pl.when(s == 0)
    def _():
        pltpu.sync_copy(e0, sbt.at[pl.ds(0, KE)])
        pltpu.sync_copy(e0.at[pl.ds(0, B - KE)], sbt.at[pl.ds(KE, B - KE)])
        pltpu.sync_copy(ones_v, mct.at[pl.ds(0, KE)])
        pltpu.sync_copy(ones_v.at[pl.ds(0, B - KE)], mct.at[pl.ds(KE, B - KE)])

    def orow(i, carry):
        for cc in range(D // LANES):
            ones_v[i, pl.ds(cc * LANES, LANES)] = one
        return carry

    lax.fori_loop(0, KE, orow, 0, unroll=False)
    plsc.subcore_barrier()

    base_s = c * (E // 2) + s * ES2

    def issue_in(k, b):
        base = base_s + k * KE
        pltpu.async_copy(dst_hbm.at[pl.ds(base, KE)], dsts[b], sdi[b])
        pltpu.async_copy(en_hbm.at[pl.ds(base, KE)], ees[b], se[b])

    def wait_idx(b):
        pltpu.make_async_copy(dst_hbm.at[pl.ds(0, KE)], dsts[b], sdi[b]).wait()

    def issue_gather(b):
        pltpu.async_copy(n2g_hbm.at[dsts[b]], ggs[b], sgg[b])

    def wait_scatters(b):
        pltpu.make_async_copy(ees[b], sbt.at[pl.ds(0, KE)], scs[b]).wait()
        pltpu.make_async_copy(ones_v, mct.at[pl.ds(0, KE)], scm[b]).wait()

    issue_in(0, 0)
    issue_in(1, 1)
    wait_idx(0)
    issue_gather(0)

    def pair(jp, carry):
        for b in range(2):
            k = 2 * jp + b
            o = 1 - b

            @pl.when(k < n)
            def _():
                @pl.when(k + 1 < n)
                def _():
                    wait_idx(o)
                    issue_gather(o)

                pltpu.make_async_copy(
                    en_hbm.at[pl.ds(0, KE)], ees[b], se[b]).wait()
                pltpu.make_async_copy(
                    dst_hbm.at[pl.ds(0, KE)], ggs[b], sgg[b]).wait()
                pltpu.async_copy(ees[b], sbt.at[ggs[b]], scs[b], add=True)
                pltpu.async_copy(ones_v, mct.at[ggs[b]], scm[b], add=True)

                @pl.when(k + 2 < n)
                def _():
                    wait_scatters(b)
                    issue_in(k + 2, b)

        return carry

    lax.fori_loop(0, (n + 1) // 2, pair, 0, unroll=False)
    wait_scatters(0)
    wait_scatters(1)
    plsc.subcore_barrier()

    @pl.when(s == 0)
    def _():
        @pl.when(c == 0)
        def _():
            pltpu.sync_copy(sbt, sb0_hbm)
            pltpu.sync_copy(mct, mc0_hbm)

        @pl.when(c == 1)
        def _():
            pltpu.sync_copy(sbt, sb1_hbm)
            pltpu.sync_copy(mct, mc1_hbm)


def _sc_sb_call(en, dst, n2g):
    mesh = plsc.VectorSubcoreMesh(core_axis_name="c", subcore_axis_name="s")
    outb = jax.ShapeDtypeStruct((B, D), F32)
    outm = jax.ShapeDtypeStruct((B, D), F32)
    fn = functools.partial(
        pl.kernel,
        out_type=(outb, outb, outm, outm),
        mesh=mesh,
        scratch_types=(
            pltpu.VMEM_SHARED((B, D), F32),
            pltpu.VMEM_SHARED((B, D), F32),
            pltpu.VMEM((KE,), jnp.int32),
            pltpu.VMEM((KE,), jnp.int32),
            pltpu.VMEM((KE,), jnp.int32),
            pltpu.VMEM((KE,), jnp.int32),
            pltpu.VMEM((KE, D), F32),
            pltpu.VMEM((KE, D), F32),
            pltpu.VMEM((KE, D), F32),
        ) + (pltpu.SemaphoreType.DMA,) * 10,
    )(_sc_sb_body)
    return fn(en, dst, n2g)


def _final_body(nd0_ref, nd1_ref, sb0_ref, sb1_ref,
                mc0_ref, mc1_ref, xb_ref, n2g_ref, u_ref,
                WG_ref, bG_ref, WH_ref, bH_ref, WI_ref, bI_ref,
                gh_ref, bh_ref, gu_ref, bu_ref,
                hn_ref, un_ref):
    nd0 = nd0_ref[...]
    nd1 = nd1_ref[...]
    num = jnp.concatenate([nd0[:, :H], nd1[:, :H]], axis=1)
    den = jnp.concatenate([nd0[:, H:], nd1[:, H:]], axis=1)
    sb_full = sb0_ref[...] + sb1_ref[...]
    x = xb_ref[...] + num / (den + 1e-6)
    mu = jnp.mean(x, axis=0, keepdims=True)
    var = jnp.mean(x * x, axis=0, keepdims=True) - mu * mu
    hn = gh_ref[...] * (x - mu) * lax.rsqrt(var + 1e-5) + bh_ref[...]
    hn = jnp.maximum(hn, 0.0)
    hn_ref[...] = hn

    ohT = (lax.broadcasted_iota(jnp.int32, (B, N), 0) == n2g_ref[...]).astype(F32)
    M = jnp.dot(ohT, hn, preferred_element_type=F32)
    cnt = jnp.sum(ohT, axis=1, keepdims=True)
    Gg = jnp.dot(M, WG_ref[...], preferred_element_type=F32) + cnt * bG_ref[...]
    mean_Gh = Gg / jnp.maximum(cnt, 1.0)
    mg = jnp.sum(mc0_ref[...] + mc1_ref[...], axis=1, keepdims=True) * (1.0 / D)
    He_g = jnp.dot(sb_full, WH_ref[...], preferred_element_type=F32) + mg * bH_ref[...]
    mean_He = He_g * (1.0 / float(E))
    un = mean_Gh + mean_He + jnp.dot(u_ref[...], WI_ref[...], preferred_element_type=F32) + bI_ref[...]
    mu_u = jnp.mean(un, axis=0, keepdims=True)
    var_u = jnp.mean(un * un, axis=0, keepdims=True) - mu_u * mu_u
    un = gu_ref[...] * (un - mu_u) * lax.rsqrt(var_u + 1e-5) + bu_ref[...]
    un_ref[...] = jnp.maximum(un, 0.0)


def _final_call(nd0, nd1, sb0, sb1, mc0, mc1, xb, n2g_row, u,
                WG, bG, WH, bH, WI, bI, gamma_h, beta_h, gamma_u, beta_u):
    return pl.pallas_call(
        _final_body,
        out_shape=(
            jax.ShapeDtypeStruct((N, D), F32),
            jax.ShapeDtypeStruct((B, D), F32),
        ),
    )(nd0, nd1, sb0, sb1, mc0, mc1, xb, n2g_row, u,
      WG, bG, WH, bH, WI, bI, gamma_h, beta_h, gamma_u, beta_u)


def kernel(h, e, u, edge_index, node2graph,
           WA, bA, WB, bB, WC, bC, WD, bD, WE, bE, WF, bF, WG, bG, WH, bH,
           WI, bI, gamma_h, beta_h, gamma_e, beta_e, gamma_u, beta_u):
    src = edge_index[0]
    dst = edge_index[1]
    n2g_col = node2graph[:, None]
    n2g_row = node2graph[None, :]
    r2 = lambda v: v[None, :]

    t1, t2, eh, xb = _tables_call(
        h, u, n2g_col, WA, r2(bA), WC, r2(bC), WE, r2(bE), WD, r2(bD),
        WF, r2(bF))
    z = _z_call(e, WB, r2(bB))
    r, stats = _sc_gather_call(z, src, dst, t1, t2)
    e_new, sgl, sgr = _enew_call(r, stats, r2(gamma_e), r2(beta_e))
    nd0, nd1 = _sc_scatter_call(sgl, sgr, src, dst, eh)
    sb0, sb1, mc0, mc1 = _sc_sb_call(e_new, dst, node2graph)
    h_new, u_new = _final_call(
        nd0, nd1, sb0, sb1, mc0, mc1, xb, n2g_row, u,
        WG, r2(bG), WH, r2(bH), WI, r2(bI),
        r2(gamma_h), r2(beta_h), r2(gamma_u), r2(beta_u))
    return (h_new, e_new, u_new)

# --- scband reference (transcript-rebuilt; emitter-appended) ---
"""Pipeline reference for scband-gated-gcnconv-71906342470118 (READ-ONLY COPY).

The authoritative reference and input builder live on the scoring server;
editing this copy changes nothing except your own understanding.
"""

import jax, jax.numpy as jnp
import numpy as np

N = 10000
E = 320000
B = 128
D = 128

def _lin(x, W, b):
    return x @ W + b

def _bn(x, gamma, beta, eps=1e-5):
    mu = jnp.mean(x, axis=0, keepdims=True)
    var = jnp.var(x, axis=0, keepdims=True)
    return gamma * (x - mu) / jnp.sqrt(var + eps) + beta

def setup_inputs(seed: int = 0) -> dict:
    key = jax.random.key(seed)
    ks = jax.random.split(key, 30)
    inp = {}
    inp["h"] = jax.random.normal(ks[0], (N, D), dtype=jnp.float32)
    inp["e"] = jax.random.normal(ks[1], (E, D), dtype=jnp.float32)
    inp["u"] = jax.random.normal(ks[2], (B, D), dtype=jnp.float32)
    inp["edge_index"] = jax.random.randint(ks[3], (2, E), 0, N, dtype=jnp.int32)
    inp["node2graph"] = jnp.sort(jax.random.randint(ks[4], (N,), 0, B, dtype=jnp.int32))
    wnames = ["A", "B", "C", "D", "E", "F", "G", "H", "I"]
    for i, nm in enumerate(wnames):
        inp["W" + nm] = jax.random.normal(ks[5 + i], (D, D), dtype=jnp.float32) * 0.05
        inp["b" + nm] = jnp.zeros((D,), dtype=jnp.float32)
    for nm in ["h", "e", "u"]:
        inp["gamma_" + nm] = jnp.ones((D,), dtype=jnp.float32)
        inp["beta_" + nm] = jnp.zeros((D,), dtype=jnp.float32)
    return inp

def reference(h, e, u, edge_index, node2graph, WA, bA, WB, bB, WC, bC, WD, bD, WE, bE, WF, bF, WG, bG, WH, bH, WI, bI, gamma_h, beta_h, gamma_e, beta_e, gamma_u, beta_u):
    src = edge_index[0]
    dst = edge_index[1]
    # edge update: e' = ReLU(BN(Ah_i + Ah_j + B(e) + C(u)_graph(src)))
    Ah = _lin(h, WA, bA)
    Cu = _lin(u, WC, bC)
    Cu_atom = Cu[node2graph]
    sum_Ah = Ah[src] + Ah[dst]
    e_new = sum_Ah + _lin(e, WB, bB) + Cu_atom[src]
    e_new = jax.nn.relu(_bn(e_new, gamma_e, beta_e))
    # node update: gated aggregation h1 = sum(sigma(e') * E(h)_src) / (sum(sigma(e')) + 1e-6) per dst
    Eh = _lin(h, WE, bE)
    sigma = jax.nn.sigmoid(e_new)
    num = jax.ops.segment_sum(sigma * Eh[src], dst, num_segments=N)
    den = jax.ops.segment_sum(sigma, dst, num_segments=N)
    h1 = num / (den + 1e-6)
    Fu = _lin(u, WF, bF)
    h2 = Fu[node2graph]
    h_new = _lin(h, WD, bD) + h1 + h2
    h_new = jax.nn.relu(_bn(h_new, gamma_h, beta_h))
    # global update: u' = ReLU(BN(mean_g(G(h')) + sum_g(H(e'))/num_edges + I(u)))
    Gh = _lin(h_new, WG, bG)
    He = _lin(e_new, WH, bH)
    He_atom = jax.ops.segment_sum(He, dst, num_segments=N)
    He_g = jax.ops.segment_sum(He_atom, node2graph, num_segments=B)
    mean_He = He_g / float(E)
    Gh_g = jax.ops.segment_sum(Gh, node2graph, num_segments=B)
    cnt = jax.ops.segment_sum(jnp.ones((N,), jnp.float32), node2graph, num_segments=B)
    mean_Gh = Gh_g / jnp.maximum(cnt, 1.0)[:, None]
    u_new = mean_Gh + mean_He + _lin(u, WI, bI)
    u_new = jax.nn.relu(_bn(u_new, gamma_u, beta_u))
    return (h_new, e_new, u_new)

if __name__ == "__main__":
    import jax
    _d = setup_inputs()
    print(jax.jit(kernel)(*tuple(_d.values())))

</pallas_src>

<mosaic_0001>
#map = affine_map<(d0, d1) -> (0, 0)>
#map1 = affine_map<(d0, d1) -> (0)>
module attributes {stable_mosaic.version = 14 : i64} {
  func.func @_sc_scatter_body(%arg0: i32, %arg1: i32, %arg2: memref<320000x64xf32, #tpu.memory_space<hbm>>, %arg3: memref<320000x64xf32, #tpu.memory_space<hbm>>, %arg4: memref<320000xi32, #tpu.memory_space<hbm>>, %arg5: memref<320000xi32, #tpu.memory_space<hbm>>, %arg6: memref<10000x128xf32, #tpu.memory_space<hbm>>, %arg7: memref<10000x128xf32, #tpu.memory_space<hbm>>, %arg8: memref<10000x128xf32, #tpu.memory_space<hbm>>, %arg9: memref<10000x128xf32, #tpu.memory_space<vmem_shared>>, %arg10: memref<80xi32, #tpu.memory_space<vmem>>, %arg11: memref<80xi32, #tpu.memory_space<vmem>>, %arg12: memref<80xi32, #tpu.memory_space<vmem>>, %arg13: memref<80xi32, #tpu.memory_space<vmem>>, %arg14: memref<80x64xf32, #tpu.memory_space<vmem>>, %arg15: memref<80x64xf32, #tpu.memory_space<vmem>>, %arg16: memref<80x128xf32, #tpu.memory_space<vmem>>, %arg17: memref<80x128xf32, #tpu.memory_space<vmem>>, %arg18: memref<!tpu.dma_semaphore, #tpu.memory_space<semaphore_mem>>, %arg19: memref<!tpu.dma_semaphore, #tpu.memory_space<semaphore_mem>>, %arg20: memref<!tpu.dma_semaphore, #tpu.memory_space<semaphore_mem>>, %arg21: memref<!tpu.dma_semaphore, #tpu.memory_space<semaphore_mem>>, %arg22: memref<!tpu.dma_semaphore, #tpu.memory_space<semaphore_mem>>, %arg23: memref<!tpu.dma_semaphore, #tpu.memory_space<semaphore_mem>>, %arg24: memref<!tpu.dma_semaphore, #tpu.memory_space<semaphore_mem>>, %arg25: memref<!tpu.dma_semaphore, #tpu.memory_space<semaphore_mem>>, %arg26: memref<!tpu.dma_semaphore, #tpu.memory_space<semaphore_mem>>, %arg27: memref<!tpu.dma_semaphore, #tpu.memory_space<semaphore_mem>>) attributes {dimension_semantics = [#tpu.dimension_semantics<core_parallel>, #tpu.dimension_semantics<subcore_parallel>], iteration_bounds = array<i64: 2, 16>, scalar_prefetch = 0 : i64, scratch_operands = 19 : i64, tpu.core_type = #tpu.core_type<sc_vector_subcore>, window_params = [{transform_indices = #map}, {transform_indices = #map}, {transform_indices = #map1}, {transform_indices = #map1}, {transform_indices = #map}, {transform_indices = #map}, {transform_indices = #map}]} {
    %broadcast_in_dim3A = arith.constant 0.000000e+00 : f32
    %broadcast_in_dim3A_0 = vector.broadcast %broadcast_in_dim3A : f32 to vector<16xf32>
    %scan3A = arith.constant 0 : i32
    %scan3A_1 = arith.constant 0 : i32
    %scan3A_2 = arith.constant 80 : i32
    %scan3A_3 = arith.addi %scan3A_1, %scan3A_2 : i32
    %scan3A_4 = arith.constant 1 : i32
    scf.for %scan3A_25 = %scan3A_1 to %scan3A_3 step %scan3A_4  : i32 {
      %swap3A = arith.index_cast %scan3A_25 : i32 to index
      %swap3A_26 = arith.constant 0 : index
      %swap3A_27 = tpu.vector_load %arg16[%swap3A, %swap3A_26] {strides = array<i32>} : memref<80x128xf32, #tpu.memory_space<vmem>>, vector<1x16xf32>,
      %swap3A_28 = vector.shape_cast %swap3A_27 : vector<1x16xf32> to vector<16xf32>
      %swap3A_29 = vector.shape_cast %broadcast_in_dim3A_0 : vector<16xf32> to vector<1x16xf32>
      tpu.vector_store %arg16[%swap3A, %swap3A_26], %swap3A_29 {strides = array<i32>} : memref<80x128xf32, #tpu.memory_space<vmem>>, vector<1x16xf32>,
      %swap3A_30 = arith.index_cast %scan3A_25 : i32 to index
      %swap3A_31 = arith.constant 16 : index
      %swap3A_32 = tpu.vector_load %arg16[%swap3A_30, %swap3A_31] {strides = array<i32>} : memref<80x128xf32, #tpu.memory_space<vmem>>, vector<1x16xf32>,
      %swap3A_33 = vector.shape_cast %swap3A_32 : vector<1x16xf32> to vector<16xf32>
      %swap3A_34 = vector.shape_cast %broadcast_in_dim3A_0 : vector<16xf32> to vector<1x16xf32>
      tpu.vector_store %arg16[%swap3A_30, %swap3A_31], %swap3A_34 {strides = array<i32>} : memref<80x128xf32, #tpu.memory_space<vmem>>, vector<1x16xf32>,
      %swap3A_35 = arith.index_cast %scan3A_25 : i32 to index
      %swap3A_36 = arith.constant 32 : index
      %swap3A_37 = tpu.vector_load %arg16[%swap3A_35, %swap3A_36] {strides = array<i32>} : memref<80x128xf32, #tpu.memory_space<vmem>>, vector<1x16xf32>,
      %swap3A_38 = vector.shape_cast %swap3A_37 : vector<1x16xf32> to vector<16xf32>
      %swap3A_39 = vector.shape_cast %broadcast_in_dim3A_0 : vector<16xf32> to vector<1x16xf32>
      tpu.vector_store %arg16[%swap3A_35, %swap3A_36], %swap3A_39 {strides = array<i32>} : memref<80x128xf32, #tpu.memory_space<vmem>>, vector<1x16xf32>,
      %swap3A_40 = arith.index_cast %scan3A_25 : i32 to index
      %swap3A_41 = arith.constant 48 : index
      %swap3A_42 = tpu.vector_load %arg16[%swap3A_40, %swap3A_41] {strides = array<i32>} : memref<80x128xf32, #tpu.memory_space<vmem>>, vector<1x16xf32>,
      %swap3A_43 = vector.shape_cast %swap3A_42 : vector<1x16xf32> to vector<16xf32>
      %swap3A_44 = vector.shape_cast %broadcast_in_dim3A_0 : vector<16xf32> to vector<1x16xf32>
      tpu.vector_store %arg16[%swap3A_40, %swap3A_41], %swap3A_44 {strides = array<i32>} : memref<80x128xf32, #tpu.memory_space<vmem>>, vector<1x16xf32>,
      %swap3A_45 = arith.index_cast %scan3A_25 : i32 to index
      %swap3A_46 = arith.constant 64 : index
      %swap3A_47 = tpu.vector_load %arg16[%swap3A_45, %swap3A_46] {strides = array<i32>} : memref<80x128xf32, #tpu.memory_space<vmem>>, vector<1x16xf32>,
      %swap3A_48 = vector.shape_cast %swap3A_47 : vector<1x16xf32> to vector<16xf32>
      %swap3A_49 = vector.shape_cast %broadcast_in_dim3A_0 : vector<16xf32> to vector<1x16xf32>
      tpu.vector_store %arg16[%swap3A_45, %swap3A_46], %swap3A_49 {strides = array<i32>} : memref<80x128xf32, #tpu.memory_space<vmem>>, vector<1x16xf32>,
      %swap3A_50 = arith.index_cast %scan3A_25 : i32 to index
      %swap3A_51 = arith.constant 80 : index
      %swap3A_52 = tpu.vector_load %arg16[%swap3A_50, %swap3A_51] {strides = array<i32>} : memref<80x128xf32, #tpu.memory_space<vmem>>, vector<1x16xf32>,
      %swap3A_53 = vector.shape_cast %swap3A_52 : vector<1x16xf32> to vector<16xf32>
      %swap3A_54 = vector.shape_cast %broadcast_in_dim3A_0 : vector<16xf32> to vector<1x16xf32>
      tpu.vector_store %arg16[%swap3A_50, %swap3A_51], %swap3A_54 {strides = array<i32>} : memref<80x128xf32, #tpu.memory_space<vmem>>, vector<1x16xf32>,
      %swap3A_55 = arith.index_cast %scan3A_25 : i32 to index
      %swap3A_56 = arith.constant 96 : index
      %swap3A_57 = tpu.vector_load %arg16[%swap3A_55, %swap3A_56] {strides = array<i32>} : memref<80x128xf32, #tpu.memory_space<vmem>>, vector<1x16xf32>,
      %swap3A_58 = vector.shape_cast %swap3A_57 : vector<1x16xf32> to vector<16xf32>
      %swap3A_59 = vector.shape_cast %broadcast_in_dim3A_0 : vector<16xf32> to vector<1x16xf32>
      tpu.vector_store %arg16[%swap3A_55, %swap3A_56], %swap3A_59 {strides = array<i32>} : memref<80x128xf32, #tpu.memory_space<vmem>>, vector<1x16xf32>,
      %swap3A_60 = arith.index_cast %scan3A_25 : i32 to index
      %swap3A_61 = arith.constant 112 : index
      %swap3A_62 = tpu.vector_load %arg16[%swap3A_60, %swap3A_61] {strides = array<i32>} : memref<80x128xf32, #tpu.memory_space<vmem>>, vector<1x16xf32>,
      %swap3A_63 = vector.shape_cast %swap3A_62 : vector<1x16xf32> to vector<16xf32>
      %swap3A_64 = vector.shape_cast %broadcast_in_dim3A_0 : vector<16xf32> to vector<1x16xf32>
      tpu.vector_store %arg16[%swap3A_60, %swap3A_61], %swap3A_64 {strides = array<i32>} : memref<80x128xf32, #tpu.memory_space<vmem>>, vector<1x16xf32>,
    }
    %scan3A_5 = arith.constant 80 : i32
    %scan3A_6 = arith.constant 0 : i32
    %scan3A_7 = arith.constant 0 : i32
    %scan3A_8 = arith.constant 8 : i32
    %scan3A_9 = arith.addi %scan3A_7, %scan3A_8 : i32
    %scan3A_10 = arith.constant 1 : i32
    scf.for %scan3A_25 = %scan3A_7 to %scan3A_9 step %scan3A_10  : i32 {
      %mul3A = arith.constant 16 : i32
      %mul3A_26 = arith.muli %scan3A_25, %mul3A : i32
      %add3A = arith.addi %arg1, %mul3A_26 : i32
      %lt3A = arith.constant 125 : i32
      %lt3A_27 = arith.cmpi slt, %add3A, %lt3A : i32
      %convert_element_type3A_28 = arith.extui %lt3A_27 : i1 to i32
      %cond3A_29 = arith.constant 0 : i32
      %cond3A_30 = arith.cmpi ne, %convert_element_type3A_28, %cond3A_29 : i32
      scf.if %cond3A_30 {
        %mul3A_31 = arith.constant 80 : i32
        %mul3A_32 = arith.muli %add3A, %mul3A_31 : i32
        "tpu.region"() ({
          %run_scoped3A = tpu.sem_alloc : memref<!tpu.dma_semaphore, #tpu.memory_space<semaphore_mem>>
          %dma_start3A = arith.constant 0 : i32
          %dma_start3A_33 = tpu.memref_slice %arg9[%mul3A_32, %dma_start3A] : memref<10000x128xf32, #tpu.memory_space<vmem_shared>> -> memref<80x128xf32, #tpu.memory_space<vmem_shared>>
          %dma_start3A_34 = arith.constant 0 : i32
          %dma_start3A_35 = tpu.memref_slice %arg9[%mul3A_32, %dma_start3A_34] : memref<10000x128xf32, #tpu.memory_space<vmem_shared>> -> memref<80x128xf32, #tpu.memory_space<vmem_shared>>
          tpu.enqueue_dma source(%arg16 : memref<80x128xf32, #tpu.memory_space<vmem>>) target(%dma_start3A_35 : memref<80x128xf32, #tpu.memory_space<vmem_shared>>) target_semaphore(%run_scoped3A : memref<!tpu.dma_semaphore, #tpu.memory_space<semaphore_mem>>)
          %dma_wait3A = arith.constant 0 : i32
          %dma_wait3A_36 = tpu.memref_slice %arg9[%mul3A_32, %dma_wait3A] : memref<10000x128xf32, #tpu.memory_space<vmem_shared>> -> memref<80x128xf32, #tpu.memory_space<vmem_shared>>
          %dma_wait3A_37 = arith.constant 0 : i32
          %dma_wait3A_38 = tpu.memref_slice %arg9[%mul3A_32, %dma_wait3A_37] : memref<10000x128xf32, #tpu.memory_space<vmem_shared>> -> memref<80x128xf32, #tpu.memory_space<vmem_shared>>
          tpu.wait_dma2 semaphore(%run_scoped3A : memref<!tpu.dma_semaphore, #tpu.memory_space<semaphore_mem>>) src(%arg16 : memref<80x128xf32, #tpu.memory_space<vmem>>) dst(%dma_wait3A_38 : memref<80x128xf32, #tpu.memory_space<vmem_shared>>)
          tpu.yield
        }) : () -> ()
      } else {
      }
    }
    %scan3A_11 = arith.constant 8 : i32
    %barrier3A = arith.constant 0 : index
    tpu.barrier barrier_id(%barrier3A)
    %eq3A = arith.constant 0 : i32
    %eq3A_12 = arith.cmpi eq, %arg0, %eq3A : i32
    %convert_element_type3A = arith.extui %eq3A_12 : i1 to i32
    %cond3A = arith.constant 0 : i32
    %cond3A_13 = arith.cmpi ne, %convert_element_type3A, %cond3A : i32
    scf.if %cond3A_13 {
      %mul3A = arith.constant 20000 : i32
      %mul3A_25 = arith.muli %arg1, %mul3A : i32
      %add3A = arith.constant 0 : i32
      %add3A_26 = arith.addi %mul3A_25, %add3A : i32
      %dma_start3A = tpu.memref_slice %arg4[%add3A_26] : memref<320000xi32, #tpu.memory_space<hbm>> -> memref<80xi32, #tpu.memory_space<hbm>>
      %dma_start3A_27 = tpu.memref_slice %arg4[%add3A_26] : memref<320000xi32, #tpu.memory_space<hbm>> -> memref<80xi32, #tpu.memory_space<hbm>>
      tpu.enqueue_dma source(%dma_start3A_27 : memref<80xi32, #tpu.memory_space<hbm>>) target(%arg10 : memref<80xi32, #tpu.memory_space<vmem>>) target_semaphore(%arg18 : memref<!tpu.dma_semaphore, #tpu.memory_space<semaphore_mem>>)
      %dma_start3A_28 = tpu.memref_slice %arg5[%add3A_26] : memref<320000xi32, #tpu.memory_space<hbm>> -> memref<80xi32, #tpu.memory_space<hbm>>
      %dma_start3A_29 = tpu.memref_slice %arg5[%add3A_26] : memref<320000xi32, #tpu.memory_space<hbm>> -> memref<80xi32, #tpu.memory_space<hbm>>
      tpu.enqueue_dma source(%dma_start3A_29 : memref<80xi32, #tpu.memory_space<hbm>>) target(%arg12 : memref<80xi32, #tpu.memory_space<vmem>>) target_semaphore(%arg20 : memref<!tpu.dma_semaphore, #tpu.memory_space<semaphore_mem>>)
      %dma_start3A_30 = arith.constant 0 : i32
      %dma_start3A_31 = tpu.memref_slice %arg2[%add3A_26, %dma_start3A_30] : memref<320000x64xf32, #tpu.memory_space<hbm>> -> memref<80x64xf32, #tpu.memory_space<hbm>>
      %dma_start3A_32 = arith.constant 0 : i32
      %dma_start3A_33 = tpu.memref_slice %arg2[%add3A_26, %dma_start3A_32] : memref<320000x64xf32, #tpu.memory_space<hbm>> -> memref<80x64xf32, #tpu.memory_space<hbm>>
      tpu.enqueue_dma source(%dma_start3A_33 : memref<80x64xf32, #tpu.memory_space<hbm>>) target(%arg14 : memref<80x64xf32, #tpu.memory_space<vmem>>) target_semaphore(%arg22 : memref<!tpu.dma_semaphore, #tpu.memory_space<semaphore_mem>>)
      %add3A_34 = arith.constant 80 : i32
      %add3A_35 = arith.addi %mul3A_25, %add3A_34 : i32
      %dma_start3A_36 = tpu.memref_slice %arg4[%add3A_35] : memref<320000xi32, #tpu.memory_space<hbm>> -> memref<80xi32, #tpu.memory_space<hbm>>
      %dma_start3A_37 = tpu.memref_slice %arg4[%add3A_35] : memref<320000xi32, #tpu.memory_space<hbm>> -> memref<80xi32, #tpu.memory_space<hbm>>
      tpu.enqueue_dma source(%dma_start3A_37 : memref<80xi32, #tpu.memory_space<hbm>>) target(%arg11 : memref<80xi32, #tpu.memory_space<vmem>>) target_semaphore(%arg19 : memref<!tpu.dma_semaphore, #tpu.memory_space<semaphore_mem>>)
      %dma_start3A_38 = tpu.memref_slice %arg5[%add3A_35] : memref<320000xi32, #tpu.memory_space<hbm>> -> memref<80xi32, #tpu.memory_space<hbm>>
      %dma_start3A_39 = tpu.memref_slice %arg5[%add3A_35] : memref<320000xi32, #tpu.memory_space<hbm>> -> memref<80xi32, #tpu.memory_space<hbm>>
      tpu.enqueue_dma source(%dma_start3A_39 : memref<80xi32, #tpu.memory_space<hbm>>) target(%arg13 : memref<80xi32, #tpu.memory_space<vmem>>) target_semaphore(%arg21 : memref<!tpu.dma_semaphore, #tpu.memory_space<semaphore_mem>>)
      %dma_start3A_40 = arith.constant 0 : i32
      %dma_start3A_41 = tpu.memref_slice %arg2[%add3A_35, %dma_start3A_40] : memref<320000x64xf32, #tpu.memory_space<hbm>> -> memref<80x64xf32, #tpu.memory_space<hbm>>
      %dma_start3A_42 = arith.constant 0 : i32
      %dma_start3A_43 = tpu.memref_slice %arg2[%add3A_35, %dma_start3A_42] : memref<320000x64xf32, #tpu.memory_space<hbm>> -> memref<80x64xf32, #tpu.memory_space<hbm>>
      tpu.enqueue_dma source(%dma_start3A_43 : memref<80x64xf32, #tpu.memory_space<hbm>>) target(%arg15 : memref<80x64xf32, #tpu.memory_space<vmem>>) target_semaphore(%arg23 : memref<!tpu.dma_semaphore, #tpu.memory_space<semaphore_mem>>)
      %dma_wait3A = arith.constant 0 : i32
      %dma_wait3A_44 = tpu.memref_slice %arg4[%dma_wait3A] : memref<320000xi32, #tpu.memory_space<hbm>> -> memref<80xi32, #tpu.memory_space<hbm>>
      %dma_wait3A_45 = arith.constant 0 : i32
      %dma_wait3A_46 = tpu.memref_slice %arg4[%dma_wait3A_45] : memref<320000xi32, #tpu.memory_space<hbm>> -> memref<80xi32, #tpu.memory_space<hbm>>
      tpu.wait_dma2 semaphore(%arg18 : memref<!tpu.dma_semaphore, #tpu.memory_space<semaphore_mem>>) src(%dma_wait3A_46 : memref<80xi32, #tpu.memory_space<hbm>>) dst(%arg10 : memref<80xi32, #tpu.memory_space<vmem>>)
      %dma_wait3A_47 = arith.constant 0 : i32
      %dma_wait3A_48 = tpu.memref_slice %arg5[%dma_wait3A_47] : memref<320000xi32, #tpu.memory_space<hbm>> -> memref<80xi32, #tpu.memory_space<hbm>>
      %dma_wait3A_49 = arith.constant 0 : i32
      %dma_wait3A_50 = tpu.memref_slice %arg5[%dma_wait3A_49] : memref<320000xi32, #tpu.memory_space<hbm>> -> memref<80xi32, #tpu.memory_space<hbm>>
      tpu.wait_dma2 semaphore(%arg20 : memref<!tpu.dma_semaphore, #tpu.memory_space<semaphore_mem>>) src(%dma_wait3A_50 : memref<80xi32, #tpu.memory_space<hbm>>) dst(%arg12 : memref<80xi32, #tpu.memory_space<vmem>>)
      %dma_start3A_51 = arith.constant 0 : i32
      %dma_start3A_52 = arith.constant 0 : i32
      %dma_start3A_53 = tpu.memref_slice %arg6[%dma_start3A_51, %dma_start3A_52] : memref<10000x128xf32, #tpu.memory_space<hbm>> -> memref<10000x128xf32, #tpu.memory_space<hbm>>
      tpu.enqueue_indirect_dma source(%dma_start3A_53 : memref<10000x128xf32, #tpu.memory_space<hbm>>) target(%arg16 : memref<80x128xf32, #tpu.memory_space<vmem>>) offsets(%arg10 : memref<80xi32, #tpu.memory_space<vmem>>) semaphore(%arg24 : memref<!tpu.dma_semaphore, #tpu.memory_space<semaphore_mem>>)
      %scan3A_54 = arith.constant 0 : i32
      %scan3A_55 = arith.constant 0 : i32
      %scan3A_56 = arith.constant 125 : i32
      %scan3A_57 = arith.addi %scan3A_55, %scan3A_56 : i32
      %scan3A_58 = arith.constant 1 : i32
      scf.for %scan3A_72 = %scan3A_55 to %scan3A_57 step %scan3A_58  : i32 {
        %mul3A_73 = arith.constant 2 : i32
        %mul3A_74 = arith.muli %mul3A_73, %scan3A_72 : i32
        %add3A_75 = arith.constant 0 : i32
        %add3A_76 = arith.addi %mul3A_74, %add3A_75 : i32
        %lt3A = arith.constant 250 : i32
        %lt3A_77 = arith.cmpi slt, %add3A_76, %lt3A : i32
        %convert_element_type3A_78 = arith.extui %lt3A_77 : i1 to i32
        %cond3A_79 = arith.constant 0 : i32
        %cond3A_80 = arith.cmpi ne, %convert_element_type3A_78, %cond3A_79 : i32
        scf.if %cond3A_80 {
          %add3A_90 = arith.constant 1 : i32
          %add3A_91 = arith.addi %add3A_76, %add3A_90 : i32
          %lt3A_92 = arith.constant 250 : i32
          %lt3A_93 = arith.cmpi slt, %add3A_91, %lt3A_92 : i32
          %convert_element_type3A_94 = arith.extui %lt3A_93 : i1 to i32
          %cond3A_95 = arith.constant 0 : i32
          %cond3A_96 = arith.cmpi ne, %convert_element_type3A_94, %cond3A_95 : i32
          scf.if %cond3A_96 {
            %dma_wait3A_125 = arith.constant 0 : i32
            %dma_wait3A_126 = tpu.memref_slice %arg4[%dma_wait3A_125] : memref<320000xi32, #tpu.memory_space<hbm>> -> memref<80xi32, #tpu.memory_space<hbm>>
            %dma_wait3A_127 = arith.constant 0 : i32
            %dma_wait3A_128 = tpu.memref_slice %arg4[%dma_wait3A_127] : memref<320000xi32, #tpu.memory_space<hbm>> -> memref<80xi32, #tpu.memory_space<hbm>>
            tpu.wait_dma2 semaphore(%arg19 : memref<!tpu.dma_semaphore, #tpu.memory_space<semaphore_mem>>) src(%dma_wait3A_128 : memref<80xi32, #tpu.memory_space<hbm>>) dst(%arg11 : memref<80xi32, #tpu.memory_space<vmem>>)
            %dma_wait3A_129 = arith.constant 0 : i32
            %dma_wait3A_130 = tpu.memref_slice %arg5[%dma_wait3A_129] : memref<320000xi32, #tpu.memory_space<hbm>> -> memref<80xi32, #tpu.memory_space<hbm>>
            %dma_wait3A_131 = arith.constant 0 : i32
            %dma_wait3A_132 = tpu.memref_slice %arg5[%dma_wait3A_131] : memref<320000xi32, #tpu.memory_space<hbm>> -> memref<80xi32, #tpu.memory_space<hbm>>
            tpu.wait_dma2 semaphore(%arg21 : memref<!tpu.dma_semaphore, #tpu.memory_space<semaphore_mem>>) src(%dma_wait3A_132 : memref<80xi32, #tpu.memory_space<hbm>>) dst(%arg13 : memref<80xi32, #tpu.memory_space<vmem>>)
            %dma_start3A_133 = arith.constant 0 : i32
            %dma_start3A_134 = arith.constant 0 : i32
            %dma_start3A_135 = tpu.memref_slice %arg6[%dma_start3A_133, %dma_start3A_134] : memref<10000x128xf32, #tpu.memory_space<hbm>> -> memref<10000x128xf32, #tpu.memory_space<hbm>>
            tpu.enqueue_indirect_dma source(%dma_start3A_135 : memref<10000x128xf32, #tpu.memory_space<hbm>>) target(%arg17 : memref<80x128xf32, #tpu.memory_space<vmem>>) offsets(%arg11 : memref<80xi32, #tpu.memory_space<vmem>>) semaphore(%arg25 : memref<!tpu.dma_semaphore, #tpu.memory_space<semaphore_mem>>)
          } else {
          }
          %dma_wait3A_97 = arith.constant 0 : i32
          %dma_wait3A_98 = arith.constant 0 : i32
          %dma_wait3A_99 = tpu.memref_slice %arg2[%dma_wait3A_97, %dma_wait3A_98] : memref<320000x64xf32, #tpu.memory_space<hbm>> -> memref<80x64xf32, #tpu.memory_space<hbm>>
          %dma_wait3A_100 = arith.constant 0 : i32
          %dma_wait3A_101 = arith.constant 0 : i32
          %dma_wait3A_102 = tpu.memref_slice %arg2[%dma_wait3A_100, %dma_wait3A_101] : memref<320000x64xf32, #tpu.memory_space<hbm>> -> memref<80x64xf32, #tpu.memory_space<hbm>>
          tpu.wait_dma2 semaphore(%arg22 : memref<!tpu.dma_semaphore, #tpu.memory_space<semaphore_mem>>) src(%dma_wait3A_102 : memref<80x64xf32, #tpu.memory_space<hbm>>) dst(%arg14 : memref<80x64xf32, #tpu.memory_space<vmem>>)
          %dma_wait3A_103 = arith.constant 0 : i32
          %dma_wait3A_104 = arith.constant 0 : i32
          %dma_wait3A_105 = tpu.memref_slice %arg6[%dma_wait3A_103, %dma_wait3A_104] : memref<10000x128xf32, #tpu.memory_space<hbm>> -> memref<80x128xf32, #tpu.memory_space<hbm>>
          %dma_wait3A_106 = arith.constant 0 : i32
          %dma_wait3A_107 = arith.constant 0 : i32
          %dma_wait3A_108 = tpu.memref_slice %arg6[%dma_wait3A_106, %dma_wait3A_107] : memref<10000x128xf32, #tpu.memory_space<hbm>> -> memref<80x128xf32, #tpu.memory_space<hbm>>
          tpu.wait_dma2 semaphore(%arg24 : memref<!tpu.dma_semaphore, #tpu.memory_space<semaphore_mem>>) src(%dma_wait3A_108 : memref<80x128xf32, #tpu.memory_space<hbm>>) dst(%arg16 : memref<80x128xf32, #tpu.memory_space<vmem>>)
          %scan3A_109 = arith.constant 0 : i32
          %scan3A_110 = arith.constant 0 : i32
          %scan3A_111 = arith.constant 80 : i32
          %scan3A_112 = arith.addi %scan3A_110, %scan3A_111 : i32
          %scan3A_113 = arith.constant 1 : i32
          scf.for %scan3A_125 = %scan3A_110 to %scan3A_112 step %scan3A_113  : i32 {
            %get3A = arith.index_cast %scan3A_125 : i32 to index
            %get3A_126 = arith.constant 0 : index
            %get3A_127 = tpu.vector_load %arg14[%get3A, %get3A_126] {strides = array<i32>} : memref<80x64xf32, #tpu.memory_space<vmem>>, vector<1x16xf32>,
            %get3A_128 = vector.shape_cast %get3A_127 : vector<1x16xf32> to vector<16xf32>
            %get3A_129 = arith.index_cast %scan3A_125 : i32 to index
            %get3A_130 = arith.constant 0 : index
            %get3A_131 = tpu.vector_load %arg16[%get3A_129, %get3A_130] {strides = array<i32>} : memref<80x128xf32, #tpu.memory_space<vmem>>, vector<1x16xf32>,
            %get3A_132 = vector.shape_cast %get3A_131 : vector<1x16xf32> to vector<16xf32>
            %mul3A_133 = arith.mulf %get3A_132, %get3A_128 : vector<16xf32>
            %swap3A = arith.index_cast %scan3A_125 : i32 to index
            %swap3A_134 = arith.constant 0 : index
            %swap3A_135 = tpu.vector_load %arg16[%swap3A, %swap3A_134] {strides = array<i32>} : memref<80x128xf32, #tpu.memory_space<vmem>>, vector<1x16xf32>,
            %swap3A_136 = vector.shape_cast %swap3A_135 : vector<1x16xf32> to vector<16xf32>
            %swap3A_137 = vector.shape_cast %mul3A_133 : vector<16xf32> to vector<1x16xf32>
            tpu.vector_store %arg16[%swap3A, %swap3A_134], %swap3A_137 {strides = array<i32>} : memref<80x128xf32, #tpu.memory_space<vmem>>, vector<1x16xf32>,
            %swap3A_138 = arith.index_cast %scan3A_125 : i32 to index
            %swap3A_139 = arith.constant 64 : index
            %swap3A_140 = tpu.vector_load %arg16[%swap3A_138, %swap3A_139] {strides = array<i32>} : memref<80x128xf32, #tpu.memory_space<vmem>>, vector<1x16xf32>,
            %swap3A_141 = vector.shape_cast %swap3A_140 : vector<1x16xf32> to vector<16xf32>
            %swap3A_142 = vector.shape_cast %get3A_128 : vector<16xf32> to vector<1x16xf32>
            tpu.vector_store %arg16[%swap3A_138, %swap3A_139], %swap3A_142 {strides = array<i32>} : memref<80x128xf32, #tpu.memory_space<vmem>>, vector<1x16xf32>,
            %get3A_143 = arith.index_cast %scan3A_125 : i32 to index
            %get3A_144 = arith.constant 16 : index
            %get3A_145 = tpu.vector_load %arg14[%get3A_143, %get3A_144] {strides = array<i32>} : memref<80x64xf32, #tpu.memory_space<vmem>>, vector<1x16xf32>,
            %get3A_146 = vector.shape_cast %get3A_145 : vector<1x16xf32> to vector<16xf32>
            %get3A_147 = arith.index_cast %scan3A_125 : i32 to index
            %get3A_148 = arith.constant 16 : index
            %get3A_149 = tpu.vector_load %arg16[%get3A_147, %get3A_148] {strides = array<i32>} : memref<80x128xf32, #tpu.memory_space<vmem>>, vector<1x16xf32>,
            %get3A_150 = vector.shape_cast %get3A_149 : vector<1x16xf32> to vector<16xf32>
            %mul3A_151 = arith.mulf %get3A_150, %get3A_146 : vector<16xf32>
            %swap3A_152 = arith.index_cast %scan3A_125 : i32 to index
            %swap3A_153 = arith.constant 16 : index
            %swap3A_154 = tpu.vector_load %arg16[%swap3A_152, %swap3A_153] {strides = array<i32>} : memref<80x128xf32, #tpu.memory_space<vmem>>, vector<1x16xf32>,
            %swap3A_155 = vector.shape_cast %swap3A_154 : vector<1x16xf32> to vector<16xf32>
            %swap3A_156 = vector.shape_cast %mul3A_151 : vector<16xf32> to vector<1x16xf32>
            tpu.vector_store %arg16[%swap3A_152, %swap3A_153], %swap3A_156 {strides = array<i32>} : memref<80x128xf32, #tpu.memory_space<vmem>>, vector<1x16xf32>,
            %swap3A_157 = arith.index_cast %scan3A_125 : i32 to index
            %swap3A_158 = arith.constant 80 : index
            %swap3A_159 = tpu.vector_load %arg16[%swap3A_157, %swap3A_158] {strides = array<i32>} : memref<80x128xf32, #tpu.memory_space<vmem>>, vector<1x16xf32>,
            %swap3A_160 = vector.shape_cast %swap3A_159 : vector<1x16xf32> to vector<16xf32>
            %swap3A_161 = vector.shape_cast %get3A_146 : vector<16xf32> to vector<1x16xf32>
            tpu.vector_store %arg16[%swap3A_157, %swap3A_158], %swap3A_161 {strides = array<i32>} : memref<80x128xf32, #tpu.memory_space<vmem>>, vector<1x16xf32>,
            %get3A_162 = arith.index_cast %scan3A_125 : i32 to index
            %get3A_163 = arith.constant 32 : index
            %get3A_164 = tpu.vector_load %arg14[%get3A_162, %get3A_163] {strides = array<i32>} : memref<80x64xf32, #tpu.memory_space<vmem>>, vector<1x16xf32>,
            %get3A_165 = vector.shape_cast %get3A_164 : vector<1x16xf32> to vector<16xf32>
            %get3A_166 = arith.index_cast %scan3A_125 : i32 to index
            %get3A_167 = arith.constant 32 : index
            %get3A_168 = tpu.vector_load %arg16[%get3A_166, %get3A_167] {strides = array<i32>} : memref<80x128xf32, #tpu.memory_space<vmem>>, vector<1x16xf32>,
            %get3A_169 = vector.shape_cast %get3A_168 : vector<1x16xf32> to vector<16xf32>
            %mul3A_170 = arith.mulf %get3A_169, %get3A_165 : vector<16xf32>
            %swap3A_171 = arith.index_cast %scan3A_125 : i32 to index
            %swap3A_172 = arith.constant 32 : index
            %swap3A_173 = tpu.vector_load %arg16[%swap3A_171, %swap3A_172] {strides = array<i32>} : memref<80x128xf32, #tpu.memory_space<vmem>>, vector<1x16xf32>,
            %swap3A_174 = vector.shape_cast %swap3A_173 : vector<1x16xf32> to vector<16xf32>
            %swap3A_175 = vector.shape_cast %mul3A_170 : vector<16xf32> to vector<1x16xf32>
            tpu.vector_store %arg16[%swap3A_171, %swap3A_172], %swap3A_175 {strides = array<i32>} : memref<80x128xf32, #tpu.memory_space<vmem>>, vector<1x16xf32>,
            %swap3A_176 = arith.index_cast %scan3A_125 : i32 to index
            %swap3A_177 = arith.constant 96 : index
            %swap3A_178 = tpu.vector_load %arg16[%swap3A_176, %swap3A_177] {strides = array<i32>} : memref<80x128xf32, #tpu.memory_space<vmem>>, vector<1x16xf32>,
            %swap3A_179 = vector.shape_cast %swap3A_178 : vector<1x16xf32> to vector<16xf32>
            %swap3A_180 = vector.shape_cast %get3A_165 : vector<16xf32> to vector<1x16xf32>
            tpu.vector_store %arg16[%swap3A_176, %swap3A_177], %swap3A_180 {strides = array<i32>} : memref<80x128xf32, #tpu.memory_space<vmem>>, vector<1x16xf32>,
            %get3A_181 = arith.index_cast %scan3A_125 : i32 to index
            %get3A_182 = arith.constant 48 : index
            %get3A_183 = tpu.vector_load %arg14[%get3A_181, %get3A_182] {strides = array<i32>} : memref<80x64xf32, #tpu.memory_space<vmem>>, vector<1x16xf32>,
            %get3A_184 = vector.shape_cast %get3A_183 : vector<1x16xf32> to vector<16xf32>
            %get3A_185 = arith.index_cast %scan3A_125 : i32 to index
            %get3A_186 = arith.constant 48 : index
            %get3A_187 = tpu.vector_load %arg16[%get3A_185, %get3A_186] {strides = array<i32>} : memref<80x128xf32, #tpu.memory_space<vmem>>, vector<1x16xf32>,
            %get3A_188 = vector.shape_cast %get3A_187 : vector<1x16xf32> to vector<16xf32>
            %mul3A_189 = arith.mulf %get3A_188, %get3A_184 : vector<16xf32>
            %swap3A_190 = arith.index_cast %scan3A_125 : i32 to index
            %swap3A_191 = arith.constant 48 : index
            %swap3A_192 = tpu.vector_load %arg16[%swap3A_190, %swap3A_191] {strides = array<i32>} : memref<80x128xf32, #tpu.memory_space<vmem>>, vector<1x16xf32>,
            %swap3A_193 = vector.shape_cast %swap3A_192 : vector<1x16xf32> to vector<16xf32>
            %swap3A_194 = vector.shape_cast %mul3A_189 : vector<16xf32> to vector<1x16xf32>
            tpu.vector_store %arg16[%swap3A_190, %swap3A_191], %swap3A_194 {strides = array<i32>} : memref<80x128xf32, #tpu.memory_space<vmem>>, vector<1x16xf32>,
            %swap3A_195 = arith.index_cast %scan3A_125 : i32 to index
            %swap3A_196 = arith.constant 112 : index
            %swap3A_197 = tpu.vector_load %arg16[%swap3A_195, %swap3A_196] {strides = array<i32>} : memref<80x128xf32, #tpu.memory_space<vmem>>, vector<1x16xf32>,
            %swap3A_198 = vector.shape_cast %swap3A_197 : vector<1x16xf32> to vector<16xf32>
            %swap3A_199 = vector.shape_cast %get3A_184 : vector<16xf32> to vector<1x16xf32>
            tpu.vector_store %arg16[%swap3A_195, %swap3A_196], %swap3A_199 {strides = array<i32>} : memref<80x128xf32, #tpu.memory_space<vmem>>, vector<1x16xf32>,
          }
          %scan3A_114 = arith.constant 80 : i32
          %dma_start3A_115 = arith.constant 0 : i32
          %dma_start3A_116 = arith.constant 0 : i32
          %dma_start3A_117 = tpu.memref_slice %arg9[%dma_start3A_115, %dma_start3A_116] : memref<10000x128xf32, #tpu.memory_space<vmem_shared>> -> memref<10000x128xf32, #tpu.memory_space<vmem_shared>>
          tpu.enqueue_indirect_dma source(%arg16 : memref<80x128xf32, #tpu.memory_space<vmem>>) target(%dma_start3A_117 : memref<10000x128xf32, #tpu.memory_space<vmem_shared>>) offsets(%arg12 : memref<80xi32, #tpu.memory_space<vmem>>) semaphore(%arg26 : memref<!tpu.dma_semaphore, #tpu.memory_space<semaphore_mem>>) {add = true}
          %add3A_118 = arith.constant 2 : i32
          %add3A_119 = arith.addi %add3A_76, %add3A_118 : i32
          %lt3A_120 = arith.constant 250 : i32
          %lt3A_121 = arith.cmpi slt, %add3A_119, %lt3A_120 : i32
          %convert_element_type3A_122 = arith.extui %lt3A_121 : i1 to i32
          %cond3A_123 = arith.constant 0 : i32
          %cond3A_124 = arith.cmpi ne, %convert_element_type3A_122, %cond3A_123 : i32
          scf.if %cond3A_124 {
            %dma_wait3A_125 = arith.constant 0 : i32
            %dma_wait3A_126 = arith.constant 0 : i32
            %dma_wait3A_127 = tpu.memref_slice %arg9[%dma_wait3A_125, %dma_wait3A_126] : memref<10000x128xf32, #tpu.memory_space<vmem_shared>> -> memref<80x128xf32, #tpu.memory_space<vmem_shared>>
            %dma_wait3A_128 = arith.constant 0 : i32
            %dma_wait3A_129 = arith.constant 0 : i32
            %dma_wait3A_130 = tpu.memref_slice %arg9[%dma_wait3A_128, %dma_wait3A_129] : memref<10000x128xf32, #tpu.memory_space<vmem_shared>> -> memref<80x128xf32, #tpu.memory_space<vmem_shared>>
            tpu.wait_dma2 semaphore(%arg26 : memref<!tpu.dma_semaphore, #tpu.memory_space<semaphore_mem>>) src(%arg16 : memref<80x128xf32, #tpu.memory_space<vmem>>) dst(%dma_wait3A_130 : memref<80x128xf32, #tpu.memory_space<vmem_shared>>)
            %add3A_131 = arith.constant 2 : i32
            %add3A_132 = arith.addi %add3A_76, %add3A_131 : i32
            %mul3A_133 = arith.constant 80 : i32
            %mul3A_134 = arith.muli %add3A_132, %mul3A_133 : i32
            %add3A_135 = arith.addi %mul3A_25, %mul3A_134 : i32
            %dma_start3A_136 = tpu.memref_slice %arg4[%add3A_135] : memref<320000xi32, #tpu.memory_space<hbm>> -> memref<80xi32, #tpu.memory_space<hbm>>
            %dma_start3A_137 = tpu.memref_slice %arg4[%add3A_135] : memref<320000xi32, #tpu.memory_space<hbm>> -> memref<80xi32, #tpu.memory_space<hbm>>
            tpu.enqueue_dma source(%dma_start3A_137 : memref<80xi32, #tpu.memory_space<hbm>>) target(%arg10 : memref<80xi32, #tpu.memory_space<vmem>>) target_semaphore(%arg18 : memref<!tpu.dma_semaphore, #tpu.memory_space<semaphore_mem>>)
            %dma_start3A_138 = tpu.memref_slice %arg5[%add3A_135] : memref<320000xi32, #tpu.memory_space<hbm>> -> memref<80xi32, #tpu.memory_space<hbm>>
            %dma_start3A_139 = tpu.memref_slice %arg5[%add3A_135] : memref<320000xi32, #tpu.memory_space<hbm>> -> memref<80xi32, #tpu.memory_space<hbm>>
            tpu.enqueue_dma source(%dma_start3A_139 : memref<80xi32, #tpu.memory_space<hbm>>) target(%arg12 : memref<80xi32, #tpu.memory_space<vmem>>) target_semaphore(%arg20 : memref<!tpu.dma_semaphore, #tpu.memory_space<semaphore_mem>>)
            %dma_start3A_140 = arith.constant 0 : i32
            %dma_start3A_141 = tpu.memref_slice %arg2[%add3A_135, %dma_start3A_140] : memref<320000x64xf32, #tpu.memory_space<hbm>> -> memref<80x64xf32, #tpu.memory_space<hbm>>
            %dma_start3A_142 = arith.constant 0 : i32
            %dma_start3A_143 = tpu.memref_slice %arg2[%add3A_135, %dma_start3A_142] : memref<320000x64xf32, #tpu.memory_space<hbm>> -> memref<80x64xf32, #tpu.memory_space<hbm>>
            tpu.enqueue_dma source(%dma_start3A_143 : memref<80x64xf32, #tpu.memory_space<hbm>>) target(%arg14 : memref<80x64xf32, #tpu.memory_space<vmem>>) target_semaphore(%arg22 : memref<!tpu.dma_semaphore, #tpu.memory_space<semaphore_mem>>)
          } else {
          }
        } else {
        }
        %mul3A_81 = arith.constant 2 : i32
        %mul3A_82 = arith.muli %mul3A_81, %scan3A_72 : i32
        %add3A_83 = arith.constant 1 : i32
        %add3A_84 = arith.addi %mul3A_82, %add3A_83 : i32
        %lt3A_85 = arith.constant 250 : i32
        %lt3A_86 = arith.cmpi slt, %add3A_84, %lt3A_85 : i32
        %convert_element_type3A_87 = arith.extui %lt3A_86 : i1 to i32
        %cond3A_88 = arith.constant 0 : i32
        %cond3A_89 = arith.cmpi ne, %convert_element_type3A_87, %cond3A_88 : i32
        scf.if %cond3A_89 {
          %add3A_90 = arith.constant 1 : i32
          %add3A_91 = arith.addi %add3A_84, %add3A_90 : i32
          %lt3A_92 = arith.constant 250 : i32
          %lt3A_93 = arith.cmpi slt, %add3A_91, %lt3A_92 : i32
          %convert_element_type3A_94 = arith.extui %lt3A_93 : i1 to i32
          %cond3A_95 = arith.constant 0 : i32
          %cond3A_96 = arith.cmpi ne, %convert_element_type3A_94, %cond3A_95 : i32
          scf.if %cond3A_96 {
            %dma_wait3A_125 = arith.constant 0 : i32
            %dma_wait3A_126 = tpu.memref_slice %arg4[%dma_wait3A_125] : memref<320000xi32, #tpu.memory_space<hbm>> -> memref<80xi32, #tpu.memory_space<hbm>>
            %dma_wait3A_127 = arith.constant 0 : i32
            %dma_wait3A_128 = tpu.memref_slice %arg4[%dma_wait3A_127] : memref<320000xi32, #tpu.memory_space<hbm>> -> memref<80xi32, #tpu.memory_space<hbm>>
            tpu.wait_dma2 semaphore(%arg18 : memref<!tpu.dma_semaphore, #tpu.memory_space<semaphore_mem>>) src(%dma_wait3A_128 : memref<80xi32, #tpu.memory_space<hbm>>) dst(%arg10 : memref<80xi32, #tpu.memory_space<vmem>>)
            %dma_wait3A_129 = arith.constant 0 : i32
            %dma_wait3A_130 = tpu.memref_slice %arg5[%dma_wait3A_129] : memref<320000xi32, #tpu.memory_space<hbm>> -> memref<80xi32, #tpu.memory_space<hbm>>
            %dma_wait3A_131 = arith.constant 0 : i32
            %dma_wait3A_132 = tpu.memref_slice %arg5[%dma_wait3A_131] : memref<320000xi32, #tpu.memory_space<hbm>> -> memref<80xi32, #tpu.memory_space<hbm>>
            tpu.wait_dma2 semaphore(%arg20 : memref<!tpu.dma_semaphore, #tpu.memory_space<semaphore_mem>>) src(%dma_wait3A_132 : memref<80xi32, #tpu.memory_space<hbm>>) dst(%arg12 : memref<80xi32, #tpu.memory_space<vmem>>)
            %dma_start3A_133 = arith.constant 0 : i32
            %dma_start3A_134 = arith.constant 0 : i32
            %dma_start3A_135 = tpu.memref_slice %arg6[%dma_start3A_133, %dma_start3A_134] : memref<10000x128xf32, #tpu.memory_space<hbm>> -> memref<10000x128xf32, #tpu.memory_space<hbm>>
            tpu.enqueue_indirect_dma source(%dma_start3A_135 : memref<10000x128xf32, #tpu.memory_space<hbm>>) target(%arg16 : memref<80x128xf32, #tpu.memory_space<vmem>>) offsets(%arg10 : memref<80xi32, #tpu.memory_space<vmem>>) semaphore(%arg24 : memref<!tpu.dma_semaphore, #tpu.memory_space<semaphore_mem>>)
          } else {
          }
          %dma_wait3A_97 = arith.constant 0 : i32
          %dma_wait3A_98 = arith.constant 0 : i32
          %dma_wait3A_99 = tpu.memref_slice %arg2[%dma_wait3A_97, %dma_wait3A_98] : memref<320000x64xf32, #tpu.memory_space<hbm>> -> memref<80x64xf32, #tpu.memory_space<hbm>>
          %dma_wait3A_100 = arith.constant 0 : i32
          %dma_wait3A_101 = arith.constant 0 : i32
          %dma_wait3A_102 = tpu.memref_slice %arg2[%dma_wait3A_100, %dma_wait3A_101] : memref<320000x64xf32, #tpu.memory_space<hbm>> -> memref<80x64xf32, #tpu.memory_space<hbm>>
          tpu.wait_dma2 semaphore(%arg23 : memref<!tpu.dma_semaphore, #tpu.memory_space<semaphore_mem>>) src(%dma_wait3A_102 : memref<80x64xf32, #tpu.memory_space<hbm>>) dst(%arg15 : memref<80x64xf32, #tpu.memory_space<vmem>>)
          %dma_wait3A_103 = arith.constant 0 : i32
          %dma_wait3A_104 = arith.constant 0 : i32
          %dma_wait3A_105 = tpu.memref_slice %arg6[%dma_wait3A_103, %dma_wait3A_104] : memref<10000x128xf32, #tpu.memory_space<hbm>> -> memref<80x128xf32, #tpu.memory_space<hbm>>
          %dma_wait3A_106 = arith.constant 0 : i32
          %dma_wait3A_107 = arith.constant 0 : i32
          %dma_wait3A_108 = tpu.memref_slice %arg6[%dma_wait3A_106, %dma_wait3A_107] : memref<10000x128xf32, #tpu.memory_space<hbm>> -> memref<80x128xf32, #tpu.memory_space<hbm>>
          tpu.wait_dma2 semaphore(%arg25 : memref<!tpu.dma_semaphore, #tpu.memory_space<semaphore_mem>>) src(%dma_wait3A_108 : memref<80x128xf32, #tpu.memory_space<hbm>>) dst(%arg17 : memref<80x128xf32, #tpu.memory_space<vmem>>)
          %scan3A_109 = arith.constant 0 : i32
          %scan3A_110 = arith.constant 0 : i32
          %scan3A_111 = arith.constant 80 : i32
          %scan3A_112 = arith.addi %scan3A_110, %scan3A_111 : i32
          %scan3A_113 = arith.constant 1 : i32
          scf.for %scan3A_125 = %scan3A_110 to %scan3A_112 step %scan3A_113  : i32 {
            %get3A = arith.index_cast %scan3A_125 : i32 to index
            %get3A_126 = arith.constant 0 : index
            %get3A_127 = tpu.vector_load %arg15[%get3A, %get3A_126] {strides = array<i32>} : memref<80x64xf32, #tpu.memory_space<vmem>>, vector<1x16xf32>,
            %get3A_128 = vector.shape_cast %get3A_127 : vector<1x16xf32> to vector<16xf32>
            %get3A_129 = arith.index_cast %scan3A_125 : i32 to index
            %get3A_130 = arith.constant 0 : index
            %get3A_131 = tpu.vector_load %arg17[%get3A_129, %get3A_130] {strides = array<i32>} : memref<80x128xf32, #tpu.memory_space<vmem>>, vector<1x16xf32>,
            %get3A_132 = vector.shape_cast %get3A_131 : vector<1x16xf32> to vector<16xf32>
            %mul3A_133 = arith.mulf %get3A_132, %get3A_128 : vector<16xf32>
            %swap3A = arith.index_cast %scan3A_125 : i32 to index
            %swap3A_134 = arith.constant 0 : index
            %swap3A_135 = tpu.vector_load %arg17[%swap3A, %swap3A_134] {strides = array<i32>} : memref<80x128xf32, #tpu.memory_space<vmem>>, vector<1x16xf32>,
            %swap3A_136 = vector.shape_cast %swap3A_135 : vector<1x16xf32> to vector<16xf32>
            %swap3A_137 = vector.shape_cast %mul3A_133 : vector<16xf32> to vector<1x16xf32>
            tpu.vector_store %arg17[%swap3A, %swap3A_134], %swap3A_137 {strides = array<i32>} : memref<80x128xf32, #tpu.memory_space<vmem>>, vector<1x16xf32>,
            %swap3A_138 = arith.index_cast %scan3A_125 : i32 to index
            %swap3A_139 = arith.constant 64 : index
            %swap3A_140 = tpu.vector_load %arg17[%swap3A_138, %swap3A_139] {strides = array<i32>} : memref<80x128xf32, #tpu.memory_space<vmem>>, vector<1x16xf32>,
            %swap3A_141 = vector.shape_cast %swap3A_140 : vector<1x16xf32> to vector<16xf32>
            %swap3A_142 = vector.shape_cast %get3A_128 : vector<16xf32> to vector<1x16xf32>
            tpu.vector_store %arg17[%swap3A_138, %swap3A_139], %swap3A_142 {strides = array<i32>} : memref<80x128xf32, #tpu.memory_space<vmem>>, vector<1x16xf32>,
            %get3A_143 = arith.index_cast %scan3A_125 : i32 to index
            %get3A_144 = arith.constant 16 : index
            %get3A_145 = tpu.vector_load %arg15[%get3A_143, %get3A_144] {strides = array<i32>} : memref<80x64xf32, #tpu.memory_space<vmem>>, vector<1x16xf32>,
            %get3A_146 = vector.shape_cast %get3A_145 : vector<1x16xf32> to vector<16xf32>
            %get3A_147 = arith.index_cast %scan3A_125 : i32 to index
            %get3A_148 = arith.constant 16 : index
            %get3A_149 = tpu.vector_load %arg17[%get3A_147, %get3A_148] {strides = array<i32>} : memref<80x128xf32, #tpu.memory_space<vmem>>, vector<1x16xf32>,
            %get3A_150 = vector.shape_cast %get3A_149 : vector<1x16xf32> to vector<16xf32>
            %mul3A_151 = arith.mulf %get3A_150, %get3A_146 : vector<16xf32>
            %swap3A_152 = arith.index_cast %scan3A_125 : i32 to index
            %swap3A_153 = arith.constant 16 : index
            %swap3A_154 = tpu.vector_load %arg17[%swap3A_152, %swap3A_153] {strides = array<i32>} : memref<80x128xf32, #tpu.memory_space<vmem>>, vector<1x16xf32>,
            %swap3A_155 = vector.shape_cast %swap3A_154 : vector<1x16xf32> to vector<16xf32>
            %swap3A_156 = vector.shape_cast %mul3A_151 : vector<16xf32> to vector<1x16xf32>
            tpu.vector_store %arg17[%swap3A_152, %swap3A_153], %swap3A_156 {strides = array<i32>} : memref<80x128xf32, #tpu.memory_space<vmem>>, vector<1x16xf32>,
            %swap3A_157 = arith.index_cast %scan3A_125 : i32 to index
            %swap3A_158 = arith.constant 80 : index
            %swap3A_159 = tpu.vector_load %arg17[%swap3A_157, %swap3A_158] {strides = array<i32>} : memref<80x128xf32, #tpu.memory_space<vmem>>, vector<1x16xf32>,
            %swap3A_160 = vector.shape_cast %swap3A_159 : vector<1x16xf32> to vector<16xf32>
            %swap3A_161 = vector.shape_cast %get3A_146 : vector<16xf32> to vector<1x16xf32>
            tpu.vector_store %arg17[%swap3A_157, %swap3A_158], %swap3A_161 {strides = array<i32>} : memref<80x128xf32, #tpu.memory_space<vmem>>, vector<1x16xf32>,
            %get3A_162 = arith.index_cast %scan3A_125 : i32 to index
            %get3A_163 = arith.constant 32 : index
            %get3A_164 = tpu.vector_load %arg15[%get3A_162, %get3A_163] {strides = array<i32>} : memref<80x64xf32, #tpu.memory_space<vmem>>, vector<1x16xf32>,
            %get3A_165 = vector.shape_cast %get3A_164 : vector<1x16xf32> to vector<16xf32>
            %get3A_166 = arith.index_cast %scan3A_125 : i32 to index
            %get3A_167 = arith.constant 32 : index
            %get3A_168 = tpu.vector_load %arg17[%get3A_166, %get3A_167] {strides = array<i32>} : memref<80x128xf32, #tpu.memory_space<vmem>>, vector<1x16xf32>,
            %get3A_169 = vector.shape_cast %get3A_168 : vector<1x16xf32> to vector<16xf32>
            %mul3A_170 = arith.mulf %get3A_169, %get3A_165 : vector<16xf32>
            %swap3A_171 = arith.index_cast %scan3A_125 : i32 to index
            %swap3A_172 = arith.constant 32 : index
            %swap3A_173 = tpu.vector_load %arg17[%swap3A_171, %swap3A_172] {strides = array<i32>} : memref<80x128xf32, #tpu.memory_space<vmem>>, vector<1x16xf32>,
            %swap3A_174 = vector.shape_cast %swap3A_173 : vector<1x16xf32> to vector<16xf32>
            %swap3A_175 = vector.shape_cast %mul3A_170 : vector<16xf32> to vector<1x16xf32>
            tpu.vector_store %arg17[%swap3A_171, %swap3A_172], %swap3A_175 {strides = array<i32>} : memref<80x128xf32, #tpu.memory_space<vmem>>, vector<1x16xf32>,
            %swap3A_176 = arith.index_cast %scan3A_125 : i32 to index
            %swap3A_177 = arith.constant 96 : index
            %swap3A_178 = tpu.vector_load %arg17[%swap3A_176, %swap3A_177] {strides = array<i32>} : memref<80x128xf32, #tpu.memory_space<vmem>>, vector<1x16xf32>,
            %swap3A_179 = vector.shape_cast %swap3A_178 : vector<1x16xf32> to vector<16xf32>
            %swap3A_180 = vector.shape_cast %get3A_165 : vector<16xf32> to vector<1x16xf32>
            tpu.vector_store %arg17[%swap3A_176, %swap3A_177], %swap3A_180 {strides = array<i32>} : memref<80x128xf32, #tpu.memory_space<vmem>>, vector<1x16xf32>,
            %get3A_181 = arith.index_cast %scan3A_125 : i32 to index
            %get3A_182 = arith.constant 48 : index
            %get3A_183 = tpu.vector_load %arg15[%get3A_181, %get3A_182] {strides = array<i32>} : memref<80x64xf32, #tpu.memory_space<vmem>>, vector<1x16xf32>,
            %get3A_184 = vector.shape_cast %get3A_183 : vector<1x16xf32> to vector<16xf32>
            %get3A_185 = arith.index_cast %scan3A_125 : i32 to index
            %get3A_186 = arith.constant 48 : index
            %get3A_187 = tpu.vector_load %arg17[%get3A_185, %get3A_186] {strides = array<i32>} : memref<80x128xf32, #tpu.memory_space<vmem>>, vector<1x16xf32>,
            %get3A_188 = vector.shape_cast %get3A_187 : vector<1x16xf32> to vector<16xf32>
            %mul3A_189 = arith.mulf %get3A_188, %get3A_184 : vector<16xf32>
            %swap3A_190 = arith.index_cast %scan3A_125 : i32 to index
            %swap3A_191 = arith.constant 48 : index
            %swap3A_192 = tpu.vector_load %arg17[%swap3A_190, %swap3A_191] {strides = array<i32>} : memref<80x128xf32, #tpu.memory_space<vmem>>, vector<1x16xf32>,
            %swap3A_193 = vector.shape_cast %swap3A_192 : vector<1x16xf32> to vector<16xf32>
            %swap3A_194 = vector.shape_cast %mul3A_189 : vector<16xf32> to vector<1x16xf32>
            tpu.vector_store %arg17[%swap3A_190, %swap3A_191], %swap3A_194 {strides = array<i32>} : memref<80x128xf32, #tpu.memory_space<vmem>>, vector<1x16xf32>,
            %swap3A_195 = arith.index_cast %scan3A_125 : i32 to index
            %swap3A_196 = arith.constant 112 : index
            %swap3A_197 = tpu.vector_load %arg17[%swap3A_195, %swap3A_196] {strides = array<i32>} : memref<80x128xf32, #tpu.memory_space<vmem>>, vector<1x16xf32>,
            %swap3A_198 = vector.shape_cast %swap3A_197 : vector<1x16xf32> to vector<16xf32>
            %swap3A_199 = vector.shape_cast %get3A_184 : vector<16xf32> to vector<1x16xf32>
            tpu.vector_store %arg17[%swap3A_195, %swap3A_196], %swap3A_199 {strides = array<i32>} : memref<80x128xf32, #tpu.memory_space<vmem>>, vector<1x16xf32>,
          }
          %scan3A_114 = arith.constant 80 : i32
          %dma_start3A_115 = arith.constant 0 : i32
          %dma_start3A_116 = arith.constant 0 : i32
          %dma_start3A_117 = tpu.memref_slice %arg9[%dma_start3A_115, %dma_start3A_116] : memref<10000x128xf32, #tpu.memory_space<vmem_shared>> -> memref<10000x128xf32, #tpu.memory_space<vmem_shared>>
          tpu.enqueue_indirect_dma source(%arg17 : memref<80x128xf32, #tpu.memory_space<vmem>>) target(%dma_start3A_117 : memref<10000x128xf32, #tpu.memory_space<vmem_shared>>) offsets(%arg13 : memref<80xi32, #tpu.memory_space<vmem>>) semaphore(%arg27 : memref<!tpu.dma_semaphore, #tpu.memory_space<semaphore_mem>>) {add = true}
          %add3A_118 = arith.constant 2 : i32
          %add3A_119 = arith.addi %add3A_84, %add3A_118 : i32
          %lt3A_120 = arith.constant 250 : i32
          %lt3A_121 = arith.cmpi slt, %add3A_119, %lt3A_120 : i32
          %convert_element_type3A_122 = arith.extui %lt3A_121 : i1 to i32
          %cond3A_123 = arith.constant 0 : i32
          %cond3A_124 = arith.cmpi ne, %convert_element_type3A_122, %cond3A_123 : i32
          scf.if %cond3A_124 {
            %dma_wait3A_125 = arith.constant 0 : i32
            %dma_wait3A_126 = arith.constant 0 : i32
            %dma_wait3A_127 = tpu.memref_slice %arg9[%dma_wait3A_125, %dma_wait3A_126] : memref<10000x128xf32, #tpu.memory_space<vmem_shared>> -> memref<80x128xf32, #tpu.memory_space<vmem_shared>>
            %dma_wait3A_128 = arith.constant 0 : i32
            %dma_wait3A_129 = arith.constant 0 : i32
            %dma_wait3A_130 = tpu.memref_slice %arg9[%dma_wait3A_128, %dma_wait3A_129] : memref<10000x128xf32, #tpu.memory_space<vmem_shared>> -> memref<80x128xf32, #tpu.memory_space<vmem_shared>>
            tpu.wait_dma2 semaphore(%arg27 : memref<!tpu.dma_semaphore, #tpu.memory_space<semaphore_mem>>) src(%arg17 : memref<80x128xf32, #tpu.memory_space<vmem>>) dst(%dma_wait3A_130 : memref<80x128xf32, #tpu.memory_space<vmem_shared>>)
            %add3A_131 = arith.constant 2 : i32
            %add3A_132 = arith.addi %add3A_84, %add3A_131 : i32
            %mul3A_133 = arith.constant 80 : i32
            %mul3A_134 = arith.muli %add3A_132, %mul3A_133 : i32
            %add3A_135 = arith.addi %mul3A_25, %mul3A_134 : i32
            %dma_start3A_136 = tpu.memref_slice %arg4[%add3A_135] : memref<320000xi32, #tpu.memory_space<hbm>> -> memref<80xi32, #tpu.memory_space<hbm>>
            %dma_start3A_137 = tpu.memref_slice %arg4[%add3A_135] : memref<320000xi32, #tpu.memory_space<hbm>> -> memref<80xi32, #tpu.memory_space<hbm>>
            tpu.enqueue_dma source(%dma_start3A_137 : memref<80xi32, #tpu.memory_space<hbm>>) target(%arg11 : memref<80xi32, #tpu.memory_space<vmem>>) target_semaphore(%arg19 : memref<!tpu.dma_semaphore, #tpu.memory_space<semaphore_mem>>)
            %dma_start3A_138 = tpu.memref_slice %arg5[%add3A_135] : memref<320000xi32, #tpu.memory_space<hbm>> -> memref<80xi32, #tpu.memory_space<hbm>>
            %dma_start3A_139 = tpu.memref_slice %arg5[%add3A_135] : memref<320000xi32, #tpu.memory_space<hbm>> -> memref<80xi32, #tpu.memory_space<hbm>>
            tpu.enqueue_dma source(%dma_start3A_139 : memref<80xi32, #tpu.memory_space<hbm>>) target(%arg13 : memref<80xi32, #tpu.memory_space<vmem>>) target_semaphore(%arg21 : memref<!tpu.dma_semaphore, #tpu.memory_space<semaphore_mem>>)
            %dma_start3A_140 = arith.constant 0 : i32
            %dma_start3A_141 = tpu.memref_slice %arg2[%add3A_135, %dma_start3A_140] : memref<320000x64xf32, #tpu.memory_space<hbm>> -> memref<80x64xf32, #tpu.memory_space<hbm>>
            %dma_start3A_142 = arith.constant 0 : i32
            %dma_start3A_143 = tpu.memref_slice %arg2[%add3A_135, %dma_start3A_142] : memref<320000x64xf32, #tpu.memory_space<hbm>> -> memref<80x64xf32, #tpu.memory_space<hbm>>
            tpu.enqueue_dma source(%dma_start3A_143 : memref<80x64xf32, #tpu.memory_space<hbm>>) target(%arg15 : memref<80x64xf32, #tpu.memory_space<vmem>>) target_semaphore(%arg23 : memref<!tpu.dma_semaphore, #tpu.memory_space<semaphore_mem>>)
          } else {
          }
        } else {
        }
      }
      %scan3A_59 = arith.constant 125 : i32
      %dma_wait3A_60 = arith.constant 0 : i32
      %dma_wait3A_61 = arith.constant 0 : i32
      %dma_wait3A_62 = tpu.memref_slice %arg9[%dma_wait3A_60, %dma_wait3A_61] : memref<10000x128xf32, #tpu.memory_space<vmem_shared>> -> memref<80x128xf32, #tpu.memory_space<vmem_shared>>
      %dma_wait3A_63 = arith.constant 0 : i32
      %dma_wait3A_64 = arith.constant 0 : i32
      %dma_wait3A_65 = tpu.memref_slice %arg9[%dma_wait3A_63, %dma_wait3A_64] : memref<10000x128xf32, #tpu.memory_space<vmem_shared>> -> memref<80x128xf32, #tpu.memory_space<vmem_shared>>
      tpu.wait_dma2 semaphore(%arg26 : memref<!tpu.dma_semaphore, #tpu.memory_space<semaphore_mem>>) src(%arg16 : memref<80x128xf32, #tpu.memory_space<vmem>>) dst(%dma_wait3A_65 : memref<80x128xf32, #tpu.memory_space<vmem_shared>>)
      %dma_wait3A_66 = arith.constant 0 : i32
      %dma_wait3A_67 = arith.constant 0 : i32
      %dma_wait3A_68 = tpu.memref_slice %arg9[%dma_wait3A_66, %dma_wait3A_67] : memref<10000x128xf32, #tpu.memory_space<vmem_shared>> -> memref<80x128xf32, #tpu.memory_space<vmem_shared>>
      %dma_wait3A_69 = arith.constant 0 : i32
      %dma_wait3A_70 = arith.constant 0 : i32
      %dma_wait3A_71 = tpu.memref_slice %arg9[%dma_wait3A_69, %dma_wait3A_70] : memref<10000x128xf32, #tpu.memory_space<vmem_shared>> -> memref<80x128xf32, #tpu.memory_space<vmem_shared>>
      tpu.wait_dma2 semaphore(%arg27 : memref<!tpu.dma_semaphore, #tpu.memory_space<semaphore_mem>>) src(%arg17 : memref<80x128xf32, #tpu.memory_space<vmem>>) dst(%dma_wait3A_71 : memref<80x128xf32, #tpu.memory_space<vmem_shared>>)
    } else {
    }
    %eq3A_14 = arith.constant 1 : i32
    %eq3A_15 = arith.cmpi eq, %arg0, %eq3A_14 : i32
    %convert_element_type3A_16 = arith.extui %eq3A_15 : i1 to i32
    %cond3A_17 = arith.constant 0 : i32
    %cond3A_18 = arith.cmpi ne, %convert_element_type3A_16, %cond3A_17 : i32
    scf.if %cond3A_18 {
      %mul3A = arith.constant 20000 : i32
      %mul3A_25 = arith.muli %arg1, %mul3A : i32
      %add3A = arith.constant 0 : i32
      %add3A_26 = arith.addi %mul3A_25, %add3A : i32
      %dma_start3A = tpu.memref_slice %arg4[%add3A_26] : memref<320000xi32, #tpu.memory_space<hbm>> -> memref<80xi32, #tpu.memory_space<hbm>>
      %dma_start3A_27 = tpu.memref_slice %arg4[%add3A_26] : memref<320000xi32, #tpu.memory_space<hbm>> -> memref<80xi32, #tpu.memory_space<hbm>>
      tpu.enqueue_dma source(%dma_start3A_27 : memref<80xi32, #tpu.memory_space<hbm>>) target(%arg10 : memref<80xi32, #tpu.memory_space<vmem>>) target_semaphore(%arg18 : memref<!tpu.dma_semaphore, #tpu.memory_space<semaphore_mem>>)
      %dma_start3A_28 = tpu.memref_slice %arg5[%add3A_26] : memref<320000xi32, #tpu.memory_space<hbm>> -> memref<80xi32, #tpu.memory_space<hbm>>
      %dma_start3A_29 = tpu.memref_slice %arg5[%add3A_26] : memref<320000xi32, #tpu.memory_space<hbm>> -> memref<80xi32, #tpu.memory_space<hbm>>
      tpu.enqueue_dma source(%dma_start3A_29 : memref<80xi32, #tpu.memory_space<hbm>>) target(%arg12 : memref<80xi32, #tpu.memory_space<vmem>>) target_semaphore(%arg20 : memref<!tpu.dma_semaphore, #tpu.memory_space<semaphore_mem>>)
      %dma_start3A_30 = arith.constant 0 : i32
      %dma_start3A_31 = tpu.memref_slice %arg3[%add3A_26, %dma_start3A_30] : memref<320000x64xf32, #tpu.memory_space<hbm>> -> memref<80x64xf32, #tpu.memory_space<hbm>>
      %dma_start3A_32 = arith.constant 0 : i32
      %dma_start3A_33 = tpu.memref_slice %arg3[%add3A_26, %dma_start3A_32] : memref<320000x64xf32, #tpu.memory_space<hbm>> -> memref<80x64xf32, #tpu.memory_space<hbm>>
      tpu.enqueue_dma source(%dma_start3A_33 : memref<80x64xf32, #tpu.memory_space<hbm>>) target(%arg14 : memref<80x64xf32, #tpu.memory_space<vmem>>) target_semaphore(%arg22 : memref<!tpu.dma_semaphore, #tpu.memory_space<semaphore_mem>>)
      %add3A_34 = arith.constant 80 : i32
      %add3A_35 = arith.addi %mul3A_25, %add3A_34 : i32
      %dma_start3A_36 = tpu.memref_slice %arg4[%add3A_35] : memref<320000xi32, #tpu.memory_space<hbm>> -> memref<80xi32, #tpu.memory_space<hbm>>
      %dma_start3A_37 = tpu.memref_slice %arg4[%add3A_35] : memref<320000xi32, #tpu.memory_space<hbm>> -> memref<80xi32, #tpu.memory_space<hbm>>
      tpu.enqueue_dma source(%dma_start3A_37 : memref<80xi32, #tpu.memory_space<hbm>>) target(%arg11 : memref<80xi32, #tpu.memory_space<vmem>>) target_semaphore(%arg19 : memref<!tpu.dma_semaphore, #tpu.memory_space<semaphore_mem>>)
      %dma_start3A_38 = tpu.memref_slice %arg5[%add3A_35] : memref<320000xi32, #tpu.memory_space<hbm>> -> memref<80xi32, #tpu.memory_space<hbm>>
      %dma_start3A_39 = tpu.memref_slice %arg5[%add3A_35] : memref<320000xi32, #tpu.memory_space<hbm>> -> memref<80xi32, #tpu.memory_space<hbm>>
      tpu.enqueue_dma source(%dma_start3A_39 : memref<80xi32, #tpu.memory_space<hbm>>) target(%arg13 : memref<80xi32, #tpu.memory_space<vmem>>) target_semaphore(%arg21 : memref<!tpu.dma_semaphore, #tpu.memory_space<semaphore_mem>>)
      %dma_start3A_40 = arith.constant 0 : i32
      %dma_start3A_41 = tpu.memref_slice %arg3[%add3A_35, %dma_start3A_40] : memref<320000x64xf32, #tpu.memory_space<hbm>> -> memref<80x64xf32, #tpu.memory_space<hbm>>
      %dma_start3A_42 = arith.constant 0 : i32
      %dma_start3A_43 = tpu.memref_slice %arg3[%add3A_35, %dma_start3A_42] : memref<320000x64xf32, #tpu.memory_space<hbm>> -> memref<80x64xf32, #tpu.memory_space<hbm>>
      tpu.enqueue_dma source(%dma_start3A_43 : memref<80x64xf32, #tpu.memory_space<hbm>>) target(%arg15 : memref<80x64xf32, #tpu.memory_space<vmem>>) target_semaphore(%arg23 : memref<!tpu.dma_semaphore, #tpu.memory_space<semaphore_mem>>)
      %dma_wait3A = arith.constant 0 : i32
      %dma_wait3A_44 = tpu.memref_slice %arg4[%dma_wait3A] : memref<320000xi32, #tpu.memory_space<hbm>> -> memref<80xi32, #tpu.memory_space<hbm>>
      %dma_wait3A_45 = arith.constant 0 : i32
      %dma_wait3A_46 = tpu.memref_slice %arg4[%dma_wait3A_45] : memref<320000xi32, #tpu.memory_space<hbm>> -> memref<80xi32, #tpu.memory_space<hbm>>
      tpu.wait_dma2 semaphore(%arg18 : memref<!tpu.dma_semaphore, #tpu.memory_space<semaphore_mem>>) src(%dma_wait3A_46 : memref<80xi32, #tpu.memory_space<hbm>>) dst(%arg10 : memref<80xi32, #tpu.memory_space<vmem>>)
      %dma_wait3A_47 = arith.constant 0 : i32
      %dma_wait3A_48 = tpu.memref_slice %arg5[%dma_wait3A_47] : memref<320000xi32, #tpu.memory_space<hbm>> -> memref<80xi32, #tpu.memory_space<hbm>>
      %dma_wait3A_49 = arith.constant 0 : i32
      %dma_wait3A_50 = tpu.memref_slice %arg5[%dma_wait3A_49] : memref<320000xi32, #tpu.memory_space<hbm>> -> memref<80xi32, #tpu.memory_space<hbm>>
      tpu.wait_dma2 semaphore(%arg20 : memref<!tpu.dma_semaphore, #tpu.memory_space<semaphore_mem>>) src(%dma_wait3A_50 : memref<80xi32, #tpu.memory_space<hbm>>) dst(%arg12 : memref<80xi32, #tpu.memory_space<vmem>>)
      %dma_start3A_51 = arith.constant 0 : i32
      %dma_start3A_52 = arith.constant 0 : i32
      %dma_start3A_53 = tpu.memref_slice %arg6[%dma_start3A_51, %dma_start3A_52] : memref<10000x128xf32, #tpu.memory_space<hbm>> -> memref<10000x128xf32, #tpu.memory_space<hbm>>
      tpu.enqueue_indirect_dma source(%dma_start3A_53 : memref<10000x128xf32, #tpu.memory_space<hbm>>) target(%arg16 : memref<80x128xf32, #tpu.memory_space<vmem>>) offsets(%arg10 : memref<80xi32, #tpu.memory_space<vmem>>) semaphore(%arg24 : memref<!tpu.dma_semaphore, #tpu.memory_space<semaphore_mem>>)
      %scan3A_54 = arith.constant 0 : i32
      %scan3A_55 = arith.constant 0 : i32
      %scan3A_56 = arith.constant 125 : i32
      %scan3A_57 = arith.addi %scan3A_55, %scan3A_56 : i32
      %scan3A_58 = arith.constant 1 : i32
      scf.for %scan3A_72 = %scan3A_55 to %scan3A_57 step %scan3A_58  : i32 {
        %mul3A_73 = arith.constant 2 : i32
        %mul3A_74 = arith.muli %mul3A_73, %scan3A_72 : i32
        %add3A_75 = arith.constant 0 : i32
        %add3A_76 = arith.addi %mul3A_74, %add3A_75 : i32
        %lt3A = arith.constant 250 : i32
        %lt3A_77 = arith.cmpi slt, %add3A_76, %lt3A : i32
        %convert_element_type3A_78 = arith.extui %lt3A_77 : i1 to i32
        %cond3A_79 = arith.constant 0 : i32
        %cond3A_80 = arith.cmpi ne, %convert_element_type3A_78, %cond3A_79 : i32
        scf.if %cond3A_80 {
          %add3A_90 = arith.constant 1 : i32
          %add3A_91 = arith.addi %add3A_76, %add3A_90 : i32
          %lt3A_92 = arith.constant 250 : i32
          %lt3A_93 = arith.cmpi slt, %add3A_91, %lt3A_92 : i32
          %convert_element_type3A_94 = arith.extui %lt3A_93 : i1 to i32
          %cond3A_95 = arith.constant 0 : i32
          %cond3A_96 = arith.cmpi ne, %convert_element_type3A_94, %cond3A_95 : i32
          scf.if %cond3A_96 {
            %dma_wait3A_125 = arith.constant 0 : i32
            %dma_wait3A_126 = tpu.memref_slice %arg4[%dma_wait3A_125] : memref<320000xi32, #tpu.memory_space<hbm>> -> memref<80xi32, #tpu.memory_space<hbm>>
            %dma_wait3A_127 = arith.constant 0 : i32
            %dma_wait3A_128 = tpu.memref_slice %arg4[%dma_wait3A_127] : memref<320000xi32, #tpu.memory_space<hbm>> -> memref<80xi32, #tpu.memory_space<hbm>>
            tpu.wait_dma2 semaphore(%arg19 : memref<!tpu.dma_semaphore, #tpu.memory_space<semaphore_mem>>) src(%dma_wait3A_128 : memref<80xi32, #tpu.memory_space<hbm>>) dst(%arg11 : memref<80xi32, #tpu.memory_space<vmem>>)
            %dma_wait3A_129 = arith.constant 0 : i32
            %dma_wait3A_130 = tpu.memref_slice %arg5[%dma_wait3A_129] : memref<320000xi32, #tpu.memory_space<hbm>> -> memref<80xi32, #tpu.memory_space<hbm>>
            %dma_wait3A_131 = arith.constant 0 : i32
            %dma_wait3A_132 = tpu.memref_slice %arg5[%dma_wait3A_131] : memref<320000xi32, #tpu.memory_space<hbm>> -> memref<80xi32, #tpu.memory_space<hbm>>
            tpu.wait_dma2 semaphore(%arg21 : memref<!tpu.dma_semaphore, #tpu.memory_space<semaphore_mem>>) src(%dma_wait3A_132 : memref<80xi32, #tpu.memory_space<hbm>>) dst(%arg13 : memref<80xi32, #tpu.memory_space<vmem>>)
            %dma_start3A_133 = arith.constant 0 : i32
            %dma_start3A_134 = arith.constant 0 : i32
            %dma_start3A_135 = tpu.memref_slice %arg6[%dma_start3A_133, %dma_start3A_134] : memref<10000x128xf32, #tpu.memory_space<hbm>> -> memref<10000x128xf32, #tpu.memory_space<hbm>>
            tpu.enqueue_indirect_dma source(%dma_start3A_135 : memref<10000x128xf32, #tpu.memory_space<hbm>>) target(%arg17 : memref<80x128xf32, #tpu.memory_space<vmem>>) offsets(%arg11 : memref<80xi32, #tpu.memory_space<vmem>>) semaphore(%arg25 : memref<!tpu.dma_semaphore, #tpu.memory_space<semaphore_mem>>)
          } else {
          }
          %dma_wait3A_97 = arith.constant 0 : i32
          %dma_wait3A_98 = arith.constant 0 : i32
          %dma_wait3A_99 = tpu.memref_slice %arg3[%dma_wait3A_97, %dma_wait3A_98] : memref<320000x64xf32, #tpu.memory_space<hbm>> -> memref<80x64xf32, #tpu.memory_space<hbm>>
          %dma_wait3A_100 = arith.constant 0 : i32
          %dma_wait3A_101 = arith.constant 0 : i32
          %dma_wait3A_102 = tpu.memref_slice %arg3[%dma_wait3A_100, %dma_wait3A_101] : memref<320000x64xf32, #tpu.memory_space<hbm>> -> memref<80x64xf32, #tpu.memory_space<hbm>>
          tpu.wait_dma2 semaphore(%arg22 : memref<!tpu.dma_semaphore, #tpu.memory_space<semaphore_mem>>) src(%dma_wait3A_102 : memref<80x64xf32, #tpu.memory_space<hbm>>) dst(%arg14 : memref<80x64xf32, #tpu.memory_space<vmem>>)
          %dma_wait3A_103 = arith.constant 0 : i32
          %dma_wait3A_104 = arith.constant 0 : i32
          %dma_wait3A_105 = tpu.memref_slice %arg6[%dma_wait3A_103, %dma_wait3A_104] : memref<10000x128xf32, #tpu.memory_space<hbm>> -> memref<80x128xf32, #tpu.memory_space<hbm>>
          %dma_wait3A_106 = arith.constant 0 : i32
          %dma_wait3A_107 = arith.constant 0 : i32
          %dma_wait3A_108 = tpu.memref_slice %arg6[%dma_wait3A_106, %dma_wait3A_107] : memref<10000x128xf32, #tpu.memory_space<hbm>> -> memref<80x128xf32, #tpu.memory_space<hbm>>
          tpu.wait_dma2 semaphore(%arg24 : memref<!tpu.dma_semaphore, #tpu.memory_space<semaphore_mem>>) src(%dma_wait3A_108 : memref<80x128xf32, #tpu.memory_space<hbm>>) dst(%arg16 : memref<80x128xf32, #tpu.memory_space<vmem>>)
          %scan3A_109 = arith.constant 0 : i32
          %scan3A_110 = arith.constant 0 : i32
          %scan3A_111 = arith.constant 80 : i32
          %scan3A_112 = arith.addi %scan3A_110, %scan3A_111 : i32
          %scan3A_113 = arith.constant 1 : i32
          scf.for %scan3A_125 = %scan3A_110 to %scan3A_112 step %scan3A_113  : i32 {
            %get3A = arith.index_cast %scan3A_125 : i32 to index
            %get3A_126 = arith.constant 0 : index
            %get3A_127 = tpu.vector_load %arg14[%get3A, %get3A_126] {strides = array<i32>} : memref<80x64xf32, #tpu.memory_space<vmem>>, vector<1x16xf32>,
            %get3A_128 = vector.shape_cast %get3A_127 : vector<1x16xf32> to vector<16xf32>
            %get3A_129 = arith.index_cast %scan3A_125 : i32 to index
            %get3A_130 = arith.constant 64 : index
            %get3A_131 = tpu.vector_load %arg16[%get3A_129, %get3A_130] {strides = array<i32>} : memref<80x128xf32, #tpu.memory_space<vmem>>, vector<1x16xf32>,
            %get3A_132 = vector.shape_cast %get3A_131 : vector<1x16xf32> to vector<16xf32>
            %mul3A_133 = arith.mulf %get3A_132, %get3A_128 : vector<16xf32>
            %swap3A = arith.index_cast %scan3A_125 : i32 to index
            %swap3A_134 = arith.constant 0 : index
            %swap3A_135 = tpu.vector_load %arg16[%swap3A, %swap3A_134] {strides = array<i32>} : memref<80x128xf32, #tpu.memory_space<vmem>>, vector<1x16xf32>,
            %swap3A_136 = vector.shape_cast %swap3A_135 : vector<1x16xf32> to vector<16xf32>
            %swap3A_137 = vector.shape_cast %mul3A_133 : vector<16xf32> to vector<1x16xf32>
            tpu.vector_store %arg16[%swap3A, %swap3A_134], %swap3A_137 {strides = array<i32>} : memref<80x128xf32, #tpu.memory_space<vmem>>, vector<1x16xf32>,
            %swap3A_138 = arith.index_cast %scan3A_125 : i32 to index
            %swap3A_139 = arith.constant 64 : index
            %swap3A_140 = tpu.vector_load %arg16[%swap3A_138, %swap3A_139] {strides = array<i32>} : memref<80x128xf32, #tpu.memory_space<vmem>>, vector<1x16xf32>,
            %swap3A_141 = vector.shape_cast %swap3A_140 : vector<1x16xf32> to vector<16xf32>
            %swap3A_142 = vector.shape_cast %get3A_128 : vector<16xf32> to vector<1x16xf32>
            tpu.vector_store %arg16[%swap3A_138, %swap3A_139], %swap3A_142 {strides = array<i32>} : memref<80x128xf32, #tpu.memory_space<vmem>>, vector<1x16xf32>,
            %get3A_143 = arith.index_cast %scan3A_125 : i32 to index
            %get3A_144 = arith.constant 16 : index
            %get3A_145 = tpu.vector_load %arg14[%get3A_143, %get3A_144] {strides = array<i32>} : memref<80x64xf32, #tpu.memory_space<vmem>>, vector<1x16xf32>,
            %get3A_146 = vector.shape_cast %get3A_145 : vector<1x16xf32> to vector<16xf32>
            %get3A_147 = arith.index_cast %scan3A_125 : i32 to index
            %get3A_148 = arith.constant 80 : index
            %get3A_149 = tpu.vector_load %arg16[%get3A_147, %get3A_148] {strides = array<i32>} : memref<80x128xf32, #tpu.memory_space<vmem>>, vector<1x16xf32>,
            %get3A_150 = vector.shape_cast %get3A_149 : vector<1x16xf32> to vector<16xf32>
            %mul3A_151 = arith.mulf %get3A_150, %get3A_146 : vector<16xf32>
            %swap3A_152 = arith.index_cast %scan3A_125 : i32 to index
            %swap3A_153 = arith.constant 16 : index
            %swap3A_154 = tpu.vector_load %arg16[%swap3A_152, %swap3A_153] {strides = array<i32>} : memref<80x128xf32, #tpu.memory_space<vmem>>, vector<1x16xf32>,
            %swap3A_155 = vector.shape_cast %swap3A_154 : vector<1x16xf32> to vector<16xf32>
            %swap3A_156 = vector.shape_cast %mul3A_151 : vector<16xf32> to vector<1x16xf32>
            tpu.vector_store %arg16[%swap3A_152, %swap3A_153], %swap3A_156 {strides = array<i32>} : memref<80x128xf32, #tpu.memory_space<vmem>>, vector<1x16xf32>,
            %swap3A_157 = arith.index_cast %scan3A_125 : i32 to index
            %swap3A_158 = arith.constant 80 : index
            %swap3A_159 = tpu.vector_load %arg16[%swap3A_157, %swap3A_158] {strides = array<i32>} : memref<80x128xf32, #tpu.memory_space<vmem>>, vector<1x16xf32>,
            %swap3A_160 = vector.shape_cast %swap3A_159 : vector<1x16xf32> to vector<16xf32>
            %swap3A_161 = vector.shape_cast %get3A_146 : vector<16xf32> to vector<1x16xf32>
            tpu.vector_store %arg16[%swap3A_157, %swap3A_158], %swap3A_161 {strides = array<i32>} : memref<80x128xf32, #tpu.memory_space<vmem>>, vector<1x16xf32>,
            %get3A_162 = arith.index_cast %scan3A_125 : i32 to index
            %get3A_163 = arith.constant 32 : index
            %get3A_164 = tpu.vector_load %arg14[%get3A_162, %get3A_163] {strides = array<i32>} : memref<80x64xf32, #tpu.memory_space<vmem>>, vector<1x16xf32>,
            %get3A_165 = vector.shape_cast %get3A_164 : vector<1x16xf32> to vector<16xf32>
            %get3A_166 = arith.index_cast %scan3A_125 : i32 to index
            %get3A_167 = arith.constant 96 : index
            %get3A_168 = tpu.vector_load %arg16[%get3A_166, %get3A_167] {strides = array<i32>} : memref<80x128xf32, #tpu.memory_space<vmem>>, vector<1x16xf32>,
            %get3A_169 = vector.shape_cast %get3A_168 : vector<1x16xf32> to vector<16xf32>
            %mul3A_170 = arith.mulf %get3A_169, %get3A_165 : vector<16xf32>
            %swap3A_171 = arith.index_cast %scan3A_125 : i32 to index
            %swap3A_172 = arith.constant 32 : index
            %swap3A_173 = tpu.vector_load %arg16[%swap3A_171, %swap3A_172] {strides = array<i32>} : memref<80x128xf32, #tpu.memory_space<vmem>>, vector<1x16xf32>,
            %swap3A_174 = vector.shape_cast %swap3A_173 : vector<1x16xf32> to vector<16xf32>
            %swap3A_175 = vector.shape_cast %mul3A_170 : vector<16xf32> to vector<1x16xf32>
            tpu.vector_store %arg16[%swap3A_171, %swap3A_172], %swap3A_175 {strides = array<i32>} : memref<80x128xf32, #tpu.memory_space<vmem>>, vector<1x16xf32>,
            %swap3A_176 = arith.index_cast %scan3A_125 : i32 to index
            %swap3A_177 = arith.constant 96 : index
            %swap3A_178 = tpu.vector_load %arg16[%swap3A_176, %swap3A_177] {strides = array<i32>} : memref<80x128xf32, #tpu.memory_space<vmem>>, vector<1x16xf32>,
            %swap3A_179 = vector.shape_cast %swap3A_178 : vector<1x16xf32> to vector<16xf32>
            %swap3A_180 = vector.shape_cast %get3A_165 : vector<16xf32> to vector<1x16xf32>
            tpu.vector_store %arg16[%swap3A_176, %swap3A_177], %swap3A_180 {strides = array<i32>} : memref<80x128xf32, #tpu.memory_space<vmem>>, vector<1x16xf32>,
            %get3A_181 = arith.index_cast %scan3A_125 : i32 to index
            %get3A_182 = arith.constant 48 : index
            %get3A_183 = tpu.vector_load %arg14[%get3A_181, %get3A_182] {strides = array<i32>} : memref<80x64xf32, #tpu.memory_space<vmem>>, vector<1x16xf32>,
            %get3A_184 = vector.shape_cast %get3A_183 : vector<1x16xf32> to vector<16xf32>
            %get3A_185 = arith.index_cast %scan3A_125 : i32 to index
            %get3A_186 = arith.constant 112 : index
            %get3A_187 = tpu.vector_load %arg16[%get3A_185, %get3A_186] {strides = array<i32>} : memref<80x128xf32, #tpu.memory_space<vmem>>, vector<1x16xf32>,
            %get3A_188 = vector.shape_cast %get3A_187 : vector<1x16xf32> to vector<16xf32>
            %mul3A_189 = arith.mulf %get3A_188, %get3A_184 : vector<16xf32>
            %swap3A_190 = arith.index_cast %scan3A_125 : i32 to index
            %swap3A_191 = arith.constant 48 : index
            %swap3A_192 = tpu.vector_load %arg16[%swap3A_190, %swap3A_191] {strides = array<i32>} : memref<80x128xf32, #tpu.memory_space<vmem>>, vector<1x16xf32>,
            %swap3A_193 = vector.shape_cast %swap3A_192 : vector<1x16xf32> to vector<16xf32>
            %swap3A_194 = vector.shape_cast %mul3A_189 : vector<16xf32> to vector<1x16xf32>
            tpu.vector_store %arg16[%swap3A_190, %swap3A_191], %swap3A_194 {strides = array<i32>} : memref<80x128xf32, #tpu.memory_space<vmem>>, vector<1x16xf32>,
            %swap3A_195 = arith.index_cast %scan3A_125 : i32 to index
            %swap3A_196 = arith.constant 112 : index
            %swap3A_197 = tpu.vector_load %arg16[%swap3A_195, %swap3A_196] {strides = array<i32>} : memref<80x128xf32, #tpu.memory_space<vmem>>, vector<1x16xf32>,
            %swap3A_198 = vector.shape_cast %swap3A_197 : vector<1x16xf32> to vector<16xf32>
            %swap3A_199 = vector.shape_cast %get3A_184 : vector<16xf32> to vector<1x16xf32>
            tpu.vector_store %arg16[%swap3A_195, %swap3A_196], %swap3A_199 {strides = array<i32>} : memref<80x128xf32, #tpu.memory_space<vmem>>, vector<1x16xf32>,
          }
          %scan3A_114 = arith.constant 80 : i32
          %dma_start3A_115 = arith.constant 0 : i32
          %dma_start3A_116 = arith.constant 0 : i32
          %dma_start3A_117 = tpu.memref_slice %arg9[%dma_start3A_115, %dma_start3A_116] : memref<10000x128xf32, #tpu.memory_space<vmem_shared>> -> memref<10000x128xf32, #tpu.memory_space<vmem_shared>>
          tpu.enqueue_indirect_dma source(%arg16 : memref<80x128xf32, #tpu.memory_space<vmem>>) target(%dma_start3A_117 : memref<10000x128xf32, #tpu.memory_space<vmem_shared>>) offsets(%arg12 : memref<80xi32, #tpu.memory_space<vmem>>) semaphore(%arg26 : memref<!tpu.dma_semaphore, #tpu.memory_space<semaphore_mem>>) {add = true}
          %add3A_118 = arith.constant 2 : i32
          %add3A_119 = arith.addi %add3A_76, %add3A_118 : i32
          %lt3A_120 = arith.constant 250 : i32
          %lt3A_121 = arith.cmpi slt, %add3A_119, %lt3A_120 : i32
          %convert_element_type3A_122 = arith.extui %lt3A_121 : i1 to i32
          %cond3A_123 = arith.constant 0 : i32
          %cond3A_124 = arith.cmpi ne, %convert_element_type3A_122, %cond3A_123 : i32
          scf.if %cond3A_124 {
            %dma_wait3A_125 = arith.constant 0 : i32
            %dma_wait3A_126 = arith.constant 0 : i32
            %dma_wait3A_127 = tpu.memref_slice %arg9[%dma_wait3A_125, %dma_wait3A_126] : memref<10000x128xf32, #tpu.memory_space<vmem_shared>> -> memref<80x128xf32, #tpu.memory_space<vmem_shared>>
            %dma_wait3A_128 = arith.constant 0 : i32
            %dma_wait3A_129 = arith.constant 0 : i32
            %dma_wait3A_130 = tpu.memref_slice %arg9[%dma_wait3A_128, %dma_wait3A_129] : memref<10000x128xf32, #tpu.memory_space<vmem_shared>> -> memref<80x128xf32, #tpu.memory_space<vmem_shared>>
            tpu.wait_dma2 semaphore(%arg26 : memref<!tpu.dma_semaphore, #tpu.memory_space<semaphore_mem>>) src(%arg16 : memref<80x128xf32, #tpu.memory_space<vmem>>) dst(%dma_wait3A_130 : memref<80x128xf32, #tpu.memory_space<vmem_shared>>)
            %add3A_131 = arith.constant 2 : i32
            %add3A_132 = arith.addi %add3A_76, %add3A_131 : i32
            %mul3A_133 = arith.constant 80 : i32
            %mul3A_134 = arith.muli %add3A_132, %mul3A_133 : i32
            %add3A_135 = arith.addi %mul3A_25, %mul3A_134 : i32
            %dma_start3A_136 = tpu.memref_slice %arg4[%add3A_135] : memref<320000xi32, #tpu.memory_space<hbm>> -> memref<80xi32, #tpu.memory_space<hbm>>
            %dma_start3A_137 = tpu.memref_slice %arg4[%add3A_135] : memref<320000xi32, #tpu.memory_space<hbm>> -> memref<80xi32, #tpu.memory_space<hbm>>
            tpu.enqueue_dma source(%dma_start3A_137 : memref<80xi32, #tpu.memory_space<hbm>>) target(%arg10 : memref<80xi32, #tpu.memory_space<vmem>>) target_semaphore(%arg18 : memref<!tpu.dma_semaphore, #tpu.memory_space<semaphore_mem>>)
            %dma_start3A_138 = tpu.memref_slice %arg5[%add3A_135] : memref<320000xi32, #tpu.memory_space<hbm>> -> memref<80xi32, #tpu.memory_space<hbm>>
            %dma_start3A_139 = tpu.memref_slice %arg5[%add3A_135] : memref<320000xi32, #tpu.memory_space<hbm>> -> memref<80xi32, #tpu.memory_space<hbm>>
            tpu.enqueue_dma source(%dma_start3A_139 : memref<80xi32, #tpu.memory_space<hbm>>) target(%arg12 : memref<80xi32, #tpu.memory_space<vmem>>) target_semaphore(%arg20 : memref<!tpu.dma_semaphore, #tpu.memory_space<semaphore_mem>>)
            %dma_start3A_140 = arith.constant 0 : i32
            %dma_start3A_141 = tpu.memref_slice %arg3[%add3A_135, %dma_start3A_140] : memref<320000x64xf32, #tpu.memory_space<hbm>> -> memref<80x64xf32, #tpu.memory_space<hbm>>
            %dma_start3A_142 = arith.constant 0 : i32
            %dma_start3A_143 = tpu.memref_slice %arg3[%add3A_135, %dma_start3A_142] : memref<320000x64xf32, #tpu.memory_space<hbm>> -> memref<80x64xf32, #tpu.memory_space<hbm>>
            tpu.enqueue_dma source(%dma_start3A_143 : memref<80x64xf32, #tpu.memory_space<hbm>>) target(%arg14 : memref<80x64xf32, #tpu.memory_space<vmem>>) target_semaphore(%arg22 : memref<!tpu.dma_semaphore, #tpu.memory_space<semaphore_mem>>)
          } else {
          }
        } else {
        }
        %mul3A_81 = arith.constant 2 : i32
        %mul3A_82 = arith.muli %mul3A_81, %scan3A_72 : i32
        %add3A_83 = arith.constant 1 : i32
        %add3A_84 = arith.addi %mul3A_82, %add3A_83 : i32
        %lt3A_85 = arith.constant 250 : i32
        %lt3A_86 = arith.cmpi slt, %add3A_84, %lt3A_85 : i32
        %convert_element_type3A_87 = arith.extui %lt3A_86 : i1 to i32
        %cond3A_88 = arith.constant 0 : i32
        %cond3A_89 = arith.cmpi ne, %convert_element_type3A_87, %cond3A_88 : i32
        scf.if %cond3A_89 {
          %add3A_90 = arith.constant 1 : i32
          %add3A_91 = arith.addi %add3A_84, %add3A_90 : i32
          %lt3A_92 = arith.constant 250 : i32
          %lt3A_93 = arith.cmpi slt, %add3A_91, %lt3A_92 : i32
          %convert_element_type3A_94 = arith.extui %lt3A_93 : i1 to i32
          %cond3A_95 = arith.constant 0 : i32
          %cond3A_96 = arith.cmpi ne, %convert_element_type3A_94, %cond3A_95 : i32
          scf.if %cond3A_96 {
            %dma_wait3A_125 = arith.constant 0 : i32
            %dma_wait3A_126 = tpu.memref_slice %arg4[%dma_wait3A_125] : memref<320000xi32, #tpu.memory_space<hbm>> -> memref<80xi32, #tpu.memory_space<hbm>>
            %dma_wait3A_127 = arith.constant 0 : i32
            %dma_wait3A_128 = tpu.memref_slice %arg4[%dma_wait3A_127] : memref<320000xi32, #tpu.memory_space<hbm>> -> memref<80xi32, #tpu.memory_space<hbm>>
            tpu.wait_dma2 semaphore(%arg18 : memref<!tpu.dma_semaphore, #tpu.memory_space<semaphore_mem>>) src(%dma_wait3A_128 : memref<80xi32, #tpu.memory_space<hbm>>) dst(%arg10 : memref<80xi32, #tpu.memory_space<vmem>>)
            %dma_wait3A_129 = arith.constant 0 : i32
            %dma_wait3A_130 = tpu.memref_slice %arg5[%dma_wait3A_129] : memref<320000xi32, #tpu.memory_space<hbm>> -> memref<80xi32, #tpu.memory_space<hbm>>
            %dma_wait3A_131 = arith.constant 0 : i32
            %dma_wait3A_132 = tpu.memref_slice %arg5[%dma_wait3A_131] : memref<320000xi32, #tpu.memory_space<hbm>> -> memref<80xi32, #tpu.memory_space<hbm>>
            tpu.wait_dma2 semaphore(%arg20 : memref<!tpu.dma_semaphore, #tpu.memory_space<semaphore_mem>>) src(%dma_wait3A_132 : memref<80xi32, #tpu.memory_space<hbm>>) dst(%arg12 : memref<80xi32, #tpu.memory_space<vmem>>)
            %dma_start3A_133 = arith.constant 0 : i32
            %dma_start3A_134 = arith.constant 0 : i32
            %dma_start3A_135 = tpu.memref_slice %arg6[%dma_start3A_133, %dma_start3A_134] : memref<10000x128xf32, #tpu.memory_space<hbm>> -> memref<10000x128xf32, #tpu.memory_space<hbm>>
            tpu.enqueue_indirect_dma source(%dma_start3A_135 : memref<10000x128xf32, #tpu.memory_space<hbm>>) target(%arg16 : memref<80x128xf32, #tpu.memory_space<vmem>>) offsets(%arg10 : memref<80xi32, #tpu.memory_space<vmem>>) semaphore(%arg24 : memref<!tpu.dma_semaphore, #tpu.memory_space<semaphore_mem>>)
          } else {
          }
          %dma_wait3A_97 = arith.constant 0 : i32
          %dma_wait3A_98 = arith.constant 0 : i32
          %dma_wait3A_99 = tpu.memref_slice %arg3[%dma_wait3A_97, %dma_wait3A_98] : memref<320000x64xf32, #tpu.memory_space<hbm>> -> memref<80x64xf32, #tpu.memory_space<hbm>>
          %dma_wait3A_100 = arith.constant 0 : i32
          %dma_wait3A_101 = arith.constant 0 : i32
          %dma_wait3A_102 = tpu.memref_slice %arg3[%dma_wait3A_100, %dma_wait3A_101] : memref<320000x64xf32, #tpu.memory_space<hbm>> -> memref<80x64xf32, #tpu.memory_space<hbm>>
          tpu.wait_dma2 semaphore(%arg23 : memref<!tpu.dma_semaphore, #tpu.memory_space<semaphore_mem>>) src(%dma_wait3A_102 : memref<80x64xf32, #tpu.memory_space<hbm>>) dst(%arg15 : memref<80x64xf32, #tpu.memory_space<vmem>>)
          %dma_wait3A_103 = arith.constant 0 : i32
          %dma_wait3A_104 = arith.constant 0 : i32
          %dma_wait3A_105 = tpu.memref_slice %arg6[%dma_wait3A_103, %dma_wait3A_104] : memref<10000x128xf32, #tpu.memory_space<hbm>> -> memref<80x128xf32, #tpu.memory_space<hbm>>
          %dma_wait3A_106 = arith.constant 0 : i32
          %dma_wait3A_107 = arith.constant 0 : i32
          %dma_wait3A_108 = tpu.memref_slice %arg6[%dma_wait3A_106, %dma_wait3A_107] : memref<10000x128xf32, #tpu.memory_space<hbm>> -> memref<80x128xf32, #tpu.memory_space<hbm>>
          tpu.wait_dma2 semaphore(%arg25 : memref<!tpu.dma_semaphore, #tpu.memory_space<semaphore_mem>>) src(%dma_wait3A_108 : memref<80x128xf32, #tpu.memory_space<hbm>>) dst(%arg17 : memref<80x128xf32, #tpu.memory_space<vmem>>)
          %scan3A_109 = arith.constant 0 : i32
          %scan3A_110 = arith.constant 0 : i32
          %scan3A_111 = arith.constant 80 : i32
          %scan3A_112 = arith.addi %scan3A_110, %scan3A_111 : i32
          %scan3A_113 = arith.constant 1 : i32
          scf.for %scan3A_125 = %scan3A_110 to %scan3A_112 step %scan3A_113  : i32 {
            %get3A = arith.index_cast %scan3A_125 : i32 to index
            %get3A_126 = arith.constant 0 : index
            %get3A_127 = tpu.vector_load %arg15[%get3A, %get3A_126] {strides = array<i32>} : memref<80x64xf32, #tpu.memory_space<vmem>>, vector<1x16xf32>,
            %get3A_128 = vector.shape_cast %get3A_127 : vector<1x16xf32> to vector<16xf32>
            %get3A_129 = arith.index_cast %scan3A_125 : i32 to index
            %get3A_130 = arith.constant 64 : index
            %get3A_131 = tpu.vector_load %arg17[%get3A_129, %get3A_130] {strides = array<i32>} : memref<80x128xf32, #tpu.memory_space<vmem>>, vector<1x16xf32>,
            %get3A_132 = vector.shape_cast %get3A_131 : vector<1x16xf32> to vector<16xf32>
            %mul3A_133 = arith.mulf %get3A_132, %get3A_128 : vector<16xf32>
            %swap3A = arith.index_cast %scan3A_125 : i32 to index
            %swap3A_134 = arith.constant 0 : index
            %swap3A_135 = tpu.vector_load %arg17[%swap3A, %swap3A_134] {strides = array<i32>} : memref<80x128xf32, #tpu.memory_space<vmem>>, vector<1x16xf32>,
            %swap3A_136 = vector.shape_cast %swap3A_135 : vector<1x16xf32> to vector<16xf32>
            %swap3A_137 = vector.shape_cast %mul3A_133 : vector<16xf32> to vector<1x16xf32>
            tpu.vector_store %arg17[%swap3A, %swap3A_134], %swap3A_137 {strides = array<i32>} : memref<80x128xf32, #tpu.memory_space<vmem>>, vector<1x16xf32>,
            %swap3A_138 = arith.index_cast %scan3A_125 : i32 to index
            %swap3A_139 = arith.constant 64 : index
            %swap3A_140 = tpu.vector_load %arg17[%swap3A_138, %swap3A_139] {strides = array<i32>} : memref<80x128xf32, #tpu.memory_space<vmem>>, vector<1x16xf32>,
            %swap3A_141 = vector.shape_cast %swap3A_140 : vector<1x16xf32> to vector<16xf32>
            %swap3A_142 = vector.shape_cast %get3A_128 : vector<16xf32> to vector<1x16xf32>
            tpu.vector_store %arg17[%swap3A_138, %swap3A_139], %swap3A_142 {strides = array<i32>} : memref<80x128xf32, #tpu.memory_space<vmem>>, vector<1x16xf32>,
            %get3A_143 = arith.index_cast %scan3A_125 : i32 to index
            %get3A_144 = arith.constant 16 : index
            %get3A_145 = tpu.vector_load %arg15[%get3A_143, %get3A_144] {strides = array<i32>} : memref<80x64xf32, #tpu.memory_space<vmem>>, vector<1x16xf32>,
            %get3A_146 = vector.shape_cast %get3A_145 : vector<1x16xf32> to vector<16xf32>
            %get3A_147 = arith.index_cast %scan3A_125 : i32 to index
            %get3A_148 = arith.constant 80 : index
            %get3A_149 = tpu.vector_load %arg17[%get3A_147, %get3A_148] {strides = array<i32>} : memref<80x128xf32, #tpu.memory_space<vmem>>, vector<1x16xf32>,
            %get3A_150 = vector.shape_cast %get3A_149 : vector<1x16xf32> to vector<16xf32>
            %mul3A_151 = arith.mulf %get3A_150, %get3A_146 : vector<16xf32>
            %swap3A_152 = arith.index_cast %scan3A_125 : i32 to index
            %swap3A_153 = arith.constant 16 : index
            %swap3A_154 = tpu.vector_load %arg17[%swap3A_152, %swap3A_153] {strides = array<i32>} : memref<80x128xf32, #tpu.memory_space<vmem>>, vector<1x16xf32>,
            %swap3A_155 = vector.shape_cast %swap3A_154 : vector<1x16xf32> to vector<16xf32>
            %swap3A_156 = vector.shape_cast %mul3A_151 : vector<16xf32> to vector<1x16xf32>
            tpu.vector_store %arg17[%swap3A_152, %swap3A_153], %swap3A_156 {strides = array<i32>} : memref<80x128xf32, #tpu.memory_space<vmem>>, vector<1x16xf32>,
            %swap3A_157 = arith.index_cast %scan3A_125 : i32 to index
            %swap3A_158 = arith.constant 80 : index
            %swap3A_159 = tpu.vector_load %arg17[%swap3A_157, %swap3A_158] {strides = array<i32>} : memref<80x128xf32, #tpu.memory_space<vmem>>, vector<1x16xf32>,
            %swap3A_160 = vector.shape_cast %swap3A_159 : vector<1x16xf32> to vector<16xf32>
            %swap3A_161 = vector.shape_cast %get3A_146 : vector<16xf32> to vector<1x16xf32>
            tpu.vector_store %arg17[%swap3A_157, %swap3A_158], %swap3A_161 {strides = array<i32>} : memref<80x128xf32, #tpu.memory_space<vmem>>, vector<1x16xf32>,
            %get3A_162 = arith.index_cast %scan3A_125 : i32 to index
            %get3A_163 = arith.constant 32 : index
            %get3A_164 = tpu.vector_load %arg15[%get3A_162, %get3A_163] {strides = array<i32>} : memref<80x64xf32, #tpu.memory_space<vmem>>, vector<1x16xf32>,
            %get3A_165 = vector.shape_cast %get3A_164 : vector<1x16xf32> to vector<16xf32>
            %get3A_166 = arith.index_cast %scan3A_125 : i32 to index
            %get3A_167 = arith.constant 96 : index
            %get3A_168 = tpu.vector_load %arg17[%get3A_166, %get3A_167] {strides = array<i32>} : memref<80x128xf32, #tpu.memory_space<vmem>>, vector<1x16xf32>,
            %get3A_169 = vector.shape_cast %get3A_168 : vector<1x16xf32> to vector<16xf32>
            %mul3A_170 = arith.mulf %get3A_169, %get3A_165 : vector<16xf32>
            %swap3A_171 = arith.index_cast %scan3A_125 : i32 to index
            %swap3A_172 = arith.constant 32 : index
            %swap3A_173 = tpu.vector_load %arg17[%swap3A_171, %swap3A_172] {strides = array<i32>} : memref<80x128xf32, #tpu.memory_space<vmem>>, vector<1x16xf32>,
            %swap3A_174 = vector.shape_cast %swap3A_173 : vector<1x16xf32> to vector<16xf32>
            %swap3A_175 = vector.shape_cast %mul3A_170 : vector<16xf32> to vector<1x16xf32>
            tpu.vector_store %arg17[%swap3A_171, %swap3A_172], %swap3A_175 {strides = array<i32>} : memref<80x128xf32, #tpu.memory_space<vmem>>, vector<1x16xf32>,
            %swap3A_176 = arith.index_cast %scan3A_125 : i32 to index
            %swap3A_177 = arith.constant 96 : index
            %swap3A_178 = tpu.vector_load %arg17[%swap3A_176, %swap3A_177] {strides = array<i32>} : memref<80x128xf32, #tpu.memory_space<vmem>>, vector<1x16xf32>,
            %swap3A_179 = vector.shape_cast %swap3A_178 : vector<1x16xf32> to vector<16xf32>
            %swap3A_180 = vector.shape_cast %get3A_165 : vector<16xf32> to vector<1x16xf32>
            tpu.vector_store %arg17[%swap3A_176, %swap3A_177], %swap3A_180 {strides = array<i32>} : memref<80x128xf32, #tpu.memory_space<vmem>>, vector<1x16xf32>,
            %get3A_181 = arith.index_cast %scan3A_125 : i32 to index
            %get3A_182 = arith.constant 48 : index
            %get3A_183 = tpu.vector_load %arg15[%get3A_181, %get3A_182] {strides = array<i32>} : memref<80x64xf32, #tpu.memory_space<vmem>>, vector<1x16xf32>,
            %get3A_184 = vector.shape_cast %get3A_183 : vector<1x16xf32> to vector<16xf32>
            %get3A_185 = arith.index_cast %scan3A_125 : i32 to index
            %get3A_186 = arith.constant 112 : index
            %get3A_187 = tpu.vector_load %arg17[%get3A_185, %get3A_186] {strides = array<i32>} : memref<80x128xf32, #tpu.memory_space<vmem>>, vector<1x16xf32>,
            %get3A_188 = vector.shape_cast %get3A_187 : vector<1x16xf32> to vector<16xf32>
            %mul3A_189 = arith.mulf %get3A_188, %get3A_184 : vector<16xf32>
            %swap3A_190 = arith.index_cast %scan3A_125 : i32 to index
            %swap3A_191 = arith.constant 48 : index
            %swap3A_192 = tpu.vector_load %arg17[%swap3A_190, %swap3A_191] {strides = array<i32>} : memref<80x128xf32, #tpu.memory_space<vmem>>, vector<1x16xf32>,
            %swap3A_193 = vector.shape_cast %swap3A_192 : vector<1x16xf32> to vector<16xf32>
            %swap3A_194 = vector.shape_cast %mul3A_189 : vector<16xf32> to vector<1x16xf32>
            tpu.vector_store %arg17[%swap3A_190, %swap3A_191], %swap3A_194 {strides = array<i32>} : memref<80x128xf32, #tpu.memory_space<vmem>>, vector<1x16xf32>,
            %swap3A_195 = arith.index_cast %scan3A_125 : i32 to index
            %swap3A_196 = arith.constant 112 : index
            %swap3A_197 = tpu.vector_load %arg17[%swap3A_195, %swap3A_196] {strides = array<i32>} : memref<80x128xf32, #tpu.memory_space<vmem>>, vector<1x16xf32>,
            %swap3A_198 = vector.shape_cast %swap3A_197 : vector<1x16xf32> to vector<16xf32>
            %swap3A_199 = vector.shape_cast %get3A_184 : vector<16xf32> to vector<1x16xf32>
            tpu.vector_store %arg17[%swap3A_195, %swap3A_196], %swap3A_199 {strides = array<i32>} : memref<80x128xf32, #tpu.memory_space<vmem>>, vector<1x16xf32>,
          }
          %scan3A_114 = arith.constant 80 : i32
          %dma_start3A_115 = arith.constant 0 : i32
          %dma_start3A_116 = arith.constant 0 : i32
          %dma_start3A_117 = tpu.memref_slice %arg9[%dma_start3A_115, %dma_start3A_116] : memref<10000x128xf32, #tpu.memory_space<vmem_shared>> -> memref<10000x128xf32, #tpu.memory_space<vmem_shared>>
          tpu.enqueue_indirect_dma source(%arg17 : memref<80x128xf32, #tpu.memory_space<vmem>>) target(%dma_start3A_117 : memref<10000x128xf32, #tpu.memory_space<vmem_shared>>) offsets(%arg13 : memref<80xi32, #tpu.memory_space<vmem>>) semaphore(%arg27 : memref<!tpu.dma_semaphore, #tpu.memory_space<semaphore_mem>>) {add = true}
          %add3A_118 = arith.constant 2 : i32
          %add3A_119 = arith.addi %add3A_84, %add3A_118 : i32
          %lt3A_120 = arith.constant 250 : i32
          %lt3A_121 = arith.cmpi slt, %add3A_119, %lt3A_120 : i32
          %convert_element_type3A_122 = arith.extui %lt3A_121 : i1 to i32
          %cond3A_123 = arith.constant 0 : i32
          %cond3A_124 = arith.cmpi ne, %convert_element_type3A_122, %cond3A_123 : i32
          scf.if %cond3A_124 {
            %dma_wait3A_125 = arith.constant 0 : i32
            %dma_wait3A_126 = arith.constant 0 : i32
            %dma_wait3A_127 = tpu.memref_slice %arg9[%dma_wait3A_125, %dma_wait3A_126] : memref<10000x128xf32, #tpu.memory_space<vmem_shared>> -> memref<80x128xf32, #tpu.memory_space<vmem_shared>>
            %dma_wait3A_128 = arith.constant 0 : i32
            %dma_wait3A_129 = arith.constant 0 : i32
            %dma_wait3A_130 = tpu.memref_slice %arg9[%dma_wait3A_128, %dma_wait3A_129] : memref<10000x128xf32, #tpu.memory_space<vmem_shared>> -> memref<80x128xf32, #tpu.memory_space<vmem_shared>>
            tpu.wait_dma2 semaphore(%arg27 : memref<!tpu.dma_semaphore, #tpu.memory_space<semaphore_mem>>) src(%arg17 : memref<80x128xf32, #tpu.memory_space<vmem>>) dst(%dma_wait3A_130 : memref<80x128xf32, #tpu.memory_space<vmem_shared>>)
            %add3A_131 = arith.constant 2 : i32
            %add3A_132 = arith.addi %add3A_84, %add3A_131 : i32
            %mul3A_133 = arith.constant 80 : i32
            %mul3A_134 = arith.muli %add3A_132, %mul3A_133 : i32
            %add3A_135 = arith.addi %mul3A_25, %mul3A_134 : i32
            %dma_start3A_136 = tpu.memref_slice %arg4[%add3A_135] : memref<320000xi32, #tpu.memory_space<hbm>> -> memref<80xi32, #tpu.memory_space<hbm>>
            %dma_start3A_137 = tpu.memref_slice %arg4[%add3A_135] : memref<320000xi32, #tpu.memory_space<hbm>> -> memref<80xi32, #tpu.memory_space<hbm>>
            tpu.enqueue_dma source(%dma_start3A_137 : memref<80xi32, #tpu.memory_space<hbm>>) target(%arg11 : memref<80xi32, #tpu.memory_space<vmem>>) target_semaphore(%arg19 : memref<!tpu.dma_semaphore, #tpu.memory_space<semaphore_mem>>)
            %dma_start3A_138 = tpu.memref_slice %arg5[%add3A_135] : memref<320000xi32, #tpu.memory_space<hbm>> -> memref<80xi32, #tpu.memory_space<hbm>>
            %dma_start3A_139 = tpu.memref_slice %arg5[%add3A_135] : memref<320000xi32, #tpu.memory_space<hbm>> -> memref<80xi32, #tpu.memory_space<hbm>>
            tpu.enqueue_dma source(%dma_start3A_139 : memref<80xi32, #tpu.memory_space<hbm>>) target(%arg13 : memref<80xi32, #tpu.memory_space<vmem>>) target_semaphore(%arg21 : memref<!tpu.dma_semaphore, #tpu.memory_space<semaphore_mem>>)
            %dma_start3A_140 = arith.constant 0 : i32
            %dma_start3A_141 = tpu.memref_slice %arg3[%add3A_135, %dma_start3A_140] : memref<320000x64xf32, #tpu.memory_space<hbm>> -> memref<80x64xf32, #tpu.memory_space<hbm>>
            %dma_start3A_142 = arith.constant 0 : i32
            %dma_start3A_143 = tpu.memref_slice %arg3[%add3A_135, %dma_start3A_142] : memref<320000x64xf32, #tpu.memory_space<hbm>> -> memref<80x64xf32, #tpu.memory_space<hbm>>
            tpu.enqueue_dma source(%dma_start3A_143 : memref<80x64xf32, #tpu.memory_space<hbm>>) target(%arg15 : memref<80x64xf32, #tpu.memory_space<vmem>>) target_semaphore(%arg23 : memref<!tpu.dma_semaphore, #tpu.memory_space<semaphore_mem>>)
          } else {
          }
        } else {
        }
      }
      %scan3A_59 = arith.constant 125 : i32
      %dma_wait3A_60 = arith.constant 0 : i32
      %dma_wait3A_61 = arith.constant 0 : i32
      %dma_wait3A_62 = tpu.memref_slice %arg9[%dma_wait3A_60, %dma_wait3A_61] : memref<10000x128xf32, #tpu.memory_space<vmem_shared>> -> memref<80x128xf32, #tpu.memory_space<vmem_shared>>
      %dma_wait3A_63 = arith.constant 0 : i32
      %dma_wait3A_64 = arith.constant 0 : i32
      %dma_wait3A_65 = tpu.memref_slice %arg9[%dma_wait3A_63, %dma_wait3A_64] : memref<10000x128xf32, #tpu.memory_space<vmem_shared>> -> memref<80x128xf32, #tpu.memory_space<vmem_shared>>
      tpu.wait_dma2 semaphore(%arg26 : memref<!tpu.dma_semaphore, #tpu.memory_space<semaphore_mem>>) src(%arg16 : memref<80x128xf32, #tpu.memory_space<vmem>>) dst(%dma_wait3A_65 : memref<80x128xf32, #tpu.memory_space<vmem_shared>>)
      %dma_wait3A_66 = arith.constant 0 : i32
      %dma_wait3A_67 = arith.constant 0 : i32
      %dma_wait3A_68 = tpu.memref_slice %arg9[%dma_wait3A_66, %dma_wait3A_67] : memref<10000x128xf32, #tpu.memory_space<vmem_shared>> -> memref<80x128xf32, #tpu.memory_space<vmem_shared>>
      %dma_wait3A_69 = arith.constant 0 : i32
      %dma_wait3A_70 = arith.constant 0 : i32
      %dma_wait3A_71 = tpu.memref_slice %arg9[%dma_wait3A_69, %dma_wait3A_70] : memref<10000x128xf32, #tpu.memory_space<vmem_shared>> -> memref<80x128xf32, #tpu.memory_space<vmem_shared>>
      tpu.wait_dma2 semaphore(%arg27 : memref<!tpu.dma_semaphore, #tpu.memory_space<semaphore_mem>>) src(%arg17 : memref<80x128xf32, #tpu.memory_space<vmem>>) dst(%dma_wait3A_71 : memref<80x128xf32, #tpu.memory_space<vmem_shared>>)
    } else {
    }
    %barrier3A_19 = arith.constant 0 : index
    tpu.barrier barrier_id(%barrier3A_19)
    %eq3A_20 = arith.constant 0 : i32
    %eq3A_21 = arith.cmpi eq, %arg1, %eq3A_20 : i32
    %convert_element_type3A_22 = arith.extui %eq3A_21 : i1 to i32
    %cond3A_23 = arith.constant 0 : i32
    %cond3A_24 = arith.cmpi ne, %convert_element_type3A_22, %cond3A_23 : i32
    scf.if %cond3A_24 {
      %eq3A_25 = arith.constant 0 : i32
      %eq3A_26 = arith.cmpi eq, %arg0, %eq3A_25 : i32
      %convert_element_type3A_27 = arith.extui %eq3A_26 : i1 to i32
      %cond3A_28 = arith.constant 0 : i32
      %cond3A_29 = arith.cmpi ne, %convert_element_type3A_27, %cond3A_28 : i32
      scf.if %cond3A_29 {
        "tpu.region"() ({
          %run_scoped3A = tpu.sem_alloc : memref<!tpu.dma_semaphore, #tpu.memory_space<semaphore_mem>>
          tpu.enqueue_dma source(%arg9 : memref<10000x128xf32, #tpu.memory_space<vmem_shared>>) target(%arg7 : memref<10000x128xf32, #tpu.memory_space<hbm>>) target_semaphore(%run_scoped3A : memref<!tpu.dma_semaphore, #tpu.memory_space<semaphore_mem>>)
          tpu.wait_dma2 semaphore(%run_scoped3A : memref<!tpu.dma_semaphore, #tpu.memory_space<semaphore_mem>>) src(%arg9 : memref<10000x128xf32, #tpu.memory_space<vmem_shared>>) dst(%arg7 : memref<10000x128xf32, #tpu.memory_space<hbm>>)
          tpu.yield
        }) : () -> ()
      } else {
      }
      %eq3A_30 = arith.constant 1 : i32
      %eq3A_31 = arith.cmpi eq, %arg0, %eq3A_30 : i32
      %convert_element_type3A_32 = arith.extui %eq3A_31 : i1 to i32
      %cond3A_33 = arith.constant 0 : i32
      %cond3A_34 = arith.cmpi ne, %convert_element_type3A_32, %cond3A_33 : i32
      scf.if %cond3A_34 {
        "tpu.region"() ({
          %run_scoped3A = tpu.sem_alloc : memref<!tpu.dma_semaphore, #tpu.memory_space<semaphore_mem>>
          tpu.enqueue_dma source(%arg9 : memref<10000x128xf32, #tpu.memory_space<vmem_shared>>) target(%arg8 : memref<10000x128xf32, #tpu.memory_space<hbm>>) target_semaphore(%run_scoped3A : memref<!tpu.dma_semaphore, #tpu.memory_space<semaphore_mem>>)
          tpu.wait_dma2 semaphore(%run_scoped3A : memref<!tpu.dma_semaphore, #tpu.memory_space<semaphore_mem>>) src(%arg9 : memref<10000x128xf32, #tpu.memory_space<vmem_shared>>) dst(%arg8 : memref<10000x128xf32, #tpu.memory_space<hbm>>)
          tpu.yield
        }) : () -> ()
      } else {
      }
    } else {
    }
    return
  }
}

#map = affine_map<(d0, d1) -> (0, 0)>
#map1 = affine_map<(d0, d1) -> (0)>
module attributes {stable_mosaic.version = 14 : i64} {
  func.func @_sc_sb_body(%arg0: i32, %arg1: i32, %arg2: memref<320000x128xf32, #tpu.memory_space<hbm>>, %arg3: memref<320000xi32, #tpu.memory_space<hbm>>, %arg4: memref<10000xi32, #tpu.memory_space<hbm>>, %arg5: memref<128x128xf32, #tpu.memory_space<hbm>>, %arg6: memref<128x128xf32, #tpu.memory_space<hbm>>, %arg7: memref<128x128xf32, #tpu.memory_space<hbm>>, %arg8: memref<128x128xf32, #tpu.memory_space<hbm>>, %arg9: memref<128x128xf32, #tpu.memory_space<vmem_shared>>, %arg10: memref<128x128xf32, #tpu.memory_space<vmem_shared>>, %arg11: memref<80xi32, #tpu.memory_space<vmem>>, %arg12: memref<80xi32, #tpu.memory_space<vmem>>, %arg13: memref<80xi32, #tpu.memory_space<vmem>>, %arg14: memref<80xi32, #tpu.memory_space<vmem>>, %arg15: memref<80x128xf32, #tpu.memory_space<vmem>>, %arg16: memref<80x128xf32, #tpu.memory_space<vmem>>, %arg17: memref<80x128xf32, #tpu.memory_space<vmem>>, %arg18: memref<!tpu.dma_semaphore, #tpu.memory_space<semaphore_mem>>, %arg19: memref<!tpu.dma_semaphore, #tpu.memory_space<semaphore_mem>>, %arg20: memref<!tpu.dma_semaphore, #tpu.memory_space<semaphore_mem>>, %arg21: memref<!tpu.dma_semaphore, #tpu.memory_space<semaphore_mem>>, %arg22: memref<!tpu.dma_semaphore, #tpu.memory_space<semaphore_mem>>, %arg23: memref<!tpu.dma_semaphore, #tpu.memory_space<semaphore_mem>>, %arg24: memref<!tpu.dma_semaphore, #tpu.memory_space<semaphore_mem>>, %arg25: memref<!tpu.dma_semaphore, #tpu.memory_space<semaphore_mem>>, %arg26: memref<!tpu.dma_semaphore, #tpu.memory_space<semaphore_mem>>, %arg27: memref<!tpu.dma_semaphore, #tpu.memory_space<semaphore_mem>>) attributes {dimension_semantics = [#tpu.dimension_semantics<core_parallel>, #tpu.dimension_semantics<subcore_parallel>], iteration_bounds = array<i64: 2, 16>, scalar_prefetch = 0 : i64, scratch_operands = 19 : i64, tpu.core_type = #tpu.core_type<sc_vector_subcore>, window_params = [{transform_indices = #map}, {transform_indices = #map1}, {transform_indices = #map1}, {transform_indices = #map}, {transform_indices = #map}, {transform_indices = #map}, {transform_indices = #map}]} {
    %broadcast_in_dim3A = arith.constant 0.000000e+00 : f32
    %broadcast_in_dim3A_0 = vector.broadcast %broadcast_in_dim3A : f32 to vector<16xf32>
    %broadcast_in_dim3A_1 = arith.constant 1.000000e+00 : f32
    %broadcast_in_dim3A_2 = vector.broadcast %broadcast_in_dim3A_1 : f32 to vector<16xf32>
    %scan3A = arith.constant 0 : i32
    %scan3A_3 = arith.constant 0 : i32
    %scan3A_4 = arith.constant 80 : i32
    %scan3A_5 = arith.addi %scan3A_3, %scan3A_4 : i32
    %scan3A_6 = arith.constant 1 : i32
    scf.for %scan3A_75 = %scan3A_3 to %scan3A_5 step %scan3A_6  : i32 {
      %swap3A = arith.index_cast %scan3A_75 : i32 to index
      %swap3A_76 = arith.constant 0 : index
      %swap3A_77 = tpu.vector_load %arg15[%swap3A, %swap3A_76] {strides = array<i32>} : memref<80x128xf32, #tpu.memory_space<vmem>>, vector<1x16xf32>,
      %swap3A_78 = vector.shape_cast %swap3A_77 : vector<1x16xf32> to vector<16xf32>
      %swap3A_79 = vector.shape_cast %broadcast_in_dim3A_0 : vector<16xf32> to vector<1x16xf32>
      tpu.vector_store %arg15[%swap3A, %swap3A_76], %swap3A_79 {strides = array<i32>} : memref<80x128xf32, #tpu.memory_space<vmem>>, vector<1x16xf32>,
      %swap3A_80 = arith.index_cast %scan3A_75 : i32 to index
      %swap3A_81 = arith.constant 0 : index
      %swap3A_82 = tpu.vector_load %arg17[%swap3A_80, %swap3A_81] {strides = array<i32>} : memref<80x128xf32, #tpu.memory_space<vmem>>, vector<1x16xf32>,
      %swap3A_83 = vector.shape_cast %swap3A_82 : vector<1x16xf32> to vector<16xf32>
      %swap3A_84 = vector.shape_cast %broadcast_in_dim3A_0 : vector<16xf32> to vector<1x16xf32>
      tpu.vector_store %arg17[%swap3A_80, %swap3A_81], %swap3A_84 {strides = array<i32>} : memref<80x128xf32, #tpu.memory_space<vmem>>, vector<1x16xf32>,
      %swap3A_85 = arith.index_cast %scan3A_75 : i32 to index
      %swap3A_86 = arith.constant 16 : index
      %swap3A_87 = tpu.vector_load %arg15[%swap3A_85, %swap3A_86] {strides = array<i32>} : memref<80x128xf32, #tpu.memory_space<vmem>>, vector<1x16xf32>,
      %swap3A_88 = vector.shape_cast %swap3A_87 : vector<1x16xf32> to vector<16xf32>
      %swap3A_89 = vector.shape_cast %broadcast_in_dim3A_0 : vector<16xf32> to vector<1x16xf32>
      tpu.vector_store %arg15[%swap3A_85, %swap3A_86], %swap3A_89 {strides = array<i32>} : memref<80x128xf32, #tpu.memory_space<vmem>>, vector<1x16xf32>,
      %swap3A_90 = arith.index_cast %scan3A_75 : i32 to index
      %swap3A_91 = arith.constant 16 : index
      %swap3A_92 = tpu.vector_load %arg17[%swap3A_90, %swap3A_91] {strides = array<i32>} : memref<80x128xf32, #tpu.memory_space<vmem>>, vector<1x16xf32>,
      %swap3A_93 = vector.shape_cast %swap3A_92 : vector<1x16xf32> to vector<16xf32>
      %swap3A_94 = vector.shape_cast %broadcast_in_dim3A_0 : vector<16xf32> to vector<1x16xf32>
      tpu.vector_store %arg17[%swap3A_90, %swap3A_91], %swap3A_94 {strides = array<i32>} : memref<80x128xf32, #tpu.memory_space<vmem>>, vector<1x16xf32>,
      %swap3A_95 = arith.index_cast %scan3A_75 : i32 to index
      %swap3A_96 = arith.constant 32 : index
      %swap3A_97 = tpu.vector_load %arg15[%swap3A_95, %swap3A_96] {strides = array<i32>} : memref<80x128xf32, #tpu.memory_space<vmem>>, vector<1x16xf32>,
      %swap3A_98 = vector.shape_cast %swap3A_97 : vector<1x16xf32> to vector<16xf32>
      %swap3A_99 = vector.shape_cast %broadcast_in_dim3A_0 : vector<16xf32> to vector<1x16xf32>
      tpu.vector_store %arg15[%swap3A_95, %swap3A_96], %swap3A_99 {strides = array<i32>} : memref<80x128xf32, #tpu.memory_space<vmem>>, vector<1x16xf32>,
      %swap3A_100 = arith.index_cast %scan3A_75 : i32 to index
      %swap3A_101 = arith.constant 32 : index
      %swap3A_102 = tpu.vector_load %arg17[%swap3A_100, %swap3A_101] {strides = array<i32>} : memref<80x128xf32, #tpu.memory_space<vmem>>, vector<1x16xf32>,
      %swap3A_103 = vector.shape_cast %swap3A_102 : vector<1x16xf32> to vector<16xf32>
      %swap3A_104 = vector.shape_cast %broadcast_in_dim3A_0 : vector<16xf32> to vector<1x16xf32>
      tpu.vector_store %arg17[%swap3A_100, %swap3A_101], %swap3A_104 {strides = array<i32>} : memref<80x128xf32, #tpu.memory_space<vmem>>, vector<1x16xf32>,
      %swap3A_105 = arith.index_cast %scan3A_75 : i32 to index
      %swap3A_106 = arith.constant 48 : index
      %swap3A_107 = tpu.vector_load %arg15[%swap3A_105, %swap3A_106] {strides = array<i32>} : memref<80x128xf32, #tpu.memory_space<vmem>>, vector<1x16xf32>,
      %swap3A_108 = vector.shape_cast %swap3A_107 : vector<1x16xf32> to vector<16xf32>
      %swap3A_109 = vector.shape_cast %broadcast_in_dim3A_0 : vector<16xf32> to vector<1x16xf32>
      tpu.vector_store %arg15[%swap3A_105, %swap3A_106], %swap3A_109 {strides = array<i32>} : memref<80x128xf32, #tpu.memory_space<vmem>>, vector<1x16xf32>,
      %swap3A_110 = arith.index_cast %scan3A_75 : i32 to index
      %swap3A_111 = arith.constant 48 : index
      %swap3A_112 = tpu.vector_load %arg17[%swap3A_110, %swap3A_111] {strides = array<i32>} : memref<80x128xf32, #tpu.memory_space<vmem>>, vector<1x16xf32>,
      %swap3A_113 = vector.shape_cast %swap3A_112 : vector<1x16xf32> to vector<16xf32>
      %swap3A_114 = vector.shape_cast %broadcast_in_dim3A_0 : vector<16xf32> to vector<1x16xf32>
      tpu.vector_store %arg17[%swap3A_110, %swap3A_111], %swap3A_114 {strides = array<i32>} : memref<80x128xf32, #tpu.memory_space<vmem>>, vector<1x16xf32>,
      %swap3A_115 = arith.index_cast %scan3A_75 : i32 to index
      %swap3A_116 = arith.constant 64 : index
      %swap3A_117 = tpu.vector_load %arg15[%swap3A_115, %swap3A_116] {strides = array<i32>} : memref<80x128xf32, #tpu.memory_space<vmem>>, vector<1x16xf32>,
      %swap3A_118 = vector.shape_cast %swap3A_117 : vector<1x16xf32> to vector<16xf32>
      %swap3A_119 = vector.shape_cast %broadcast_in_dim3A_0 : vector<16xf32> to vector<1x16xf32>
      tpu.vector_store %arg15[%swap3A_115, %swap3A_116], %swap3A_119 {strides = array<i32>} : memref<80x128xf32, #tpu.memory_space<vmem>>, vector<1x16xf32>,
      %swap3A_120 = arith.index_cast %scan3A_75 : i32 to index
      %swap3A_121 = arith.constant 64 : index
      %swap3A_122 = tpu.vector_load %arg17[%swap3A_120, %swap3A_121] {strides = array<i32>} : memref<80x128xf32, #tpu.memory_space<vmem>>, vector<1x16xf32>,
      %swap3A_123 = vector.shape_cast %swap3A_122 : vector<1x16xf32> to vector<16xf32>
      %swap3A_124 = vector.shape_cast %broadcast_in_dim3A_0 : vector<16xf32> to vector<1x16xf32>
      tpu.vector_store %arg17[%swap3A_120, %swap3A_121], %swap3A_124 {strides = array<i32>} : memref<80x128xf32, #tpu.memory_space<vmem>>, vector<1x16xf32>,
      %swap3A_125 = arith.index_cast %scan3A_75 : i32 to index
      %swap3A_126 = arith.constant 80 : index
      %swap3A_127 = tpu.vector_load %arg15[%swap3A_125, %swap3A_126] {strides = array<i32>} : memref<80x128xf32, #tpu.memory_space<vmem>>, vector<1x16xf32>,
      %swap3A_128 = vector.shape_cast %swap3A_127 : vector<1x16xf32> to vector<16xf32>
      %swap3A_129 = vector.shape_cast %broadcast_in_dim3A_0 : vector<16xf32> to vector<1x16xf32>
      tpu.vector_store %arg15[%swap3A_125, %swap3A_126], %swap3A_129 {strides = array<i32>} : memref<80x128xf32, #tpu.memory_space<vmem>>, vector<1x16xf32>,
      %swap3A_130 = arith.index_cast %scan3A_75 : i32 to index
      %swap3A_131 = arith.constant 80 : index
      %swap3A_132 = tpu.vector_load %arg17[%swap3A_130, %swap3A_131] {strides = array<i32>} : memref<80x128xf32, #tpu.memory_space<vmem>>, vector<1x16xf32>,
      %swap3A_133 = vector.shape_cast %swap3A_132 : vector<1x16xf32> to vector<16xf32>
      %swap3A_134 = vector.shape_cast %broadcast_in_dim3A_0 : vector<16xf32> to vector<1x16xf32>
      tpu.vector_store %arg17[%swap3A_130, %swap3A_131], %swap3A_134 {strides = array<i32>} : memref<80x128xf32, #tpu.memory_space<vmem>>, vector<1x16xf32>,
      %swap3A_135 = arith.index_cast %scan3A_75 : i32 to index
      %swap3A_136 = arith.constant 96 : index
      %swap3A_137 = tpu.vector_load %arg15[%swap3A_135, %swap3A_136] {strides = array<i32>} : memref<80x128xf32, #tpu.memory_space<vmem>>, vector<1x16xf32>,
      %swap3A_138 = vector.shape_cast %swap3A_137 : vector<1x16xf32> to vector<16xf32>
      %swap3A_139 = vector.shape_cast %broadcast_in_dim3A_0 : vector<16xf32> to vector<1x16xf32>
      tpu.vector_store %arg15[%swap3A_135, %swap3A_136], %swap3A_139 {strides = array<i32>} : memref<80x128xf32, #tpu.memory_space<vmem>>, vector<1x16xf32>,
      %swap3A_140 = arith.index_cast %scan3A_75 : i32 to index
      %swap3A_141 = arith.constant 96 : index
      %swap3A_142 = tpu.vector_load %arg17[%swap3A_140, %swap3A_141] {strides = array<i32>} : memref<80x128xf32, #tpu.memory_space<vmem>>, vector<1x16xf32>,
      %swap3A_143 = vector.shape_cast %swap3A_142 : vector<1x16xf32> to vector<16xf32>
      %swap3A_144 = vector.shape_cast %broadcast_in_dim3A_0 : vector<16xf32> to vector<1x16xf32>
      tpu.vector_store %arg17[%swap3A_140, %swap3A_141], %swap3A_144 {strides = array<i32>} : memref<80x128xf32, #tpu.memory_space<vmem>>, vector<1x16xf32>,
      %swap3A_145 = arith.index_cast %scan3A_75 : i32 to index
      %swap3A_146 = arith.constant 112 : index
      %swap3A_147 = tpu.vector_load %arg15[%swap3A_145, %swap3A_146] {strides = array<i32>} : memref<80x128xf32, #tpu.memory_space<vmem>>, vector<1x16xf32>,
      %swap3A_148 = vector.shape_cast %swap3A_147 : vector<1x16xf32> to vector<16xf32>
      %swap3A_149 = vector.shape_cast %broadcast_in_dim3A_0 : vector<16xf32> to vector<1x16xf32>
      tpu.vector_store %arg15[%swap3A_145, %swap3A_146], %swap3A_149 {strides = array<i32>} : memref<80x128xf32, #tpu.memory_space<vmem>>, vector<1x16xf32>,
      %swap3A_150 = arith.index_cast %scan3A_75 : i32 to index
      %swap3A_151 = arith.constant 112 : index
      %swap3A_152 = tpu.vector_load %arg17[%swap3A_150, %swap3A_151] {strides = array<i32>} : memref<80x128xf32, #tpu.memory_space<vmem>>, vector<1x16xf32>,
      %swap3A_153 = vector.shape_cast %swap3A_152 : vector<1x16xf32> to vector<16xf32>
      %swap3A_154 = vector.shape_cast %broadcast_in_dim3A_0 : vector<16xf32> to vector<1x16xf32>
      tpu.vector_store %arg17[%swap3A_150, %swap3A_151], %swap3A_154 {strides = array<i32>} : memref<80x128xf32, #tpu.memory_space<vmem>>, vector<1x16xf32>,
    }
    %scan3A_7 = arith.constant 80 : i32
    %eq3A = arith.constant 0 : i32
    %eq3A_8 = arith.cmpi eq, %arg1, %eq3A : i32
    %convert_element_type3A = arith.extui %eq3A_8 : i1 to i32
    %cond3A = arith.constant 0 : i32
    %cond3A_9 = arith.cmpi ne, %convert_element_type3A, %cond3A : i32
    scf.if %cond3A_9 {
      "tpu.region"() ({
        %run_scoped3A = tpu.sem_alloc : memref<!tpu.dma_semaphore, #tpu.memory_space<semaphore_mem>>
        %dma_start3A_75 = arith.constant 0 : i32
        %dma_start3A_76 = arith.constant 0 : i32
        %dma_start3A_77 = tpu.memref_slice %arg9[%dma_start3A_75, %dma_start3A_76] : memref<128x128xf32, #tpu.memory_space<vmem_shared>> -> memref<80x128xf32, #tpu.memory_space<vmem_shared>>
        %dma_start3A_78 = arith.constant 0 : i32
        %dma_start3A_79 = arith.constant 0 : i32
        %dma_start3A_80 = tpu.memref_slice %arg9[%dma_start3A_78, %dma_start3A_79] : memref<128x128xf32, #tpu.memory_space<vmem_shared>> -> memref<80x128xf32, #tpu.memory_space<vmem_shared>>
        tpu.enqueue_dma source(%arg15 : memref<80x128xf32, #tpu.memory_space<vmem>>) target(%dma_start3A_80 : memref<80x128xf32, #tpu.memory_space<vmem_shared>>) target_semaphore(%run_scoped3A : memref<!tpu.dma_semaphore, #tpu.memory_space<semaphore_mem>>)
        %dma_wait3A_81 = arith.constant 0 : i32
        %dma_wait3A_82 = arith.constant 0 : i32
        %dma_wait3A_83 = tpu.memref_slice %arg9[%dma_wait3A_81, %dma_wait3A_82] : memref<128x128xf32, #tpu.memory_space<vmem_shared>> -> memref<80x128xf32, #tpu.memory_space<vmem_shared>>
        %dma_wait3A_84 = arith.constant 0 : i32
        %dma_wait3A_85 = arith.constant 0 : i32
        %dma_wait3A_86 = tpu.memref_slice %arg9[%dma_wait3A_84, %dma_wait3A_85] : memref<128x128xf32, #tpu.memory_space<vmem_shared>> -> memref<80x128xf32, #tpu.memory_space<vmem_shared>>
        tpu.wait_dma2 semaphore(%run_scoped3A : memref<!tpu.dma_semaphore, #tpu.memory_space<semaphore_mem>>) src(%arg15 : memref<80x128xf32, #tpu.memory_space<vmem>>) dst(%dma_wait3A_86 : memref<80x128xf32, #tpu.memory_space<vmem_shared>>)
        tpu.yield
      }) : () -> ()
      "tpu.region"() ({
        %run_scoped3A = tpu.sem_alloc : memref<!tpu.dma_semaphore, #tpu.memory_space<semaphore_mem>>
        %dma_start3A_75 = arith.constant 0 : i32
        %dma_start3A_76 = arith.constant 0 : i32
        %dma_start3A_77 = tpu.memref_slice %arg15[%dma_start3A_75, %dma_start3A_76] : memref<80x128xf32, #tpu.memory_space<vmem>> -> memref<48x128xf32, #tpu.memory_space<vmem>>
        %dma_start3A_78 = arith.constant 80 : i32
        %dma_start3A_79 = arith.constant 0 : i32
        %dma_start3A_80 = tpu.memref_slice %arg9[%dma_start3A_78, %dma_start3A_79] : memref<128x128xf32, #tpu.memory_space<vmem_shared>> -> memref<48x128xf32, #tpu.memory_space<vmem_shared>>
        %dma_start3A_81 = arith.constant 80 : i32
        %dma_start3A_82 = arith.constant 0 : i32
        %dma_start3A_83 = tpu.memref_slice %arg9[%dma_start3A_81, %dma_start3A_82] : memref<128x128xf32, #tpu.memory_space<vmem_shared>> -> memref<48x128xf32, #tpu.memory_space<vmem_shared>>
        %dma_start3A_84 = arith.constant 0 : i32
        %dma_start3A_85 = arith.constant 0 : i32
        %dma_start3A_86 = tpu.memref_slice %arg15[%dma_start3A_84, %dma_start3A_85] : memref<80x128xf32, #tpu.memory_space<vmem>> -> memref<48x128xf32, #tpu.memory_space<vmem>>
        tpu.enqueue_dma source(%dma_start3A_86 : memref<48x128xf32, #tpu.memory_space<vmem>>) target(%dma_start3A_83 : memref<48x128xf32, #tpu.memory_space<vmem_shared>>) target_semaphore(%run_scoped3A : memref<!tpu.dma_semaphore, #tpu.memory_space<semaphore_mem>>)
        %dma_wait3A_87 = arith.constant 0 : i32
        %dma_wait3A_88 = arith.constant 0 : i32
        %dma_wait3A_89 = tpu.memref_slice %arg15[%dma_wait3A_87, %dma_wait3A_88] : memref<80x128xf32, #tpu.memory_space<vmem>> -> memref<48x128xf32, #tpu.memory_space<vmem>>
        %dma_wait3A_90 = arith.constant 80 : i32
        %dma_wait3A_91 = arith.constant 0 : i32
        %dma_wait3A_92 = tpu.memref_slice %arg9[%dma_wait3A_90, %dma_wait3A_91] : memref<128x128xf32, #tpu.memory_space<vmem_shared>> -> memref<48x128xf32, #tpu.memory_space<vmem_shared>>
        %dma_wait3A_93 = arith.constant 80 : i32
        %dma_wait3A_94 = arith.constant 0 : i32
        %dma_wait3A_95 = tpu.memref_slice %arg9[%dma_wait3A_93, %dma_wait3A_94] : memref<128x128xf32, #tpu.memory_space<vmem_shared>> -> memref<48x128xf32, #tpu.memory_space<vmem_shared>>
        %dma_wait3A_96 = arith.constant 0 : i32
        %dma_wait3A_97 = arith.constant 0 : i32
        %dma_wait3A_98 = tpu.memref_slice %arg15[%dma_wait3A_96, %dma_wait3A_97] : memref<80x128xf32, #tpu.memory_space<vmem>> -> memref<48x128xf32, #tpu.memory_space<vmem>>
        tpu.wait_dma2 semaphore(%run_scoped3A : memref<!tpu.dma_semaphore, #tpu.memory_space<semaphore_mem>>) src(%dma_wait3A_98 : memref<48x128xf32, #tpu.memory_space<vmem>>) dst(%dma_wait3A_95 : memref<48x128xf32, #tpu.memory_space<vmem_shared>>)
        tpu.yield
      }) : () -> ()
      "tpu.region"() ({
        %run_scoped3A = tpu.sem_alloc : memref<!tpu.dma_semaphore, #tpu.memory_space<semaphore_mem>>
        %dma_start3A_75 = arith.constant 0 : i32
        %dma_start3A_76 = arith.constant 0 : i32
        %dma_start3A_77 = tpu.memref_slice %arg10[%dma_start3A_75, %dma_start3A_76] : memref<128x128xf32, #tpu.memory_space<vmem_shared>> -> memref<80x128xf32, #tpu.memory_space<vmem_shared>>
        %dma_start3A_78 = arith.constant 0 : i32
        %dma_start3A_79 = arith.constant 0 : i32
        %dma_start3A_80 = tpu.memref_slice %arg10[%dma_start3A_78, %dma_start3A_79] : memref<128x128xf32, #tpu.memory_space<vmem_shared>> -> memref<80x128xf32, #tpu.memory_space<vmem_shared>>
        tpu.enqueue_dma source(%arg17 : memref<80x128xf32, #tpu.memory_space<vmem>>) target(%dma_start3A_80 : memref<80x128xf32, #tpu.memory_space<vmem_shared>>) target_semaphore(%run_scoped3A : memref<!tpu.dma_semaphore, #tpu.memory_space<semaphore_mem>>)
        %dma_wait3A_81 = arith.constant 0 : i32
        %dma_wait3A_82 = arith.constant 0 : i32
        %dma_wait3A_83 = tpu.memref_slice %arg10[%dma_wait3A_81, %dma_wait3A_82] : memref<128x128xf32, #tpu.memory_space<vmem_shared>> -> memref<80x128xf32, #tpu.memory_space<vmem_shared>>
        %dma_wait3A_84 = arith.constant 0 : i32
        %dma_wait3A_85 = arith.constant 0 : i32
        %dma_wait3A_86 = tpu.memref_slice %arg10[%dma_wait3A_84, %dma_wait3A_85] : memref<128x128xf32, #tpu.memory_space<vmem_shared>> -> memref<80x128xf32, #tpu.memory_space<vmem_shared>>
        tpu.wait_dma2 semaphore(%run_scoped3A : memref<!tpu.dma_semaphore, #tpu.memory_space<semaphore_mem>>) src(%arg17 : memref<80x128xf32, #tpu.memory_space<vmem>>) dst(%dma_wait3A_86 : memref<80x128xf32, #tpu.memory_space<vmem_shared>>)
        tpu.yield
      }) : () -> ()
      "tpu.region"() ({
        %run_scoped3A = tpu.sem_alloc : memref<!tpu.dma_semaphore, #tpu.memory_space<semaphore_mem>>
        %dma_start3A_75 = arith.constant 0 : i32
        %dma_start3A_76 = arith.constant 0 : i32
        %dma_start3A_77 = tpu.memref_slice %arg17[%dma_start3A_75, %dma_start3A_76] : memref<80x128xf32, #tpu.memory_space<vmem>> -> memref<48x128xf32, #tpu.memory_space<vmem>>
        %dma_start3A_78 = arith.constant 80 : i32
        %dma_start3A_79 = arith.constant 0 : i32
        %dma_start3A_80 = tpu.memref_slice %arg10[%dma_start3A_78, %dma_start3A_79] : memref<128x128xf32, #tpu.memory_space<vmem_shared>> -> memref<48x128xf32, #tpu.memory_space<vmem_shared>>
        %dma_start3A_81 = arith.constant 80 : i32
        %dma_start3A_82 = arith.constant 0 : i32
        %dma_start3A_83 = tpu.memref_slice %arg10[%dma_start3A_81, %dma_start3A_82] : memref<128x128xf32, #tpu.memory_space<vmem_shared>> -> memref<48x128xf32, #tpu.memory_space<vmem_shared>>
        %dma_start3A_84 = arith.constant 0 : i32
        %dma_start3A_85 = arith.constant 0 : i32
        %dma_start3A_86 = tpu.memref_slice %arg17[%dma_start3A_84, %dma_start3A_85] : memref<80x128xf32, #tpu.memory_space<vmem>> -> memref<48x128xf32, #tpu.memory_space<vmem>>
        tpu.enqueue_dma source(%dma_start3A_86 : memref<48x128xf32, #tpu.memory_space<vmem>>) target(%dma_start3A_83 : memref<48x128xf32, #tpu.memory_space<vmem_shared>>) target_semaphore(%run_scoped3A : memref<!tpu.dma_semaphore, #tpu.memory_space<semaphore_mem>>)
        %dma_wait3A_87 = arith.constant 0 : i32
        %dma_wait3A_88 = arith.constant 0 : i32
        %dma_wait3A_89 = tpu.memref_slice %arg17[%dma_wait3A_87, %dma_wait3A_88] : memref<80x128xf32, #tpu.memory_space<vmem>> -> memref<48x128xf32, #tpu.memory_space<vmem>>
        %dma_wait3A_90 = arith.constant 80 : i32
        %dma_wait3A_91 = arith.constant 0 : i32
        %dma_wait3A_92 = tpu.memref_slice %arg10[%dma_wait3A_90, %dma_wait3A_91] : memref<128x128xf32, #tpu.memory_space<vmem_shared>> -> memref<48x128xf32, #tpu.memory_space<vmem_shared>>
        %dma_wait3A_93 = arith.constant 80 : i32
        %dma_wait3A_94 = arith.constant 0 : i32
        %dma_wait3A_95 = tpu.memref_slice %arg10[%dma_wait3A_93, %dma_wait3A_94] : memref<128x128xf32, #tpu.memory_space<vmem_shared>> -> memref<48x128xf32, #tpu.memory_space<vmem_shared>>
        %dma_wait3A_96 = arith.constant 0 : i32
        %dma_wait3A_97 = arith.constant 0 : i32
        %dma_wait3A_98 = tpu.memref_slice %arg17[%dma_wait3A_96, %dma_wait3A_97] : memref<80x128xf32, #tpu.memory_space<vmem>> -> memref<48x128xf32, #tpu.memory_space<vmem>>
        tpu.wait_dma2 semaphore(%run_scoped3A : memref<!tpu.dma_semaphore, #tpu.memory_space<semaphore_mem>>) src(%dma_wait3A_98 : memref<48x128xf32, #tpu.memory_space<vmem>>) dst(%dma_wait3A_95 : memref<48x128xf32, #tpu.memory_space<vmem_shared>>)
        tpu.yield
      }) : () -> ()
    } else {
    }
    %scan3A_10 = arith.constant 0 : i32
    %scan3A_11 = arith.constant 0 : i32
    %scan3A_12 = arith.constant 80 : i32
    %scan3A_13 = arith.addi %scan3A_11, %scan3A_12 : i32
    %scan3A_14 = arith.constant 1 : i32
    scf.for %scan3A_75 = %scan3A_11 to %scan3A_13 step %scan3A_14  : i32 {
      %swap3A = arith.index_cast %scan3A_75 : i32 to index
      %swap3A_76 = arith.constant 0 : index
      %swap3A_77 = tpu.vector_load %arg17[%swap3A, %swap3A_76] {strides = array<i32>} : memref<80x128xf32, #tpu.memory_space<vmem>>, vector<1x16xf32>,
      %swap3A_78 = vector.shape_cast %swap3A_77 : vector<1x16xf32> to vector<16xf32>
      %swap3A_79 = vector.shape_cast %broadcast_in_dim3A_2 : vector<16xf32> to vector<1x16xf32>
      tpu.vector_store %arg17[%swap3A, %swap3A_76], %swap3A_79 {strides = array<i32>} : memref<80x128xf32, #tpu.memory_space<vmem>>, vector<1x16xf32>,
      %swap3A_80 = arith.index_cast %scan3A_75 : i32 to index
      %swap3A_81 = arith.constant 16 : index
      %swap3A_82 = tpu.vector_load %arg17[%swap3A_80, %swap3A_81] {strides = array<i32>} : memref<80x128xf32, #tpu.memory_space<vmem>>, vector<1x16xf32>,
      %swap3A_83 = vector.shape_cast %swap3A_82 : vector<1x16xf32> to vector<16xf32>
      %swap3A_84 = vector.shape_cast %broadcast_in_dim3A_2 : vector<16xf32> to vector<1x16xf32>
      tpu.vector_store %arg17[%swap3A_80, %swap3A_81], %swap3A_84 {strides = array<i32>} : memref<80x128xf32, #tpu.memory_space<vmem>>, vector<1x16xf32>,
      %swap3A_85 = arith.index_cast %scan3A_75 : i32 to index
      %swap3A_86 = arith.constant 32 : index
      %swap3A_87 = tpu.vector_load %arg17[%swap3A_85, %swap3A_86] {strides = array<i32>} : memref<80x128xf32, #tpu.memory_space<vmem>>, vector<1x16xf32>,
      %swap3A_88 = vector.shape_cast %swap3A_87 : vector<1x16xf32> to vector<16xf32>
      %swap3A_89 = vector.shape_cast %broadcast_in_dim3A_2 : vector<16xf32> to vector<1x16xf32>
      tpu.vector_store %arg17[%swap3A_85, %swap3A_86], %swap3A_89 {strides = array<i32>} : memref<80x128xf32, #tpu.memory_space<vmem>>, vector<1x16xf32>,
      %swap3A_90 = arith.index_cast %scan3A_75 : i32 to index
      %swap3A_91 = arith.constant 48 : index
      %swap3A_92 = tpu.vector_load %arg17[%swap3A_90, %swap3A_91] {strides = array<i32>} : memref<80x128xf32, #tpu.memory_space<vmem>>, vector<1x16xf32>,
      %swap3A_93 = vector.shape_cast %swap3A_92 : vector<1x16xf32> to vector<16xf32>
      %swap3A_94 = vector.shape_cast %broadcast_in_dim3A_2 : vector<16xf32> to vector<1x16xf32>
      tpu.vector_store %arg17[%swap3A_90, %swap3A_91], %swap3A_94 {strides = array<i32>} : memref<80x128xf32, #tpu.memory_space<vmem>>, vector<1x16xf32>,
      %swap3A_95 = arith.index_cast %scan3A_75 : i32 to index
      %swap3A_96 = arith.constant 64 : index
      %swap3A_97 = tpu.vector_load %arg17[%swap3A_95, %swap3A_96] {strides = array<i32>} : memref<80x128xf32, #tpu.memory_space<vmem>>, vector<1x16xf32>,
      %swap3A_98 = vector.shape_cast %swap3A_97 : vector<1x16xf32> to vector<16xf32>
      %swap3A_99 = vector.shape_cast %broadcast_in_dim3A_2 : vector<16xf32> to vector<1x16xf32>
      tpu.vector_store %arg17[%swap3A_95, %swap3A_96], %swap3A_99 {strides = array<i32>} : memref<80x128xf32, #tpu.memory_space<vmem>>, vector<1x16xf32>,
      %swap3A_100 = arith.index_cast %scan3A_75 : i32 to index
      %swap3A_101 = arith.constant 80 : index
      %swap3A_102 = tpu.vector_load %arg17[%swap3A_100, %swap3A_101] {strides = array<i32>} : memref<80x128xf32, #tpu.memory_space<vmem>>, vector<1x16xf32>,
      %swap3A_103 = vector.shape_cast %swap3A_102 : vector<1x16xf32> to vector<16xf32>
      %swap3A_104 = vector.shape_cast %broadcast_in_dim3A_2 : vector<16xf32> to vector<1x16xf32>
      tpu.vector_store %arg17[%swap3A_100, %swap3A_101], %swap3A_104 {strides = array<i32>} : memref<80x128xf32, #tpu.memory_space<vmem>>, vector<1x16xf32>,
      %swap3A_105 = arith.index_cast %scan3A_75 : i32 to index
      %swap3A_106 = arith.constant 96 : index
      %swap3A_107 = tpu.vector_load %arg17[%swap3A_105, %swap3A_106] {strides = array<i32>} : memref<80x128xf32, #tpu.memory_space<vmem>>, vector<1x16xf32>,
      %swap3A_108 = vector.shape_cast %swap3A_107 : vector<1x16xf32> to vector<16xf32>
      %swap3A_109 = vector.shape_cast %broadcast_in_dim3A_2 : vector<16xf32> to vector<1x16xf32>
      tpu.vector_store %arg17[%swap3A_105, %swap3A_106], %swap3A_109 {strides = array<i32>} : memref<80x128xf32, #tpu.memory_space<vmem>>, vector<1x16xf32>,
      %swap3A_110 = arith.index_cast %scan3A_75 : i32 to index
      %swap3A_111 = arith.constant 112 : index
      %swap3A_112 = tpu.vector_load %arg17[%swap3A_110, %swap3A_111] {strides = array<i32>} : memref<80x128xf32, #tpu.memory_space<vmem>>, vector<1x16xf32>,
      %swap3A_113 = vector.shape_cast %swap3A_112 : vector<1x16xf32> to vector<16xf32>
      %swap3A_114 = vector.shape_cast %broadcast_in_dim3A_2 : vector<16xf32> to vector<1x16xf32>
      tpu.vector_store %arg17[%swap3A_110, %swap3A_111], %swap3A_114 {strides = array<i32>} : memref<80x128xf32, #tpu.memory_space<vmem>>, vector<1x16xf32>,
    }
    %scan3A_15 = arith.constant 80 : i32
    %barrier3A = arith.constant 0 : index
    tpu.barrier barrier_id(%barrier3A)
    %mul3A = arith.constant 160000 : i32
    %mul3A_16 = arith.muli %arg0, %mul3A : i32
    %mul3A_17 = arith.constant 10000 : i32
    %mul3A_18 = arith.muli %arg1, %mul3A_17 : i32
    %add3A = arith.addi %mul3A_16, %mul3A_18 : i32
    %add3A_19 = arith.constant 0 : i32
    %add3A_20 = arith.addi %add3A, %add3A_19 : i32
    %dma_start3A = tpu.memref_slice %arg3[%add3A_20] : memref<320000xi32, #tpu.memory_space<hbm>> -> memref<80xi32, #tpu.memory_space<hbm>>
    %dma_start3A_21 = tpu.memref_slice %arg3[%add3A_20] : memref<320000xi32, #tpu.memory_space<hbm>> -> memref<80xi32, #tpu.memory_space<hbm>>
    tpu.enqueue_dma source(%dma_start3A_21 : memref<80xi32, #tpu.memory_space<hbm>>) target(%arg11 : memref<80xi32, #tpu.memory_space<vmem>>) target_semaphore(%arg18 : memref<!tpu.dma_semaphore, #tpu.memory_space<semaphore_mem>>)
    %dma_start3A_22 = arith.constant 0 : i32
    %dma_start3A_23 = tpu.memref_slice %arg2[%add3A_20, %dma_start3A_22] : memref<320000x128xf32, #tpu.memory_space<hbm>> -> memref<80x128xf32, #tpu.memory_space<hbm>>
    %dma_start3A_24 = arith.constant 0 : i32
    %dma_start3A_25 = tpu.memref_slice %arg2[%add3A_20, %dma_start3A_24] : memref<320000x128xf32, #tpu.memory_space<hbm>> -> memref<80x128xf32, #tpu.memory_space<hbm>>
    tpu.enqueue_dma source(%dma_start3A_25 : memref<80x128xf32, #tpu.memory_space<hbm>>) target(%arg15 : memref<80x128xf32, #tpu.memory_space<vmem>>) target_semaphore(%arg22 : memref<!tpu.dma_semaphore, #tpu.memory_space<semaphore_mem>>)
    %add3A_26 = arith.constant 80 : i32
    %add3A_27 = arith.addi %add3A, %add3A_26 : i32
    %dma_start3A_28 = tpu.memref_slice %arg3[%add3A_27] : memref<320000xi32, #tpu.memory_space<hbm>> -> memref<80xi32, #tpu.memory_space<hbm>>
    %dma_start3A_29 = tpu.memref_slice %arg3[%add3A_27] : memref<320000xi32, #tpu.memory_space<hbm>> -> memref<80xi32, #tpu.memory_space<hbm>>
    tpu.enqueue_dma source(%dma_start3A_29 : memref<80xi32, #tpu.memory_space<hbm>>) target(%arg12 : memref<80xi32, #tpu.memory_space<vmem>>) target_semaphore(%arg19 : memref<!tpu.dma_semaphore, #tpu.memory_space<semaphore_mem>>)
    %dma_start3A_30 = arith.constant 0 : i32
    %dma_start3A_31 = tpu.memref_slice %arg2[%add3A_27, %dma_start3A_30] : memref<320000x128xf32, #tpu.memory_space<hbm>> -> memref<80x128xf32, #tpu.memory_space<hbm>>
    %dma_start3A_32 = arith.constant 0 : i32
    %dma_start3A_33 = tpu.memref_slice %arg2[%add3A_27, %dma_start3A_32] : memref<320000x128xf32, #tpu.memory_space<hbm>> -> memref<80x128xf32, #tpu.memory_space<hbm>>
    tpu.enqueue_dma source(%dma_start3A_33 : memref<80x128xf32, #tpu.memory_space<hbm>>) target(%arg16 : memref<80x128xf32, #tpu.memory_space<vmem>>) target_semaphore(%arg23 : memref<!tpu.dma_semaphore, #tpu.memory_space<semaphore_mem>>)
    %dma_wait3A = arith.constant 0 : i32
    %dma_wait3A_34 = tpu.memref_slice %arg3[%dma_wait3A] : memref<320000xi32, #tpu.memory_space<hbm>> -> memref<80xi32, #tpu.memory_space<hbm>>
    %dma_wait3A_35 = arith.constant 0 : i32
    %dma_wait3A_36 = tpu.memref_slice %arg3[%dma_wait3A_35] : memref<320000xi32, #tpu.memory_space<hbm>> -> memref<80xi32, #tpu.memory_space<hbm>>
    tpu.wait_dma2 semaphore(%arg18 : memref<!tpu.dma_semaphore, #tpu.memory_space<semaphore_mem>>) src(%dma_wait3A_36 : memref<80xi32, #tpu.memory_space<hbm>>) dst(%arg11 : memref<80xi32, #tpu.memory_space<vmem>>)
    %dma_start3A_37 = arith.constant 0 : i32
    %dma_start3A_38 = tpu.memref_slice %arg4[%dma_start3A_37] : memref<10000xi32, #tpu.memory_space<hbm>> -> memref<10000xi32, #tpu.memory_space<hbm>>
    tpu.enqueue_indirect_dma source(%dma_start3A_38 : memref<10000xi32, #tpu.memory_space<hbm>>) target(%arg13 : memref<80xi32, #tpu.memory_space<vmem>>) offsets(%arg11 : memref<80xi32, #tpu.memory_space<vmem>>) semaphore(%arg20 : memref<!tpu.dma_semaphore, #tpu.memory_space<semaphore_mem>>)
    %scan3A_39 = arith.constant 0 : i32
    %scan3A_40 = arith.constant 0 : i32
    %scan3A_41 = arith.constant 63 : i32
    %scan3A_42 = arith.addi %scan3A_40, %scan3A_41 : i32
    %scan3A_43 = arith.constant 1 : i32
    scf.for %scan3A_75 = %scan3A_40 to %scan3A_42 step %scan3A_43  : i32 {
      %mul3A_76 = arith.constant 2 : i32
      %mul3A_77 = arith.muli %mul3A_76, %scan3A_75 : i32
      %add3A_78 = arith.constant 0 : i32
      %add3A_79 = arith.addi %mul3A_77, %add3A_78 : i32
      %lt3A = arith.constant 125 : i32
      %lt3A_80 = arith.cmpi slt, %add3A_79, %lt3A : i32
      %convert_element_type3A_81 = arith.extui %lt3A_80 : i1 to i32
      %cond3A_82 = arith.constant 0 : i32
      %cond3A_83 = arith.cmpi ne, %convert_element_type3A_81, %cond3A_82 : i32
      scf.if %cond3A_83 {
        %add3A_93 = arith.constant 1 : i32
        %add3A_94 = arith.addi %add3A_79, %add3A_93 : i32
        %lt3A_95 = arith.constant 125 : i32
        %lt3A_96 = arith.cmpi slt, %add3A_94, %lt3A_95 : i32
        %convert_element_type3A_97 = arith.extui %lt3A_96 : i1 to i32
        %cond3A_98 = arith.constant 0 : i32
        %cond3A_99 = arith.cmpi ne, %convert_element_type3A_97, %cond3A_98 : i32
        scf.if %cond3A_99 {
          %dma_wait3A_123 = arith.constant 0 : i32
          %dma_wait3A_124 = tpu.memref_slice %arg3[%dma_wait3A_123] : memref<320000xi32, #tpu.memory_space<hbm>> -> memref<80xi32, #tpu.memory_space<hbm>>
          %dma_wait3A_125 = arith.constant 0 : i32
          %dma_wait3A_126 = tpu.memref_slice %arg3[%dma_wait3A_125] : memref<320000xi32, #tpu.memory_space<hbm>> -> memref<80xi32, #tpu.memory_space<hbm>>
          tpu.wait_dma2 semaphore(%arg19 : memref<!tpu.dma_semaphore, #tpu.memory_space<semaphore_mem>>) src(%dma_wait3A_126 : memref<80xi32, #tpu.memory_space<hbm>>) dst(%arg12 : memref<80xi32, #tpu.memory_space<vmem>>)
          %dma_start3A_127 = arith.constant 0 : i32
          %dma_start3A_128 = tpu.memref_slice %arg4[%dma_start3A_127] : memref<10000xi32, #tpu.memory_space<hbm>> -> memref<10000xi32, #tpu.memory_space<hbm>>
          tpu.enqueue_indirect_dma source(%dma_start3A_128 : memref<10000xi32, #tpu.memory_space<hbm>>) target(%arg14 : memref<80xi32, #tpu.memory_space<vmem>>) offsets(%arg12 : memref<80xi32, #tpu.memory_space<vmem>>) semaphore(%arg21 : memref<!tpu.dma_semaphore, #tpu.memory_space<semaphore_mem>>)
        } else {
        }
        %dma_wait3A_100 = arith.constant 0 : i32
        %dma_wait3A_101 = arith.constant 0 : i32
        %dma_wait3A_102 = tpu.memref_slice %arg2[%dma_wait3A_100, %dma_wait3A_101] : memref<320000x128xf32, #tpu.memory_space<hbm>> -> memref<80x128xf32, #tpu.memory_space<hbm>>
        %dma_wait3A_103 = arith.constant 0 : i32
        %dma_wait3A_104 = arith.constant 0 : i32
        %dma_wait3A_105 = tpu.memref_slice %arg2[%dma_wait3A_103, %dma_wait3A_104] : memref<320000x128xf32, #tpu.memory_space<hbm>> -> memref<80x128xf32, #tpu.memory_space<hbm>>
        tpu.wait_dma2 semaphore(%arg22 : memref<!tpu.dma_semaphore, #tpu.memory_space<semaphore_mem>>) src(%dma_wait3A_105 : memref<80x128xf32, #tpu.memory_space<hbm>>) dst(%arg15 : memref<80x128xf32, #tpu.memory_space<vmem>>)
        %dma_wait3A_106 = arith.constant 0 : i32
        %dma_wait3A_107 = tpu.memref_slice %arg3[%dma_wait3A_106] : memref<320000xi32, #tpu.memory_space<hbm>> -> memref<80xi32, #tpu.memory_space<hbm>>
        %dma_wait3A_108 = arith.constant 0 : i32
        %dma_wait3A_109 = tpu.memref_slice %arg3[%dma_wait3A_108] : memref<320000xi32, #tpu.memory_space<hbm>> -> memref<80xi32, #tpu.memory_space<hbm>>
        tpu.wait_dma2 semaphore(%arg20 : memref<!tpu.dma_semaphore, #tpu.memory_space<semaphore_mem>>) src(%dma_wait3A_109 : memref<80xi32, #tpu.memory_space<hbm>>) dst(%arg13 : memref<80xi32, #tpu.memory_space<vmem>>)
        %dma_start3A_110 = arith.constant 0 : i32
        %dma_start3A_111 = arith.constant 0 : i32
        %dma_start3A_112 = tpu.memref_slice %arg9[%dma_start3A_110, %dma_start3A_111] : memref<128x128xf32, #tpu.memory_space<vmem_shared>> -> memref<128x128xf32, #tpu.memory_space<vmem_shared>>
        tpu.enqueue_indirect_dma source(%arg15 : memref<80x128xf32, #tpu.memory_space<vmem>>) target(%dma_start3A_112 : memref<128x128xf32, #tpu.memory_space<vmem_shared>>) offsets(%arg13 : memref<80xi32, #tpu.memory_space<vmem>>) semaphore(%arg24 : memref<!tpu.dma_semaphore, #tpu.memory_space<semaphore_mem>>) {add = true}
        %dma_start3A_113 = arith.constant 0 : i32
        %dma_start3A_114 = arith.constant 0 : i32
        %dma_start3A_115 = tpu.memref_slice %arg10[%dma_start3A_113, %dma_start3A_114] : memref<128x128xf32, #tpu.memory_space<vmem_shared>> -> memref<128x128xf32, #tpu.memory_space<vmem_shared>>
        tpu.enqueue_indirect_dma source(%arg17 : memref<80x128xf32, #tpu.memory_space<vmem>>) target(%dma_start3A_115 : memref<128x128xf32, #tpu.memory_space<vmem_shared>>) offsets(%arg13 : memref<80xi32, #tpu.memory_space<vmem>>) semaphore(%arg26 : memref<!tpu.dma_semaphore, #tpu.memory_space<semaphore_mem>>) {add = true}
        %add3A_116 = arith.constant 2 : i32
        %add3A_117 = arith.addi %add3A_79, %add3A_116 : i32
        %lt3A_118 = arith.constant 125 : i32
        %lt3A_119 = arith.cmpi slt, %add3A_117, %lt3A_118 : i32
        %convert_element_type3A_120 = arith.extui %lt3A_119 : i1 to i32
        %cond3A_121 = arith.constant 0 : i32
        %cond3A_122 = arith.cmpi ne, %convert_element_type3A_120, %cond3A_121 : i32
        scf.if %cond3A_122 {
          %dma_wait3A_123 = arith.constant 0 : i32
          %dma_wait3A_124 = arith.constant 0 : i32
          %dma_wait3A_125 = tpu.memref_slice %arg9[%dma_wait3A_123, %dma_wait3A_124] : memref<128x128xf32, #tpu.memory_space<vmem_shared>> -> memref<80x128xf32, #tpu.memory_space<vmem_shared>>
          %dma_wait3A_126 = arith.constant 0 : i32
          %dma_wait3A_127 = arith.constant 0 : i32
          %dma_wait3A_128 = tpu.memref_slice %arg9[%dma_wait3A_126, %dma_wait3A_127] : memref<128x128xf32, #tpu.memory_space<vmem_shared>> -> memref<80x128xf32, #tpu.memory_space<vmem_shared>>
          tpu.wait_dma2 semaphore(%arg24 : memref<!tpu.dma_semaphore, #tpu.memory_space<semaphore_mem>>) src(%arg15 : memref<80x128xf32, #tpu.memory_space<vmem>>) dst(%dma_wait3A_128 : memref<80x128xf32, #tpu.memory_space<vmem_shared>>)
          %dma_wait3A_129 = arith.constant 0 : i32
          %dma_wait3A_130 = arith.constant 0 : i32
          %dma_wait3A_131 = tpu.memref_slice %arg10[%dma_wait3A_129, %dma_wait3A_130] : memref<128x128xf32, #tpu.memory_space<vmem_shared>> -> memref<80x128xf32, #tpu.memory_space<vmem_shared>>
          %dma_wait3A_132 = arith.constant 0 : i32
          %dma_wait3A_133 = arith.constant 0 : i32
          %dma_wait3A_134 = tpu.memref_slice %arg10[%dma_wait3A_132, %dma_wait3A_133] : memref<128x128xf32, #tpu.memory_space<vmem_shared>> -> memref<80x128xf32, #tpu.memory_space<vmem_shared>>
          tpu.wait_dma2 semaphore(%arg26 : memref<!tpu.dma_semaphore, #tpu.memory_space<semaphore_mem>>) src(%arg17 : memref<80x128xf32, #tpu.memory_space<vmem>>) dst(%dma_wait3A_134 : memref<80x128xf32, #tpu.memory_space<vmem_shared>>)
          %add3A_135 = arith.constant 2 : i32
          %add3A_136 = arith.addi %add3A_79, %add3A_135 : i32
          %mul3A_137 = arith.constant 80 : i32
          %mul3A_138 = arith.muli %add3A_136, %mul3A_137 : i32
          %add3A_139 = arith.addi %add3A, %mul3A_138 : i32
          %dma_start3A_140 = tpu.memref_slice %arg3[%add3A_139] : memref<320000xi32, #tpu.memory_space<hbm>> -> memref<80xi32, #tpu.memory_space<hbm>>
          %dma_start3A_141 = tpu.memref_slice %arg3[%add3A_139] : memref<320000xi32, #tpu.memory_space<hbm>> -> memref<80xi32, #tpu.memory_space<hbm>>
          tpu.enqueue_dma source(%dma_start3A_141 : memref<80xi32, #tpu.memory_space<hbm>>) target(%arg11 : memref<80xi32, #tpu.memory_space<vmem>>) target_semaphore(%arg18 : memref<!tpu.dma_semaphore, #tpu.memory_space<semaphore_mem>>)
          %dma_start3A_142 = arith.constant 0 : i32
          %dma_start3A_143 = tpu.memref_slice %arg2[%add3A_139, %dma_start3A_142] : memref<320000x128xf32, #tpu.memory_space<hbm>> -> memref<80x128xf32, #tpu.memory_space<hbm>>
          %dma_start3A_144 = arith.constant 0 : i32
          %dma_start3A_145 = tpu.memref_slice %arg2[%add3A_139, %dma_start3A_144] : memref<320000x128xf32, #tpu.memory_space<hbm>> -> memref<80x128xf32, #tpu.memory_space<hbm>>
          tpu.enqueue_dma source(%dma_start3A_145 : memref<80x128xf32, #tpu.memory_space<hbm>>) target(%arg15 : memref<80x128xf32, #tpu.memory_space<vmem>>) target_semaphore(%arg22 : memref<!tpu.dma_semaphore, #tpu.memory_space<semaphore_mem>>)
        } else {
        }
      } else {
      }
      %mul3A_84 = arith.constant 2 : i32
      %mul3A_85 = arith.muli %mul3A_84, %scan3A_75 : i32
      %add3A_86 = arith.constant 1 : i32
      %add3A_87 = arith.addi %mul3A_85, %add3A_86 : i32
      %lt3A_88 = arith.constant 125 : i32
      %lt3A_89 = arith.cmpi slt, %add3A_87, %lt3A_88 : i32
      %convert_element_type3A_90 = arith.extui %lt3A_89 : i1 to i32
      %cond3A_91 = arith.constant 0 : i32
      %cond3A_92 = arith.cmpi ne, %convert_element_type3A_90, %cond3A_91 : i32
      scf.if %cond3A_92 {
        %add3A_93 = arith.constant 1 : i32
        %add3A_94 = arith.addi %add3A_87, %add3A_93 : i32
        %lt3A_95 = arith.constant 125 : i32
        %lt3A_96 = arith.cmpi slt, %add3A_94, %lt3A_95 : i32
        %convert_element_type3A_97 = arith.extui %lt3A_96 : i1 to i32
        %cond3A_98 = arith.constant 0 : i32
        %cond3A_99 = arith.cmpi ne, %convert_element_type3A_97, %cond3A_98 : i32
        scf.if %cond3A_99 {
          %dma_wait3A_123 = arith.constant 0 : i32
          %dma_wait3A_124 = tpu.memref_slice %arg3[%dma_wait3A_123] : memref<320000xi32, #tpu.memory_space<hbm>> -> memref<80xi32, #tpu.memory_space<hbm>>
          %dma_wait3A_125 = arith.constant 0 : i32
          %dma_wait3A_126 = tpu.memref_slice %arg3[%dma_wait3A_125] : memref<320000xi32, #tpu.memory_space<hbm>> -> memref<80xi32, #tpu.memory_space<hbm>>
          tpu.wait_dma2 semaphore(%arg18 : memref<!tpu.dma_semaphore, #tpu.memory_space<semaphore_mem>>) src(%dma_wait3A_126 : memref<80xi32, #tpu.memory_space<hbm>>) dst(%arg11 : memref<80xi32, #tpu.memory_space<vmem>>)
          %dma_start3A_127 = arith.constant 0 : i32
          %dma_start3A_128 = tpu.memref_slice %arg4[%dma_start3A_127] : memref<10000xi32, #tpu.memory_space<hbm>> -> memref<10000xi32, #tpu.memory_space<hbm>>
          tpu.enqueue_indirect_dma source(%dma_start3A_128 : memref<10000xi32, #tpu.memory_space<hbm>>) target(%arg13 : memref<80xi32, #tpu.memory_space<vmem>>) offsets(%arg11 : memref<80xi32, #tpu.memory_space<vmem>>) semaphore(%arg20 : memref<!tpu.dma_semaphore, #tpu.memory_space<semaphore_mem>>)
        } else {
        }
        %dma_wait3A_100 = arith.constant 0 : i32
        %dma_wait3A_101 = arith.constant 0 : i32
        %dma_wait3A_102 = tpu.memref_slice %arg2[%dma_wait3A_100, %dma_wait3A_101] : memref<320000x128xf32, #tpu.memory_space<hbm>> -> memref<80x128xf32, #tpu.memory_space<hbm>>
        %dma_wait3A_103 = arith.constant 0 : i32
        %dma_wait3A_104 = arith.constant 0 : i32
        %dma_wait3A_105 = tpu.memref_slice %arg2[%dma_wait3A_103, %dma_wait3A_104] : memref<320000x128xf32, #tpu.memory_space<hbm>> -> memref<80x128xf32, #tpu.memory_space<hbm>>
        tpu.wait_dma2 semaphore(%arg23 : memref<!tpu.dma_semaphore, #tpu.memory_space<semaphore_mem>>) src(%dma_wait3A_105 : memref<80x128xf32, #tpu.memory_space<hbm>>) dst(%arg16 : memref<80x128xf32, #tpu.memory_space<vmem>>)
        %dma_wait3A_106 = arith.constant 0 : i32
        %dma_wait3A_107 = tpu.memref_slice %arg3[%dma_wait3A_106] : memref<320000xi32, #tpu.memory_space<hbm>> -> memref<80xi32, #tpu.memory_space<hbm>>
        %dma_wait3A_108 = arith.constant 0 : i32
        %dma_wait3A_109 = tpu.memref_slice %arg3[%dma_wait3A_108] : memref<320000xi32, #tpu.memory_space<hbm>> -> memref<80xi32, #tpu.memory_space<hbm>>
        tpu.wait_dma2 semaphore(%arg21 : memref<!tpu.dma_semaphore, #tpu.memory_space<semaphore_mem>>) src(%dma_wait3A_109 : memref<80xi32, #tpu.memory_space<hbm>>) dst(%arg14 : memref<80xi32, #tpu.memory_space<vmem>>)
        %dma_start3A_110 = arith.constant 0 : i32
        %dma_start3A_111 = arith.constant 0 : i32
        %dma_start3A_112 = tpu.memref_slice %arg9[%dma_start3A_110, %dma_start3A_111] : memref<128x128xf32, #tpu.memory_space<vmem_shared>> -> memref<128x128xf32, #tpu.memory_space<vmem_shared>>
        tpu.enqueue_indirect_dma source(%arg16 : memref<80x128xf32, #tpu.memory_space<vmem>>) target(%dma_start3A_112 : memref<128x128xf32, #tpu.memory_space<vmem_shared>>) offsets(%arg14 : memref<80xi32, #tpu.memory_space<vmem>>) semaphore(%arg25 : memref<!tpu.dma_semaphore, #tpu.memory_space<semaphore_mem>>) {add = true}
        %dma_start3A_113 = arith.constant 0 : i32
        %dma_start3A_114 = arith.constant 0 : i32
        %dma_start3A_115 = tpu.memref_slice %arg10[%dma_start3A_113, %dma_start3A_114] : memref<128x128xf32, #tpu.memory_space<vmem_shared>> -> memref<128x128xf32, #tpu.memory_space<vmem_shared>>
        tpu.enqueue_indirect_dma source(%arg17 : memref<80x128xf32, #tpu.memory_space<vmem>>) target(%dma_start3A_115 : memref<128x128xf32, #tpu.memory_space<vmem_shared>>) offsets(%arg14 : memref<80xi32, #tpu.memory_space<vmem>>) semaphore(%arg27 : memref<!tpu.dma_semaphore, #tpu.memory_space<semaphore_mem>>) {add = true}
        %add3A_116 = arith.constant 2 : i32
        %add3A_117 = arith.addi %add3A_87, %add3A_116 : i32
        %lt3A_118 = arith.constant 125 : i32
        %lt3A_119 = arith.cmpi slt, %add3A_117, %lt3A_118 : i32
        %convert_element_type3A_120 = arith.extui %lt3A_119 : i1 to i32
        %cond3A_121 = arith.constant 0 : i32
        %cond3A_122 = arith.cmpi ne, %convert_element_type3A_120, %cond3A_121 : i32
        scf.if %cond3A_122 {
          %dma_wait3A_123 = arith.constant 0 : i32
          %dma_wait3A_124 = arith.constant 0 : i32
          %dma_wait3A_125 = tpu.memref_slice %arg9[%dma_wait3A_123, %dma_wait3A_124] : memref<128x128xf32, #tpu.memory_space<vmem_shared>> -> memref<80x128xf32, #tpu.memory_space<vmem_shared>>
          %dma_wait3A_126 = arith.constant 0 : i32
          %dma_wait3A_127 = arith.constant 0 : i32
          %dma_wait3A_128 = tpu.memref_slice %arg9[%dma_wait3A_126, %dma_wait3A_127] : memref<128x128xf32, #tpu.memory_space<vmem_shared>> -> memref<80x128xf32, #tpu.memory_space<vmem_shared>>
          tpu.wait_dma2 semaphore(%arg25 : memref<!tpu.dma_semaphore, #tpu.memory_space<semaphore_mem>>) src(%arg16 : memref<80x128xf32, #tpu.memory_space<vmem>>) dst(%dma_wait3A_128 : memref<80x128xf32, #tpu.memory_space<vmem_shared>>)
          %dma_wait3A_129 = arith.constant 0 : i32
          %dma_wait3A_130 = arith.constant 0 : i32
          %dma_wait3A_131 = tpu.memref_slice %arg10[%dma_wait3A_129, %dma_wait3A_130] : memref<128x128xf32, #tpu.memory_space<vmem_shared>> -> memref<80x128xf32, #tpu.memory_space<vmem_shared>>
          %dma_wait3A_132 = arith.constant 0 : i32
          %dma_wait3A_133 = arith.constant 0 : i32
          %dma_wait3A_134 = tpu.memref_slice %arg10[%dma_wait3A_132, %dma_wait3A_133] : memref<128x128xf32, #tpu.memory_space<vmem_shared>> -> memref<80x128xf32, #tpu.memory_space<vmem_shared>>
          tpu.wait_dma2 semaphore(%arg27 : memref<!tpu.dma_semaphore, #tpu.memory_space<semaphore_mem>>) src(%arg17 : memref<80x128xf32, #tpu.memory_space<vmem>>) dst(%dma_wait3A_134 : memref<80x128xf32, #tpu.memory_space<vmem_shared>>)
          %add3A_135 = arith.constant 2 : i32
          %add3A_136 = arith.addi %add3A_87, %add3A_135 : i32
          %mul3A_137 = arith.constant 80 : i32
          %mul3A_138 = arith.muli %add3A_136, %mul3A_137 : i32
          %add3A_139 = arith.addi %add3A, %mul3A_138 : i32
          %dma_start3A_140 = tpu.memref_slice %arg3[%add3A_139] : memref<320000xi32, #tpu.memory_space<hbm>> -> memref<80xi32, #tpu.memory_space<hbm>>
          %dma_start3A_141 = tpu.memref_slice %arg3[%add3A_139] : memref<320000xi32, #tpu.memory_space<hbm>> -> memref<80xi32, #tpu.memory_space<hbm>>
          tpu.enqueue_dma source(%dma_start3A_141 : memref<80xi32, #tpu.memory_space<hbm>>) target(%arg12 : memref<80xi32, #tpu.memory_space<vmem>>) target_semaphore(%arg19 : memref<!tpu.dma_semaphore, #tpu.memory_space<semaphore_mem>>)
          %dma_start3A_142 = arith.constant 0 : i32
          %dma_start3A_143 = tpu.memref_slice %arg2[%add3A_139, %dma_start3A_142] : memref<320000x128xf32, #tpu.memory_space<hbm>> -> memref<80x128xf32, #tpu.memory_space<hbm>>
          %dma_start3A_144 = arith.constant 0 : i32
          %dma_start3A_145 = tpu.memref_slice %arg2[%add3A_139, %dma_start3A_144] : memref<320000x128xf32, #tpu.memory_space<hbm>> -> memref<80x128xf32, #tpu.memory_space<hbm>>
          tpu.enqueue_dma source(%dma_start3A_145 : memref<80x128xf32, #tpu.memory_space<hbm>>) target(%arg16 : memref<80x128xf32, #tpu.memory_space<vmem>>) target_semaphore(%arg23 : memref<!tpu.dma_semaphore, #tpu.memory_space<semaphore_mem>>)
        } else {
        }
      } else {
      }
    }
    %scan3A_44 = arith.constant 63 : i32
    %dma_wait3A_45 = arith.constant 0 : i32
    %dma_wait3A_46 = arith.constant 0 : i32
    %dma_wait3A_47 = tpu.memref_slice %arg9[%dma_wait3A_45, %dma_wait3A_46] : memref<128x128xf32, #tpu.memory_space<vmem_shared>> -> memref<80x128xf32, #tpu.memory_space<vmem_shared>>
    %dma_wait3A_48 = arith.constant 0 : i32
    %dma_wait3A_49 = arith.constant 0 : i32
    %dma_wait3A_50 = tpu.memref_slice %arg9[%dma_wait3A_48, %dma_wait3A_49] : memref<128x128xf32, #tpu.memory_space<vmem_shared>> -> memref<80x128xf32, #tpu.memory_space<vmem_shared>>
    tpu.wait_dma2 semaphore(%arg24 : memref<!tpu.dma_semaphore, #tpu.memory_space<semaphore_mem>>) src(%arg15 : memref<80x128xf32, #tpu.memory_space<vmem>>) dst(%dma_wait3A_50 : memref<80x128xf32, #tpu.memory_space<vmem_shared>>)
    %dma_wait3A_51 = arith.constant 0 : i32
    %dma_wait3A_52 = arith.constant 0 : i32
    %dma_wait3A_53 = tpu.memref_slice %arg10[%dma_wait3A_51, %dma_wait3A_52] : memref<128x128xf32, #tpu.memory_space<vmem_shared>> -> memref<80x128xf32, #tpu.memory_space<vmem_shared>>
    %dma_wait3A_54 = arith.constant 0 : i32
    %dma_wait3A_55 = arith.constant 0 : i32
    %dma_wait3A_56 = tpu.memref_slice %arg10[%dma_wait3A_54, %dma_wait3A_55] : memref<128x128xf32, #tpu.memory_space<vmem_shared>> -> memref<80x128xf32, #tpu.memory_space<vmem_shared>>
    tpu.wait_dma2 semaphore(%arg26 : memref<!tpu.dma_semaphore, #tpu.memory_space<semaphore_mem>>) src(%arg17 : memref<80x128xf32, #tpu.memory_space<vmem>>) dst(%dma_wait3A_56 : memref<80x128xf32, #tpu.memory_space<vmem_shared>>)
    %dma_wait3A_57 = arith.constant 0 : i32
    %dma_wait3A_58 = arith.constant 0 : i32
    %dma_wait3A_59 = tpu.memref_slice %arg9[%dma_wait3A_57, %dma_wait3A_58] : memref<128x128xf32, #tpu.memory_space<vmem_shared>> -> memref<80x128xf32, #tpu.memory_space<vmem_shared>>
    %dma_wait3A_60 = arith.constant 0 : i32
    %dma_wait3A_61 = arith.constant 0 : i32
    %dma_wait3A_62 = tpu.memref_slice %arg9[%dma_wait3A_60, %dma_wait3A_61] : memref<128x128xf32, #tpu.memory_space<vmem_shared>> -> memref<80x128xf32, #tpu.memory_space<vmem_shared>>
    tpu.wait_dma2 semaphore(%arg25 : memref<!tpu.dma_semaphore, #tpu.memory_space<semaphore_mem>>) src(%arg16 : memref<80x128xf32, #tpu.memory_space<vmem>>) dst(%dma_wait3A_62 : memref<80x128xf32, #tpu.memory_space<vmem_shared>>)
    %dma_wait3A_63 = arith.constant 0 : i32
    %dma_wait3A_64 = arith.constant 0 : i32
    %dma_wait3A_65 = tpu.memref_slice %arg10[%dma_wait3A_63, %dma_wait3A_64] : memref<128x128xf32, #tpu.memory_space<vmem_shared>> -> memref<80x128xf32, #tpu.memory_space<vmem_shared>>
    %dma_wait3A_66 = arith.constant 0 : i32
    %dma_wait3A_67 = arith.constant 0 : i32
    %dma_wait3A_68 = tpu.memref_slice %arg10[%dma_wait3A_66, %dma_wait3A_67] : memref<128x128xf32, #tpu.memory_space<vmem_shared>> -> memref<80x128xf32, #tpu.memory_space<vmem_shared>>
    tpu.wait_dma2 semaphore(%arg27 : memref<!tpu.dma_semaphore, #tpu.memory_space<semaphore_mem>>) src(%arg17 : memref<80x128xf32, #tpu.memory_space<vmem>>) dst(%dma_wait3A_68 : memref<80x128xf32, #tpu.memory_space<vmem_shared>>)
    %barrier3A_69 = arith.constant 0 : index
    tpu.barrier barrier_id(%barrier3A_69)
    %eq3A_70 = arith.constant 0 : i32
    %eq3A_71 = arith.cmpi eq, %arg1, %eq3A_70 : i32
    %convert_element_type3A_72 = arith.extui %eq3A_71 : i1 to i32
    %cond3A_73 = arith.constant 0 : i32
    %cond3A_74 = arith.cmpi ne, %convert_element_type3A_72, %cond3A_73 : i32
    scf.if %cond3A_74 {
      %eq3A_75 = arith.constant 0 : i32
      %eq3A_76 = arith.cmpi eq, %arg0, %eq3A_75 : i32
      %convert_element_type3A_77 = arith.extui %eq3A_76 : i1 to i32
      %cond3A_78 = arith.constant 0 : i32
      %cond3A_79 = arith.cmpi ne, %convert_element_type3A_77, %cond3A_78 : i32
      scf.if %cond3A_79 {
        "tpu.region"() ({
          %run_scoped3A = tpu.sem_alloc : memref<!tpu.dma_semaphore, #tpu.memory_space<semaphore_mem>>
          tpu.enqueue_dma source(%arg9 : memref<128x128xf32, #tpu.memory_space<vmem_shared>>) target(%arg5 : memref<128x128xf32, #tpu.memory_space<hbm>>) target_semaphore(%run_scoped3A : memref<!tpu.dma_semaphore, #tpu.memory_space<semaphore_mem>>)
          tpu.wait_dma2 semaphore(%run_scoped3A : memref<!tpu.dma_semaphore, #tpu.memory_space<semaphore_mem>>) src(%arg9 : memref<128x128xf32, #tpu.memory_space<vmem_shared>>) dst(%arg5 : memref<128x128xf32, #tpu.memory_space<hbm>>)
          tpu.yield
        }) : () -> ()
        "tpu.region"() ({
          %run_scoped3A = tpu.sem_alloc : memref<!tpu.dma_semaphore, #tpu.memory_space<semaphore_mem>>
          tpu.enqueue_dma source(%arg10 : memref<128x128xf32, #tpu.memory_space<vmem_shared>>) target(%arg7 : memref<128x128xf32, #tpu.memory_space<hbm>>) target_semaphore(%run_scoped3A : memref<!tpu.dma_semaphore, #tpu.memory_space<semaphore_mem>>)
          tpu.wait_dma2 semaphore(%run_scoped3A : memref<!tpu.dma_semaphore, #tpu.memory_space<semaphore_mem>>) src(%arg10 : memref<128x128xf32, #tpu.memory_space<vmem_shared>>) dst(%arg7 : memref<128x128xf32, #tpu.memory_space<hbm>>)
          tpu.yield
        }) : () -> ()
      } else {
      }
      %eq3A_80 = arith.constant 1 : i32
      %eq3A_81 = arith.cmpi eq, %arg0, %eq3A_80 : i32
      %convert_element_type3A_82 = arith.extui %eq3A_81 : i1 to i32
      %cond3A_83 = arith.constant 0 : i32
      %cond3A_84 = arith.cmpi ne, %convert_element_type3A_82, %cond3A_83 : i32
      scf.if %cond3A_84 {
        "tpu.region"() ({
          %run_scoped3A = tpu.sem_alloc : memref<!tpu.dma_semaphore, #tpu.memory_space<semaphore_mem>>
          tpu.enqueue_dma source(%arg9 : memref<128x128xf32, #tpu.memory_space<vmem_shared>>) target(%arg6 : memref<128x128xf32, #tpu.memory_space<hbm>>) target_semaphore(%run_scoped3A : memref<!tpu.dma_semaphore, #tpu.memory_space<semaphore_mem>>)
          tpu.wait_dma2 semaphore(%run_scoped3A : memref<!tpu.dma_semaphore, #tpu.memory_space<semaphore_mem>>) src(%arg9 : memref<128x128xf32, #tpu.memory_space<vmem_shared>>) dst(%arg6 : memref<128x128xf32, #tpu.memory_space<hbm>>)
          tpu.yield
        }) : () -> ()
        "tpu.region"() ({
          %run_scoped3A = tpu.sem_alloc : memref<!tpu.dma_semaphore, #tpu.memory_space<semaphore_mem>>
          tpu.enqueue_dma source(%arg10 : memref<128x128xf32, #tpu.memory_space<vmem_shared>>) target(%arg8 : memref<128x128xf32, #tpu.memory_space<hbm>>) target_semaphore(%run_scoped3A : memref<!tpu.dma_semaphore, #tpu.memory_space<semaphore_mem>>)
          tpu.wait_dma2 semaphore(%run_scoped3A : memref<!tpu.dma_semaphore, #tpu.memory_space<semaphore_mem>>) src(%arg10 : memref<128x128xf32, #tpu.memory_space<vmem_shared>>) dst(%arg8 : memref<128x128xf32, #tpu.memory_space<hbm>>)
          tpu.yield
        }) : () -> ()
      } else {
      }
    } else {
    }
    return
  }
}

#map = affine_map<(d0, d1) -> (0, 0)>
#map1 = affine_map<(d0, d1) -> (0)>
#map2 = affine_map<(d0, d1) -> (0, 0, 0)>
module attributes {stable_mosaic.version = 14 : i64} {
  func.func @_sc_gather_body(%arg0: i32, %arg1: i32, %arg2: memref<320000x128xf32, #tpu.memory_space<hbm>>, %arg3: memref<320000xi32, #tpu.memory_space<hbm>>, %arg4: memref<320000xi32, #tpu.memory_space<hbm>>, %arg5: memref<10000x128xf32, #tpu.memory_space<hbm>>, %arg6: memref<10000x128xf32, #tpu.memory_space<hbm>>, %arg7: memref<320000x128xf32, #tpu.memory_space<hbm>>, %arg8: memref<32x2x128xf32, #tpu.memory_space<hbm>>, %arg9: memref<80xi32, #tpu.memory_space<vmem>>, %arg10: memref<80xi32, #tpu.memory_space<vmem>>, %arg11: memref<80xi32, #tpu.memory_space<vmem>>, %arg12: memref<80xi32, #tpu.memory_space<vmem>>, %arg13: memref<80x128xf32, #tpu.memory_space<vmem>>, %arg14: memref<80x128xf32, #tpu.memory_space<vmem>>, %arg15: memref<80x128xf32, #tpu.memory_space<vmem>>, %arg16: memref<80x128xf32, #tpu.memory_space<vmem>>, %arg17: memref<80x128xf32, #tpu.memory_space<vmem>>, %arg18: memref<80x128xf32, #tpu.memory_space<vmem>>, %arg19: memref<80x128xf32, #tpu.memory_space<vmem>>, %arg20: memref<80x128xf32, #tpu.memory_space<vmem>>, %arg21: memref<2x128xf32, #tpu.memory_space<vmem>>, %arg22: memref<!tpu.dma_semaphore, #tpu.memory_space<semaphore_mem>>, %arg23: memref<!tpu.dma_semaphore, #tpu.memory_space<semaphore_mem>>, %arg24: memref<!tpu.dma_semaphore, #tpu.memory_space<semaphore_mem>>, %arg25: memref<!tpu.dma_semaphore, #tpu.memory_space<semaphore_mem>>, %arg26: memref<!tpu.dma_semaphore, #tpu.memory_space<semaphore_mem>>, %arg27: memref<!tpu.dma_semaphore, #tpu.memory_space<semaphore_mem>>, %arg28: memref<!tpu.dma_semaphore, #tpu.memory_space<semaphore_mem>>, %arg29: memref<!tpu.dma_semaphore, #tpu.memory_space<semaphore_mem>>, %arg30: memref<!tpu.dma_semaphore, #tpu.memory_space<semaphore_mem>>, %arg31: memref<!tpu.dma_semaphore, #tpu.memory_space<semaphore_mem>>, %arg32: memref<!tpu.dma_semaphore, #tpu.memory_space<semaphore_mem>>, %arg33: memref<!tpu.dma_semaphore, #tpu.memory_space<semaphore_mem>>) attributes {dimension_semantics = [#tpu.dimension_semantics<core_parallel>, #tpu.dimension_semantics<subcore_parallel>], iteration_bounds = array<i64: 2, 16>, scalar_prefetch = 0 : i64, scratch_operands = 25 : i64, tpu.core_type = #tpu.core_type<sc_vector_subcore>, window_params = [{transform_indices = #map}, {transform_indices = #map1}, {transform_indices = #map1}, {transform_indices = #map}, {transform_indices = #map}, {transform_indices = #map}, {transform_indices = #map2}]} {
    %mul3A = arith.constant 2 : i32
    %mul3A_0 = arith.muli %arg1, %mul3A : i32
    %add3A = arith.addi %mul3A_0, %arg0 : i32
    %mul3A_1 = arith.constant 10000 : i32
    %mul3A_2 = arith.muli %add3A, %mul3A_1 : i32
    %broadcast_in_dim3A = arith.constant 0.000000e+00 : f32
    %broadcast_in_dim3A_3 = vector.broadcast %broadcast_in_dim3A : f32 to vector<16xf32>
    %swap3A = arith.constant 0 : i32
    %swap3A_4 = arith.index_cast %swap3A : i32 to index
    %swap3A_5 = arith.constant 0 : index
    %swap3A_6 = tpu.vector_load %arg21[%swap3A_4, %swap3A_5] {strides = array<i32>} : memref<2x128xf32, #tpu.memory_space<vmem>>, vector<1x16xf32>,
    %swap3A_7 = vector.shape_cast %swap3A_6 : vector<1x16xf32> to vector<16xf32>
    %swap3A_8 = vector.shape_cast %broadcast_in_dim3A_3 : vector<16xf32> to vector<1x16xf32>
    tpu.vector_store %arg21[%swap3A_4, %swap3A_5], %swap3A_8 {strides = array<i32>} : memref<2x128xf32, #tpu.memory_space<vmem>>, vector<1x16xf32>,
    %swap3A_9 = arith.constant 1 : i32
    %swap3A_10 = arith.index_cast %swap3A_9 : i32 to index
    %swap3A_11 = arith.constant 0 : index
    %swap3A_12 = tpu.vector_load %arg21[%swap3A_10, %swap3A_11] {strides = array<i32>} : memref<2x128xf32, #tpu.memory_space<vmem>>, vector<1x16xf32>,
    %swap3A_13 = vector.shape_cast %swap3A_12 : vector<1x16xf32> to vector<16xf32>
    %swap3A_14 = vector.shape_cast %broadcast_in_dim3A_3 : vector<16xf32> to vector<1x16xf32>
    tpu.vector_store %arg21[%swap3A_10, %swap3A_11], %swap3A_14 {strides = array<i32>} : memref<2x128xf32, #tpu.memory_space<vmem>>, vector<1x16xf32>,
    %swap3A_15 = arith.constant 0 : i32
    %swap3A_16 = arith.index_cast %swap3A_15 : i32 to index
    %swap3A_17 = arith.constant 16 : index
    %swap3A_18 = tpu.vector_load %arg21[%swap3A_16, %swap3A_17] {strides = array<i32>} : memref<2x128xf32, #tpu.memory_space<vmem>>, vector<1x16xf32>,
    %swap3A_19 = vector.shape_cast %swap3A_18 : vector<1x16xf32> to vector<16xf32>
    %swap3A_20 = vector.shape_cast %broadcast_in_dim3A_3 : vector<16xf32> to vector<1x16xf32>
    tpu.vector_store %arg21[%swap3A_16, %swap3A_17], %swap3A_20 {strides = array<i32>} : memref<2x128xf32, #tpu.memory_space<vmem>>, vector<1x16xf32>,
    %swap3A_21 = arith.constant 1 : i32
    %swap3A_22 = arith.index_cast %swap3A_21 : i32 to index
    %swap3A_23 = arith.constant 16 : index
    %swap3A_24 = tpu.vector_load %arg21[%swap3A_22, %swap3A_23] {strides = array<i32>} : memref<2x128xf32, #tpu.memory_space<vmem>>, vector<1x16xf32>,
    %swap3A_25 = vector.shape_cast %swap3A_24 : vector<1x16xf32> to vector<16xf32>
    %swap3A_26 = vector.shape_cast %broadcast_in_dim3A_3 : vector<16xf32> to vector<1x16xf32>
    tpu.vector_store %arg21[%swap3A_22, %swap3A_23], %swap3A_26 {strides = array<i32>} : memref<2x128xf32, #tpu.memory_space<vmem>>, vector<1x16xf32>,
    %swap3A_27 = arith.constant 0 : i32
    %swap3A_28 = arith.index_cast %swap3A_27 : i32 to index
    %swap3A_29 = arith.constant 32 : index
    %swap3A_30 = tpu.vector_load %arg21[%swap3A_28, %swap3A_29] {strides = array<i32>} : memref<2x128xf32, #tpu.memory_space<vmem>>, vector<1x16xf32>,
    %swap3A_31 = vector.shape_cast %swap3A_30 : vector<1x16xf32> to vector<16xf32>
    %swap3A_32 = vector.shape_cast %broadcast_in_dim3A_3 : vector<16xf32> to vector<1x16xf32>
    tpu.vector_store %arg21[%swap3A_28, %swap3A_29], %swap3A_32 {strides = array<i32>} : memref<2x128xf32, #tpu.memory_space<vmem>>, vector<1x16xf32>,
    %swap3A_33 = arith.constant 1 : i32
    %swap3A_34 = arith.index_cast %swap3A_33 : i32 to index
    %swap3A_35 = arith.constant 32 : index
    %swap3A_36 = tpu.vector_load %arg21[%swap3A_34, %swap3A_35] {strides = array<i32>} : memref<2x128xf32, #tpu.memory_space<vmem>>, vector<1x16xf32>,
    %swap3A_37 = vector.shape_cast %swap3A_36 : vector<1x16xf32> to vector<16xf32>
    %swap3A_38 = vector.shape_cast %broadcast_in_dim3A_3 : vector<16xf32> to vector<1x16xf32>
    tpu.vector_store %arg21[%swap3A_34, %swap3A_35], %swap3A_38 {strides = array<i32>} : memref<2x128xf32, #tpu.memory_space<vmem>>, vector<1x16xf32>,
    %swap3A_39 = arith.constant 0 : i32
    %swap3A_40 = arith.index_cast %swap3A_39 : i32 to index
    %swap3A_41 = arith.constant 48 : index
    %swap3A_42 = tpu.vector_load %arg21[%swap3A_40, %swap3A_41] {strides = array<i32>} : memref<2x128xf32, #tpu.memory_space<vmem>>, vector<1x16xf32>,
    %swap3A_43 = vector.shape_cast %swap3A_42 : vector<1x16xf32> to vector<16xf32>
    %swap3A_44 = vector.shape_cast %broadcast_in_dim3A_3 : vector<16xf32> to vector<1x16xf32>
    tpu.vector_store %arg21[%swap3A_40, %swap3A_41], %swap3A_44 {strides = array<i32>} : memref<2x128xf32, #tpu.memory_space<vmem>>, vector<1x16xf32>,
    %swap3A_45 = arith.constant 1 : i32
    %swap3A_46 = arith.index_cast %swap3A_45 : i32 to index
    %swap3A_47 = arith.constant 48 : index
    %swap3A_48 = tpu.vector_load %arg21[%swap3A_46, %swap3A_47] {strides = array<i32>} : memref<2x128xf32, #tpu.memory_space<vmem>>, vector<1x16xf32>,
    %swap3A_49 = vector.shape_cast %swap3A_48 : vector<1x16xf32> to vector<16xf32>
    %swap3A_50 = vector.shape_cast %broadcast_in_dim3A_3 : vector<16xf32> to vector<1x16xf32>
    tpu.vector_store %arg21[%swap3A_46, %swap3A_47], %swap3A_50 {strides = array<i32>} : memref<2x128xf32, #tpu.memory_space<vmem>>, vector<1x16xf32>,
    %swap3A_51 = arith.constant 0 : i32
    %swap3A_52 = arith.index_cast %swap3A_51 : i32 to index
    %swap3A_53 = arith.constant 64 : index
    %swap3A_54 = tpu.vector_load %arg21[%swap3A_52, %swap3A_53] {strides = array<i32>} : memref<2x128xf32, #tpu.memory_space<vmem>>, vector<1x16xf32>,
    %swap3A_55 = vector.shape_cast %swap3A_54 : vector<1x16xf32> to vector<16xf32>
    %swap3A_56 = vector.shape_cast %broadcast_in_dim3A_3 : vector<16xf32> to vector<1x16xf32>
    tpu.vector_store %arg21[%swap3A_52, %swap3A_53], %swap3A_56 {strides = array<i32>} : memref<2x128xf32, #tpu.memory_space<vmem>>, vector<1x16xf32>,
    %swap3A_57 = arith.constant 1 : i32
    %swap3A_58 = arith.index_cast %swap3A_57 : i32 to index
    %swap3A_59 = arith.constant 64 : index
    %swap3A_60 = tpu.vector_load %arg21[%swap3A_58, %swap3A_59] {strides = array<i32>} : memref<2x128xf32, #tpu.memory_space<vmem>>, vector<1x16xf32>,
    %swap3A_61 = vector.shape_cast %swap3A_60 : vector<1x16xf32> to vector<16xf32>
    %swap3A_62 = vector.shape_cast %broadcast_in_dim3A_3 : vector<16xf32> to vector<1x16xf32>
    tpu.vector_store %arg21[%swap3A_58, %swap3A_59], %swap3A_62 {strides = array<i32>} : memref<2x128xf32, #tpu.memory_space<vmem>>, vector<1x16xf32>,
    %swap3A_63 = arith.constant 0 : i32
    %swap3A_64 = arith.index_cast %swap3A_63 : i32 to index
    %swap3A_65 = arith.constant 80 : index
    %swap3A_66 = tpu.vector_load %arg21[%swap3A_64, %swap3A_65] {strides = array<i32>} : memref<2x128xf32, #tpu.memory_space<vmem>>, vector<1x16xf32>,
    %swap3A_67 = vector.shape_cast %swap3A_66 : vector<1x16xf32> to vector<16xf32>
    %swap3A_68 = vector.shape_cast %broadcast_in_dim3A_3 : vector<16xf32> to vector<1x16xf32>
    tpu.vector_store %arg21[%swap3A_64, %swap3A_65], %swap3A_68 {strides = array<i32>} : memref<2x128xf32, #tpu.memory_space<vmem>>, vector<1x16xf32>,
    %swap3A_69 = arith.constant 1 : i32
    %swap3A_70 = arith.index_cast %swap3A_69 : i32 to index
    %swap3A_71 = arith.constant 80 : index
    %swap3A_72 = tpu.vector_load %arg21[%swap3A_70, %swap3A_71] {strides = array<i32>} : memref<2x128xf32, #tpu.memory_space<vmem>>, vector<1x16xf32>,
    %swap3A_73 = vector.shape_cast %swap3A_72 : vector<1x16xf32> to vector<16xf32>
    %swap3A_74 = vector.shape_cast %broadcast_in_dim3A_3 : vector<16xf32> to vector<1x16xf32>
    tpu.vector_store %arg21[%swap3A_70, %swap3A_71], %swap3A_74 {strides = array<i32>} : memref<2x128xf32, #tpu.memory_space<vmem>>, vector<1x16xf32>,
    %swap3A_75 = arith.constant 0 : i32
    %swap3A_76 = arith.index_cast %swap3A_75 : i32 to index
    %swap3A_77 = arith.constant 96 : index
    %swap3A_78 = tpu.vector_load %arg21[%swap3A_76, %swap3A_77] {strides = array<i32>} : memref<2x128xf32, #tpu.memory_space<vmem>>, vector<1x16xf32>,
    %swap3A_79 = vector.shape_cast %swap3A_78 : vector<1x16xf32> to vector<16xf32>
    %swap3A_80 = vector.shape_cast %broadcast_in_dim3A_3 : vector<16xf32> to vector<1x16xf32>
    tpu.vector_store %arg21[%swap3A_76, %swap3A_77], %swap3A_80 {strides = array<i32>} : memref<2x128xf32, #tpu.memory_space<vmem>>, vector<1x16xf32>,
    %swap3A_81 = arith.constant 1 : i32
    %swap3A_82 = arith.index_cast %swap3A_81 : i32 to index
    %swap3A_83 = arith.constant 96 : index
    %swap3A_84 = tpu.vector_load %arg21[%swap3A_82, %swap3A_83] {strides = array<i32>} : memref<2x128xf32, #tpu.memory_space<vmem>>, vector<1x16xf32>,
    %swap3A_85 = vector.shape_cast %swap3A_84 : vector<1x16xf32> to vector<16xf32>
    %swap3A_86 = vector.shape_cast %broadcast_in_dim3A_3 : vector<16xf32> to vector<1x16xf32>
    tpu.vector_store %arg21[%swap3A_82, %swap3A_83], %swap3A_86 {strides = array<i32>} : memref<2x128xf32, #tpu.memory_space<vmem>>, vector<1x16xf32>,
    %swap3A_87 = arith.constant 0 : i32
    %swap3A_88 = arith.index_cast %swap3A_87 : i32 to index
    %swap3A_89 = arith.constant 112 : index
    %swap3A_90 = tpu.vector_load %arg21[%swap3A_88, %swap3A_89] {strides = array<i32>} : memref<2x128xf32, #tpu.memory_space<vmem>>, vector<1x16xf32>,
    %swap3A_91 = vector.shape_cast %swap3A_90 : vector<1x16xf32> to vector<16xf32>
    %swap3A_92 = vector.shape_cast %broadcast_in_dim3A_3 : vector<16xf32> to vector<1x16xf32>
    tpu.vector_store %arg21[%swap3A_88, %swap3A_89], %swap3A_92 {strides = array<i32>} : memref<2x128xf32, #tpu.memory_space<vmem>>, vector<1x16xf32>,
    %swap3A_93 = arith.constant 1 : i32
    %swap3A_94 = arith.index_cast %swap3A_93 : i32 to index
    %swap3A_95 = arith.constant 112 : index
    %swap3A_96 = tpu.vector_load %arg21[%swap3A_94, %swap3A_95] {strides = array<i32>} : memref<2x128xf32, #tpu.memory_space<vmem>>, vector<1x16xf32>,
    %swap3A_97 = vector.shape_cast %swap3A_96 : vector<1x16xf32> to vector<16xf32>
    %swap3A_98 = vector.shape_cast %broadcast_in_dim3A_3 : vector<16xf32> to vector<1x16xf32>
    tpu.vector_store %arg21[%swap3A_94, %swap3A_95], %swap3A_98 {strides = array<i32>} : memref<2x128xf32, #tpu.memory_space<vmem>>, vector<1x16xf32>,
    %add3A_99 = arith.constant 0 : i32
    %add3A_100 = arith.addi %mul3A_2, %add3A_99 : i32
    %dma_start3A = tpu.memref_slice %arg3[%add3A_100] : memref<320000xi32, #tpu.memory_space<hbm>> -> memref<80xi32, #tpu.memory_space<hbm>>
    %dma_start3A_101 = tpu.memref_slice %arg3[%add3A_100] : memref<320000xi32, #tpu.memory_space<hbm>> -> memref<80xi32, #tpu.memory_space<hbm>>
    tpu.enqueue_dma source(%dma_start3A_101 : memref<80xi32, #tpu.memory_space<hbm>>) target(%arg9 : memref<80xi32, #tpu.memory_space<vmem>>) target_semaphore(%arg22 : memref<!tpu.dma_semaphore, #tpu.memory_space<semaphore_mem>>)
    %dma_start3A_102 = tpu.memref_slice %arg4[%add3A_100] : memref<320000xi32, #tpu.memory_space<hbm>> -> memref<80xi32, #tpu.memory_space<hbm>>
    %dma_start3A_103 = tpu.memref_slice %arg4[%add3A_100] : memref<320000xi32, #tpu.memory_space<hbm>> -> memref<80xi32, #tpu.memory_space<hbm>>
    tpu.enqueue_dma source(%dma_start3A_103 : memref<80xi32, #tpu.memory_space<hbm>>) target(%arg11 : memref<80xi32, #tpu.memory_space<vmem>>) target_semaphore(%arg24 : memref<!tpu.dma_semaphore, #tpu.memory_space<semaphore_mem>>)
    %dma_start3A_104 = arith.constant 0 : i32
    %dma_start3A_105 = tpu.memref_slice %arg2[%add3A_100, %dma_start3A_104] : memref<320000x128xf32, #tpu.memory_space<hbm>> -> memref<80x128xf32, #tpu.memory_space<hbm>>
    %dma_start3A_106 = arith.constant 0 : i32
    %dma_start3A_107 = tpu.memref_slice %arg2[%add3A_100, %dma_start3A_106] : memref<320000x128xf32, #tpu.memory_space<hbm>> -> memref<80x128xf32, #tpu.memory_space<hbm>>
    tpu.enqueue_dma source(%dma_start3A_107 : memref<80x128xf32, #tpu.memory_space<hbm>>) target(%arg17 : memref<80x128xf32, #tpu.memory_space<vmem>>) target_semaphore(%arg26 : memref<!tpu.dma_semaphore, #tpu.memory_space<semaphore_mem>>)
    %add3A_108 = arith.constant 80 : i32
    %add3A_109 = arith.addi %mul3A_2, %add3A_108 : i32
    %dma_start3A_110 = tpu.memref_slice %arg3[%add3A_109] : memref<320000xi32, #tpu.memory_space<hbm>> -> memref<80xi32, #tpu.memory_space<hbm>>
    %dma_start3A_111 = tpu.memref_slice %arg3[%add3A_109] : memref<320000xi32, #tpu.memory_space<hbm>> -> memref<80xi32, #tpu.memory_space<hbm>>
    tpu.enqueue_dma source(%dma_start3A_111 : memref<80xi32, #tpu.memory_space<hbm>>) target(%arg10 : memref<80xi32, #tpu.memory_space<vmem>>) target_semaphore(%arg23 : memref<!tpu.dma_semaphore, #tpu.memory_space<semaphore_mem>>)
    %dma_start3A_112 = tpu.memref_slice %arg4[%add3A_109] : memref<320000xi32, #tpu.memory_space<hbm>> -> memref<80xi32, #tpu.memory_space<hbm>>
    %dma_start3A_113 = tpu.memref_slice %arg4[%add3A_109] : memref<320000xi32, #tpu.memory_space<hbm>> -> memref<80xi32, #tpu.memory_space<hbm>>
    tpu.enqueue_dma source(%dma_start3A_113 : memref<80xi32, #tpu.memory_space<hbm>>) target(%arg12 : memref<80xi32, #tpu.memory_space<vmem>>) target_semaphore(%arg25 : memref<!tpu.dma_semaphore, #tpu.memory_space<semaphore_mem>>)
    %dma_start3A_114 = arith.constant 0 : i32
    %dma_start3A_115 = tpu.memref_slice %arg2[%add3A_109, %dma_start3A_114] : memref<320000x128xf32, #tpu.memory_space<hbm>> -> memref<80x128xf32, #tpu.memory_space<hbm>>
    %dma_start3A_116 = arith.constant 0 : i32
    %dma_start3A_117 = tpu.memref_slice %arg2[%add3A_109, %dma_start3A_116] : memref<320000x128xf32, #tpu.memory_space<hbm>> -> memref<80x128xf32, #tpu.memory_space<hbm>>
    tpu.enqueue_dma source(%dma_start3A_117 : memref<80x128xf32, #tpu.memory_space<hbm>>) target(%arg18 : memref<80x128xf32, #tpu.memory_space<vmem>>) target_semaphore(%arg27 : memref<!tpu.dma_semaphore, #tpu.memory_space<semaphore_mem>>)
    %dma_wait3A = arith.constant 0 : i32
    %dma_wait3A_118 = tpu.memref_slice %arg3[%dma_wait3A] : memref<320000xi32, #tpu.memory_space<hbm>> -> memref<80xi32, #tpu.memory_space<hbm>>
    %dma_wait3A_119 = arith.constant 0 : i32
    %dma_wait3A_120 = tpu.memref_slice %arg3[%dma_wait3A_119] : memref<320000xi32, #tpu.memory_space<hbm>> -> memref<80xi32, #tpu.memory_space<hbm>>
    tpu.wait_dma2 semaphore(%arg22 : memref<!tpu.dma_semaphore, #tpu.memory_space<semaphore_mem>>) src(%dma_wait3A_120 : memref<80xi32, #tpu.memory_space<hbm>>) dst(%arg9 : memref<80xi32, #tpu.memory_space<vmem>>)
    %dma_wait3A_121 = arith.constant 0 : i32
    %dma_wait3A_122 = tpu.memref_slice %arg4[%dma_wait3A_121] : memref<320000xi32, #tpu.memory_space<hbm>> -> memref<80xi32, #tpu.memory_space<hbm>>
    %dma_wait3A_123 = arith.constant 0 : i32
    %dma_wait3A_124 = tpu.memref_slice %arg4[%dma_wait3A_123] : memref<320000xi32, #tpu.memory_space<hbm>> -> memref<80xi32, #tpu.memory_space<hbm>>
    tpu.wait_dma2 semaphore(%arg24 : memref<!tpu.dma_semaphore, #tpu.memory_space<semaphore_mem>>) src(%dma_wait3A_124 : memref<80xi32, #tpu.memory_space<hbm>>) dst(%arg11 : memref<80xi32, #tpu.memory_space<vmem>>)
    %dma_start3A_125 = arith.constant 0 : i32
    %dma_start3A_126 = arith.constant 0 : i32
    %dma_start3A_127 = tpu.memref_slice %arg5[%dma_start3A_125, %dma_start3A_126] : memref<10000x128xf32, #tpu.memory_space<hbm>> -> memref<10000x128xf32, #tpu.memory_space<hbm>>
    tpu.enqueue_indirect_dma source(%dma_start3A_127 : memref<10000x128xf32, #tpu.memory_space<hbm>>) target(%arg13 : memref<80x128xf32, #tpu.memory_space<vmem>>) offsets(%arg9 : memref<80xi32, #tpu.memory_space<vmem>>) semaphore(%arg28 : memref<!tpu.dma_semaphore, #tpu.memory_space<semaphore_mem>>)
    %dma_start3A_128 = arith.constant 0 : i32
    %dma_start3A_129 = arith.constant 0 : i32
    %dma_start3A_130 = tpu.memref_slice %arg6[%dma_start3A_128, %dma_start3A_129] : memref<10000x128xf32, #tpu.memory_space<hbm>> -> memref<10000x128xf32, #tpu.memory_space<hbm>>
    tpu.enqueue_indirect_dma source(%dma_start3A_130 : memref<10000x128xf32, #tpu.memory_space<hbm>>) target(%arg15 : memref<80x128xf32, #tpu.memory_space<vmem>>) offsets(%arg11 : memref<80xi32, #tpu.memory_space<vmem>>) semaphore(%arg30 : memref<!tpu.dma_semaphore, #tpu.memory_space<semaphore_mem>>)
    %scan3A = arith.constant 0 : i32
    %scan3A_131 = arith.constant 0 : i32
    %scan3A_132 = arith.constant 63 : i32
    %scan3A_133 = arith.addi %scan3A_131, %scan3A_132 : i32
    %scan3A_134 = arith.constant 1 : i32
    scf.for %scan3A_148 = %scan3A_131 to %scan3A_133 step %scan3A_134  : i32 {
      %mul3A_149 = arith.constant 2 : i32
      %mul3A_150 = arith.muli %mul3A_149, %scan3A_148 : i32
      %add3A_151 = arith.constant 0 : i32
      %add3A_152 = arith.addi %mul3A_150, %add3A_151 : i32
      %lt3A = arith.constant 125 : i32
      %lt3A_153 = arith.cmpi slt, %add3A_152, %lt3A : i32
      %convert_element_type3A = arith.extui %lt3A_153 : i1 to i32
      %cond3A = arith.constant 0 : i32
      %cond3A_154 = arith.cmpi ne, %convert_element_type3A, %cond3A : i32
      scf.if %cond3A_154 {
        %add3A_164 = arith.constant 1 : i32
        %add3A_165 = arith.addi %add3A_152, %add3A_164 : i32
        %lt3A_166 = arith.constant 125 : i32
        %lt3A_167 = arith.cmpi slt, %add3A_165, %lt3A_166 : i32
        %convert_element_type3A_168 = arith.extui %lt3A_167 : i1 to i32
        %cond3A_169 = arith.constant 0 : i32
        %cond3A_170 = arith.cmpi ne, %convert_element_type3A_168, %cond3A_169 : i32
        scf.if %cond3A_170 {
          %dma_wait3A_404 = arith.constant 0 : i32
          %dma_wait3A_405 = tpu.memref_slice %arg3[%dma_wait3A_404] : memref<320000xi32, #tpu.memory_space<hbm>> -> memref<80xi32, #tpu.memory_space<hbm>>
          %dma_wait3A_406 = arith.constant 0 : i32
          %dma_wait3A_407 = tpu.memref_slice %arg3[%dma_wait3A_406] : memref<320000xi32, #tpu.memory_space<hbm>> -> memref<80xi32, #tpu.memory_space<hbm>>
          tpu.wait_dma2 semaphore(%arg23 : memref<!tpu.dma_semaphore, #tpu.memory_space<semaphore_mem>>) src(%dma_wait3A_407 : memref<80xi32, #tpu.memory_space<hbm>>) dst(%arg10 : memref<80xi32, #tpu.memory_space<vmem>>)
          %dma_wait3A_408 = arith.constant 0 : i32
          %dma_wait3A_409 = tpu.memref_slice %arg4[%dma_wait3A_408] : memref<320000xi32, #tpu.memory_space<hbm>> -> memref<80xi32, #tpu.memory_space<hbm>>
          %dma_wait3A_410 = arith.constant 0 : i32
          %dma_wait3A_411 = tpu.memref_slice %arg4[%dma_wait3A_410] : memref<320000xi32, #tpu.memory_space<hbm>> -> memref<80xi32, #tpu.memory_space<hbm>>
          tpu.wait_dma2 semaphore(%arg25 : memref<!tpu.dma_semaphore, #tpu.memory_space<semaphore_mem>>) src(%dma_wait3A_411 : memref<80xi32, #tpu.memory_space<hbm>>) dst(%arg12 : memref<80xi32, #tpu.memory_space<vmem>>)
          %dma_start3A_412 = arith.constant 0 : i32
          %dma_start3A_413 = arith.constant 0 : i32
          %dma_start3A_414 = tpu.memref_slice %arg5[%dma_start3A_412, %dma_start3A_413] : memref<10000x128xf32, #tpu.memory_space<hbm>> -> memref<10000x128xf32, #tpu.memory_space<hbm>>
          tpu.enqueue_indirect_dma source(%dma_start3A_414 : memref<10000x128xf32, #tpu.memory_space<hbm>>) target(%arg14 : memref<80x128xf32, #tpu.memory_space<vmem>>) offsets(%arg10 : memref<80xi32, #tpu.memory_space<vmem>>) semaphore(%arg29 : memref<!tpu.dma_semaphore, #tpu.memory_space<semaphore_mem>>)
          %dma_start3A_415 = arith.constant 0 : i32
          %dma_start3A_416 = arith.constant 0 : i32
          %dma_start3A_417 = tpu.memref_slice %arg6[%dma_start3A_415, %dma_start3A_416] : memref<10000x128xf32, #tpu.memory_space<hbm>> -> memref<10000x128xf32, #tpu.memory_space<hbm>>
          tpu.enqueue_indirect_dma source(%dma_start3A_417 : memref<10000x128xf32, #tpu.memory_space<hbm>>) target(%arg16 : memref<80x128xf32, #tpu.memory_space<vmem>>) offsets(%arg12 : memref<80xi32, #tpu.memory_space<vmem>>) semaphore(%arg31 : memref<!tpu.dma_semaphore, #tpu.memory_space<semaphore_mem>>)
        } else {
        }
        %ge3A = arith.constant 2 : i32
        %ge3A_171 = arith.cmpi sge, %add3A_152, %ge3A : i32
        %convert_element_type3A_172 = arith.extui %ge3A_171 : i1 to i32
        %cond3A_173 = arith.constant 0 : i32
        %cond3A_174 = arith.cmpi ne, %convert_element_type3A_172, %cond3A_173 : i32
        scf.if %cond3A_174 {
          %dma_wait3A_404 = arith.constant 0 : i32
          %dma_wait3A_405 = arith.constant 0 : i32
          %dma_wait3A_406 = tpu.memref_slice %arg7[%dma_wait3A_404, %dma_wait3A_405] : memref<320000x128xf32, #tpu.memory_space<hbm>> -> memref<80x128xf32, #tpu.memory_space<hbm>>
          %dma_wait3A_407 = arith.constant 0 : i32
          %dma_wait3A_408 = arith.constant 0 : i32
          %dma_wait3A_409 = tpu.memref_slice %arg7[%dma_wait3A_407, %dma_wait3A_408] : memref<320000x128xf32, #tpu.memory_space<hbm>> -> memref<80x128xf32, #tpu.memory_space<hbm>>
          tpu.wait_dma2 semaphore(%arg32 : memref<!tpu.dma_semaphore, #tpu.memory_space<semaphore_mem>>) src(%arg19 : memref<80x128xf32, #tpu.memory_space<vmem>>) dst(%dma_wait3A_409 : memref<80x128xf32, #tpu.memory_space<hbm>>)
        } else {
        }
        %dma_wait3A_175 = arith.constant 0 : i32
        %dma_wait3A_176 = arith.constant 0 : i32
        %dma_wait3A_177 = tpu.memref_slice %arg2[%dma_wait3A_175, %dma_wait3A_176] : memref<320000x128xf32, #tpu.memory_space<hbm>> -> memref<80x128xf32, #tpu.memory_space<hbm>>
        %dma_wait3A_178 = arith.constant 0 : i32
        %dma_wait3A_179 = arith.constant 0 : i32
        %dma_wait3A_180 = tpu.memref_slice %arg2[%dma_wait3A_178, %dma_wait3A_179] : memref<320000x128xf32, #tpu.memory_space<hbm>> -> memref<80x128xf32, #tpu.memory_space<hbm>>
        tpu.wait_dma2 semaphore(%arg26 : memref<!tpu.dma_semaphore, #tpu.memory_space<semaphore_mem>>) src(%dma_wait3A_180 : memref<80x128xf32, #tpu.memory_space<hbm>>) dst(%arg17 : memref<80x128xf32, #tpu.memory_space<vmem>>)
        %dma_wait3A_181 = arith.constant 0 : i32
        %dma_wait3A_182 = arith.constant 0 : i32
        %dma_wait3A_183 = tpu.memref_slice %arg2[%dma_wait3A_181, %dma_wait3A_182] : memref<320000x128xf32, #tpu.memory_space<hbm>> -> memref<80x128xf32, #tpu.memory_space<hbm>>
        %dma_wait3A_184 = arith.constant 0 : i32
        %dma_wait3A_185 = arith.constant 0 : i32
        %dma_wait3A_186 = tpu.memref_slice %arg2[%dma_wait3A_184, %dma_wait3A_185] : memref<320000x128xf32, #tpu.memory_space<hbm>> -> memref<80x128xf32, #tpu.memory_space<hbm>>
        tpu.wait_dma2 semaphore(%arg28 : memref<!tpu.dma_semaphore, #tpu.memory_space<semaphore_mem>>) src(%dma_wait3A_186 : memref<80x128xf32, #tpu.memory_space<hbm>>) dst(%arg13 : memref<80x128xf32, #tpu.memory_space<vmem>>)
        %dma_wait3A_187 = arith.constant 0 : i32
        %dma_wait3A_188 = arith.constant 0 : i32
        %dma_wait3A_189 = tpu.memref_slice %arg2[%dma_wait3A_187, %dma_wait3A_188] : memref<320000x128xf32, #tpu.memory_space<hbm>> -> memref<80x128xf32, #tpu.memory_space<hbm>>
        %dma_wait3A_190 = arith.constant 0 : i32
        %dma_wait3A_191 = arith.constant 0 : i32
        %dma_wait3A_192 = tpu.memref_slice %arg2[%dma_wait3A_190, %dma_wait3A_191] : memref<320000x128xf32, #tpu.memory_space<hbm>> -> memref<80x128xf32, #tpu.memory_space<hbm>>
        tpu.wait_dma2 semaphore(%arg30 : memref<!tpu.dma_semaphore, #tpu.memory_space<semaphore_mem>>) src(%dma_wait3A_192 : memref<80x128xf32, #tpu.memory_space<hbm>>) dst(%arg15 : memref<80x128xf32, #tpu.memory_space<vmem>>)
        %scan3A_193 = arith.constant 0 : i32
        %scan3A_194 = arith.constant 80 : i32
        %scan3A_195 = arith.addi %scan3A_193, %scan3A_194 : i32
        %scan3A_196 = arith.constant 1 : i32
        %scan3A_197:16 = scf.for %scan3A_404 = %scan3A_193 to %scan3A_195 step %scan3A_196 iter_args(%scan3A_405 = %broadcast_in_dim3A_3, %scan3A_406 = %broadcast_in_dim3A_3, %scan3A_407 = %broadcast_in_dim3A_3, %scan3A_408 = %broadcast_in_dim3A_3, %scan3A_409 = %broadcast_in_dim3A_3, %scan3A_410 = %broadcast_in_dim3A_3, %scan3A_411 = %broadcast_in_dim3A_3, %scan3A_412 = %broadcast_in_dim3A_3, %scan3A_413 = %broadcast_in_dim3A_3, %scan3A_414 = %broadcast_in_dim3A_3, %scan3A_415 = %broadcast_in_dim3A_3, %scan3A_416 = %broadcast_in_dim3A_3, %scan3A_417 = %broadcast_in_dim3A_3, %scan3A_418 = %broadcast_in_dim3A_3, %scan3A_419 = %broadcast_in_dim3A_3, %scan3A_420 = %broadcast_in_dim3A_3) -> (vector<16xf32>, vector<16xf32>, vector<16xf32>, vector<16xf32>, vector<16xf32>, vector<16xf32>, vector<16xf32>, vector<16xf32>, vector<16xf32>, vector<16xf32>, vector<16xf32>, vector<16xf32>, vector<16xf32>, vector<16xf32>, vector<16xf32>, vector<16xf32>)  : i32 {
          %get3A_421 = arith.index_cast %scan3A_404 : i32 to index
          %get3A_422 = arith.constant 0 : index
          %get3A_423 = tpu.vector_load %arg17[%get3A_421, %get3A_422] {strides = array<i32>} : memref<80x128xf32, #tpu.memory_space<vmem>>, vector<1x16xf32>,
          %get3A_424 = vector.shape_cast %get3A_423 : vector<1x16xf32> to vector<16xf32>
          %get3A_425 = arith.index_cast %scan3A_404 : i32 to index
          %get3A_426 = arith.constant 0 : index
          %get3A_427 = tpu.vector_load %arg13[%get3A_425, %get3A_426] {strides = array<i32>} : memref<80x128xf32, #tpu.memory_space<vmem>>, vector<1x16xf32>,
          %get3A_428 = vector.shape_cast %get3A_427 : vector<1x16xf32> to vector<16xf32>
          %add3A_429 = arith.addf %get3A_424, %get3A_428 : vector<16xf32>
          %get3A_430 = arith.index_cast %scan3A_404 : i32 to index
          %get3A_431 = arith.constant 0 : index
          %get3A_432 = tpu.vector_load %arg15[%get3A_430, %get3A_431] {strides = array<i32>} : memref<80x128xf32, #tpu.memory_space<vmem>>, vector<1x16xf32>,
          %get3A_433 = vector.shape_cast %get3A_432 : vector<1x16xf32> to vector<16xf32>
          %add3A_434 = arith.addf %add3A_429, %get3A_433 : vector<16xf32>
          %swap3A_435 = arith.index_cast %scan3A_404 : i32 to index
          %swap3A_436 = arith.constant 0 : index
          %swap3A_437 = tpu.vector_load %arg19[%swap3A_435, %swap3A_436] {strides = array<i32>} : memref<80x128xf32, #tpu.memory_space<vmem>>, vector<1x16xf32>,
          %swap3A_438 = vector.shape_cast %swap3A_437 : vector<1x16xf32> to vector<16xf32>
          %swap3A_439 = vector.shape_cast %add3A_434 : vector<16xf32> to vector<1x16xf32>
          tpu.vector_store %arg19[%swap3A_435, %swap3A_436], %swap3A_439 {strides = array<i32>} : memref<80x128xf32, #tpu.memory_space<vmem>>, vector<1x16xf32>,
          %add3A_440 = arith.addf %scan3A_405, %add3A_434 : vector<16xf32>
          %mul3A_441 = arith.mulf %add3A_434, %add3A_434 : vector<16xf32>
          %add3A_442 = arith.addf %scan3A_413, %mul3A_441 : vector<16xf32>
          %get3A_443 = arith.index_cast %scan3A_404 : i32 to index
          %get3A_444 = arith.constant 16 : index
          %get3A_445 = tpu.vector_load %arg17[%get3A_443, %get3A_444] {strides = array<i32>} : memref<80x128xf32, #tpu.memory_space<vmem>>, vector<1x16xf32>,
          %get3A_446 = vector.shape_cast %get3A_445 : vector<1x16xf32> to vector<16xf32>
          %get3A_447 = arith.index_cast %scan3A_404 : i32 to index
          %get3A_448 = arith.constant 16 : index
          %get3A_449 = tpu.vector_load %arg13[%get3A_447, %get3A_448] {strides = array<i32>} : memref<80x128xf32, #tpu.memory_space<vmem>>, vector<1x16xf32>,
          %get3A_450 = vector.shape_cast %get3A_449 : vector<1x16xf32> to vector<16xf32>
          %add3A_451 = arith.addf %get3A_446, %get3A_450 : vector<16xf32>
          %get3A_452 = arith.index_cast %scan3A_404 : i32 to index
          %get3A_453 = arith.constant 16 : index
          %get3A_454 = tpu.vector_load %arg15[%get3A_452, %get3A_453] {strides = array<i32>} : memref<80x128xf32, #tpu.memory_space<vmem>>, vector<1x16xf32>,
          %get3A_455 = vector.shape_cast %get3A_454 : vector<1x16xf32> to vector<16xf32>
          %add3A_456 = arith.addf %add3A_451, %get3A_455 : vector<16xf32>
          %swap3A_457 = arith.index_cast %scan3A_404 : i32 to index
          %swap3A_458 = arith.constant 16 : index
          %swap3A_459 = tpu.vector_load %arg19[%swap3A_457, %swap3A_458] {strides = array<i32>} : memref<80x128xf32, #tpu.memory_space<vmem>>, vector<1x16xf32>,
          %swap3A_460 = vector.shape_cast %swap3A_459 : vector<1x16xf32> to vector<16xf32>
          %swap3A_461 = vector.shape_cast %add3A_456 : vector<16xf32> to vector<1x16xf32>
          tpu.vector_store %arg19[%swap3A_457, %swap3A_458], %swap3A_461 {strides = array<i32>} : memref<80x128xf32, #tpu.memory_space<vmem>>, vector<1x16xf32>,
          %add3A_462 = arith.addf %scan3A_406, %add3A_456 : vector<16xf32>
          %mul3A_463 = arith.mulf %add3A_456, %add3A_456 : vector<16xf32>
          %add3A_464 = arith.addf %scan3A_414, %mul3A_463 : vector<16xf32>
          %get3A_465 = arith.index_cast %scan3A_404 : i32 to index
          %get3A_466 = arith.constant 32 : index
          %get3A_467 = tpu.vector_load %arg17[%get3A_465, %get3A_466] {strides = array<i32>} : memref<80x128xf32, #tpu.memory_space<vmem>>, vector<1x16xf32>,
          %get3A_468 = vector.shape_cast %get3A_467 : vector<1x16xf32> to vector<16xf32>
          %get3A_469 = arith.index_cast %scan3A_404 : i32 to index
          %get3A_470 = arith.constant 32 : index
          %get3A_471 = tpu.vector_load %arg13[%get3A_469, %get3A_470] {strides = array<i32>} : memref<80x128xf32, #tpu.memory_space<vmem>>, vector<1x16xf32>,
          %get3A_472 = vector.shape_cast %get3A_471 : vector<1x16xf32> to vector<16xf32>
          %add3A_473 = arith.addf %get3A_468, %get3A_472 : vector<16xf32>
          %get3A_474 = arith.index_cast %scan3A_404 : i32 to index
          %get3A_475 = arith.constant 32 : index
          %get3A_476 = tpu.vector_load %arg15[%get3A_474, %get3A_475] {strides = array<i32>} : memref<80x128xf32, #tpu.memory_space<vmem>>, vector<1x16xf32>,
          %get3A_477 = vector.shape_cast %get3A_476 : vector<1x16xf32> to vector<16xf32>
          %add3A_478 = arith.addf %add3A_473, %get3A_477 : vector<16xf32>
          %swap3A_479 = arith.index_cast %scan3A_404 : i32 to index
          %swap3A_480 = arith.constant 32 : index
          %swap3A_481 = tpu.vector_load %arg19[%swap3A_479, %swap3A_480] {strides = array<i32>} : memref<80x128xf32, #tpu.memory_space<vmem>>, vector<1x16xf32>,
          %swap3A_482 = vector.shape_cast %swap3A_481 : vector<1x16xf32> to vector<16xf32>
          %swap3A_483 = vector.shape_cast %add3A_478 : vector<16xf32> to vector<1x16xf32>
          tpu.vector_store %arg19[%swap3A_479, %swap3A_480], %swap3A_483 {strides = array<i32>} : memref<80x128xf32, #tpu.memory_space<vmem>>, vector<1x16xf32>,
          %add3A_484 = arith.addf %scan3A_407, %add3A_478 : vector<16xf32>
          %mul3A_485 = arith.mulf %add3A_478, %add3A_478 : vector<16xf32>
          %add3A_486 = arith.addf %scan3A_415, %mul3A_485 : vector<16xf32>
          %get3A_487 = arith.index_cast %scan3A_404 : i32 to index
          %get3A_488 = arith.constant 48 : index
          %get3A_489 = tpu.vector_load %arg17[%get3A_487, %get3A_488] {strides = array<i32>} : memref<80x128xf32, #tpu.memory_space<vmem>>, vector<1x16xf32>,
          %get3A_490 = vector.shape_cast %get3A_489 : vector<1x16xf32> to vector<16xf32>
          %get3A_491 = arith.index_cast %scan3A_404 : i32 to index
          %get3A_492 = arith.constant 48 : index
          %get3A_493 = tpu.vector_load %arg13[%get3A_491, %get3A_492] {strides = array<i32>} : memref<80x128xf32, #tpu.memory_space<vmem>>, vector<1x16xf32>,
          %get3A_494 = vector.shape_cast %get3A_493 : vector<1x16xf32> to vector<16xf32>
          %add3A_495 = arith.addf %get3A_490, %get3A_494 : vector<16xf32>
          %get3A_496 = arith.index_cast %scan3A_404 : i32 to index
          %get3A_497 = arith.constant 48 : index
          %get3A_498 = tpu.vector_load %arg15[%get3A_496, %get3A_497] {strides = array<i32>} : memref<80x128xf32, #tpu.memory_space<vmem>>, vector<1x16xf32>,
          %get3A_499 = vector.shape_cast %get3A_498 : vector<1x16xf32> to vector<16xf32>
          %add3A_500 = arith.addf %add3A_495, %get3A_499 : vector<16xf32>
          %swap3A_501 = arith.index_cast %scan3A_404 : i32 to index
          %swap3A_502 = arith.constant 48 : index
          %swap3A_503 = tpu.vector_load %arg19[%swap3A_501, %swap3A_502] {strides = array<i32>} : memref<80x128xf32, #tpu.memory_space<vmem>>, vector<1x16xf32>,
          %swap3A_504 = vector.shape_cast %swap3A_503 : vector<1x16xf32> to vector<16xf32>
          %swap3A_505 = vector.shape_cast %add3A_500 : vector<16xf32> to vector<1x16xf32>
          tpu.vector_store %arg19[%swap3A_501, %swap3A_502], %swap3A_505 {strides = array<i32>} : memref<80x128xf32, #tpu.memory_space<vmem>>, vector<1x16xf32>,
          %add3A_506 = arith.addf %scan3A_408, %add3A_500 : vector<16xf32>
          %mul3A_507 = arith.mulf %add3A_500, %add3A_500 : vector<16xf32>
          %add3A_508 = arith.addf %scan3A_416, %mul3A_507 : vector<16xf32>
          %get3A_509 = arith.index_cast %scan3A_404 : i32 to index
          %get3A_510 = arith.constant 64 : index
          %get3A_511 = tpu.vector_load %arg17[%get3A_509, %get3A_510] {strides = array<i32>} : memref<80x128xf32, #tpu.memory_space<vmem>>, vector<1x16xf32>,
          %get3A_512 = vector.shape_cast %get3A_511 : vector<1x16xf32> to vector<16xf32>
          %get3A_513 = arith.index_cast %scan3A_404 : i32 to index
          %get3A_514 = arith.constant 64 : index
          %get3A_515 = tpu.vector_load %arg13[%get3A_513, %get3A_514] {strides = array<i32>} : memref<80x128xf32, #tpu.memory_space<vmem>>, vector<1x16xf32>,
          %get3A_516 = vector.shape_cast %get3A_515 : vector<1x16xf32> to vector<16xf32>
          %add3A_517 = arith.addf %get3A_512, %get3A_516 : vector<16xf32>
          %get3A_518 = arith.index_cast %scan3A_404 : i32 to index
          %get3A_519 = arith.constant 64 : index
          %get3A_520 = tpu.vector_load %arg15[%get3A_518, %get3A_519] {strides = array<i32>} : memref<80x128xf32, #tpu.memory_space<vmem>>, vector<1x16xf32>,
          %get3A_521 = vector.shape_cast %get3A_520 : vector<1x16xf32> to vector<16xf32>
          %add3A_522 = arith.addf %add3A_517, %get3A_521 : vector<16xf32>
          %swap3A_523 = arith.index_cast %scan3A_404 : i32 to index
          %swap3A_524 = arith.constant 64 : index
          %swap3A_525 = tpu.vector_load %arg19[%swap3A_523, %swap3A_524] {strides = array<i32>} : memref<80x128xf32, #tpu.memory_space<vmem>>, vector<1x16xf32>,
          %swap3A_526 = vector.shape_cast %swap3A_525 : vector<1x16xf32> to vector<16xf32>
          %swap3A_527 = vector.shape_cast %add3A_522 : vector<16xf32> to vector<1x16xf32>
          tpu.vector_store %arg19[%swap3A_523, %swap3A_524], %swap3A_527 {strides = array<i32>} : memref<80x128xf32, #tpu.memory_space<vmem>>, vector<1x16xf32>,
          %add3A_528 = arith.addf %scan3A_409, %add3A_522 : vector<16xf32>
          %mul3A_529 = arith.mulf %add3A_522, %add3A_522 : vector<16xf32>
          %add3A_530 = arith.addf %scan3A_417, %mul3A_529 : vector<16xf32>
          %get3A_531 = arith.index_cast %scan3A_404 : i32 to index
          %get3A_532 = arith.constant 80 : index
          %get3A_533 = tpu.vector_load %arg17[%get3A_531, %get3A_532] {strides = array<i32>} : memref<80x128xf32, #tpu.memory_space<vmem>>, vector<1x16xf32>,
          %get3A_534 = vector.shape_cast %get3A_533 : vector<1x16xf32> to vector<16xf32>
          %get3A_535 = arith.index_cast %scan3A_404 : i32 to index
          %get3A_536 = arith.constant 80 : index
          %get3A_537 = tpu.vector_load %arg13[%get3A_535, %get3A_536] {strides = array<i32>} : memref<80x128xf32, #tpu.memory_space<vmem>>, vector<1x16xf32>,
          %get3A_538 = vector.shape_cast %get3A_537 : vector<1x16xf32> to vector<16xf32>
          %add3A_539 = arith.addf %get3A_534, %get3A_538 : vector<16xf32>
          %get3A_540 = arith.index_cast %scan3A_404 : i32 to index
          %get3A_541 = arith.constant 80 : index
          %get3A_542 = tpu.vector_load %arg15[%get3A_540, %get3A_541] {strides = array<i32>} : memref<80x128xf32, #tpu.memory_space<vmem>>, vector<1x16xf32>,
          %get3A_543 = vector.shape_cast %get3A_542 : vector<1x16xf32> to vector<16xf32>
          %add3A_544 = arith.addf %add3A_539, %get3A_543 : vector<16xf32>
          %swap3A_545 = arith.index_cast %scan3A_404 : i32 to index
          %swap3A_546 = arith.constant 80 : index
          %swap3A_547 = tpu.vector_load %arg19[%swap3A_545, %swap3A_546] {strides = array<i32>} : memref<80x128xf32, #tpu.memory_space<vmem>>, vector<1x16xf32>,
          %swap3A_548 = vector.shape_cast %swap3A_547 : vector<1x16xf32> to vector<16xf32>
          %swap3A_549 = vector.shape_cast %add3A_544 : vector<16xf32> to vector<1x16xf32>
          tpu.vector_store %arg19[%swap3A_545, %swap3A_546], %swap3A_549 {strides = array<i32>} : memref<80x128xf32, #tpu.memory_space<vmem>>, vector<1x16xf32>,
          %add3A_550 = arith.addf %scan3A_410, %add3A_544 : vector<16xf32>
          %mul3A_551 = arith.mulf %add3A_544, %add3A_544 : vector<16xf32>
          %add3A_552 = arith.addf %scan3A_418, %mul3A_551 : vector<16xf32>
          %get3A_553 = arith.index_cast %scan3A_404 : i32 to index
          %get3A_554 = arith.constant 96 : index
          %get3A_555 = tpu.vector_load %arg17[%get3A_553, %get3A_554] {strides = array<i32>} : memref<80x128xf32, #tpu.memory_space<vmem>>, vector<1x16xf32>,
          %get3A_556 = vector.shape_cast %get3A_555 : vector<1x16xf32> to vector<16xf32>
          %get3A_557 = arith.index_cast %scan3A_404 : i32 to index
          %get3A_558 = arith.constant 96 : index
          %get3A_559 = tpu.vector_load %arg13[%get3A_557, %get3A_558] {strides = array<i32>} : memref<80x128xf32, #tpu.memory_space<vmem>>, vector<1x16xf32>,
          %get3A_560 = vector.shape_cast %get3A_559 : vector<1x16xf32> to vector<16xf32>
          %add3A_561 = arith.addf %get3A_556, %get3A_560 : vector<16xf32>
          %get3A_562 = arith.index_cast %scan3A_404 : i32 to index
          %get3A_563 = arith.constant 96 : index
          %get3A_564 = tpu.vector_load %arg15[%get3A_562, %get3A_563] {strides = array<i32>} : memref<80x128xf32, #tpu.memory_space<vmem>>, vector<1x16xf32>,
          %get3A_565 = vector.shape_cast %get3A_564 : vector<1x16xf32> to vector<16xf32>
          %add3A_566 = arith.addf %add3A_561, %get3A_565 : vector<16xf32>
          %swap3A_567 = arith.index_cast %scan3A_404 : i32 to index
          %swap3A_568 = arith.constant 96 : index
          %swap3A_569 = tpu.vector_load %arg19[%swap3A_567, %swap3A_568] {strides = array<i32>} : memref<80x128xf32, #tpu.memory_space<vmem>>, vector<1x16xf32>,
          %swap3A_570 = vector.shape_cast %swap3A_569 : vector<1x16xf32> to vector<16xf32>
          %swap3A_571 = vector.shape_cast %add3A_566 : vector<16xf32> to vector<1x16xf32>
          tpu.vector_store %arg19[%swap3A_567, %swap3A_568], %swap3A_571 {strides = array<i32>} : memref<80x128xf32, #tpu.memory_space<vmem>>, vector<1x16xf32>,
          %add3A_572 = arith.addf %scan3A_411, %add3A_566 : vector<16xf32>
          %mul3A_573 = arith.mulf %add3A_566, %add3A_566 : vector<16xf32>
          %add3A_574 = arith.addf %scan3A_419, %mul3A_573 : vector<16xf32>
          %get3A_575 = arith.index_cast %scan3A_404 : i32 to index
          %get3A_576 = arith.constant 112 : index
          %get3A_577 = tpu.vector_load %arg17[%get3A_575, %get3A_576] {strides = array<i32>} : memref<80x128xf32, #tpu.memory_space<vmem>>, vector<1x16xf32>,
          %get3A_578 = vector.shape_cast %get3A_577 : vector<1x16xf32> to vector<16xf32>
          %get3A_579 = arith.index_cast %scan3A_404 : i32 to index
          %get3A_580 = arith.constant 112 : index
          %get3A_581 = tpu.vector_load %arg13[%get3A_579, %get3A_580] {strides = array<i32>} : memref<80x128xf32, #tpu.memory_space<vmem>>, vector<1x16xf32>,
          %get3A_582 = vector.shape_cast %get3A_581 : vector<1x16xf32> to vector<16xf32>
          %add3A_583 = arith.addf %get3A_578, %get3A_582 : vector<16xf32>
          %get3A_584 = arith.index_cast %scan3A_404 : i32 to index
          %get3A_585 = arith.constant 112 : index
          %get3A_586 = tpu.vector_load %arg15[%get3A_584, %get3A_585] {strides = array<i32>} : memref<80x128xf32, #tpu.memory_space<vmem>>, vector<1x16xf32>,
          %get3A_587 = vector.shape_cast %get3A_586 : vector<1x16xf32> to vector<16xf32>
          %add3A_588 = arith.addf %add3A_583, %get3A_587 : vector<16xf32>
          %swap3A_589 = arith.index_cast %scan3A_404 : i32 to index
          %swap3A_590 = arith.constant 112 : index
          %swap3A_591 = tpu.vector_load %arg19[%swap3A_589, %swap3A_590] {strides = array<i32>} : memref<80x128xf32, #tpu.memory_space<vmem>>, vector<1x16xf32>,
          %swap3A_592 = vector.shape_cast %swap3A_591 : vector<1x16xf32> to vector<16xf32>
          %swap3A_593 = vector.shape_cast %add3A_588 : vector<16xf32> to vector<1x16xf32>
          tpu.vector_store %arg19[%swap3A_589, %swap3A_590], %swap3A_593 {strides = array<i32>} : memref<80x128xf32, #tpu.memory_space<vmem>>, vector<1x16xf32>,
          %add3A_594 = arith.addf %scan3A_412, %add3A_588 : vector<16xf32>
          %mul3A_595 = arith.mulf %add3A_588, %add3A_588 : vector<16xf32>
          %add3A_596 = arith.addf %scan3A_420, %mul3A_595 : vector<16xf32>
          scf.yield %add3A_440, %add3A_462, %add3A_484, %add3A_506, %add3A_528, %add3A_550, %add3A_572, %add3A_594, %add3A_442, %add3A_464, %add3A_486, %add3A_508, %add3A_530, %add3A_552, %add3A_574, %add3A_596 : vector<16xf32>, vector<16xf32>, vector<16xf32>, vector<16xf32>, vector<16xf32>, vector<16xf32>, vector<16xf32>, vector<16xf32>, vector<16xf32>, vector<16xf32>, vector<16xf32>, vector<16xf32>, vector<16xf32>, vector<16xf32>, vector<16xf32>, vector<16xf32>
        }
        %scan3A_198 = arith.constant 80 : i32
        %get3A = arith.constant 0 : i32
        %get3A_199 = arith.index_cast %get3A : i32 to index
        %get3A_200 = arith.constant 0 : index
        %get3A_201 = tpu.vector_load %arg21[%get3A_199, %get3A_200] {strides = array<i32>} : memref<2x128xf32, #tpu.memory_space<vmem>>, vector<1x16xf32>,
        %get3A_202 = vector.shape_cast %get3A_201 : vector<1x16xf32> to vector<16xf32>
        %add3A_203 = arith.addf %get3A_202, %scan3A_197#0 : vector<16xf32>
        %swap3A_204 = arith.constant 0 : i32
        %swap3A_205 = arith.index_cast %swap3A_204 : i32 to index
        %swap3A_206 = arith.constant 0 : index
        %swap3A_207 = tpu.vector_load %arg21[%swap3A_205, %swap3A_206] {strides = array<i32>} : memref<2x128xf32, #tpu.memory_space<vmem>>, vector<1x16xf32>,
        %swap3A_208 = vector.shape_cast %swap3A_207 : vector<1x16xf32> to vector<16xf32>
        %swap3A_209 = vector.shape_cast %add3A_203 : vector<16xf32> to vector<1x16xf32>
        tpu.vector_store %arg21[%swap3A_205, %swap3A_206], %swap3A_209 {strides = array<i32>} : memref<2x128xf32, #tpu.memory_space<vmem>>, vector<1x16xf32>,
        %get3A_210 = arith.constant 1 : i32
        %get3A_211 = arith.index_cast %get3A_210 : i32 to index
        %get3A_212 = arith.constant 0 : index
        %get3A_213 = tpu.vector_load %arg21[%get3A_211, %get3A_212] {strides = array<i32>} : memref<2x128xf32, #tpu.memory_space<vmem>>, vector<1x16xf32>,
        %get3A_214 = vector.shape_cast %get3A_213 : vector<1x16xf32> to vector<16xf32>
        %add3A_215 = arith.addf %get3A_214, %scan3A_197#8 : vector<16xf32>
        %swap3A_216 = arith.constant 1 : i32
        %swap3A_217 = arith.index_cast %swap3A_216 : i32 to index
        %swap3A_218 = arith.constant 0 : index
        %swap3A_219 = tpu.vector_load %arg21[%swap3A_217, %swap3A_218] {strides = array<i32>} : memref<2x128xf32, #tpu.memory_space<vmem>>, vector<1x16xf32>,
        %swap3A_220 = vector.shape_cast %swap3A_219 : vector<1x16xf32> to vector<16xf32>
        %swap3A_221 = vector.shape_cast %add3A_215 : vector<16xf32> to vector<1x16xf32>
        tpu.vector_store %arg21[%swap3A_217, %swap3A_218], %swap3A_221 {strides = array<i32>} : memref<2x128xf32, #tpu.memory_space<vmem>>, vector<1x16xf32>,
        %get3A_222 = arith.constant 0 : i32
        %get3A_223 = arith.index_cast %get3A_222 : i32 to index
        %get3A_224 = arith.constant 16 : index
        %get3A_225 = tpu.vector_load %arg21[%get3A_223, %get3A_224] {strides = array<i32>} : memref<2x128xf32, #tpu.memory_space<vmem>>, vector<1x16xf32>,
        %get3A_226 = vector.shape_cast %get3A_225 : vector<1x16xf32> to vector<16xf32>
        %add3A_227 = arith.addf %get3A_226, %scan3A_197#1 : vector<16xf32>
        %swap3A_228 = arith.constant 0 : i32
        %swap3A_229 = arith.index_cast %swap3A_228 : i32 to index
        %swap3A_230 = arith.constant 16 : index
        %swap3A_231 = tpu.vector_load %arg21[%swap3A_229, %swap3A_230] {strides = array<i32>} : memref<2x128xf32, #tpu.memory_space<vmem>>, vector<1x16xf32>,
        %swap3A_232 = vector.shape_cast %swap3A_231 : vector<1x16xf32> to vector<16xf32>
        %swap3A_233 = vector.shape_cast %add3A_227 : vector<16xf32> to vector<1x16xf32>
        tpu.vector_store %arg21[%swap3A_229, %swap3A_230], %swap3A_233 {strides = array<i32>} : memref<2x128xf32, #tpu.memory_space<vmem>>, vector<1x16xf32>,
        %get3A_234 = arith.constant 1 : i32
        %get3A_235 = arith.index_cast %get3A_234 : i32 to index
        %get3A_236 = arith.constant 16 : index
        %get3A_237 = tpu.vector_load %arg21[%get3A_235, %get3A_236] {strides = array<i32>} : memref<2x128xf32, #tpu.memory_space<vmem>>, vector<1x16xf32>,
        %get3A_238 = vector.shape_cast %get3A_237 : vector<1x16xf32> to vector<16xf32>
        %add3A_239 = arith.addf %get3A_238, %scan3A_197#9 : vector<16xf32>
        %swap3A_240 = arith.constant 1 : i32
        %swap3A_241 = arith.index_cast %swap3A_240 : i32 to index
        %swap3A_242 = arith.constant 16 : index
        %swap3A_243 = tpu.vector_load %arg21[%swap3A_241, %swap3A_242] {strides = array<i32>} : memref<2x128xf32, #tpu.memory_space<vmem>>, vector<1x16xf32>,
        %swap3A_244 = vector.shape_cast %swap3A_243 : vector<1x16xf32> to vector<16xf32>
        %swap3A_245 = vector.shape_cast %add3A_239 : vector<16xf32> to vector<1x16xf32>
        tpu.vector_store %arg21[%swap3A_241, %swap3A_242], %swap3A_245 {strides = array<i32>} : memref<2x128xf32, #tpu.memory_space<vmem>>, vector<1x16xf32>,
        %get3A_246 = arith.constant 0 : i32
        %get3A_247 = arith.index_cast %get3A_246 : i32 to index
        %get3A_248 = arith.constant 32 : index
        %get3A_249 = tpu.vector_load %arg21[%get3A_247, %get3A_248] {strides = array<i32>} : memref<2x128xf32, #tpu.memory_space<vmem>>, vector<1x16xf32>,
        %get3A_250 = vector.shape_cast %get3A_249 : vector<1x16xf32> to vector<16xf32>
        %add3A_251 = arith.addf %get3A_250, %scan3A_197#2 : vector<16xf32>
        %swap3A_252 = arith.constant 0 : i32
        %swap3A_253 = arith.index_cast %swap3A_252 : i32 to index
        %swap3A_254 = arith.constant 32 : index
        %swap3A_255 = tpu.vector_load %arg21[%swap3A_253, %swap3A_254] {strides = array<i32>} : memref<2x128xf32, #tpu.memory_space<vmem>>, vector<1x16xf32>,
        %swap3A_256 = vector.shape_cast %swap3A_255 : vector<1x16xf32> to vector<16xf32>
        %swap3A_257 = vector.shape_cast %add3A_251 : vector<16xf32> to vector<1x16xf32>
        tpu.vector_store %arg21[%swap3A_253, %swap3A_254], %swap3A_257 {strides = array<i32>} : memref<2x128xf32, #tpu.memory_space<vmem>>, vector<1x16xf32>,
        %get3A_258 = arith.constant 1 : i32
        %get3A_259 = arith.index_cast %get3A_258 : i32 to index
        %get3A_260 = arith.constant 32 : index
        %get3A_261 = tpu.vector_load %arg21[%get3A_259, %get3A_260] {strides = array<i32>} : memref<2x128xf32, #tpu.memory_space<vmem>>, vector<1x16xf32>,
        %get3A_262 = vector.shape_cast %get3A_261 : vector<1x16xf32> to vector<16xf32>
        %add3A_263 = arith.addf %get3A_262, %scan3A_197#10 : vector<16xf32>
        %swap3A_264 = arith.constant 1 : i32
        %swap3A_265 = arith.index_cast %swap3A_264 : i32 to index
        %swap3A_266 = arith.constant 32 : index
        %swap3A_267 = tpu.vector_load %arg21[%swap3A_265, %swap3A_266] {strides = array<i32>} : memref<2x128xf32, #tpu.memory_space<vmem>>, vector<1x16xf32>,
        %swap3A_268 = vector.shape_cast %swap3A_267 : vector<1x16xf32> to vector<16xf32>
        %swap3A_269 = vector.shape_cast %add3A_263 : vector<16xf32> to vector<1x16xf32>
        tpu.vector_store %arg21[%swap3A_265, %swap3A_266], %swap3A_269 {strides = array<i32>} : memref<2x128xf32, #tpu.memory_space<vmem>>, vector<1x16xf32>,
        %get3A_270 = arith.constant 0 : i32
        %get3A_271 = arith.index_cast %get3A_270 : i32 to index
        %get3A_272 = arith.constant 48 : index
        %get3A_273 = tpu.vector_load %arg21[%get3A_271, %get3A_272] {strides = array<i32>} : memref<2x128xf32, #tpu.memory_space<vmem>>, vector<1x16xf32>,
        %get3A_274 = vector.shape_cast %get3A_273 : vector<1x16xf32> to vector<16xf32>
        %add3A_275 = arith.addf %get3A_274, %scan3A_197#3 : vector<16xf32>
        %swap3A_276 = arith.constant 0 : i32
        %swap3A_277 = arith.index_cast %swap3A_276 : i32 to index
        %swap3A_278 = arith.constant 48 : index
        %swap3A_279 = tpu.vector_load %arg21[%swap3A_277, %swap3A_278] {strides = array<i32>} : memref<2x128xf32, #tpu.memory_space<vmem>>, vector<1x16xf32>,
        %swap3A_280 = vector.shape_cast %swap3A_279 : vector<1x16xf32> to vector<16xf32>
        %swap3A_281 = vector.shape_cast %add3A_275 : vector<16xf32> to vector<1x16xf32>
        tpu.vector_store %arg21[%swap3A_277, %swap3A_278], %swap3A_281 {strides = array<i32>} : memref<2x128xf32, #tpu.memory_space<vmem>>, vector<1x16xf32>,
        %get3A_282 = arith.constant 1 : i32
        %get3A_283 = arith.index_cast %get3A_282 : i32 to index
        %get3A_284 = arith.constant 48 : index
        %get3A_285 = tpu.vector_load %arg21[%get3A_283, %get3A_284] {strides = array<i32>} : memref<2x128xf32, #tpu.memory_space<vmem>>, vector<1x16xf32>,
        %get3A_286 = vector.shape_cast %get3A_285 : vector<1x16xf32> to vector<16xf32>
        %add3A_287 = arith.addf %get3A_286, %scan3A_197#11 : vector<16xf32>
        %swap3A_288 = arith.constant 1 : i32
        %swap3A_289 = arith.index_cast %swap3A_288 : i32 to index
        %swap3A_290 = arith.constant 48 : index
        %swap3A_291 = tpu.vector_load %arg21[%swap3A_289, %swap3A_290] {strides = array<i32>} : memref<2x128xf32, #tpu.memory_space<vmem>>, vector<1x16xf32>,
        %swap3A_292 = vector.shape_cast %swap3A_291 : vector<1x16xf32> to vector<16xf32>
        %swap3A_293 = vector.shape_cast %add3A_287 : vector<16xf32> to vector<1x16xf32>
        tpu.vector_store %arg21[%swap3A_289, %swap3A_290], %swap3A_293 {strides = array<i32>} : memref<2x128xf32, #tpu.memory_space<vmem>>, vector<1x16xf32>,
        %get3A_294 = arith.constant 0 : i32
        %get3A_295 = arith.index_cast %get3A_294 : i32 to index
        %get3A_296 = arith.constant 64 : index
        %get3A_297 = tpu.vector_load %arg21[%get3A_295, %get3A_296] {strides = array<i32>} : memref<2x128xf32, #tpu.memory_space<vmem>>, vector<1x16xf32>,
        %get3A_298 = vector.shape_cast %get3A_297 : vector<1x16xf32> to vector<16xf32>
        %add3A_299 = arith.addf %get3A_298, %scan3A_197#4 : vector<16xf32>
        %swap3A_300 = arith.constant 0 : i32
        %swap3A_301 = arith.index_cast %swap3A_300 : i32 to index
        %swap3A_302 = arith.constant 64 : index
        %swap3A_303 = tpu.vector_load %arg21[%swap3A_301, %swap3A_302] {strides = array<i32>} : memref<2x128xf32, #tpu.memory_space<vmem>>, vector<1x16xf32>,
        %swap3A_304 = vector.shape_cast %swap3A_303 : vector<1x16xf32> to vector<16xf32>
        %swap3A_305 = vector.shape_cast %add3A_299 : vector<16xf32> to vector<1x16xf32>
        tpu.vector_store %arg21[%swap3A_301, %swap3A_302], %swap3A_305 {strides = array<i32>} : memref<2x128xf32, #tpu.memory_space<vmem>>, vector<1x16xf32>,
        %get3A_306 = arith.constant 1 : i32
        %get3A_307 = arith.index_cast %get3A_306 : i32 to index
        %get3A_308 = arith.constant 64 : index
        %get3A_309 = tpu.vector_load %arg21[%get3A_307, %get3A_308] {strides = array<i32>} : memref<2x128xf32, #tpu.memory_space<vmem>>, vector<1x16xf32>,
        %get3A_310 = vector.shape_cast %get3A_309 : vector<1x16xf32> to vector<16xf32>
        %add3A_311 = arith.addf %get3A_310, %scan3A_197#12 : vector<16xf32>
        %swap3A_312 = arith.constant 1 : i32
        %swap3A_313 = arith.index_cast %swap3A_312 : i32 to index
        %swap3A_314 = arith.constant 64 : index
        %swap3A_315 = tpu.vector_load %arg21[%swap3A_313, %swap3A_314] {strides = array<i32>} : memref<2x128xf32, #tpu.memory_space<vmem>>, vector<1x16xf32>,
        %swap3A_316 = vector.shape_cast %swap3A_315 : vector<1x16xf32> to vector<16xf32>
        %swap3A_317 = vector.shape_cast %add3A_311 : vector<16xf32> to vector<1x16xf32>
        tpu.vector_store %arg21[%swap3A_313, %swap3A_314], %swap3A_317 {strides = array<i32>} : memref<2x128xf32, #tpu.memory_space<vmem>>, vector<1x16xf32>,
        %get3A_318 = arith.constant 0 : i32
        %get3A_319 = arith.index_cast %get3A_318 : i32 to index
        %get3A_320 = arith.constant 80 : index
        %get3A_321 = tpu.vector_load %arg21[%get3A_319, %get3A_320] {strides = array<i32>} : memref<2x128xf32, #tpu.memory_space<vmem>>, vector<1x16xf32>,
        %get3A_322 = vector.shape_cast %get3A_321 : vector<1x16xf32> to vector<16xf32>
        %add3A_323 = arith.addf %get3A_322, %scan3A_197#5 : vector<16xf32>
        %swap3A_324 = arith.constant 0 : i32
        %swap3A_325 = arith.index_cast %swap3A_324 : i32 to index
        %swap3A_326 = arith.constant 80 : index
        %swap3A_327 = tpu.vector_load %arg21[%swap3A_325, %swap3A_326] {strides = array<i32>} : memref<2x128xf32, #tpu.memory_space<vmem>>, vector<1x16xf32>,
        %swap3A_328 = vector.shape_cast %swap3A_327 : vector<1x16xf32> to vector<16xf32>
        %swap3A_329 = vector.shape_cast %add3A_323 : vector<16xf32> to vector<1x16xf32>
        tpu.vector_store %arg21[%swap3A_325, %swap3A_326], %swap3A_329 {strides = array<i32>} : memref<2x128xf32, #tpu.memory_space<vmem>>, vector<1x16xf32>,
        %get3A_330 = arith.constant 1 : i32
        %get3A_331 = arith.index_cast %get3A_330 : i32 to index
        %get3A_332 = arith.constant 80 : index
        %get3A_333 = tpu.vector_load %arg21[%get3A_331, %get3A_332] {strides = array<i32>} : memref<2x128xf32, #tpu.memory_space<vmem>>, vector<1x16xf32>,
        %get3A_334 = vector.shape_cast %get3A_333 : vector<1x16xf32> to vector<16xf32>
        %add3A_335 = arith.addf %get3A_334, %scan3A_197#13 : vector<16xf32>
        %swap3A_336 = arith.constant 1 : i32
        %swap3A_337 = arith.index_cast %swap3A_336 : i32 to index
        %swap3A_338 = arith.constant 80 : index
        %swap3A_339 = tpu.vector_load %arg21[%swap3A_337, %swap3A_338] {strides = array<i32>} : memref<2x128xf32, #tpu.memory_space<vmem>>, vector<1x16xf32>,
        %swap3A_340 = vector.shape_cast %swap3A_339 : vector<1x16xf32> to vector<16xf32>
        %swap3A_341 = vector.shape_cast %add3A_335 : vector<16xf32> to vector<1x16xf32>
        tpu.vector_store %arg21[%swap3A_337, %swap3A_338], %swap3A_341 {strides = array<i32>} : memref<2x128xf32, #tpu.memory_space<vmem>>, vector<1x16xf32>,
        %get3A_342 = arith.constant 0 : i32
        %get3A_343 = arith.index_cast %get3A_342 : i32 to index
        %get3A_344 = arith.constant 96 : index
        %get3A_345 = tpu.vector_load %arg21[%get3A_343, %get3A_344] {strides = array<i32>} : memref<2x128xf32, #tpu.memory_space<vmem>>, vector<1x16xf32>,
        %get3A_346 = vector.shape_cast %get3A_345 : vector<1x16xf32> to vector<16xf32>
        %add3A_347 = arith.addf %get3A_346, %scan3A_197#6 : vector<16xf32>
        %swap3A_348 = arith.constant 0 : i32
        %swap3A_349 = arith.index_cast %swap3A_348 : i32 to index
        %swap3A_350 = arith.constant 96 : index
        %swap3A_351 = tpu.vector_load %arg21[%swap3A_349, %swap3A_350] {strides = array<i32>} : memref<2x128xf32, #tpu.memory_space<vmem>>, vector<1x16xf32>,
        %swap3A_352 = vector.shape_cast %swap3A_351 : vector<1x16xf32> to vector<16xf32>
        %swap3A_353 = vector.shape_cast %add3A_347 : vector<16xf32> to vector<1x16xf32>
        tpu.vector_store %arg21[%swap3A_349, %swap3A_350], %swap3A_353 {strides = array<i32>} : memref<2x128xf32, #tpu.memory_space<vmem>>, vector<1x16xf32>,
        %get3A_354 = arith.constant 1 : i32
        %get3A_355 = arith.index_cast %get3A_354 : i32 to index
        %get3A_356 = arith.constant 96 : index
        %get3A_357 = tpu.vector_load %arg21[%get3A_355, %get3A_356] {strides = array<i32>} : memref<2x128xf32, #tpu.memory_space<vmem>>, vector<1x16xf32>,
        %get3A_358 = vector.shape_cast %get3A_357 : vector<1x16xf32> to vector<16xf32>
        %add3A_359 = arith.addf %get3A_358, %scan3A_197#14 : vector<16xf32>
        %swap3A_360 = arith.constant 1 : i32
        %swap3A_361 = arith.index_cast %swap3A_360 : i32 to index
        %swap3A_362 = arith.constant 96 : index
        %swap3A_363 = tpu.vector_load %arg21[%swap3A_361, %swap3A_362] {strides = array<i32>} : memref<2x128xf32, #tpu.memory_space<vmem>>, vector<1x16xf32>,
        %swap3A_364 = vector.shape_cast %swap3A_363 : vector<1x16xf32> to vector<16xf32>
        %swap3A_365 = vector.shape_cast %add3A_359 : vector<16xf32> to vector<1x16xf32>
        tpu.vector_store %arg21[%swap3A_361, %swap3A_362], %swap3A_365 {strides = array<i32>} : memref<2x128xf32, #tpu.memory_space<vmem>>, vector<1x16xf32>,
        %get3A_366 = arith.constant 0 : i32
        %get3A_367 = arith.index_cast %get3A_366 : i32 to index
        %get3A_368 = arith.constant 112 : index
        %get3A_369 = tpu.vector_load %arg21[%get3A_367, %get3A_368] {strides = array<i32>} : memref<2x128xf32, #tpu.memory_space<vmem>>, vector<1x16xf32>,
        %get3A_370 = vector.shape_cast %get3A_369 : vector<1x16xf32> to vector<16xf32>
        %add3A_371 = arith.addf %get3A_370, %scan3A_197#7 : vector<16xf32>
        %swap3A_372 = arith.constant 0 : i32
        %swap3A_373 = arith.index_cast %swap3A_372 : i32 to index
        %swap3A_374 = arith.constant 112 : index
        %swap3A_375 = tpu.vector_load %arg21[%swap3A_373, %swap3A_374] {strides = array<i32>} : memref<2x128xf32, #tpu.memory_space<vmem>>, vector<1x16xf32>,
        %swap3A_376 = vector.shape_cast %swap3A_375 : vector<1x16xf32> to vector<16xf32>
        %swap3A_377 = vector.shape_cast %add3A_371 : vector<16xf32> to vector<1x16xf32>
        tpu.vector_store %arg21[%swap3A_373, %swap3A_374], %swap3A_377 {strides = array<i32>} : memref<2x128xf32, #tpu.memory_space<vmem>>, vector<1x16xf32>,
        %get3A_378 = arith.constant 1 : i32
        %get3A_379 = arith.index_cast %get3A_378 : i32 to index
        %get3A_380 = arith.constant 112 : index
        %get3A_381 = tpu.vector_load %arg21[%get3A_379, %get3A_380] {strides = array<i32>} : memref<2x128xf32, #tpu.memory_space<vmem>>, vector<1x16xf32>,
        %get3A_382 = vector.shape_cast %get3A_381 : vector<1x16xf32> to vector<16xf32>
        %add3A_383 = arith.addf %get3A_382, %scan3A_197#15 : vector<16xf32>
        %swap3A_384 = arith.constant 1 : i32
        %swap3A_385 = arith.index_cast %swap3A_384 : i32 to index
        %swap3A_386 = arith.constant 112 : index
        %swap3A_387 = tpu.vector_load %arg21[%swap3A_385, %swap3A_386] {strides = array<i32>} : memref<2x128xf32, #tpu.memory_space<vmem>>, vector<1x16xf32>,
        %swap3A_388 = vector.shape_cast %swap3A_387 : vector<1x16xf32> to vector<16xf32>
        %swap3A_389 = vector.shape_cast %add3A_383 : vector<16xf32> to vector<1x16xf32>
        tpu.vector_store %arg21[%swap3A_385, %swap3A_386], %swap3A_389 {strides = array<i32>} : memref<2x128xf32, #tpu.memory_space<vmem>>, vector<1x16xf32>,
        %mul3A_390 = arith.constant 80 : i32
        %mul3A_391 = arith.muli %add3A_152, %mul3A_390 : i32
        %add3A_392 = arith.addi %mul3A_2, %mul3A_391 : i32
        %dma_start3A_393 = arith.constant 0 : i32
        %dma_start3A_394 = tpu.memref_slice %arg7[%add3A_392, %dma_start3A_393] : memref<320000x128xf32, #tpu.memory_space<hbm>> -> memref<80x128xf32, #tpu.memory_space<hbm>>
        %dma_start3A_395 = arith.constant 0 : i32
        %dma_start3A_396 = tpu.memref_slice %arg7[%add3A_392, %dma_start3A_395] : memref<320000x128xf32, #tpu.memory_space<hbm>> -> memref<80x128xf32, #tpu.memory_space<hbm>>
        tpu.enqueue_dma source(%arg19 : memref<80x128xf32, #tpu.memory_space<vmem>>) target(%dma_start3A_396 : memref<80x128xf32, #tpu.memory_space<hbm>>) target_semaphore(%arg32 : memref<!tpu.dma_semaphore, #tpu.memory_space<semaphore_mem>>)
        %add3A_397 = arith.constant 2 : i32
        %add3A_398 = arith.addi %add3A_152, %add3A_397 : i32
        %lt3A_399 = arith.constant 125 : i32
        %lt3A_400 = arith.cmpi slt, %add3A_398, %lt3A_399 : i32
        %convert_element_type3A_401 = arith.extui %lt3A_400 : i1 to i32
        %cond3A_402 = arith.constant 0 : i32
        %cond3A_403 = arith.cmpi ne, %convert_element_type3A_401, %cond3A_402 : i32
        scf.if %cond3A_403 {
          %add3A_404 = arith.constant 2 : i32
          %add3A_405 = arith.addi %add3A_152, %add3A_404 : i32
          %mul3A_406 = arith.constant 80 : i32
          %mul3A_407 = arith.muli %add3A_405, %mul3A_406 : i32
          %add3A_408 = arith.addi %mul3A_2, %mul3A_407 : i32
          %dma_start3A_409 = tpu.memref_slice %arg3[%add3A_408] : memref<320000xi32, #tpu.memory_space<hbm>> -> memref<80xi32, #tpu.memory_space<hbm>>
          %dma_start3A_410 = tpu.memref_slice %arg3[%add3A_408] : memref<320000xi32, #tpu.memory_space<hbm>> -> memref<80xi32, #tpu.memory_space<hbm>>
          tpu.enqueue_dma source(%dma_start3A_410 : memref<80xi32, #tpu.memory_space<hbm>>) target(%arg9 : memref<80xi32, #tpu.memory_space<vmem>>) target_semaphore(%arg22 : memref<!tpu.dma_semaphore, #tpu.memory_space<semaphore_mem>>)
          %dma_start3A_411 = tpu.memref_slice %arg4[%add3A_408] : memref<320000xi32, #tpu.memory_space<hbm>> -> memref<80xi32, #tpu.memory_space<hbm>>
          %dma_start3A_412 = tpu.memref_slice %arg4[%add3A_408] : memref<320000xi32, #tpu.memory_space<hbm>> -> memref<80xi32, #tpu.memory_space<hbm>>
          tpu.enqueue_dma source(%dma_start3A_412 : memref<80xi32, #tpu.memory_space<hbm>>) target(%arg11 : memref<80xi32, #tpu.memory_space<vmem>>) target_semaphore(%arg24 : memref<!tpu.dma_semaphore, #tpu.memory_space<semaphore_mem>>)
          %dma_start3A_413 = arith.constant 0 : i32
          %dma_start3A_414 = tpu.memref_slice %arg2[%add3A_408, %dma_start3A_413] : memref<320000x128xf32, #tpu.memory_space<hbm>> -> memref<80x128xf32, #tpu.memory_space<hbm>>
          %dma_start3A_415 = arith.constant 0 : i32
          %dma_start3A_416 = tpu.memref_slice %arg2[%add3A_408, %dma_start3A_415] : memref<320000x128xf32, #tpu.memory_space<hbm>> -> memref<80x128xf32, #tpu.memory_space<hbm>>
          tpu.enqueue_dma source(%dma_start3A_416 : memref<80x128xf32, #tpu.memory_space<hbm>>) target(%arg17 : memref<80x128xf32, #tpu.memory_space<vmem>>) target_semaphore(%arg26 : memref<!tpu.dma_semaphore, #tpu.memory_space<semaphore_mem>>)
        } else {
        }
      } else {
      }
      %mul3A_155 = arith.constant 2 : i32
      %mul3A_156 = arith.muli %mul3A_155, %scan3A_148 : i32
      %add3A_157 = arith.constant 1 : i32
      %add3A_158 = arith.addi %mul3A_156, %add3A_157 : i32
      %lt3A_159 = arith.constant 125 : i32
      %lt3A_160 = arith.cmpi slt, %add3A_158, %lt3A_159 : i32
      %convert_element_type3A_161 = arith.extui %lt3A_160 : i1 to i32
      %cond3A_162 = arith.constant 0 : i32
      %cond3A_163 = arith.cmpi ne, %convert_element_type3A_161, %cond3A_162 : i32
      scf.if %cond3A_163 {
        %add3A_164 = arith.constant 1 : i32
        %add3A_165 = arith.addi %add3A_158, %add3A_164 : i32
        %lt3A_166 = arith.constant 125 : i32
        %lt3A_167 = arith.cmpi slt, %add3A_165, %lt3A_166 : i32
        %convert_element_type3A_168 = arith.extui %lt3A_167 : i1 to i32
        %cond3A_169 = arith.constant 0 : i32
        %cond3A_170 = arith.cmpi ne, %convert_element_type3A_168, %cond3A_169 : i32
        scf.if %cond3A_170 {
          %dma_wait3A_404 = arith.constant 0 : i32
          %dma_wait3A_405 = tpu.memref_slice %arg3[%dma_wait3A_404] : memref<320000xi32, #tpu.memory_space<hbm>> -> memref<80xi32, #tpu.memory_space<hbm>>
          %dma_wait3A_406 = arith.constant 0 : i32
          %dma_wait3A_407 = tpu.memref_slice %arg3[%dma_wait3A_406] : memref<320000xi32, #tpu.memory_space<hbm>> -> memref<80xi32, #tpu.memory_space<hbm>>
          tpu.wait_dma2 semaphore(%arg22 : memref<!tpu.dma_semaphore, #tpu.memory_space<semaphore_mem>>) src(%dma_wait3A_407 : memref<80xi32, #tpu.memory_space<hbm>>) dst(%arg9 : memref<80xi32, #tpu.memory_space<vmem>>)
          %dma_wait3A_408 = arith.constant 0 : i32
          %dma_wait3A_409 = tpu.memref_slice %arg4[%dma_wait3A_408] : memref<320000xi32, #tpu.memory_space<hbm>> -> memref<80xi32, #tpu.memory_space<hbm>>
          %dma_wait3A_410 = arith.constant 0 : i32
          %dma_wait3A_411 = tpu.memref_slice %arg4[%dma_wait3A_410] : memref<320000xi32, #tpu.memory_space<hbm>> -> memref<80xi32, #tpu.memory_space<hbm>>
          tpu.wait_dma2 semaphore(%arg24 : memref<!tpu.dma_semaphore, #tpu.memory_space<semaphore_mem>>) src(%dma_wait3A_411 : memref<80xi32, #tpu.memory_space<hbm>>) dst(%arg11 : memref<80xi32, #tpu.memory_space<vmem>>)
          %dma_start3A_412 = arith.constant 0 : i32
          %dma_start3A_413 = arith.constant 0 : i32
          %dma_start3A_414 = tpu.memref_slice %arg5[%dma_start3A_412, %dma_start3A_413] : memref<10000x128xf32, #tpu.memory_space<hbm>> -> memref<10000x128xf32, #tpu.memory_space<hbm>>
          tpu.enqueue_indirect_dma source(%dma_start3A_414 : memref<10000x128xf32, #tpu.memory_space<hbm>>) target(%arg13 : memref<80x128xf32, #tpu.memory_space<vmem>>) offsets(%arg9 : memref<80xi32, #tpu.memory_space<vmem>>) semaphore(%arg28 : memref<!tpu.dma_semaphore, #tpu.memory_space<semaphore_mem>>)
          %dma_start3A_415 = arith.constant 0 : i32
          %dma_start3A_416 = arith.constant 0 : i32
          %dma_start3A_417 = tpu.memref_slice %arg6[%dma_start3A_415, %dma_start3A_416] : memref<10000x128xf32, #tpu.memory_space<hbm>> -> memref<10000x128xf32, #tpu.memory_space<hbm>>
          tpu.enqueue_indirect_dma source(%dma_start3A_417 : memref<10000x128xf32, #tpu.memory_space<hbm>>) target(%arg15 : memref<80x128xf32, #tpu.memory_space<vmem>>) offsets(%arg11 : memref<80xi32, #tpu.memory_space<vmem>>) semaphore(%arg30 : memref<!tpu.dma_semaphore, #tpu.memory_space<semaphore_mem>>)
        } else {
        }
        %ge3A = arith.constant 2 : i32
        %ge3A_171 = arith.cmpi sge, %add3A_158, %ge3A : i32
        %convert_element_type3A_172 = arith.extui %ge3A_171 : i1 to i32
        %cond3A_173 = arith.constant 0 : i32
        %cond3A_174 = arith.cmpi ne, %convert_element_type3A_172, %cond3A_173 : i32
        scf.if %cond3A_174 {
          %dma_wait3A_404 = arith.constant 0 : i32
          %dma_wait3A_405 = arith.constant 0 : i32
          %dma_wait3A_406 = tpu.memref_slice %arg7[%dma_wait3A_404, %dma_wait3A_405] : memref<320000x128xf32, #tpu.memory_space<hbm>> -> memref<80x128xf32, #tpu.memory_space<hbm>>
          %dma_wait3A_407 = arith.constant 0 : i32
          %dma_wait3A_408 = arith.constant 0 : i32
          %dma_wait3A_409 = tpu.memref_slice %arg7[%dma_wait3A_407, %dma_wait3A_408] : memref<320000x128xf32, #tpu.memory_space<hbm>> -> memref<80x128xf32, #tpu.memory_space<hbm>>
          tpu.wait_dma2 semaphore(%arg33 : memref<!tpu.dma_semaphore, #tpu.memory_space<semaphore_mem>>) src(%arg20 : memref<80x128xf32, #tpu.memory_space<vmem>>) dst(%dma_wait3A_409 : memref<80x128xf32, #tpu.memory_space<hbm>>)
        } else {
        }
        %dma_wait3A_175 = arith.constant 0 : i32
        %dma_wait3A_176 = arith.constant 0 : i32
        %dma_wait3A_177 = tpu.memref_slice %arg2[%dma_wait3A_175, %dma_wait3A_176] : memref<320000x128xf32, #tpu.memory_space<hbm>> -> memref<80x128xf32, #tpu.memory_space<hbm>>
        %dma_wait3A_178 = arith.constant 0 : i32
        %dma_wait3A_179 = arith.constant 0 : i32
        %dma_wait3A_180 = tpu.memref_slice %arg2[%dma_wait3A_178, %dma_wait3A_179] : memref<320000x128xf32, #tpu.memory_space<hbm>> -> memref<80x128xf32, #tpu.memory_space<hbm>>
        tpu.wait_dma2 semaphore(%arg27 : memref<!tpu.dma_semaphore, #tpu.memory_space<semaphore_mem>>) src(%dma_wait3A_180 : memref<80x128xf32, #tpu.memory_space<hbm>>) dst(%arg18 : memref<80x128xf32, #tpu.memory_space<vmem>>)
        %dma_wait3A_181 = arith.constant 0 : i32
        %dma_wait3A_182 = arith.constant 0 : i32
        %dma_wait3A_183 = tpu.memref_slice %arg2[%dma_wait3A_181, %dma_wait3A_182] : memref<320000x128xf32, #tpu.memory_space<hbm>> -> memref<80x128xf32, #tpu.memory_space<hbm>>
        %dma_wait3A_184 = arith.constant 0 : i32
        %dma_wait3A_185 = arith.constant 0 : i32
        %dma_wait3A_186 = tpu.memref_slice %arg2[%dma_wait3A_184, %dma_wait3A_185] : memref<320000x128xf32, #tpu.memory_space<hbm>> -> memref<80x128xf32, #tpu.memory_space<hbm>>
        tpu.wait_dma2 semaphore(%arg29 : memref<!tpu.dma_semaphore, #tpu.memory_space<semaphore_mem>>) src(%dma_wait3A_186 : memref<80x128xf32, #tpu.memory_space<hbm>>) dst(%arg14 : memref<80x128xf32, #tpu.memory_space<vmem>>)
        %dma_wait3A_187 = arith.constant 0 : i32
        %dma_wait3A_188 = arith.constant 0 : i32
        %dma_wait3A_189 = tpu.memref_slice %arg2[%dma_wait3A_187, %dma_wait3A_188] : memref<320000x128xf32, #tpu.memory_space<hbm>> -> memref<80x128xf32, #tpu.memory_space<hbm>>
        %dma_wait3A_190 = arith.constant 0 : i32
        %dma_wait3A_191 = arith.constant 0 : i32
        %dma_wait3A_192 = tpu.memref_slice %arg2[%dma_wait3A_190, %dma_wait3A_191] : memref<320000x128xf32, #tpu.memory_space<hbm>> -> memref<80x128xf32, #tpu.memory_space<hbm>>
        tpu.wait_dma2 semaphore(%arg31 : memref<!tpu.dma_semaphore, #tpu.memory_space<semaphore_mem>>) src(%dma_wait3A_192 : memref<80x128xf32, #tpu.memory_space<hbm>>) dst(%arg16 : memref<80x128xf32, #tpu.memory_space<vmem>>)
        %scan3A_193 = arith.constant 0 : i32
        %scan3A_194 = arith.constant 80 : i32
        %scan3A_195 = arith.addi %scan3A_193, %scan3A_194 : i32
        %scan3A_196 = arith.constant 1 : i32
        %scan3A_197:16 = scf.for %scan3A_404 = %scan3A_193 to %scan3A_195 step %scan3A_196 iter_args(%scan3A_405 = %broadcast_in_dim3A_3, %scan3A_406 = %broadcast_in_dim3A_3, %scan3A_407 = %broadcast_in_dim3A_3, %scan3A_408 = %broadcast_in_dim3A_3, %scan3A_409 = %broadcast_in_dim3A_3, %scan3A_410 = %broadcast_in_dim3A_3, %scan3A_411 = %broadcast_in_dim3A_3, %scan3A_412 = %broadcast_in_dim3A_3, %scan3A_413 = %broadcast_in_dim3A_3, %scan3A_414 = %broadcast_in_dim3A_3, %scan3A_415 = %broadcast_in_dim3A_3, %scan3A_416 = %broadcast_in_dim3A_3, %scan3A_417 = %broadcast_in_dim3A_3, %scan3A_418 = %broadcast_in_dim3A_3, %scan3A_419 = %broadcast_in_dim3A_3, %scan3A_420 = %broadcast_in_dim3A_3) -> (vector<16xf32>, vector<16xf32>, vector<16xf32>, vector<16xf32>, vector<16xf32>, vector<16xf32>, vector<16xf32>, vector<16xf32>, vector<16xf32>, vector<16xf32>, vector<16xf32>, vector<16xf32>, vector<16xf32>, vector<16xf32>, vector<16xf32>, vector<16xf32>)  : i32 {
          %get3A_421 = arith.index_cast %scan3A_404 : i32 to index
          %get3A_422 = arith.constant 0 : index
          %get3A_423 = tpu.vector_load %arg18[%get3A_421, %get3A_422] {strides = array<i32>} : memref<80x128xf32, #tpu.memory_space<vmem>>, vector<1x16xf32>,
          %get3A_424 = vector.shape_cast %get3A_423 : vector<1x16xf32> to vector<16xf32>
          %get3A_425 = arith.index_cast %scan3A_404 : i32 to index
          %get3A_426 = arith.constant 0 : index
          %get3A_427 = tpu.vector_load %arg14[%get3A_425, %get3A_426] {strides = array<i32>} : memref<80x128xf32, #tpu.memory_space<vmem>>, vector<1x16xf32>,
          %get3A_428 = vector.shape_cast %get3A_427 : vector<1x16xf32> to vector<16xf32>
          %add3A_429 = arith.addf %get3A_424, %get3A_428 : vector<16xf32>
          %get3A_430 = arith.index_cast %scan3A_404 : i32 to index
          %get3A_431 = arith.constant 0 : index
          %get3A_432 = tpu.vector_load %arg16[%get3A_430, %get3A_431] {strides = array<i32>} : memref<80x128xf32, #tpu.memory_space<vmem>>, vector<1x16xf32>,
          %get3A_433 = vector.shape_cast %get3A_432 : vector<1x16xf32> to vector<16xf32>
          %add3A_434 = arith.addf %add3A_429, %get3A_433 : vector<16xf32>
          %swap3A_435 = arith.index_cast %scan3A_404 : i32 to index
          %swap3A_436 = arith.constant 0 : index
          %swap3A_437 = tpu.vector_load %arg20[%swap3A_435, %swap3A_436] {strides = array<i32>} : memref<80x128xf32, #tpu.memory_space<vmem>>, vector<1x16xf32>,
          %swap3A_438 = vector.shape_cast %swap3A_437 : vector<1x16xf32> to vector<16xf32>
          %swap3A_439 = vector.shape_cast %add3A_434 : vector<16xf32> to vector<1x16xf32>
          tpu.vector_store %arg20[%swap3A_435, %swap3A_436], %swap3A_439 {strides = array<i32>} : memref<80x128xf32, #tpu.memory_space<vmem>>, vector<1x16xf32>,
          %add3A_440 = arith.addf %scan3A_405, %add3A_434 : vector<16xf32>
          %mul3A_441 = arith.mulf %add3A_434, %add3A_434 : vector<16xf32>
          %add3A_442 = arith.addf %scan3A_413, %mul3A_441 : vector<16xf32>
          %get3A_443 = arith.index_cast %scan3A_404 : i32 to index
          %get3A_444 = arith.constant 16 : index
          %get3A_445 = tpu.vector_load %arg18[%get3A_443, %get3A_444] {strides = array<i32>} : memref<80x128xf32, #tpu.memory_space<vmem>>, vector<1x16xf32>,
          %get3A_446 = vector.shape_cast %get3A_445 : vector<1x16xf32> to vector<16xf32>
          %get3A_447 = arith.index_cast %scan3A_404 : i32 to index
          %get3A_448 = arith.constant 16 : index
          %get3A_449 = tpu.vector_load %arg14[%get3A_447, %get3A_448] {strides = array<i32>} : memref<80x128xf32, #tpu.memory_space<vmem>>, vector<1x16xf32>,
          %get3A_450 = vector.shape_cast %get3A_449 : vector<1x16xf32> to vector<16xf32>
          %add3A_451 = arith.addf %get3A_446, %get3A_450 : vector<16xf32>
          %get3A_452 = arith.index_cast %scan3A_404 : i32 to index
          %get3A_453 = arith.constant 16 : index
          %get3A_454 = tpu.vector_load %arg16[%get3A_452, %get3A_453] {strides = array<i32>} : memref<80x128xf32, #tpu.memory_space<vmem>>, vector<1x16xf32>,
          %get3A_455 = vector.shape_cast %get3A_454 : vector<1x16xf32> to vector<16xf32>
          %add3A_456 = arith.addf %add3A_451, %get3A_455 : vector<16xf32>
          %swap3A_457 = arith.index_cast %scan3A_404 : i32 to index
          %swap3A_458 = arith.constant 16 : index
          %swap3A_459 = tpu.vector_load %arg20[%swap3A_457, %swap3A_458] {strides = array<i32>} : memref<80x128xf32, #tpu.memory_space<vmem>>, vector<1x16xf32>,
          %swap3A_460 = vector.shape_cast %swap3A_459 : vector<1x16xf32> to vector<16xf32>
          %swap3A_461 = vector.shape_cast %add3A_456 : vector<16xf32> to vector<1x16xf32>
          tpu.vector_store %arg20[%swap3A_457, %swap3A_458], %swap3A_461 {strides = array<i32>} : memref<80x128xf32, #tpu.memory_space<vmem>>, vector<1x16xf32>,
          %add3A_462 = arith.addf %scan3A_406, %add3A_456 : vector<16xf32>
          %mul3A_463 = arith.mulf %add3A_456, %add3A_456 : vector<16xf32>
          %add3A_464 = arith.addf %scan3A_414, %mul3A_463 : vector<16xf32>
          %get3A_465 = arith.index_cast %scan3A_404 : i32 to index
          %get3A_466 = arith.constant 32 : index
          %get3A_467 = tpu.vector_load %arg18[%get3A_465, %get3A_466] {strides = array<i32>} : memref<80x128xf32, #tpu.memory_space<vmem>>, vector<1x16xf32>,
          %get3A_468 = vector.shape_cast %get3A_467 : vector<1x16xf32> to vector<16xf32>
          %get3A_469 = arith.index_cast %scan3A_404 : i32 to index
          %get3A_470 = arith.constant 32 : index
          %get3A_471 = tpu.vector_load %arg14[%get3A_469, %get3A_470] {strides = array<i32>} : memref<80x128xf32, #tpu.memory_space<vmem>>, vector<1x16xf32>,
          %get3A_472 = vector.shape_cast %get3A_471 : vector<1x16xf32> to vector<16xf32>
          %add3A_473 = arith.addf %get3A_468, %get3A_472 : vector<16xf32>
          %get3A_474 = arith.index_cast %scan3A_404 : i32 to index
          %get3A_475 = arith.constant 32 : index
          %get3A_476 = tpu.vector_load %arg16[%get3A_474, %get3A_475] {strides = array<i32>} : memref<80x128xf32, #tpu.memory_space<vmem>>, vector<1x16xf32>,
          %get3A_477 = vector.shape_cast %get3A_476 : vector<1x16xf32> to vector<16xf32>
          %add3A_478 = arith.addf %add3A_473, %get3A_477 : vector<16xf32>
          %swap3A_479 = arith.index_cast %scan3A_404 : i32 to index
          %swap3A_480 = arith.constant 32 : index
          %swap3A_481 = tpu.vector_load %arg20[%swap3A_479, %swap3A_480] {strides = array<i32>} : memref<80x128xf32, #tpu.memory_space<vmem>>, vector<1x16xf32>,
          %swap3A_482 = vector.shape_cast %swap3A_481 : vector<1x16xf32> to vector<16xf32>
          %swap3A_483 = vector.shape_cast %add3A_478 : vector<16xf32> to vector<1x16xf32>
          tpu.vector_store %arg20[%swap3A_479, %swap3A_480], %swap3A_483 {strides = array<i32>} : memref<80x128xf32, #tpu.memory_space<vmem>>, vector<1x16xf32>,
          %add3A_484 = arith.addf %scan3A_407, %add3A_478 : vector<16xf32>
          %mul3A_485 = arith.mulf %add3A_478, %add3A_478 : vector<16xf32>
          %add3A_486 = arith.addf %scan3A_415, %mul3A_485 : vector<16xf32>
          %get3A_487 = arith.index_cast %scan3A_404 : i32 to index
          %get3A_488 = arith.constant 48 : index
          %get3A_489 = tpu.vector_load %arg18[%get3A_487, %get3A_488] {strides = array<i32>} : memref<80x128xf32, #tpu.memory_space<vmem>>, vector<1x16xf32>,
          %get3A_490 = vector.shape_cast %get3A_489 : vector<1x16xf32> to vector<16xf32>
          %get3A_491 = arith.index_cast %scan3A_404 : i32 to index
          %get3A_492 = arith.constant 48 : index
          %get3A_493 = tpu.vector_load %arg14[%get3A_491, %get3A_492] {strides = array<i32>} : memref<80x128xf32, #tpu.memory_space<vmem>>, vector<1x16xf32>,
          %get3A_494 = vector.shape_cast %get3A_493 : vector<1x16xf32> to vector<16xf32>
          %add3A_495 = arith.addf %get3A_490, %get3A_494 : vector<16xf32>
          %get3A_496 = arith.index_cast %scan3A_404 : i32 to index
          %get3A_497 = arith.constant 48 : index
          %get3A_498 = tpu.vector_load %arg16[%get3A_496, %get3A_497] {strides = array<i32>} : memref<80x128xf32, #tpu.memory_space<vmem>>, vector<1x16xf32>,
          %get3A_499 = vector.shape_cast %get3A_498 : vector<1x16xf32> to vector<16xf32>
          %add3A_500 = arith.addf %add3A_495, %get3A_499 : vector<16xf32>
          %swap3A_501 = arith.index_cast %scan3A_404 : i32 to index
          %swap3A_502 = arith.constant 48 : index
          %swap3A_503 = tpu.vector_load %arg20[%swap3A_501, %swap3A_502] {strides = array<i32>} : memref<80x128xf32, #tpu.memory_space<vmem>>, vector<1x16xf32>,
          %swap3A_504 = vector.shape_cast %swap3A_503 : vector<1x16xf32> to vector<16xf32>
          %swap3A_505 = vector.shape_cast %add3A_500 : vector<16xf32> to vector<1x16xf32>
          tpu.vector_store %arg20[%swap3A_501, %swap3A_502], %swap3A_505 {strides = array<i32>} : memref<80x128xf32, #tpu.memory_space<vmem>>, vector<1x16xf32>,
          %add3A_506 = arith.addf %scan3A_408, %add3A_500 : vector<16xf32>
          %mul3A_507 = arith.mulf %add3A_500, %add3A_500 : vector<16xf32>
          %add3A_508 = arith.addf %scan3A_416, %mul3A_507 : vector<16xf32>
          %get3A_509 = arith.index_cast %scan3A_404 : i32 to index
          %get3A_510 = arith.constant 64 : index
          %get3A_511 = tpu.vector_load %arg18[%get3A_509, %get3A_510] {strides = array<i32>} : memref<80x128xf32, #tpu.memory_space<vmem>>, vector<1x16xf32>,
          %get3A_512 = vector.shape_cast %get3A_511 : vector<1x16xf32> to vector<16xf32>
          %get3A_513 = arith.index_cast %scan3A_404 : i32 to index
          %get3A_514 = arith.constant 64 : index
          %get3A_515 = tpu.vector_load %arg14[%get3A_513, %get3A_514] {strides = array<i32>} : memref<80x128xf32, #tpu.memory_space<vmem>>, vector<1x16xf32>,
          %get3A_516 = vector.shape_cast %get3A_515 : vector<1x16xf32> to vector<16xf32>
          %add3A_517 = arith.addf %get3A_512, %get3A_516 : vector<16xf32>
          %get3A_518 = arith.index_cast %scan3A_404 : i32 to index
          %get3A_519 = arith.constant 64 : index
          %get3A_520 = tpu.vector_load %arg16[%get3A_518, %get3A_519] {strides = array<i32>} : memref<80x128xf32, #tpu.memory_space<vmem>>, vector<1x16xf32>,
          %get3A_521 = vector.shape_cast %get3A_520 : vector<1x16xf32> to vector<16xf32>
          %add3A_522 = arith.addf %add3A_517, %get3A_521 : vector<16xf32>
          %swap3A_523 = arith.index_cast %scan3A_404 : i32 to index
          %swap3A_524 = arith.constant 64 : index
          %swap3A_525 = tpu.vector_load %arg20[%swap3A_523, %swap3A_524] {strides = array<i32>} : memref<80x128xf32, #tpu.memory_space<vmem>>, vector<1x16xf32>,
          %swap3A_526 = vector.shape_cast %swap3A_525 : vector<1x16xf32> to vector<16xf32>
          %swap3A_527 = vector.shape_cast %add3A_522 : vector<16xf32> to vector<1x16xf32>
          tpu.vector_store %arg20[%swap3A_523, %swap3A_524], %swap3A_527 {strides = array<i32>} : memref<80x128xf32, #tpu.memory_space<vmem>>, vector<1x16xf32>,
          %add3A_528 = arith.addf %scan3A_409, %add3A_522 : vector<16xf32>
          %mul3A_529 = arith.mulf %add3A_522, %add3A_522 : vector<16xf32>
          %add3A_530 = arith.addf %scan3A_417, %mul3A_529 : vector<16xf32>
          %get3A_531 = arith.index_cast %scan3A_404 : i32 to index
          %get3A_532 = arith.constant 80 : index
          %get3A_533 = tpu.vector_load %arg18[%get3A_531, %get3A_532] {strides = array<i32>} : memref<80x128xf32, #tpu.memory_space<vmem>>, vector<1x16xf32>,
          %get3A_534 = vector.shape_cast %get3A_533 : vector<1x16xf32> to vector<16xf32>
          %get3A_535 = arith.index_cast %scan3A_404 : i32 to index
          %get3A_536 = arith.constant 80 : index
          %get3A_537 = tpu.vector_load %arg14[%get3A_535, %get3A_536] {strides = array<i32>} : memref<80x128xf32, #tpu.memory_space<vmem>>, vector<1x16xf32>,
          %get3A_538 = vector.shape_cast %get3A_537 : vector<1x16xf32> to vector<16xf32>
          %add3A_539 = arith.addf %get3A_534, %get3A_538 : vector<16xf32>
          %get3A_540 = arith.index_cast %scan3A_404 : i32 to index
          %get3A_541 = arith.constant 80 : index
          %get3A_542 = tpu.vector_load %arg16[%get3A_540, %get3A_541] {strides = array<i32>} : memref<80x128xf32, #tpu.memory_space<vmem>>, vector<1x16xf32>,
          %get3A_543 = vector.shape_cast %get3A_542 : vector<1x16xf32> to vector<16xf32>
          %add3A_544 = arith.addf %add3A_539, %get3A_543 : vector<16xf32>
          %swap3A_545 = arith.index_cast %scan3A_404 : i32 to index
          %swap3A_546 = arith.constant 80 : index
          %swap3A_547 = tpu.vector_load %arg20[%swap3A_545, %swap3A_546] {strides = array<i32>} : memref<80x128xf32, #tpu.memory_space<vmem>>, vector<1x16xf32>,
          %swap3A_548 = vector.shape_cast %swap3A_547 : vector<1x16xf32> to vector<16xf32>
          %swap3A_549 = vector.shape_cast %add3A_544 : vector<16xf32> to vector<1x16xf32>
          tpu.vector_store %arg20[%swap3A_545, %swap3A_546], %swap3A_549 {strides = array<i32>} : memref<80x128xf32, #tpu.memory_space<vmem>>, vector<1x16xf32>,
          %add3A_550 = arith.addf %scan3A_410, %add3A_544 : vector<16xf32>
          %mul3A_551 = arith.mulf %add3A_544, %add3A_544 : vector<16xf32>
          %add3A_552 = arith.addf %scan3A_418, %mul3A_551 : vector<16xf32>
          %get3A_553 = arith.index_cast %scan3A_404 : i32 to index
          %get3A_554 = arith.constant 96 : index
          %get3A_555 = tpu.vector_load %arg18[%get3A_553, %get3A_554] {strides = array<i32>} : memref<80x128xf32, #tpu.memory_space<vmem>>, vector<1x16xf32>,
          %get3A_556 = vector.shape_cast %get3A_555 : vector<1x16xf32> to vector<16xf32>
          %get3A_557 = arith.index_cast %scan3A_404 : i32 to index
          %get3A_558 = arith.constant 96 : index
          %get3A_559 = tpu.vector_load %arg14[%get3A_557, %get3A_558] {strides = array<i32>} : memref<80x128xf32, #tpu.memory_space<vmem>>, vector<1x16xf32>,
          %get3A_560 = vector.shape_cast %get3A_559 : vector<1x16xf32> to vector<16xf32>
          %add3A_561 = arith.addf %get3A_556, %get3A_560 : vector<16xf32>
          %get3A_562 = arith.index_cast %scan3A_404 : i32 to index
          %get3A_563 = arith.constant 96 : index
          %get3A_564 = tpu.vector_load %arg16[%get3A_562, %get3A_563] {strides = array<i32>} : memref<80x128xf32, #tpu.memory_space<vmem>>, vector<1x16xf32>,
          %get3A_565 = vector.shape_cast %get3A_564 : vector<1x16xf32> to vector<16xf32>
          %add3A_566 = arith.addf %add3A_561, %get3A_565 : vector<16xf32>
          %swap3A_567 = arith.index_cast %scan3A_404 : i32 to index
          %swap3A_568 = arith.constant 96 : index
          %swap3A_569 = tpu.vector_load %arg20[%swap3A_567, %swap3A_568] {strides = array<i32>} : memref<80x128xf32, #tpu.memory_space<vmem>>, vector<1x16xf32>,
          %swap3A_570 = vector.shape_cast %swap3A_569 : vector<1x16xf32> to vector<16xf32>
          %swap3A_571 = vector.shape_cast %add3A_566 : vector<16xf32> to vector<1x16xf32>
          tpu.vector_store %arg20[%swap3A_567, %swap3A_568], %swap3A_571 {strides = array<i32>} : memref<80x128xf32, #tpu.memory_space<vmem>>, vector<1x16xf32>,
          %add3A_572 = arith.addf %scan3A_411, %add3A_566 : vector<16xf32>
          %mul3A_573 = arith.mulf %add3A_566, %add3A_566 : vector<16xf32>
          %add3A_574 = arith.addf %scan3A_419, %mul3A_573 : vector<16xf32>
          %get3A_575 = arith.index_cast %scan3A_404 : i32 to index
          %get3A_576 = arith.constant 112 : index
          %get3A_577 = tpu.vector_load %arg18[%get3A_575, %get3A_576] {strides = array<i32>} : memref<80x128xf32, #tpu.memory_space<vmem>>, vector<1x16xf32>,
          %get3A_578 = vector.shape_cast %get3A_577 : vector<1x16xf32> to vector<16xf32>
          %get3A_579 = arith.index_cast %scan3A_404 : i32 to index
          %get3A_580 = arith.constant 112 : index
          %get3A_581 = tpu.vector_load %arg14[%get3A_579, %get3A_580] {strides = array<i32>} : memref<80x128xf32, #tpu.memory_space<vmem>>, vector<1x16xf32>,
          %get3A_582 = vector.shape_cast %get3A_581 : vector<1x16xf32> to vector<16xf32>
          %add3A_583 = arith.addf %get3A_578, %get3A_582 : vector<16xf32>
          %get3A_584 = arith.index_cast %scan3A_404 : i32 to index
          %get3A_585 = arith.constant 112 : index
          %get3A_586 = tpu.vector_load %arg16[%get3A_584, %get3A_585] {strides = array<i32>} : memref<80x128xf32, #tpu.memory_space<vmem>>, vector<1x16xf32>,
          %get3A_587 = vector.shape_cast %get3A_586 : vector<1x16xf32> to vector<16xf32>
          %add3A_588 = arith.addf %add3A_583, %get3A_587 : vector<16xf32>
          %swap3A_589 = arith.index_cast %scan3A_404 : i32 to index
          %swap3A_590 = arith.constant 112 : index
          %swap3A_591 = tpu.vector_load %arg20[%swap3A_589, %swap3A_590] {strides = array<i32>} : memref<80x128xf32, #tpu.memory_space<vmem>>, vector<1x16xf32>,
          %swap3A_592 = vector.shape_cast %swap3A_591 : vector<1x16xf32> to vector<16xf32>
          %swap3A_593 = vector.shape_cast %add3A_588 : vector<16xf32> to vector<1x16xf32>
          tpu.vector_store %arg20[%swap3A_589, %swap3A_590], %swap3A_593 {strides = array<i32>} : memref<80x128xf32, #tpu.memory_space<vmem>>, vector<1x16xf32>,
          %add3A_594 = arith.addf %scan3A_412, %add3A_588 : vector<16xf32>
          %mul3A_595 = arith.mulf %add3A_588, %add3A_588 : vector<16xf32>
          %add3A_596 = arith.addf %scan3A_420, %mul3A_595 : vector<16xf32>
          scf.yield %add3A_440, %add3A_462, %add3A_484, %add3A_506, %add3A_528, %add3A_550, %add3A_572, %add3A_594, %add3A_442, %add3A_464, %add3A_486, %add3A_508, %add3A_530, %add3A_552, %add3A_574, %add3A_596 : vector<16xf32>, vector<16xf32>, vector<16xf32>, vector<16xf32>, vector<16xf32>, vector<16xf32>, vector<16xf32>, vector<16xf32>, vector<16xf32>, vector<16xf32>, vector<16xf32>, vector<16xf32>, vector<16xf32>, vector<16xf32>, vector<16xf32>, vector<16xf32>
        }
        %scan3A_198 = arith.constant 80 : i32
        %get3A = arith.constant 0 : i32
        %get3A_199 = arith.index_cast %get3A : i32 to index
        %get3A_200 = arith.constant 0 : index
        %get3A_201 = tpu.vector_load %arg21[%get3A_199, %get3A_200] {strides = array<i32>} : memref<2x128xf32, #tpu.memory_space<vmem>>, vector<1x16xf32>,
        %get3A_202 = vector.shape_cast %get3A_201 : vector<1x16xf32> to vector<16xf32>
        %add3A_203 = arith.addf %get3A_202, %scan3A_197#0 : vector<16xf32>
        %swap3A_204 = arith.constant 0 : i32
        %swap3A_205 = arith.index_cast %swap3A_204 : i32 to index
        %swap3A_206 = arith.constant 0 : index
        %swap3A_207 = tpu.vector_load %arg21[%swap3A_205, %swap3A_206] {strides = array<i32>} : memref<2x128xf32, #tpu.memory_space<vmem>>, vector<1x16xf32>,
        %swap3A_208 = vector.shape_cast %swap3A_207 : vector<1x16xf32> to vector<16xf32>
        %swap3A_209 = vector.shape_cast %add3A_203 : vector<16xf32> to vector<1x16xf32>
        tpu.vector_store %arg21[%swap3A_205, %swap3A_206], %swap3A_209 {strides = array<i32>} : memref<2x128xf32, #tpu.memory_space<vmem>>, vector<1x16xf32>,
        %get3A_210 = arith.constant 1 : i32
        %get3A_211 = arith.index_cast %get3A_210 : i32 to index
        %get3A_212 = arith.constant 0 : index
        %get3A_213 = tpu.vector_load %arg21[%get3A_211, %get3A_212] {strides = array<i32>} : memref<2x128xf32, #tpu.memory_space<vmem>>, vector<1x16xf32>,
        %get3A_214 = vector.shape_cast %get3A_213 : vector<1x16xf32> to vector<16xf32>
        %add3A_215 = arith.addf %get3A_214, %scan3A_197#8 : vector<16xf32>
        %swap3A_216 = arith.constant 1 : i32
        %swap3A_217 = arith.index_cast %swap3A_216 : i32 to index
        %swap3A_218 = arith.constant 0 : index
        %swap3A_219 = tpu.vector_load %arg21[%swap3A_217, %swap3A_218] {strides = array<i32>} : memref<2x128xf32, #tpu.memory_space<vmem>>, vector<1x16xf32>,
        %swap3A_220 = vector.shape_cast %swap3A_219 : vector<1x16xf32> to vector<16xf32>
        %swap3A_221 = vector.shape_cast %add3A_215 : vector<16xf32> to vector<1x16xf32>
        tpu.vector_store %arg21[%swap3A_217, %swap3A_218], %swap3A_221 {strides = array<i32>} : memref<2x128xf32, #tpu.memory_space<vmem>>, vector<1x16xf32>,
        %get3A_222 = arith.constant 0 : i32
        %get3A_223 = arith.index_cast %get3A_222 : i32 to index
        %get3A_224 = arith.constant 16 : index
        %get3A_225 = tpu.vector_load %arg21[%get3A_223, %get3A_224] {strides = array<i32>} : memref<2x128xf32, #tpu.memory_space<vmem>>, vector<1x16xf32>,
        %get3A_226 = vector.shape_cast %get3A_225 : vector<1x16xf32> to vector<16xf32>
        %add3A_227 = arith.addf %get3A_226, %scan3A_197#1 : vector<16xf32>
        %swap3A_228 = arith.constant 0 : i32
        %swap3A_229 = arith.index_cast %swap3A_228 : i32 to index
        %swap3A_230 = arith.constant 16 : index
        %swap3A_231 = tpu.vector_load %arg21[%swap3A_229, %swap3A_230] {strides = array<i32>} : memref<2x128xf32, #tpu.memory_space<vmem>>, vector<1x16xf32>,
        %swap3A_232 = vector.shape_cast %swap3A_231 : vector<1x16xf32> to vector<16xf32>
        %swap3A_233 = vector.shape_cast %add3A_227 : vector<16xf32> to vector<1x16xf32>
        tpu.vector_store %arg21[%swap3A_229, %swap3A_230], %swap3A_233 {strides = array<i32>} : memref<2x128xf32, #tpu.memory_space<vmem>>, vector<1x16xf32>,
        %get3A_234 = arith.constant 1 : i32
        %get3A_235 = arith.index_cast %get3A_234 : i32 to index
        %get3A_236 = arith.constant 16 : index
        %get3A_237 = tpu.vector_load %arg21[%get3A_235, %get3A_236] {strides = array<i32>} : memref<2x128xf32, #tpu.memory_space<vmem>>, vector<1x16xf32>,
        %get3A_238 = vector.shape_cast %get3A_237 : vector<1x16xf32> to vector<16xf32>
        %add3A_239 = arith.addf %get3A_238, %scan3A_197#9 : vector<16xf32>
        %swap3A_240 = arith.constant 1 : i32
        %swap3A_241 = arith.index_cast %swap3A_240 : i32 to index
        %swap3A_242 = arith.constant 16 : index
        %swap3A_243 = tpu.vector_load %arg21[%swap3A_241, %swap3A_242] {strides = array<i32>} : memref<2x128xf32, #tpu.memory_space<vmem>>, vector<1x16xf32>,
        %swap3A_244 = vector.shape_cast %swap3A_243 : vector<1x16xf32> to vector<16xf32>
        %swap3A_245 = vector.shape_cast %add3A_239 : vector<16xf32> to vector<1x16xf32>
        tpu.vector_store %arg21[%swap3A_241, %swap3A_242], %swap3A_245 {strides = array<i32>} : memref<2x128xf32, #tpu.memory_space<vmem>>, vector<1x16xf32>,
        %get3A_246 = arith.constant 0 : i32
        %get3A_247 = arith.index_cast %get3A_246 : i32 to index
        %get3A_248 = arith.constant 32 : index
        %get3A_249 = tpu.vector_load %arg21[%get3A_247, %get3A_248] {strides = array<i32>} : memref<2x128xf32, #tpu.memory_space<vmem>>, vector<1x16xf32>,
        %get3A_250 = vector.shape_cast %get3A_249 : vector<1x16xf32> to vector<16xf32>
        %add3A_251 = arith.addf %get3A_250, %scan3A_197#2 : vector<16xf32>
        %swap3A_252 = arith.constant 0 : i32
        %swap3A_253 = arith.index_cast %swap3A_252 : i32 to index
        %swap3A_254 = arith.constant 32 : index
        %swap3A_255 = tpu.vector_load %arg21[%swap3A_253, %swap3A_254] {strides = array<i32>} : memref<2x128xf32, #tpu.memory_space<vmem>>, vector<1x16xf32>,
        %swap3A_256 = vector.shape_cast %swap3A_255 : vector<1x16xf32> to vector<16xf32>
        %swap3A_257 = vector.shape_cast %add3A_251 : vector<16xf32> to vector<1x16xf32>
        tpu.vector_store %arg21[%swap3A_253, %swap3A_254], %swap3A_257 {strides = array<i32>} : memref<2x128xf32, #tpu.memory_space<vmem>>, vector<1x16xf32>,
        %get3A_258 = arith.constant 1 : i32
        %get3A_259 = arith.index_cast %get3A_258 : i32 to index
        %get3A_260 = arith.constant 32 : index
        %get3A_261 = tpu.vector_load %arg21[%get3A_259, %get3A_260] {strides = array<i32>} : memref<2x128xf32, #tpu.memory_space<vmem>>, vector<1x16xf32>,
        %get3A_262 = vector.shape_cast %get3A_261 : vector<1x16xf32> to vector<16xf32>
        %add3A_263 = arith.addf %get3A_262, %scan3A_197#10 : vector<16xf32>
        %swap3A_264 = arith.constant 1 : i32
        %swap3A_265 = arith.index_cast %swap3A_264 : i32 to index
        %swap3A_266 = arith.constant 32 : index
        %swap3A_267 = tpu.vector_load %arg21[%swap3A_265, %swap3A_266] {strides = array<i32>} : memref<2x128xf32, #tpu.memory_space<vmem>>, vector<1x16xf32>,
        %swap3A_268 = vector.shape_cast %swap3A_267 : vector<1x16xf32> to vector<16xf32>
        %swap3A_269 = vector.shape_cast %add3A_263 : vector<16xf32> to vector<1x16xf32>
        tpu.vector_store %arg21[%swap3A_265, %swap3A_266], %swap3A_269 {strides = array<i32>} : memref<2x128xf32, #tpu.memory_space<vmem>>, vector<1x16xf32>,
        %get3A_270 = arith.constant 0 : i32
        %get3A_271 = arith.index_cast %get3A_270 : i32 to index
        %get3A_272 = arith.constant 48 : index
        %get3A_273 = tpu.vector_load %arg21[%get3A_271, %get3A_272] {strides = array<i32>} : memref<2x128xf32, #tpu.memory_space<vmem>>, vector<1x16xf32>,
        %get3A_274 = vector.shape_cast %get3A_273 : vector<1x16xf32> to vector<16xf32>
        %add3A_275 = arith.addf %get3A_274, %scan3A_197#3 : vector<16xf32>
        %swap3A_276 = arith.constant 0 : i32
        %swap3A_277 = arith.index_cast %swap3A_276 : i32 to index
        %swap3A_278 = arith.constant 48 : index
        %swap3A_279 = tpu.vector_load %arg21[%swap3A_277, %swap3A_278] {strides = array<i32>} : memref<2x128xf32, #tpu.memory_space<vmem>>, vector<1x16xf32>,
        %swap3A_280 = vector.shape_cast %swap3A_279 : vector<1x16xf32> to vector<16xf32>
        %swap3A_281 = vector.shape_cast %add3A_275 : vector<16xf32> to vector<1x16xf32>
        tpu.vector_store %arg21[%swap3A_277, %swap3A_278], %swap3A_281 {strides = array<i32>} : memref<2x128xf32, #tpu.memory_space<vmem>>, vector<1x16xf32>,
        %get3A_282 = arith.constant 1 : i32
        %get3A_283 = arith.index_cast %get3A_282 : i32 to index
        %get3A_284 = arith.constant 48 : index
        %get3A_285 = tpu.vector_load %arg21[%get3A_283, %get3A_284] {strides = array<i32>} : memref<2x128xf32, #tpu.memory_space<vmem>>, vector<1x16xf32>,
        %get3A_286 = vector.shape_cast %get3A_285 : vector<1x16xf32> to vector<16xf32>
        %add3A_287 = arith.addf %get3A_286, %scan3A_197#11 : vector<16xf32>
        %swap3A_288 = arith.constant 1 : i32
        %swap3A_289 = arith.index_cast %swap3A_288 : i32 to index
        %swap3A_290 = arith.constant 48 : index
        %swap3A_291 = tpu.vector_load %arg21[%swap3A_289, %swap3A_290] {strides = array<i32>} : memref<2x128xf32, #tpu.memory_space<vmem>>, vector<1x16xf32>,
        %swap3A_292 = vector.shape_cast %swap3A_291 : vector<1x16xf32> to vector<16xf32>
        %swap3A_293 = vector.shape_cast %add3A_287 : vector<16xf32> to vector<1x16xf32>
        tpu.vector_store %arg21[%swap3A_289, %swap3A_290], %swap3A_293 {strides = array<i32>} : memref<2x128xf32, #tpu.memory_space<vmem>>, vector<1x16xf32>,
        %get3A_294 = arith.constant 0 : i32
        %get3A_295 = arith.index_cast %get3A_294 : i32 to index
        %get3A_296 = arith.constant 64 : index
        %get3A_297 = tpu.vector_load %arg21[%get3A_295, %get3A_296] {strides = array<i32>} : memref<2x128xf32, #tpu.memory_space<vmem>>, vector<1x16xf32>,
        %get3A_298 = vector.shape_cast %get3A_297 : vector<1x16xf32> to vector<16xf32>
        %add3A_299 = arith.addf %get3A_298, %scan3A_197#4 : vector<16xf32>
        %swap3A_300 = arith.constant 0 : i32
        %swap3A_301 = arith.index_cast %swap3A_300 : i32 to index
        %swap3A_302 = arith.constant 64 : index
        %swap3A_303 = tpu.vector_load %arg21[%swap3A_301, %swap3A_302] {strides = array<i32>} : memref<2x128xf32, #tpu.memory_space<vmem>>, vector<1x16xf32>,
        %swap3A_304 = vector.shape_cast %swap3A_303 : vector<1x16xf32> to vector<16xf32>
        %swap3A_305 = vector.shape_cast %add3A_299 : vector<16xf32> to vector<1x16xf32>
        tpu.vector_store %arg21[%swap3A_301, %swap3A_302], %swap3A_305 {strides = array<i32>} : memref<2x128xf32, #tpu.memory_space<vmem>>, vector<1x16xf32>,
        %get3A_306 = arith.constant 1 : i32
        %get3A_307 = arith.index_cast %get3A_306 : i32 to index
        %get3A_308 = arith.constant 64 : index
        %get3A_309 = tpu.vector_load %arg21[%get3A_307, %get3A_308] {strides = array<i32>} : memref<2x128xf32, #tpu.memory_space<vmem>>, vector<1x16xf32>,
        %get3A_310 = vector.shape_cast %get3A_309 : vector<1x16xf32> to vector<16xf32>
        %add3A_311 = arith.addf %get3A_310, %scan3A_197#12 : vector<16xf32>
        %swap3A_312 = arith.constant 1 : i32
        %swap3A_313 = arith.index_cast %swap3A_312 : i32 to index
        %swap3A_314 = arith.constant 64 : index
        %swap3A_315 = tpu.vector_load %arg21[%swap3A_313, %swap3A_314] {strides = array<i32>} : memref<2x128xf32, #tpu.memory_space<vmem>>, vector<1x16xf32>,
        %swap3A_316 = vector.shape_cast %swap3A_315 : vector<1x16xf32> to vector<16xf32>
        %swap3A_317 = vector.shape_cast %add3A_311 : vector<16xf32> to vector<1x16xf32>
        tpu.vector_store %arg21[%swap3A_313, %swap3A_314], %swap3A_317 {strides = array<i32>} : memref<2x128xf32, #tpu.memory_space<vmem>>, vector<1x16xf32>,
        %get3A_318 = arith.constant 0 : i32
        %get3A_319 = arith.index_cast %get3A_318 : i32 to index
        %get3A_320 = arith.constant 80 : index
        %get3A_321 = tpu.vector_load %arg21[%get3A_319, %get3A_320] {strides = array<i32>} : memref<2x128xf32, #tpu.memory_space<vmem>>, vector<1x16xf32>,
        %get3A_322 = vector.shape_cast %get3A_321 : vector<1x16xf32> to vector<16xf32>
        %add3A_323 = arith.addf %get3A_322, %scan3A_197#5 : vector<16xf32>
        %swap3A_324 = arith.constant 0 : i32
        %swap3A_325 = arith.index_cast %swap3A_324 : i32 to index
        %swap3A_326 = arith.constant 80 : index
        %swap3A_327 = tpu.vector_load %arg21[%swap3A_325, %swap3A_326] {strides = array<i32>} : memref<2x128xf32, #tpu.memory_space<vmem>>, vector<1x16xf32>,
        %swap3A_328 = vector.shape_cast %swap3A_327 : vector<1x16xf32> to vector<16xf32>
        %swap3A_329 = vector.shape_cast %add3A_323 : vector<16xf32> to vector<1x16xf32>
        tpu.vector_store %arg21[%swap3A_325, %swap3A_326], %swap3A_329 {strides = array<i32>} : memref<2x128xf32, #tpu.memory_space<vmem>>, vector<1x16xf32>,
        %get3A_330 = arith.constant 1 : i32
        %get3A_331 = arith.index_cast %get3A_330 : i32 to index
        %get3A_332 = arith.constant 80 : index
        %get3A_333 = tpu.vector_load %arg21[%get3A_331, %get3A_332] {strides = array<i32>} : memref<2x128xf32, #tpu.memory_space<vmem>>, vector<1x16xf32>,
        %get3A_334 = vector.shape_cast %get3A_333 : vector<1x16xf32> to vector<16xf32>
        %add3A_335 = arith.addf %get3A_334, %scan3A_197#13 : vector<16xf32>
        %swap3A_336 = arith.constant 1 : i32
        %swap3A_337 = arith.index_cast %swap3A_336 : i32 to index
        %swap3A_338 = arith.constant 80 : index
        %swap3A_339 = tpu.vector_load %arg21[%swap3A_337, %swap3A_338] {strides = array<i32>} : memref<2x128xf32, #tpu.memory_space<vmem>>, vector<1x16xf32>,
        %swap3A_340 = vector.shape_cast %swap3A_339 : vector<1x16xf32> to vector<16xf32>
        %swap3A_341 = vector.shape_cast %add3A_335 : vector<16xf32> to vector<1x16xf32>
        tpu.vector_store %arg21[%swap3A_337, %swap3A_338], %swap3A_341 {strides = array<i32>} : memref<2x128xf32, #tpu.memory_space<vmem>>, vector<1x16xf32>,
        %get3A_342 = arith.constant 0 : i32
        %get3A_343 = arith.index_cast %get3A_342 : i32 to index
        %get3A_344 = arith.constant 96 : index
        %get3A_345 = tpu.vector_load %arg21[%get3A_343, %get3A_344] {strides = array<i32>} : memref<2x128xf32, #tpu.memory_space<vmem>>, vector<1x16xf32>,
        %get3A_346 = vector.shape_cast %get3A_345 : vector<1x16xf32> to vector<16xf32>
        %add3A_347 = arith.addf %get3A_346, %scan3A_197#6 : vector<16xf32>
        %swap3A_348 = arith.constant 0 : i32
        %swap3A_349 = arith.index_cast %swap3A_348 : i32 to index
        %swap3A_350 = arith.constant 96 : index
        %swap3A_351 = tpu.vector_load %arg21[%swap3A_349, %swap3A_350] {strides = array<i32>} : memref<2x128xf32, #tpu.memory_space<vmem>>, vector<1x16xf32>,
        %swap3A_352 = vector.shape_cast %swap3A_351 : vector<1x16xf32> to vector<16xf32>
        %swap3A_353 = vector.shape_cast %add3A_347 : vector<16xf32> to vector<1x16xf32>
        tpu.vector_store %arg21[%swap3A_349, %swap3A_350], %swap3A_353 {strides = array<i32>} : memref<2x128xf32, #tpu.memory_space<vmem>>, vector<1x16xf32>,
        %get3A_354 = arith.constant 1 : i32
        %get3A_355 = arith.index_cast %get3A_354 : i32 to index
        %get3A_356 = arith.constant 96 : index
        %get3A_357 = tpu.vector_load %arg21[%get3A_355, %get3A_356] {strides = array<i32>} : memref<2x128xf32, #tpu.memory_space<vmem>>, vector<1x16xf32>,
        %get3A_358 = vector.shape_cast %get3A_357 : vector<1x16xf32> to vector<16xf32>
        %add3A_359 = arith.addf %get3A_358, %scan3A_197#14 : vector<16xf32>
        %swap3A_360 = arith.constant 1 : i32
        %swap3A_361 = arith.index_cast %swap3A_360 : i32 to index
        %swap3A_362 = arith.constant 96 : index
        %swap3A_363 = tpu.vector_load %arg21[%swap3A_361, %swap3A_362] {strides = array<i32>} : memref<2x128xf32, #tpu.memory_space<vmem>>, vector<1x16xf32>,
        %swap3A_364 = vector.shape_cast %swap3A_363 : vector<1x16xf32> to vector<16xf32>
        %swap3A_365 = vector.shape_cast %add3A_359 : vector<16xf32> to vector<1x16xf32>
        tpu.vector_store %arg21[%swap3A_361, %swap3A_362], %swap3A_365 {strides = array<i32>} : memref<2x128xf32, #tpu.memory_space<vmem>>, vector<1x16xf32>,
        %get3A_366 = arith.constant 0 : i32
        %get3A_367 = arith.index_cast %get3A_366 : i32 to index
        %get3A_368 = arith.constant 112 : index
        %get3A_369 = tpu.vector_load %arg21[%get3A_367, %get3A_368] {strides = array<i32>} : memref<2x128xf32, #tpu.memory_space<vmem>>, vector<1x16xf32>,
        %get3A_370 = vector.shape_cast %get3A_369 : vector<1x16xf32> to vector<16xf32>
        %add3A_371 = arith.addf %get3A_370, %scan3A_197#7 : vector<16xf32>
        %swap3A_372 = arith.constant 0 : i32
        %swap3A_373 = arith.index_cast %swap3A_372 : i32 to index
        %swap3A_374 = arith.constant 112 : index
        %swap3A_375 = tpu.vector_load %arg21[%swap3A_373, %swap3A_374] {strides = array<i32>} : memref<2x128xf32, #tpu.memory_space<vmem>>, vector<1x16xf32>,
        %swap3A_376 = vector.shape_cast %swap3A_375 : vector<1x16xf32> to vector<16xf32>
        %swap3A_377 = vector.shape_cast %add3A_371 : vector<16xf32> to vector<1x16xf32>
        tpu.vector_store %arg21[%swap3A_373, %swap3A_374], %swap3A_377 {strides = array<i32>} : memref<2x128xf32, #tpu.memory_space<vmem>>, vector<1x16xf32>,
        %get3A_378 = arith.constant 1 : i32
        %get3A_379 = arith.index_cast %get3A_378 : i32 to index
        %get3A_380 = arith.constant 112 : index
        %get3A_381 = tpu.vector_load %arg21[%get3A_379, %get3A_380] {strides = array<i32>} : memref<2x128xf32, #tpu.memory_space<vmem>>, vector<1x16xf32>,
        %get3A_382 = vector.shape_cast %get3A_381 : vector<1x16xf32> to vector<16xf32>
        %add3A_383 = arith.addf %get3A_382, %scan3A_197#15 : vector<16xf32>
        %swap3A_384 = arith.constant 1 : i32
        %swap3A_385 = arith.index_cast %swap3A_384 : i32 to index
        %swap3A_386 = arith.constant 112 : index
        %swap3A_387 = tpu.vector_load %arg21[%swap3A_385, %swap3A_386] {strides = array<i32>} : memref<2x128xf32, #tpu.memory_space<vmem>>, vector<1x16xf32>,
        %swap3A_388 = vector.shape_cast %swap3A_387 : vector<1x16xf32> to vector<16xf32>
        %swap3A_389 = vector.shape_cast %add3A_383 : vector<16xf32> to vector<1x16xf32>
        tpu.vector_store %arg21[%swap3A_385, %swap3A_386], %swap3A_389 {strides = array<i32>} : memref<2x128xf32, #tpu.memory_space<vmem>>, vector<1x16xf32>,
        %mul3A_390 = arith.constant 80 : i32
        %mul3A_391 = arith.muli %add3A_158, %mul3A_390 : i32
        %add3A_392 = arith.addi %mul3A_2, %mul3A_391 : i32
        %dma_start3A_393 = arith.constant 0 : i32
        %dma_start3A_394 = tpu.memref_slice %arg7[%add3A_392, %dma_start3A_393] : memref<320000x128xf32, #tpu.memory_space<hbm>> -> memref<80x128xf32, #tpu.memory_space<hbm>>
        %dma_start3A_395 = arith.constant 0 : i32
        %dma_start3A_396 = tpu.memref_slice %arg7[%add3A_392, %dma_start3A_395] : memref<320000x128xf32, #tpu.memory_space<hbm>> -> memref<80x128xf32, #tpu.memory_space<hbm>>
        tpu.enqueue_dma source(%arg20 : memref<80x128xf32, #tpu.memory_space<vmem>>) target(%dma_start3A_396 : memref<80x128xf32, #tpu.memory_space<hbm>>) target_semaphore(%arg33 : memref<!tpu.dma_semaphore, #tpu.memory_space<semaphore_mem>>)
        %add3A_397 = arith.constant 2 : i32
        %add3A_398 = arith.addi %add3A_158, %add3A_397 : i32
        %lt3A_399 = arith.constant 125 : i32
        %lt3A_400 = arith.cmpi slt, %add3A_398, %lt3A_399 : i32
        %convert_element_type3A_401 = arith.extui %lt3A_400 : i1 to i32
        %cond3A_402 = arith.constant 0 : i32
        %cond3A_403 = arith.cmpi ne, %convert_element_type3A_401, %cond3A_402 : i32
        scf.if %cond3A_403 {
          %add3A_404 = arith.constant 2 : i32
          %add3A_405 = arith.addi %add3A_158, %add3A_404 : i32
          %mul3A_406 = arith.constant 80 : i32
          %mul3A_407 = arith.muli %add3A_405, %mul3A_406 : i32
          %add3A_408 = arith.addi %mul3A_2, %mul3A_407 : i32
          %dma_start3A_409 = tpu.memref_slice %arg3[%add3A_408] : memref<320000xi32, #tpu.memory_space<hbm>> -> memref<80xi32, #tpu.memory_space<hbm>>
          %dma_start3A_410 = tpu.memref_slice %arg3[%add3A_408] : memref<320000xi32, #tpu.memory_space<hbm>> -> memref<80xi32, #tpu.memory_space<hbm>>
          tpu.enqueue_dma source(%dma_start3A_410 : memref<80xi32, #tpu.memory_space<hbm>>) target(%arg10 : memref<80xi32, #tpu.memory_space<vmem>>) target_semaphore(%arg23 : memref<!tpu.dma_semaphore, #tpu.memory_space<semaphore_mem>>)
          %dma_start3A_411 = tpu.memref_slice %arg4[%add3A_408] : memref<320000xi32, #tpu.memory_space<hbm>> -> memref<80xi32, #tpu.memory_space<hbm>>
          %dma_start3A_412 = tpu.memref_slice %arg4[%add3A_408] : memref<320000xi32, #tpu.memory_space<hbm>> -> memref<80xi32, #tpu.memory_space<hbm>>
          tpu.enqueue_dma source(%dma_start3A_412 : memref<80xi32, #tpu.memory_space<hbm>>) target(%arg12 : memref<80xi32, #tpu.memory_space<vmem>>) target_semaphore(%arg25 : memref<!tpu.dma_semaphore, #tpu.memory_space<semaphore_mem>>)
          %dma_start3A_413 = arith.constant 0 : i32
          %dma_start3A_414 = tpu.memref_slice %arg2[%add3A_408, %dma_start3A_413] : memref<320000x128xf32, #tpu.memory_space<hbm>> -> memref<80x128xf32, #tpu.memory_space<hbm>>
          %dma_start3A_415 = arith.constant 0 : i32
          %dma_start3A_416 = tpu.memref_slice %arg2[%add3A_408, %dma_start3A_415] : memref<320000x128xf32, #tpu.memory_space<hbm>> -> memref<80x128xf32, #tpu.memory_space<hbm>>
          tpu.enqueue_dma source(%dma_start3A_416 : memref<80x128xf32, #tpu.memory_space<hbm>>) target(%arg18 : memref<80x128xf32, #tpu.memory_space<vmem>>) target_semaphore(%arg27 : memref<!tpu.dma_semaphore, #tpu.memory_space<semaphore_mem>>)
        } else {
        }
      } else {
      }
    }
    %scan3A_135 = arith.constant 63 : i32
    %dma_wait3A_136 = arith.constant 0 : i32
    %dma_wait3A_137 = arith.constant 0 : i32
    %dma_wait3A_138 = tpu.memref_slice %arg7[%dma_wait3A_136, %dma_wait3A_137] : memref<320000x128xf32, #tpu.memory_space<hbm>> -> memref<80x128xf32, #tpu.memory_space<hbm>>
    %dma_wait3A_139 = arith.constant 0 : i32
    %dma_wait3A_140 = arith.constant 0 : i32
    %dma_wait3A_141 = tpu.memref_slice %arg7[%dma_wait3A_139, %dma_wait3A_140] : memref<320000x128xf32, #tpu.memory_space<hbm>> -> memref<80x128xf32, #tpu.memory_space<hbm>>
    tpu.wait_dma2 semaphore(%arg32 : memref<!tpu.dma_semaphore, #tpu.memory_space<semaphore_mem>>) src(%arg19 : memref<80x128xf32, #tpu.memory_space<vmem>>) dst(%dma_wait3A_141 : memref<80x128xf32, #tpu.memory_space<hbm>>)
    %dma_wait3A_142 = arith.constant 0 : i32
    %dma_wait3A_143 = arith.constant 0 : i32
    %dma_wait3A_144 = tpu.memref_slice %arg7[%dma_wait3A_142, %dma_wait3A_143] : memref<320000x128xf32, #tpu.memory_space<hbm>> -> memref<80x128xf32, #tpu.memory_space<hbm>>
    %dma_wait3A_145 = arith.constant 0 : i32
    %dma_wait3A_146 = arith.constant 0 : i32
    %dma_wait3A_147 = tpu.memref_slice %arg7[%dma_wait3A_145, %dma_wait3A_146] : memref<320000x128xf32, #tpu.memory_space<hbm>> -> memref<80x128xf32, #tpu.memory_space<hbm>>
    tpu.wait_dma2 semaphore(%arg33 : memref<!tpu.dma_semaphore, #tpu.memory_space<semaphore_mem>>) src(%arg20 : memref<80x128xf32, #tpu.memory_space<vmem>>) dst(%dma_wait3A_147 : memref<80x128xf32, #tpu.memory_space<hbm>>)
    "tpu.region"() ({
      %run_scoped3A = tpu.sem_alloc : memref<!tpu.dma_semaphore, #tpu.memory_space<semaphore_mem>>
      %dma_start3A_148 = arith.constant 0 : i32
      %dma_start3A_149 = arith.constant 0 : i32
      %dma_start3A_150 = tpu.memref_slice %arg8[%add3A, %dma_start3A_148, %dma_start3A_149] : memref<32x2x128xf32, #tpu.memory_space<hbm>> -> memref<1x2x128xf32, #tpu.memory_space<hbm>>
      %dma_start3A_151 = tpu.memref_squeeze %dma_start3A_150 : memref<1x2x128xf32, #tpu.memory_space<hbm>> -> memref<2x128xf32, #tpu.memory_space<hbm>>
      %dma_start3A_152 = arith.constant 0 : i32
      %dma_start3A_153 = arith.constant 0 : i32
      %dma_start3A_154 = tpu.memref_slice %arg8[%add3A, %dma_start3A_152, %dma_start3A_153] : memref<32x2x128xf32, #tpu.memory_space<hbm>> -> memref<1x2x128xf32, #tpu.memory_space<hbm>>
      %dma_start3A_155 = tpu.memref_squeeze %dma_start3A_154 : memref<1x2x128xf32, #tpu.memory_space<hbm>> -> memref<2x128xf32, #tpu.memory_space<hbm>>
      tpu.enqueue_dma source(%arg21 : memref<2x128xf32, #tpu.memory_space<vmem>>) target(%dma_start3A_155 : memref<2x128xf32, #tpu.memory_space<hbm>>) target_semaphore(%run_scoped3A : memref<!tpu.dma_semaphore, #tpu.memory_space<semaphore_mem>>)
      %dma_wait3A_156 = arith.constant 0 : i32
      %dma_wait3A_157 = arith.constant 0 : i32
      %dma_wait3A_158 = tpu.memref_slice %arg8[%add3A, %dma_wait3A_156, %dma_wait3A_157] : memref<32x2x128xf32, #tpu.memory_space<hbm>> -> memref<1x2x128xf32, #tpu.memory_space<hbm>>
      %dma_wait3A_159 = tpu.memref_squeeze %dma_wait3A_158 : memref<1x2x128xf32, #tpu.memory_space<hbm>> -> memref<2x128xf32, #tpu.memory_space<hbm>>
      %dma_wait3A_160 = arith.constant 0 : i32
      %dma_wait3A_161 = arith.constant 0 : i32
      %dma_wait3A_162 = tpu.memref_slice %arg8[%add3A, %dma_wait3A_160, %dma_wait3A_161] : memref<32x2x128xf32, #tpu.memory_space<hbm>> -> memref<1x2x128xf32, #tpu.memory_space<hbm>>
      %dma_wait3A_163 = tpu.memref_squeeze %dma_wait3A_162 : memref<1x2x128xf32, #tpu.memory_space<hbm>> -> memref<2x128xf32, #tpu.memory_space<hbm>>
      tpu.wait_dma2 semaphore(%run_scoped3A : memref<!tpu.dma_semaphore, #tpu.memory_space<semaphore_mem>>) src(%arg21 : memref<2x128xf32, #tpu.memory_space<vmem>>) dst(%dma_wait3A_163 : memref<2x128xf32, #tpu.memory_space<hbm>>)
      tpu.yield
    }) : () -> ()
    return
  }
}

module attributes {stable_mosaic.version = 14 : i64} {
  func.func @_z_body(%arg0: i32, %arg1: memref<2000x128xf32, #tpu.memory_space<vmem>>, %arg2: memref<128x128xf32, #tpu.memory_space<vmem>>, %arg3: memref<1x128xf32, #tpu.memory_space<vmem>>, %arg4: memref<2000x128xf32, #tpu.memory_space<vmem>>) attributes {dimension_semantics = [#tpu.dimension_semantics<arbitrary>], iteration_bounds = array<i64: 160>, scalar_prefetch = 0 : i64, scratch_operands = 0 : i64, tpu.core_type = #tpu.core_type<tc>, window_params = [{transform_indices = @transform_0, window_bounds = array<i64: 2000, 128>}, {pipeline_mode = #tpu.pipeline_mode<synchronous>, transform_indices = @transform_1, window_bounds = array<i64: 128, 128>}, {pipeline_mode = #tpu.pipeline_mode<synchronous>, transform_indices = @transform_2, window_bounds = array<i64: 1, 128>}, {transform_indices = @transform_3, window_bounds = array<i64: 2000, 128>}]} {
    %get3A = arith.constant 0 : index
    %get3A_0 = arith.constant 0 : index
    %get3A_1 = vector.load %arg1[%get3A, %get3A_0] : memref<2000x128xf32, #tpu.memory_space<vmem>>, vector<2000x128xf32>
    %get3A_2 = arith.constant 0 : index
    %get3A_3 = arith.constant 0 : index
    %get3A_4 = vector.load %arg2[%get3A_2, %get3A_3] : memref<128x128xf32, #tpu.memory_space<vmem>>, vector<128x128xf32>
    %dot_general3A = arith.constant dense<0.000000e+00> : vector<2000x128xf32>
    %dot_general3A_5 = tpu.matmul %get3A_1, %get3A_4, %dot_general3A {dimension_numbers = #tpu.dot_dimension_numbers<[1], [0], [0], [1], [0, 0, 1, 1], [], []>, transpose_lhs_hint = false} : vector<2000x128xf32>, vector<128x128xf32>, vector<2000x128xf32> -> vector<2000x128xf32>
    %get3A_6 = arith.constant 0 : index
    %get3A_7 = arith.constant 0 : index
    %get3A_8 = vector.load %arg3[%get3A_6, %get3A_7] : memref<1x128xf32, #tpu.memory_space<vmem>>, vector<1x128xf32>
    %add3A = vector.broadcast %get3A_8 : vector<1x128xf32> to vector<2000x128xf32>
    %add3A_9 = arith.addf %dot_general3A_5, %add3A : vector<2000x128xf32>
    %swap3A = arith.constant 0 : index
    %swap3A_10 = arith.constant 0 : index
    %swap3A_11 = vector.load %arg4[%swap3A, %swap3A_10] : memref<2000x128xf32, #tpu.memory_space<vmem>>, vector<2000x128xf32>
    tpu.vector_store %arg4[%swap3A, %swap3A_10], %add3A_9 {strides = array<i32>} : memref<2000x128xf32, #tpu.memory_space<vmem>>, vector<2000x128xf32>,
    return
  }
  func.func @transform_0(%arg0: i32) -> (i32, i32) {
    %c0_i32 = arith.constant 0 : i32
    %c0_i32_0 = arith.constant 0 : i32
    return %arg0, %c0_i32 : i32, i32
  }
  func.func @transform_1(%arg0: i32) -> (i32, i32) {
    %c0_i32 = arith.constant 0 : i32
    %c0_i32_0 = arith.constant 0 : i32
    %c0_i32_1 = arith.constant 0 : i32
    return %c0_i32, %c0_i32_0 : i32, i32
  }
  func.func @transform_2(%arg0: i32) -> (i32, i32) {
    %c0_i32 = arith.constant 0 : i32
    %c0_i32_0 = arith.constant 0 : i32
    %c0_i32_1 = arith.constant 0 : i32
    return %c0_i32, %c0_i32_0 : i32, i32
  }
  func.func @transform_3(%arg0: i32) -> (i32, i32) {
    %c0_i32 = arith.constant 0 : i32
    %c0_i32_0 = arith.constant 0 : i32
    return %arg0, %c0_i32 : i32, i32
  }
}

module attributes {stable_mosaic.version = 14 : i64} {
  func.func @_tables_body(%arg0: memref<10000x128xf32, #tpu.memory_space<vmem>>, %arg1: memref<128x128xf32, #tpu.memory_space<vmem>>, %arg2: memref<10000x1xi32, #tpu.memory_space<vmem>>, %arg3: memref<128x128xf32, #tpu.memory_space<vmem>>, %arg4: memref<1x128xf32, #tpu.memory_space<vmem>>, %arg5: memref<128x128xf32, #tpu.memory_space<vmem>>, %arg6: memref<1x128xf32, #tpu.memory_space<vmem>>, %arg7: memref<128x128xf32, #tpu.memory_space<vmem>>, %arg8: memref<1x128xf32, #tpu.memory_space<vmem>>, %arg9: memref<128x128xf32, #tpu.memory_space<vmem>>, %arg10: memref<1x128xf32, #tpu.memory_space<vmem>>, %arg11: memref<128x128xf32, #tpu.memory_space<vmem>>, %arg12: memref<1x128xf32, #tpu.memory_space<vmem>>, %arg13: memref<10000x128xf32, #tpu.memory_space<vmem>>, %arg14: memref<10000x128xf32, #tpu.memory_space<vmem>>, %arg15: memref<10000x128xf32, #tpu.memory_space<vmem>>, %arg16: memref<10000x128xf32, #tpu.memory_space<vmem>>) attributes {dimension_semantics = [], scalar_prefetch = 0 : i64, scratch_operands = 0 : i64, tpu.core_type = #tpu.core_type<tc>} {
    %get3A = arith.constant 0 : index
    %get3A_0 = arith.constant 0 : index
    %get3A_1 = vector.load %arg0[%get3A, %get3A_0] : memref<10000x128xf32, #tpu.memory_space<vmem>>, vector<10000x128xf32>
    %get3A_2 = arith.constant 0 : index
    %get3A_3 = arith.constant 0 : index
    %get3A_4 = vector.load %arg1[%get3A_2, %get3A_3] : memref<128x128xf32, #tpu.memory_space<vmem>>, vector<128x128xf32>
    %get3A_5 = arith.constant 0 : index
    %get3A_6 = arith.constant 0 : index
    %get3A_7 = vector.load %arg3[%get3A_5, %get3A_6] : memref<128x128xf32, #tpu.memory_space<vmem>>, vector<128x128xf32>
    %dot_general3A = arith.constant dense<0.000000e+00> : vector<10000x128xf32>
    %dot_general3A_8 = tpu.matmul %get3A_1, %get3A_7, %dot_general3A {dimension_numbers = #tpu.dot_dimension_numbers<[1], [0], [0], [1], [0, 0, 1, 1], [], []>, transpose_lhs_hint = false} : vector<10000x128xf32>, vector<128x128xf32>, vector<10000x128xf32> -> vector<10000x128xf32>
    %get3A_9 = arith.constant 0 : index
    %get3A_10 = arith.constant 0 : index
    %get3A_11 = vector.load %arg4[%get3A_9, %get3A_10] : memref<1x128xf32, #tpu.memory_space<vmem>>, vector<1x128xf32>
    %add3A = vector.broadcast %get3A_11 : vector<1x128xf32> to vector<10000x128xf32>
    %add3A_12 = arith.addf %dot_general3A_8, %add3A : vector<10000x128xf32>
    %get3A_13 = arith.constant 0 : index
    %get3A_14 = arith.constant 0 : index
    %get3A_15 = vector.load %arg5[%get3A_13, %get3A_14] : memref<128x128xf32, #tpu.memory_space<vmem>>, vector<128x128xf32>
    %dot_general3A_16 = arith.constant dense<0.000000e+00> : vector<128x128xf32>
    %dot_general3A_17 = tpu.matmul %get3A_4, %get3A_15, %dot_general3A_16 {dimension_numbers = #tpu.dot_dimension_numbers<[1], [0], [0], [1], [0, 0, 1, 1], [], []>, transpose_lhs_hint = false} : vector<128x128xf32>, vector<128x128xf32>, vector<128x128xf32> -> vector<128x128xf32>
    %get3A_18 = arith.constant 0 : index
    %get3A_19 = arith.constant 0 : index
    %get3A_20 = vector.load %arg6[%get3A_18, %get3A_19] : memref<1x128xf32, #tpu.memory_space<vmem>>, vector<1x128xf32>
    %add3A_21 = vector.broadcast %get3A_20 : vector<1x128xf32> to vector<128x128xf32>
    %add3A_22 = arith.addf %dot_general3A_17, %add3A_21 : vector<128x128xf32>
    %get3A_23 = arith.constant 0 : index
    %get3A_24 = arith.constant 0 : index
    %get3A_25 = vector.load %arg11[%get3A_23, %get3A_24] : memref<128x128xf32, #tpu.memory_space<vmem>>, vector<128x128xf32>
    %dot_general3A_26 = arith.constant dense<0.000000e+00> : vector<128x128xf32>
    %dot_general3A_27 = tpu.matmul %get3A_4, %get3A_25, %dot_general3A_26 {dimension_numbers = #tpu.dot_dimension_numbers<[1], [0], [0], [1], [0, 0, 1, 1], [], []>, transpose_lhs_hint = false} : vector<128x128xf32>, vector<128x128xf32>, vector<128x128xf32> -> vector<128x128xf32>
    %get3A_28 = arith.constant 0 : index
    %get3A_29 = arith.constant 0 : index
    %get3A_30 = vector.load %arg12[%get3A_28, %get3A_29] : memref<1x128xf32, #tpu.memory_space<vmem>>, vector<1x128xf32>
    %add3A_31 = vector.broadcast %get3A_30 : vector<1x128xf32> to vector<128x128xf32>
    %add3A_32 = arith.addf %dot_general3A_27, %add3A_31 : vector<128x128xf32>
    %get3A_33 = arith.constant 0 : index
    %get3A_34 = arith.constant 0 : index
    %get3A_35 = vector.load %arg2[%get3A_33, %get3A_34] : memref<10000x1xi32, #tpu.memory_space<vmem>>, vector<10000x1xi32>
    %iota3A = tpu.iota {dimensions = array<i32: 1>} : vector<10000x128xi32>
    %eq3A = vector.broadcast %get3A_35 : vector<10000x1xi32> to vector<10000x128xi32>
    %eq3A_36 = arith.cmpi eq, %eq3A, %iota3A : vector<10000x128xi32>
    %convert_element_type3A = arith.extui %eq3A_36 : vector<10000x128xi1> to vector<10000x128xi32>
    %convert_element_type3A_37 = arith.sitofp %convert_element_type3A : vector<10000x128xi32> to vector<10000x128xf32>
    %dot_general3A_38 = arith.constant dense<0.000000e+00> : vector<10000x128xf32>
    %dot_general3A_39 = tpu.matmul %convert_element_type3A_37, %add3A_22, %dot_general3A_38 {dimension_numbers = #tpu.dot_dimension_numbers<[1], [0], [0], [1], [0, 0, 1, 1], [], []>, transpose_lhs_hint = false} : vector<10000x128xf32>, vector<128x128xf32>, vector<10000x128xf32> -> vector<10000x128xf32>
    %dot_general3A_40 = arith.constant dense<0.000000e+00> : vector<10000x128xf32>
    %dot_general3A_41 = tpu.matmul %convert_element_type3A_37, %add3A_32, %dot_general3A_40 {dimension_numbers = #tpu.dot_dimension_numbers<[1], [0], [0], [1], [0, 0, 1, 1], [], []>, transpose_lhs_hint = false} : vector<10000x128xf32>, vector<128x128xf32>, vector<10000x128xf32> -> vector<10000x128xf32>
    %get3A_42 = arith.constant 0 : index
    %get3A_43 = arith.constant 0 : index
    %get3A_44 = vector.load %arg9[%get3A_42, %get3A_43] : memref<128x128xf32, #tpu.memory_space<vmem>>, vector<128x128xf32>
    %dot_general3A_45 = arith.constant dense<0.000000e+00> : vector<10000x128xf32>
    %dot_general3A_46 = tpu.matmul %get3A_1, %get3A_44, %dot_general3A_45 {dimension_numbers = #tpu.dot_dimension_numbers<[1], [0], [0], [1], [0, 0, 1, 1], [], []>, transpose_lhs_hint = false} : vector<10000x128xf32>, vector<128x128xf32>, vector<10000x128xf32> -> vector<10000x128xf32>
    %get3A_47 = arith.constant 0 : index
    %get3A_48 = arith.constant 0 : index
    %get3A_49 = vector.load %arg10[%get3A_47, %get3A_48] : memref<1x128xf32, #tpu.memory_space<vmem>>, vector<1x128xf32>
    %add3A_50 = vector.broadcast %get3A_49 : vector<1x128xf32> to vector<10000x128xf32>
    %add3A_51 = arith.addf %dot_general3A_46, %add3A_50 : vector<10000x128xf32>
    %swap3A = arith.constant 0 : index
    %swap3A_52 = arith.constant 0 : index
    %swap3A_53 = vector.load %arg14[%swap3A, %swap3A_52] : memref<10000x128xf32, #tpu.memory_space<vmem>>, vector<10000x128xf32>
    tpu.vector_store %arg14[%swap3A, %swap3A_52], %add3A_12 {strides = array<i32>} : memref<10000x128xf32, #tpu.memory_space<vmem>>, vector<10000x128xf32>,
    %add3A_54 = arith.addf %add3A_12, %dot_general3A_39 : vector<10000x128xf32>
    %swap3A_55 = arith.constant 0 : index
    %swap3A_56 = arith.constant 0 : index
    %swap3A_57 = vector.load %arg13[%swap3A_55, %swap3A_56] : memref<10000x128xf32, #tpu.memory_space<vmem>>, vector<10000x128xf32>
    tpu.vector_store %arg13[%swap3A_55, %swap3A_56], %add3A_54 {strides = array<i32>} : memref<10000x128xf32, #tpu.memory_space<vmem>>, vector<10000x128xf32>,
    %get3A_58 = arith.constant 0 : index
    %get3A_59 = arith.constant 0 : index
    %get3A_60 = vector.load %arg7[%get3A_58, %get3A_59] : memref<128x128xf32, #tpu.memory_space<vmem>>, vector<128x128xf32>
    %dot_general3A_61 = arith.constant dense<0.000000e+00> : vector<10000x128xf32>
    %dot_general3A_62 = tpu.matmul %get3A_1, %get3A_60, %dot_general3A_61 {dimension_numbers = #tpu.dot_dimension_numbers<[1], [0], [0], [1], [0, 0, 1, 1], [], []>, transpose_lhs_hint = false} : vector<10000x128xf32>, vector<128x128xf32>, vector<10000x128xf32> -> vector<10000x128xf32>
    %get3A_63 = arith.constant 0 : index
    %get3A_64 = arith.constant 0 : index
    %get3A_65 = vector.load %arg8[%get3A_63, %get3A_64] : memref<1x128xf32, #tpu.memory_space<vmem>>, vector<1x128xf32>
    %add3A_66 = vector.broadcast %get3A_65 : vector<1x128xf32> to vector<10000x128xf32>
    %add3A_67 = arith.addf %dot_general3A_62, %add3A_66 : vector<10000x128xf32>
    %swap3A_68 = arith.constant 0 : index
    %swap3A_69 = arith.constant 0 : index
    %swap3A_70 = vector.load %arg15[%swap3A_68, %swap3A_69] : memref<10000x128xf32, #tpu.memory_space<vmem>>, vector<10000x128xf32>
    tpu.vector_store %arg15[%swap3A_68, %swap3A_69], %add3A_67 {strides = array<i32>} : memref<10000x128xf32, #tpu.memory_space<vmem>>, vector<10000x128xf32>,
    %add3A_71 = arith.addf %add3A_51, %dot_general3A_41 : vector<10000x128xf32>
    %swap3A_72 = arith.constant 0 : index
    %swap3A_73 = arith.constant 0 : index
    %swap3A_74 = vector.load %arg16[%swap3A_72, %swap3A_73] : memref<10000x128xf32, #tpu.memory_space<vmem>>, vector<10000x128xf32>
    tpu.vector_store %arg16[%swap3A_72, %swap3A_73], %add3A_71 {strides = array<i32>} : memref<10000x128xf32, #tpu.memory_space<vmem>>, vector<10000x128xf32>,
    return
  }
}

module attributes {stable_mosaic.version = 14 : i64} {
  func.func @_enew_body(%arg0: i32, %arg1: memref<2000x128xf32, #tpu.memory_space<vmem>>, %arg2: memref<32x2x128xf32, #tpu.memory_space<vmem>>, %arg3: memref<1x128xf32, #tpu.memory_space<vmem>>, %arg4: memref<1x128xf32, #tpu.memory_space<vmem>>, %arg5: memref<2000x128xf32, #tpu.memory_space<vmem>>, %arg6: memref<2000x64xf32, #tpu.memory_space<vmem>>, %arg7: memref<2000x64xf32, #tpu.memory_space<vmem>>) attributes {dimension_semantics = [#tpu.dimension_semantics<arbitrary>], iteration_bounds = array<i64: 160>, scalar_prefetch = 0 : i64, scratch_operands = 0 : i64, tpu.core_type = #tpu.core_type<tc>, window_params = [{transform_indices = @transform_0, window_bounds = array<i64: 2000, 128>}, {pipeline_mode = #tpu.pipeline_mode<synchronous>, transform_indices = @transform_1, window_bounds = array<i64: 32, 2, 128>}, {pipeline_mode = #tpu.pipeline_mode<synchronous>, transform_indices = @transform_2, window_bounds = array<i64: 1, 128>}, {pipeline_mode = #tpu.pipeline_mode<synchronous>, transform_indices = @transform_3, window_bounds = array<i64: 1, 128>}, {transform_indices = @transform_4, window_bounds = array<i64: 2000, 128>}, {transform_indices = @transform_5, window_bounds = array<i64: 2000, 64>}, {transform_indices = @transform_6, window_bounds = array<i64: 2000, 64>}]} {
    %get3A = arith.constant 0 : index
    %get3A_0 = arith.constant 0 : index
    %get3A_1 = arith.constant 0 : index
    %get3A_2 = vector.load %arg2[%get3A, %get3A_0, %get3A_1] : memref<32x2x128xf32, #tpu.memory_space<vmem>>, vector<32x2x128xf32>
    %slice3A = vector.extract_strided_slice %get3A_2 {offsets = [0, 0, 0], sizes = [32, 1, 128], strides = [1, 1, 1]} : vector<32x2x128xf32> to vector<32x1x128xf32>
    %squeeze3A = vector.shape_cast %slice3A : vector<32x1x128xf32> to vector<32x128xf32>
    %reduce_sum3A = arith.constant dense<0.000000e+00> : vector<128xf32>
    %reduce_sum3A_3 = vector.multi_reduction <add>, %squeeze3A, %reduce_sum3A [0] : vector<32x128xf32> to vector<128xf32>
    %slice3A_4 = vector.extract_strided_slice %get3A_2 {offsets = [0, 1, 0], sizes = [32, 1, 128], strides = [1, 1, 1]} : vector<32x2x128xf32> to vector<32x1x128xf32>
    %squeeze3A_5 = vector.shape_cast %slice3A_4 : vector<32x1x128xf32> to vector<32x128xf32>
    %reduce_sum3A_6 = arith.constant dense<0.000000e+00> : vector<128xf32>
    %reduce_sum3A_7 = vector.multi_reduction <add>, %squeeze3A_5, %reduce_sum3A_6 [0] : vector<32x128xf32> to vector<128xf32>
    %div3A = arith.constant 3.200000e+05 : f32
    %div3A_8 = vector.broadcast %div3A : f32 to vector<128xf32>
    %div3A_9 = arith.divf %reduce_sum3A_3, %div3A_8 : vector<128xf32>
    %div3A_10 = arith.constant 3.200000e+05 : f32
    %div3A_11 = vector.broadcast %div3A_10 : f32 to vector<128xf32>
    %div3A_12 = arith.divf %reduce_sum3A_7, %div3A_11 : vector<128xf32>
    %mul3A = arith.mulf %div3A_9, %div3A_9 : vector<128xf32>
    %sub3A = arith.subf %div3A_12, %mul3A : vector<128xf32>
    %add3A = arith.constant 9.99999974E-6 : f32
    %add3A_13 = vector.broadcast %add3A : f32 to vector<128xf32>
    %add3A_14 = arith.addf %sub3A, %add3A_13 : vector<128xf32>
    %rsqrt3A = math.rsqrt %add3A_14 : vector<128xf32>
    %get3A_15 = arith.constant 0 : index
    %get3A_16 = arith.constant 0 : index
    %get3A_17 = vector.load %arg3[%get3A_15, %get3A_16] : memref<1x128xf32, #tpu.memory_space<vmem>>, vector<1x128xf32>
    %squeeze3A_18 = vector.shape_cast %get3A_17 : vector<1x128xf32> to vector<128xf32>
    %mul3A_19 = arith.mulf %squeeze3A_18, %rsqrt3A : vector<128xf32>
    %broadcast_in_dim3A = vector.shape_cast %mul3A_19 : vector<128xf32> to vector<1x128xf32>
    %get3A_20 = arith.constant 0 : index
    %get3A_21 = arith.constant 0 : index
    %get3A_22 = vector.load %arg4[%get3A_20, %get3A_21] : memref<1x128xf32, #tpu.memory_space<vmem>>, vector<1x128xf32>
    %squeeze3A_23 = vector.shape_cast %get3A_22 : vector<1x128xf32> to vector<128xf32>
    %get3A_24 = arith.constant 0 : index
    %get3A_25 = arith.constant 0 : index
    %get3A_26 = vector.load %arg3[%get3A_24, %get3A_25] : memref<1x128xf32, #tpu.memory_space<vmem>>, vector<1x128xf32>
    %squeeze3A_27 = vector.shape_cast %get3A_26 : vector<1x128xf32> to vector<128xf32>
    %mul3A_28 = arith.mulf %div3A_9, %squeeze3A_27 : vector<128xf32>
    %mul3A_29 = arith.mulf %mul3A_28, %rsqrt3A : vector<128xf32>
    %sub3A_30 = arith.subf %squeeze3A_23, %mul3A_29 : vector<128xf32>
    %broadcast_in_dim3A_31 = vector.shape_cast %sub3A_30 : vector<128xf32> to vector<1x128xf32>
    %get3A_32 = arith.constant 0 : index
    %get3A_33 = arith.constant 0 : index
    %get3A_34 = vector.load %arg1[%get3A_32, %get3A_33] : memref<2000x128xf32, #tpu.memory_space<vmem>>, vector<2000x128xf32>
    %mul3A_35 = vector.broadcast %broadcast_in_dim3A : vector<1x128xf32> to vector<2000x128xf32>
    %mul3A_36 = arith.mulf %get3A_34, %mul3A_35 : vector<2000x128xf32>
    %add3A_37 = vector.broadcast %broadcast_in_dim3A_31 : vector<1x128xf32> to vector<2000x128xf32>
    %add3A_38 = arith.addf %mul3A_36, %add3A_37 : vector<2000x128xf32>
    %max3A = arith.constant 0.000000e+00 : f32
    %max3A_39 = vector.broadcast %max3A : f32 to vector<2000x128xf32>
    %max3A_40 = arith.maximumf %add3A_38, %max3A_39 : vector<2000x128xf32>
    %neg3A = arith.constant 0.000000e+00 : f32
    %neg3A_41 = vector.broadcast %neg3A : f32 to vector<2000x128xf32>
    %neg3A_42 = arith.subf %neg3A_41, %max3A_40 : vector<2000x128xf32>
    %exp3A = math.exp %neg3A_42 : vector<2000x128xf32>
    %add3A_43 = arith.constant 1.000000e+00 : f32
    %add3A_44 = vector.broadcast %add3A_43 : f32 to vector<2000x128xf32>
    %add3A_45 = arith.addf %add3A_44, %exp3A : vector<2000x128xf32>
    %div3A_46 = arith.constant 1.000000e+00 : f32
    %div3A_47 = vector.broadcast %div3A_46 : f32 to vector<2000x128xf32>
    %div3A_48 = arith.divf %div3A_47, %add3A_45 : vector<2000x128xf32>
    %swap3A = arith.constant 0 : index
    %swap3A_49 = arith.constant 0 : index
    %swap3A_50 = vector.load %arg5[%swap3A, %swap3A_49] : memref<2000x128xf32, #tpu.memory_space<vmem>>, vector<2000x128xf32>
    tpu.vector_store %arg5[%swap3A, %swap3A_49], %max3A_40 {strides = array<i32>} : memref<2000x128xf32, #tpu.memory_space<vmem>>, vector<2000x128xf32>,
    %slice3A_51 = vector.extract_strided_slice %div3A_48 {offsets = [0, 0], sizes = [2000, 64], strides = [1, 1]} : vector<2000x128xf32> to vector<2000x64xf32>
    %swap3A_52 = arith.constant 0 : index
    %swap3A_53 = arith.constant 0 : index
    %swap3A_54 = vector.load %arg6[%swap3A_52, %swap3A_53] : memref<2000x64xf32, #tpu.memory_space<vmem>>, vector<2000x64xf32>
    tpu.vector_store %arg6[%swap3A_52, %swap3A_53], %slice3A_51 {strides = array<i32>} : memref<2000x64xf32, #tpu.memory_space<vmem>>, vector<2000x64xf32>,
    %slice3A_55 = vector.extract_strided_slice %div3A_48 {offsets = [0, 64], sizes = [2000, 64], strides = [1, 1]} : vector<2000x128xf32> to vector<2000x64xf32>
    %swap3A_56 = arith.constant 0 : index
    %swap3A_57 = arith.constant 0 : index
    %swap3A_58 = vector.load %arg7[%swap3A_56, %swap3A_57] : memref<2000x64xf32, #tpu.memory_space<vmem>>, vector<2000x64xf32>
    tpu.vector_store %arg7[%swap3A_56, %swap3A_57], %slice3A_55 {strides = array<i32>} : memref<2000x64xf32, #tpu.memory_space<vmem>>, vector<2000x64xf32>,
    return
  }
  func.func @transform_0(%arg0: i32) -> (i32, i32) {
    %c0_i32 = arith.constant 0 : i32
    %c0_i32_0 = arith.constant 0 : i32
    return %arg0, %c0_i32 : i32, i32
  }
  func.func @transform_1(%arg0: i32) -> (i32, i32, i32) {
    %c0_i32 = arith.constant 0 : i32
    %c0_i32_0 = arith.constant 0 : i32
    %c0_i32_1 = arith.constant 0 : i32
    %c0_i32_2 = arith.constant 0 : i32
    return %c0_i32, %c0_i32_0, %c0_i32_1 : i32, i32, i32
  }
  func.func @transform_2(%arg0: i32) -> (i32, i32) {
    %c0_i32 = arith.constant 0 : i32
    %c0_i32_0 = arith.constant 0 : i32
    %c0_i32_1 = arith.constant 0 : i32
    return %c0_i32, %c0_i32_0 : i32, i32
  }
  func.func @transform_3(%arg0: i32) -> (i32, i32) {
    %c0_i32 = arith.constant 0 : i32
    %c0_i32_0 = arith.constant 0 : i32
    %c0_i32_1 = arith.constant 0 : i32
    return %c0_i32, %c0_i32_0 : i32, i32
  }
  func.func @transform_4(%arg0: i32) -> (i32, i32) {
    %c0_i32 = arith.constant 0 : i32
    %c0_i32_0 = arith.constant 0 : i32
    return %arg0, %c0_i32 : i32, i32
  }
  func.func @transform_5(%arg0: i32) -> (i32, i32) {
    %c0_i32 = arith.constant 0 : i32
    %c0_i32_0 = arith.constant 0 : i32
    return %arg0, %c0_i32 : i32, i32
  }
  func.func @transform_6(%arg0: i32) -> (i32, i32) {
    %c0_i32 = arith.constant 0 : i32
    %c0_i32_0 = arith.constant 0 : i32
    return %arg0, %c0_i32 : i32, i32
  }
}

module attributes {stable_mosaic.version = 14 : i64} {
  func.func @_final_body(%arg0: memref<10000x128xf32, #tpu.memory_space<vmem>>, %arg1: memref<10000x128xf32, #tpu.memory_space<vmem>>, %arg2: memref<128x128xf32, #tpu.memory_space<vmem>>, %arg3: memref<128x128xf32, #tpu.memory_space<vmem>>, %arg4: memref<128x128xf32, #tpu.memory_space<vmem>>, %arg5: memref<128x128xf32, #tpu.memory_space<vmem>>, %arg6: memref<10000x128xf32, #tpu.memory_space<vmem>>, %arg7: memref<1x10000xi32, #tpu.memory_space<vmem>>, %arg8: memref<128x128xf32, #tpu.memory_space<vmem>>, %arg9: memref<128x128xf32, #tpu.memory_space<vmem>>, %arg10: memref<1x128xf32, #tpu.memory_space<vmem>>, %arg11: memref<128x128xf32, #tpu.memory_space<vmem>>, %arg12: memref<1x128xf32, #tpu.memory_space<vmem>>, %arg13: memref<128x128xf32, #tpu.memory_space<vmem>>, %arg14: memref<1x128xf32, #tpu.memory_space<vmem>>, %arg15: memref<1x128xf32, #tpu.memory_space<vmem>>, %arg16: memref<1x128xf32, #tpu.memory_space<vmem>>, %arg17: memref<1x128xf32, #tpu.memory_space<vmem>>, %arg18: memref<1x128xf32, #tpu.memory_space<vmem>>, %arg19: memref<10000x128xf32, #tpu.memory_space<vmem>>, %arg20: memref<128x128xf32, #tpu.memory_space<vmem>>) attributes {dimension_semantics = [], scalar_prefetch = 0 : i64, scratch_operands = 0 : i64, tpu.core_type = #tpu.core_type<tc>} {
    %get3A = arith.constant 0 : index
    %get3A_0 = arith.constant 0 : index
    %get3A_1 = vector.load %arg0[%get3A, %get3A_0] : memref<10000x128xf32, #tpu.memory_space<vmem>>, vector<10000x128xf32>
    %get3A_2 = arith.constant 0 : index
    %get3A_3 = arith.constant 0 : index
    %get3A_4 = vector.load %arg1[%get3A_2, %get3A_3] : memref<10000x128xf32, #tpu.memory_space<vmem>>, vector<10000x128xf32>
    %slice3A = vector.extract_strided_slice %get3A_1 {offsets = [0, 0], sizes = [10000, 64], strides = [1, 1]} : vector<10000x128xf32> to vector<10000x64xf32>
    %slice3A_5 = vector.extract_strided_slice %get3A_4 {offsets = [0, 0], sizes = [10000, 64], strides = [1, 1]} : vector<10000x128xf32> to vector<10000x64xf32>
    %concatenate3A = tpu.concatenate %slice3A, %slice3A_5 in 1 : vector<10000x64xf32>, vector<10000x64xf32> -> vector<10000x128xf32>
    %slice3A_6 = vector.extract_strided_slice %get3A_1 {offsets = [0, 64], sizes = [10000, 64], strides = [1, 1]} : vector<10000x128xf32> to vector<10000x64xf32>
    %slice3A_7 = vector.extract_strided_slice %get3A_4 {offsets = [0, 64], sizes = [10000, 64], strides = [1, 1]} : vector<10000x128xf32> to vector<10000x64xf32>
    %concatenate3A_8 = tpu.concatenate %slice3A_6, %slice3A_7 in 1 : vector<10000x64xf32>, vector<10000x64xf32> -> vector<10000x128xf32>
    %get3A_9 = arith.constant 0 : index
    %get3A_10 = arith.constant 0 : index
    %get3A_11 = vector.load %arg2[%get3A_9, %get3A_10] : memref<128x128xf32, #tpu.memory_space<vmem>>, vector<128x128xf32>
    %get3A_12 = arith.constant 0 : index
    %get3A_13 = arith.constant 0 : index
    %get3A_14 = vector.load %arg3[%get3A_12, %get3A_13] : memref<128x128xf32, #tpu.memory_space<vmem>>, vector<128x128xf32>
    %add3A = arith.addf %get3A_11, %get3A_14 : vector<128x128xf32>
    %get3A_15 = arith.constant 0 : index
    %get3A_16 = arith.constant 0 : index
    %get3A_17 = vector.load %arg6[%get3A_15, %get3A_16] : memref<10000x128xf32, #tpu.memory_space<vmem>>, vector<10000x128xf32>
    %add3A_18 = arith.constant 9.99999997E-7 : f32
    %add3A_19 = vector.broadcast %add3A_18 : f32 to vector<10000x128xf32>
    %add3A_20 = arith.addf %concatenate3A_8, %add3A_19 : vector<10000x128xf32>
    %div3A = arith.divf %concatenate3A, %add3A_20 : vector<10000x128xf32>
    %add3A_21 = arith.addf %get3A_17, %div3A : vector<10000x128xf32>
    %reduce_sum3A = arith.constant dense<0.000000e+00> : vector<128xf32>
    %reduce_sum3A_22 = vector.multi_reduction <add>, %add3A_21, %reduce_sum3A [0] : vector<10000x128xf32> to vector<128xf32>
    %broadcast_in_dim3A = vector.shape_cast %reduce_sum3A_22 : vector<128xf32> to vector<1x128xf32>
    %div3A_23 = arith.constant 1.000000e+04 : f32
    %div3A_24 = vector.broadcast %div3A_23 : f32 to vector<1x128xf32>
    %div3A_25 = arith.divf %broadcast_in_dim3A, %div3A_24 : vector<1x128xf32>
    %mul3A = arith.mulf %add3A_21, %add3A_21 : vector<10000x128xf32>
    %reduce_sum3A_26 = arith.constant dense<0.000000e+00> : vector<128xf32>
    %reduce_sum3A_27 = vector.multi_reduction <add>, %mul3A, %reduce_sum3A_26 [0] : vector<10000x128xf32> to vector<128xf32>
    %broadcast_in_dim3A_28 = vector.shape_cast %reduce_sum3A_27 : vector<128xf32> to vector<1x128xf32>
    %div3A_29 = arith.constant 1.000000e+04 : f32
    %div3A_30 = vector.broadcast %div3A_29 : f32 to vector<1x128xf32>
    %div3A_31 = arith.divf %broadcast_in_dim3A_28, %div3A_30 : vector<1x128xf32>
    %mul3A_32 = arith.mulf %div3A_25, %div3A_25 : vector<1x128xf32>
    %sub3A = arith.subf %div3A_31, %mul3A_32 : vector<1x128xf32>
    %get3A_33 = arith.constant 0 : index
    %get3A_34 = arith.constant 0 : index
    %get3A_35 = vector.load %arg15[%get3A_33, %get3A_34] : memref<1x128xf32, #tpu.memory_space<vmem>>, vector<1x128xf32>
    %sub3A_36 = vector.broadcast %div3A_25 : vector<1x128xf32> to vector<10000x128xf32>
    %sub3A_37 = arith.subf %add3A_21, %sub3A_36 : vector<10000x128xf32>
    %mul3A_38 = vector.broadcast %get3A_35 : vector<1x128xf32> to vector<10000x128xf32>
    %mul3A_39 = arith.mulf %mul3A_38, %sub3A_37 : vector<10000x128xf32>
    %add3A_40 = arith.constant 9.99999974E-6 : f32
    %add3A_41 = vector.broadcast %add3A_40 : f32 to vector<1x128xf32>
    %add3A_42 = arith.addf %sub3A, %add3A_41 : vector<1x128xf32>
    %rsqrt3A = math.rsqrt %add3A_42 : vector<1x128xf32>
    %mul3A_43 = vector.broadcast %rsqrt3A : vector<1x128xf32> to vector<10000x128xf32>
    %mul3A_44 = arith.mulf %mul3A_39, %mul3A_43 : vector<10000x128xf32>
    %get3A_45 = arith.constant 0 : index
    %get3A_46 = arith.constant 0 : index
    %get3A_47 = vector.load %arg16[%get3A_45, %get3A_46] : memref<1x128xf32, #tpu.memory_space<vmem>>, vector<1x128xf32>
    %add3A_48 = vector.broadcast %get3A_47 : vector<1x128xf32> to vector<10000x128xf32>
    %add3A_49 = arith.addf %mul3A_44, %add3A_48 : vector<10000x128xf32>
    %max3A = arith.constant 0.000000e+00 : f32
    %max3A_50 = vector.broadcast %max3A : f32 to vector<10000x128xf32>
    %max3A_51 = arith.maximumf %add3A_49, %max3A_50 : vector<10000x128xf32>
    %swap3A = arith.constant 0 : index
    %swap3A_52 = arith.constant 0 : index
    %swap3A_53 = vector.load %arg19[%swap3A, %swap3A_52] : memref<10000x128xf32, #tpu.memory_space<vmem>>, vector<10000x128xf32>
    tpu.vector_store %arg19[%swap3A, %swap3A_52], %max3A_51 {strides = array<i32>} : memref<10000x128xf32, #tpu.memory_space<vmem>>, vector<10000x128xf32>,
    %iota3A = tpu.iota {dimensions = array<i32: 0>} : vector<128x10000xi32>
    %get3A_54 = arith.constant 0 : index
    %get3A_55 = arith.constant 0 : index
    %get3A_56 = vector.load %arg7[%get3A_54, %get3A_55] : memref<1x10000xi32, #tpu.memory_space<vmem>>, vector<1x10000xi32>
    %eq3A = vector.broadcast %get3A_56 : vector<1x10000xi32> to vector<128x10000xi32>
    %eq3A_57 = arith.cmpi eq, %iota3A, %eq3A : vector<128x10000xi32>
    %convert_element_type3A = arith.extui %eq3A_57 : vector<128x10000xi1> to vector<128x10000xi32>
    %convert_element_type3A_58 = arith.sitofp %convert_element_type3A : vector<128x10000xi32> to vector<128x10000xf32>
    %dot_general3A = arith.constant dense<0.000000e+00> : vector<128x128xf32>
    %dot_general3A_59 = tpu.matmul %convert_element_type3A_58, %max3A_51, %dot_general3A {dimension_numbers = #tpu.dot_dimension_numbers<[1], [0], [0], [1], [0, 0, 1, 1], [], []>, transpose_lhs_hint = false} : vector<128x10000xf32>, vector<10000x128xf32>, vector<128x128xf32> -> vector<128x128xf32>
    %reduce_sum3A_60 = arith.constant dense<0.000000e+00> : vector<128xf32>
    %reduce_sum3A_61 = vector.multi_reduction <add>, %convert_element_type3A_58, %reduce_sum3A_60 [1] : vector<128x10000xf32> to vector<128xf32>
    %broadcast_in_dim3A_62 = vector.shape_cast %reduce_sum3A_61 : vector<128xf32> to vector<128x1xf32>
    %get3A_63 = arith.constant 0 : index
    %get3A_64 = arith.constant 0 : index
    %get3A_65 = vector.load %arg9[%get3A_63, %get3A_64] : memref<128x128xf32, #tpu.memory_space<vmem>>, vector<128x128xf32>
    %dot_general3A_66 = arith.constant dense<0.000000e+00> : vector<128x128xf32>
    %dot_general3A_67 = tpu.matmul %dot_general3A_59, %get3A_65, %dot_general3A_66 {dimension_numbers = #tpu.dot_dimension_numbers<[1], [0], [0], [1], [0, 0, 1, 1], [], []>, transpose_lhs_hint = false} : vector<128x128xf32>, vector<128x128xf32>, vector<128x128xf32> -> vector<128x128xf32>
    %get3A_68 = arith.constant 0 : index
    %get3A_69 = arith.constant 0 : index
    %get3A_70 = vector.load %arg10[%get3A_68, %get3A_69] : memref<1x128xf32, #tpu.memory_space<vmem>>, vector<1x128xf32>
    %mul3A_71 = vector.broadcast %broadcast_in_dim3A_62 : vector<128x1xf32> to vector<128x128xf32>
    %mul3A_72 = vector.broadcast %get3A_70 : vector<1x128xf32> to vector<128x128xf32>
    %mul3A_73 = arith.mulf %mul3A_71, %mul3A_72 : vector<128x128xf32>
    %add3A_74 = arith.addf %dot_general3A_67, %mul3A_73 : vector<128x128xf32>
    %max3A_75 = arith.constant 1.000000e+00 : f32
    %max3A_76 = vector.broadcast %max3A_75 : f32 to vector<128x1xf32>
    %max3A_77 = arith.maximumf %broadcast_in_dim3A_62, %max3A_76 : vector<128x1xf32>
    %div3A_78 = vector.broadcast %max3A_77 : vector<128x1xf32> to vector<128x128xf32>
    %div3A_79 = arith.divf %add3A_74, %div3A_78 : vector<128x128xf32>
    %get3A_80 = arith.constant 0 : index
    %get3A_81 = arith.constant 0 : index
    %get3A_82 = vector.load %arg4[%get3A_80, %get3A_81] : memref<128x128xf32, #tpu.memory_space<vmem>>, vector<128x128xf32>
    %get3A_83 = arith.constant 0 : index
    %get3A_84 = arith.constant 0 : index
    %get3A_85 = vector.load %arg5[%get3A_83, %get3A_84] : memref<128x128xf32, #tpu.memory_space<vmem>>, vector<128x128xf32>
    %add3A_86 = arith.addf %get3A_82, %get3A_85 : vector<128x128xf32>
    %reduce_sum3A_87 = arith.constant dense<0.000000e+00> : vector<128xf32>
    %reduce_sum3A_88 = vector.multi_reduction <add>, %add3A_86, %reduce_sum3A_87 [1] : vector<128x128xf32> to vector<128xf32>
    %broadcast_in_dim3A_89 = vector.shape_cast %reduce_sum3A_88 : vector<128xf32> to vector<128x1xf32>
    %mul3A_90 = arith.constant 7.812500e-03 : f32
    %mul3A_91 = vector.broadcast %mul3A_90 : f32 to vector<128x1xf32>
    %mul3A_92 = arith.mulf %broadcast_in_dim3A_89, %mul3A_91 : vector<128x1xf32>
    %get3A_93 = arith.constant 0 : index
    %get3A_94 = arith.constant 0 : index
    %get3A_95 = vector.load %arg11[%get3A_93, %get3A_94] : memref<128x128xf32, #tpu.memory_space<vmem>>, vector<128x128xf32>
    %dot_general3A_96 = arith.constant dense<0.000000e+00> : vector<128x128xf32>
    %dot_general3A_97 = tpu.matmul %add3A, %get3A_95, %dot_general3A_96 {dimension_numbers = #tpu.dot_dimension_numbers<[1], [0], [0], [1], [0, 0, 1, 1], [], []>, transpose_lhs_hint = false} : vector<128x128xf32>, vector<128x128xf32>, vector<128x128xf32> -> vector<128x128xf32>
    %get3A_98 = arith.constant 0 : index
    %get3A_99 = arith.constant 0 : index
    %get3A_100 = vector.load %arg12[%get3A_98, %get3A_99] : memref<1x128xf32, #tpu.memory_space<vmem>>, vector<1x128xf32>
    %mul3A_101 = vector.broadcast %mul3A_92 : vector<128x1xf32> to vector<128x128xf32>
    %mul3A_102 = vector.broadcast %get3A_100 : vector<1x128xf32> to vector<128x128xf32>
    %mul3A_103 = arith.mulf %mul3A_101, %mul3A_102 : vector<128x128xf32>
    %add3A_104 = arith.addf %dot_general3A_97, %mul3A_103 : vector<128x128xf32>
    %mul3A_105 = arith.constant 3.125000e-06 : f32
    %mul3A_106 = vector.broadcast %mul3A_105 : f32 to vector<128x128xf32>
    %mul3A_107 = arith.mulf %add3A_104, %mul3A_106 : vector<128x128xf32>
    %add3A_108 = arith.addf %div3A_79, %mul3A_107 : vector<128x128xf32>
    %get3A_109 = arith.constant 0 : index
    %get3A_110 = arith.constant 0 : index
    %get3A_111 = vector.load %arg8[%get3A_109, %get3A_110] : memref<128x128xf32, #tpu.memory_space<vmem>>, vector<128x128xf32>
    %get3A_112 = arith.constant 0 : index
    %get3A_113 = arith.constant 0 : index
    %get3A_114 = vector.load %arg13[%get3A_112, %get3A_113] : memref<128x128xf32, #tpu.memory_space<vmem>>, vector<128x128xf32>
    %dot_general3A_115 = arith.constant dense<0.000000e+00> : vector<128x128xf32>
    %dot_general3A_116 = tpu.matmul %get3A_111, %get3A_114, %dot_general3A_115 {dimension_numbers = #tpu.dot_dimension_numbers<[1], [0], [0], [1], [0, 0, 1, 1], [], []>, transpose_lhs_hint = false} : vector<128x128xf32>, vector<128x128xf32>, vector<128x128xf32> -> vector<128x128xf32>
    %add3A_117 = arith.addf %add3A_108, %dot_general3A_116 : vector<128x128xf32>
    %get3A_118 = arith.constant 0 : index
    %get3A_119 = arith.constant 0 : index
    %get3A_120 = vector.load %arg14[%get3A_118, %get3A_119] : memref<1x128xf32, #tpu.memory_space<vmem>>, vector<1x128xf32>
    %add3A_121 = vector.broadcast %get3A_120 : vector<1x128xf32> to vector<128x128xf32>
    %add3A_122 = arith.addf %add3A_117, %add3A_121 : vector<128x128xf32>
    %reduce_sum3A_123 = arith.constant dense<0.000000e+00> : vector<128xf32>
    %reduce_sum3A_124 = vector.multi_reduction <add>, %add3A_122, %reduce_sum3A_123 [0] : vector<128x128xf32> to vector<128xf32>
    %broadcast_in_dim3A_125 = vector.shape_cast %reduce_sum3A_124 : vector<128xf32> to vector<1x128xf32>
    %div3A_126 = arith.constant 1.280000e+02 : f32
    %div3A_127 = vector.broadcast %div3A_126 : f32 to vector<1x128xf32>
    %div3A_128 = arith.divf %broadcast_in_dim3A_125, %div3A_127 : vector<1x128xf32>
    %mul3A_129 = arith.mulf %add3A_122, %add3A_122 : vector<128x128xf32>
    %reduce_sum3A_130 = arith.constant dense<0.000000e+00> : vector<128xf32>
    %reduce_sum3A_131 = vector.multi_reduction <add>, %mul3A_129, %reduce_sum3A_130 [0] : vector<128x128xf32> to vector<128xf32>
    %broadcast_in_dim3A_132 = vector.shape_cast %reduce_sum3A_131 : vector<128xf32> to vector<1x128xf32>
    %div3A_133 = arith.constant 1.280000e+02 : f32
    %div3A_134 = vector.broadcast %div3A_133 : f32 to vector<1x128xf32>
    %div3A_135 = arith.divf %broadcast_in_dim3A_132, %div3A_134 : vector<1x128xf32>
    %mul3A_136 = arith.mulf %div3A_128, %div3A_128 : vector<1x128xf32>
    %sub3A_137 = arith.subf %div3A_135, %mul3A_136 : vector<1x128xf32>
    %get3A_138 = arith.constant 0 : index
    %get3A_139 = arith.constant 0 : index
    %get3A_140 = vector.load %arg17[%get3A_138, %get3A_139] : memref<1x128xf32, #tpu.memory_space<vmem>>, vector<1x128xf32>
    %sub3A_141 = vector.broadcast %div3A_128 : vector<1x128xf32> to vector<128x128xf32>
    %sub3A_142 = arith.subf %add3A_122, %sub3A_141 : vector<128x128xf32>
    %mul3A_143 = vector.broadcast %get3A_140 : vector<1x128xf32> to vector<128x128xf32>
    %mul3A_144 = arith.mulf %mul3A_143, %sub3A_142 : vector<128x128xf32>
    %add3A_145 = arith.constant 9.99999974E-6 : f32
    %add3A_146 = vector.broadcast %add3A_145 : f32 to vector<1x128xf32>
    %add3A_147 = arith.addf %sub3A_137, %add3A_146 : vector<1x128xf32>
    %rsqrt3A_148 = math.rsqrt %add3A_147 : vector<1x128xf32>
    %mul3A_149 = vector.broadcast %rsqrt3A_148 : vector<1x128xf32> to vector<128x128xf32>
    %mul3A_150 = arith.mulf %mul3A_144, %mul3A_149 : vector<128x128xf32>
    %get3A_151 = arith.constant 0 : index
    %get3A_152 = arith.constant 0 : index
    %get3A_153 = vector.load %arg18[%get3A_151, %get3A_152] : memref<1x128xf32, #tpu.memory_space<vmem>>, vector<1x128xf32>
    %add3A_154 = vector.broadcast %get3A_153 : vector<1x128xf32> to vector<128x128xf32>
    %add3A_155 = arith.addf %mul3A_150, %add3A_154 : vector<128x128xf32>
    %max3A_156 = arith.constant 0.000000e+00 : f32
    %max3A_157 = vector.broadcast %max3A_156 : f32 to vector<128x128xf32>
    %max3A_158 = arith.maximumf %add3A_155, %max3A_157 : vector<128x128xf32>
    %swap3A_159 = arith.constant 0 : index
    %swap3A_160 = arith.constant 0 : index
    %swap3A_161 = vector.load %arg20[%swap3A_159, %swap3A_160] : memref<128x128xf32, #tpu.memory_space<vmem>>, vector<128x128xf32>
    tpu.vector_store %arg20[%swap3A_159, %swap3A_160], %max3A_158 {strides = array<i32>} : memref<128x128xf32, #tpu.memory_space<vmem>>, vector<128x128xf32>,
    return
  }
}

</mosaic_0001>

<sc_bundles>
// kernel: kernel.12.cloned.1.call-start
scs
__scs_entry_jumppad:
0x0: {  	(pc) =	sbr.rel $0x88, $3  }
0x1: {  	(tag) =	ssettag $0x0;
	lr =	simm.s32 $0x1  }
0x2: {  	[smem:$0x3F84] =	sst lr;
	_ =	strace $0xD0000000  }
0x3: {  	_ = 	snop  }
0x4: {  	_ = 	snop  }
0x5: {  	_ = 	snop  }
0x6: {  	_ = 	snop  }
0x7: {  	_ = 	snop  }
__scs_overlays_trampoline_lowered:
0x8: {  	[smem:$0x3F93] =	sst s0  }
0x9: {  	[smem:$0x3F94] =	sst s1  }
0xa: {  	[smem:$0x3F95] =	sst s2  }
0xb: {  	[smem:$0x3F96] =	sst s3  }
0xc: {  	[smem:$0x3F97] =	sst s4  }
0xd: {  	[smem:$0x3F98] =	sst s5  }
0xe: {  	[smem:$0x3F99] =	sst s6  }
0xf: {  	[smem:$0x3F9A] =	sst s7  }
0x10: {  	[smem:$0x3F9B] =	sst s8  }
0x11: {  	[smem:$0x3F9C] =	sst s9;
	s0 =	simm.s32 @!p0 $0x0  }
0x12: {  	s1 =	sld [smem:$0x3F82];
	s0 =	simm.s32 @p0 $0x1  }
0x13: {  	[smem:$0x3F9D] =	sst s0;
	s0 =	simm.s32 @!p1 $0x0  }
0x14: {  	s2 =	sld [smem:$0x3F81];
	s0 =	simm.s32 @p1 $0x1  }
0x15: {  	[smem:$0x3F9E] =	sst s0;
	s0 =	simm.s32 @!p2 $0x0  }
0x16: {  	s3 =	sld [smem:$0x3FDB];
	s0 =	simm.s32 @p2 $0x1  }
0x17: {  	s4 =	simm.s32 $0x1BF5;
	[smem:$0x3FA0] =	sst s0  }
0x18: {  	s0 =	sld [smem:$0x3F83];
	_ =	swait.ge [sflag:s4], $0x0  }
0x19: {  	s7 =	sld [smem:$0x3F84]  }
0x1a: {  	s8 =	sadd.s32 $0xFFFFE003, lr  }
0x1b: {  	s9 =	sadd.s32 $0xFFFFFEF7, lr;
	s5 =	simm.s32 $0xFFFFFFFF;
	p2 =	slt.u32 s8, $0xFFFFF086  }
0x1c: {  	p1 =	slt.u32 s9, $0xF7A;
	s5 =	simm.s32 @!p2 $0x0  }
0x1d: {  	s5 =	simm.s32 @p1 $0x1;
	p0 =	seq.s32 s7, s2  }
0x1e: {  	s7 =	smul.u32 @!p0 $0xF7A, s2;
	p2 =	seq.s32 @!p0 s5, $0x0  }
0x1f: {  	s9 =	smul.u32 $0xF7A, s1;
	s8 =	simm.s32 @!p0 $0x1BF5;
	p2 =	por !p2, p0  }
0x20: {  	[sflag:s8] =	ssyncset.s32 @!p0 $0xFFFFF086;
	s6 =	sadd.s32 @!p0 s3, s7;
	s7 =	simm.s32 @!p0 $0x108  }
0x21: {  	s3 =	sadd.s32 s3, s9;
	s6 =	sadd.s32 @!p0 $0x88, s6;
	s7 =	simm.s32 @p2 $0x1082  }
0x22: {  	[simem:s7], [sflag:s8] =	dma.local @!p0 [hbm:s6], $0xF7A  }
0x23: {  	s9 =	sor.u32 $0xD0000000, s2;
	s6 =	simm.s32 $0x108;
	_ =	swait.ge @!p0 [sflag:s8], $0x0  }
0x24: {  	s3 =	sadd.s32 $0x88, s3;
	s6 =	simm.s32 @!p1 $0x1082;
	[sflag:s4] =	ssyncset.s32 $0xFFFFF086  }
0x25: {  	[simem:s6], [sflag:s4] =	dma.local [hbm:s3], $0xF7A  }
0x26: {  	[smem:$0x3F84] =	sst s1;
	(tag) =	ssettag s2;
	_ =	strace s9  }
0x27: {  	s1 =	sld [smem:$0x3F94]  }
0x28: {  	s2 =	sld [smem:$0x3F95]  }
0x29: {  	s4 =	sld [smem:$0x3F97]  }
0x2a: {  	p0 =	seq.s32 s5, $0x0;
	s5 =	sld [smem:$0x3F98]  }
0x2b: {  	s6 =	sld [smem:$0x3F99]  }
0x2c: {  	s7 =	sld [smem:$0x3F9A]  }
0x2d: {  	s3 =	simm.s32 $0x108;
	s8 =	sld [smem:$0x3F9B]  }
0x2e: {  	s3 =	simm.s32 @!p0 $0x1082;
	s9 =	sld [smem:$0x3F9C]  }
0x2f: {  	lr =	sadd.s32 s0, s3;
	s0 =	sld [smem:$0x3F93]  }
0x30: {  	s3 =	sld [smem:$0x3F96]  }
0x31: {  	[smem:$0x3F9F] =	sst s10  }
0x32: {  	s10 =	sld [smem:$0x3F9D];
	_ =	sdelay $0x3  }
0x33: {  	p0 =	seq.s32 s10, $0x1;
	s10 =	sld [smem:$0x3F9F];
	_ =	sdelay $0x3  }
0x34: {  	[smem:$0x3F9F] =	sst s10  }
0x35: {  	s10 =	sld [smem:$0x3F9E];
	_ =	sdelay $0x3  }
0x36: {  	p1 =	seq.s32 s10, $0x1;
	s10 =	sld [smem:$0x3F9F];
	_ =	sdelay $0x3  }
0x37: {  	[smem:$0x3F9F] =	sst s10  }
0x38: {  	s10 =	sld [smem:$0x3FA0]  }
0x39: {  	_ = 	snop;
	(pc) =	sbr.ind lr, $3  }
0x3a: {  	_ = 	snop  }
0x3b: {  	_ = 	snop  }
0x3c: {  	p2 =	seq.s32 s10, $0x1;
	s10 =	sld [smem:$0x3F9F]  }
0x3d: {  	_ =	shalt  }
0x3e: {  	_ =	shalt  }
0x3f: {  	_ =	shalt  }
0x40: {  	_ =	shalt  }
0x41: {  	_ =	shalt  }
0x42: {  	_ =	shalt  }
0x43: {  	_ =	shalt  }
0x44: {  	_ =	shalt  }
0x45: {  	_ =	shalt  }
0x46: {  	_ =	shalt  }
0x47: {  	_ =	shalt  }
0x48: {  	_ =	shalt  }
0x49: {  	_ =	shalt  }
0x4a: {  	_ =	shalt  }
0x4b: {  	_ =	shalt  }
0x4c: {  	_ =	shalt  }
0x4d: {  	_ =	shalt  }
0x4e: {  	_ =	shalt  }
0x4f: {  	_ =	shalt  }
0x50: {  	_ =	shalt  }
0x51: {  	_ =	shalt  }
0x52: {  	_ =	shalt  }
0x53: {  	_ =	shalt  }
0x54: {  	_ =	shalt  }
0x55: {  	_ =	shalt  }
0x56: {  	_ =	shalt  }
0x57: {  	_ =	shalt  }
0x58: {  	_ =	shalt  }
0x59: {  	_ =	shalt  }
0x5a: {  	_ =	shalt  }
0x5b: {  	_ =	shalt  }
0x5c: {  	_ =	shalt  }
0x5d: {  	_ =	shalt  }
0x5e: {  	_ =	shalt  }
0x5f: {  	_ =	shalt  }
0x60: {  	_ =	shalt  }
0x61: {  	_ =	shalt  }
0x62: {  	_ =	shalt  }
0x63: {  	_ =	shalt  }
0x64: {  	_ =	shalt  }
0x65: {  	_ =	shalt  }
0x66: {  	_ =	shalt  }
0x67: {  	_ =	shalt  }
0x68: {  	_ =	shalt  }
0x69: {  	_ =	shalt  }
0x6a: {  	_ =	shalt  }
0x6b: {  	_ =	shalt  }
0x6c: {  	_ =	shalt  }
0x6d: {  	_ =	shalt  }
0x6e: {  	_ =	shalt  }
0x6f: {  	_ =	shalt  }
0x70: {  	_ =	shalt  }
0x71: {  	_ =	shalt  }
0x72: {  	_ =	shalt  }
0x73: {  	_ =	shalt  }
0x74: {  	_ =	shalt  }
0x75: {  	_ =	shalt  }
0x76: {  	_ =	shalt  }
0x77: {  	_ =	shalt  }
0x78: {  	_ =	shalt  }
0x79: {  	_ =	shalt  }
0x7a: {  	_ =	shalt  }
0x7b: {  	_ =	shalt  }
0x7c: {  	_ =	shalt  }
0x7d: {  	_ =	shalt  }
0x7e: {  	_ =	shalt  }
0x7f: {  	_ =	shalt  }
0x80: {  	_ =	shalt  }
0x81: {  	_ =	shalt  }
0x82: {  	_ =	shalt  }
0x83: {  	_ =	shalt  }
0x84: {  	_ =	shalt  }
0x85: {  	_ =	shalt  }
0x86: {  	_ =	shalt  }
0x87: {  	_ =	shalt  }
.Lfunc_end0:
.L_simem_size_0:
called_computation.1_lowered:
.L_overlay_start_0:
0x88: {  	s2 =	sld [smem:$0x3FD9]  }
0x89: {  	s3 =	sld [smem:$0x3FFE];
	_ =	sdelay $0x1  }
0x8a: {  	s1 =	srdreg.scid  }
0x8b: {  	s0 =	sand.u32 $0x1, s1  }
0x8c: {  	s14 =	sshll.u32 s0, $0xA;
	s2 =	sadd.s32 s3, s2  }
0x8d: {  	s2 =	sadd.s32 s2, s14  }
0x8e: {  	[smem:$0x3FAB] =	sst s2  }
0x8f: {  	_ = 	snop  }
0x90: {  	s2 =	sld [smem:$0x3FD0];
	_ =	sdelay $0x2  }
0x91: {  	s15 =	simm.s32 $0xB;
	s4 =	simm.s32 $0x10  }
0x92: {  	[smem:s4], [sflag:s15] =	dma.local [hbm:s2], $0x1  }
0x93: {  	_ =	swait.eq [sflag:s15], $0x1  }
0x94: {  	[sflag:s15] =	ssyncset.done $0x0  }
0x95: {  	[sflag:s15] =	ssyncadd.s32 $0xFFFFFFFF  }
0x96: {  	s16 =	sld [smem:$0x10];
	(tm) =	ssettm $0x1  }
0x97: {  	s17 =	sld [smem:$0x3FFB];
	_ =	sdelay $0x3  }
0x98: {  	_ =	strace s17  }
0x99: {  	s3 =	sld [smem:$0x3FFC];
	_ =	sdelay $0x3  }
0x9a: {  	_ =	strace s3  }
0x9b: {  	s3 =	sld [smem:$0x3FFD];
	_ =	sdelay $0x3  }
0x9c: {  	_ =	strace s3  }
0x9d: {  	_ =	strace $0x8FFFFFFF  }
0x9e: {  	s18 =	sld [smem:$0x3FDB];
	_ =	sdelay $0x1  }
0x9f: {  	s19 =	simm.s32 $_scs_section_size  }
0xa0: {  	s5 =	simm.s32 $_size__tile_overlayer_lowered;
	s6 =	simm.s32 $_tile_overlayer_lowered  }
0xa1: {  	s22 =	simm.s32 $0x1BFF;
	s21 =	sshll.u32 s6, $0x1;
	s3 =	sadd.s32 s19, s18  }
0xa2: {  	s7 =	simm.s32 $0x0;
	s20 =	sshll.u32 s5, $0x1;
	s5 =	sadd.s32 s21, s3  }
0xa3: {  	[timem:s7], [sflag:s22] =	dma.local [hbm:s5], s20  }
0xa4: {  	_ =	swait.ge [sflag:s22], s20  }
0xa5: {  	s4 =	ssub.s32 $0x0, s20;
	[sflag:s22] =	ssyncset.done $0x0  }
0xa6: {  	[sflag:s22] =	ssyncadd.s32 s4;
	_ =	sdelay $0x1  }
0xa7: {  	s23 =	simm.s32 $0x1B8B  }
0xa8: {  	_ =	swait.ge [sflag:s23], $0x1  }
0xa9: {  	[sflag:s23] =	ssyncset.done $0x0  }
0xaa: {  	s25 =	simm.s32 $0x1B8E;
	s24 =	sld [smem:$0x3FFE];
	[sflag:s23] =	ssyncadd.s32 $0xFFFFFFFF  }
0xab: {  	s26 =	simm.s32 $execute0_lowered;
	[smem:$0x3FD2] =	sst s25  }
0xac: {  	s5 =	sshll.u32 s26, $0x1;
	_ =	strace $0x80000049;
	[dreg:$0x1] =	wrdreg $0xFFFFFFFF  }
0xad: {  	s28 =	simm.s32 $_size_execute0_lowered;
	s3 =	sadd.s32 s3, s5;
	[dreg:$0x0] =	wrdreg $0x0  }
0xae: {  	s5 =	sshll.u32 s28, $0x1;
	[dreg:$0x2] =	wrdreg s3  }
0xaf: {  	[dreg:$0x3] =	wrdreg s5  }
0xb0: {  	[dreg:$0x4] =	wrdreg $0xC0  }
0xb1: {  	_ =	task [dreg:s7], $0x5FFFF  }
0xb2: {  	[dreg:$0x1] =	wrdreg $0xFFFFFFFF  }
0xb3: {  	[dreg:$0x0] =	wrdreg $0x60  }
0xb4: {  	[dreg:$0x2] =	wrdreg s24  }
0xb5: {  	[dreg:$0x3] =	wrdreg s16  }
0xb6: {  	[dreg:$0x4] =	wrdreg $0x0  }
0xb7: {  	[dreg:$0x5] =	wrdreg $0x9  }
0xb8: {  	_ =	task.clear_ibuf [dreg:s7], $0x6FFFF;
	_ =	strace $0x90000049  }
0xb9: {  	s29 =	simm.s32 $0x9;
	_ =	strace $0x8000004B  }
0xba: {  	_ =	swait.ge [sflag:s29], $0x1  }
0xbb: {  	[sflag:s29] =	ssyncadd.s32 $0xFFFFFFFF  }
0xbc: {  	_ =	strace $0x9000004B  }
0xbd: {  	_ =	sfence  }
0xbe: {  	s30 =	sld [smem:$0x0];
	_ =	sdelay $0x2  }
0xbf: {  	s31 =	sshll.u32 s1, $0xD;
	s1 =	sshrl.u32 s1, $0x2  }
0xc0: {  	s3 =	sand.u32 $0x4000, s31;
	s1 =	sadd.s32 s1, s30  }
0xc1: {  	s0 =	sor.u32 s3, s0;
	s1 =	sshll.u32 s1, $0x11  }
0xc2: {  	s0 =	sor.u32 s1, s0  }
0xc3: {  	s0 =	sadd.s32 $0x8F2B, s0  }
0xc4: {  	[sflag:s0] =	ssyncadd.remote.s32 $0x1  }
0xc5: {  	_ =	sfence.sel $0xFFFF  }
0xc6: {  	[dreg:$0x0] =	wrdreg $0xFFFFFFFF;
	(pc) =	sbr.abs _section_cstart, $3  }
0xc7: {  	[dreg:$0x1] =	wrdreg $0xFFFFFFFF  }
0xc8: {  	_ =	task.clear_ibuf [dreg:s7], $0x2FFFF;
	_ =	strace $0x9FFFFFFF  }
0xc9: {  	(tm) =	ssettm $0x7FFFFFFF  }
tec
execute0_lowered:
.L_overlay_start_1:
0x0: {  	(tag) =	ssettag $0x1  }
0x1: {  	s0 =	rddreg [dreg:$0x0]  }
0x2: {  	s2 =	rddreg [dreg:$0x2];
	s3 =	simm.s32 $0x0  }
0x3: {  	s1 =	srdreg.scid;
	s9 =	stileid.u32;
	s30 =	simm.s32 $0x18A80  }
0x4: {  	s31 =	simm.s32 $0xB;
	[smem:$0x7FF] =	sst s3;
	s4 =	sadd.s32 $0x571800, s0  }
0x5: {  	s5 =	sadd.s32 $0xA53800, s0;
	s6 =	sadd.s32 $0x6600, s0;
	s7 =	sadd.s32 $0x10400, s0  }
0x6: {  	s1 =	sand.u32 $0x1, s1;
	s10 =	smul.u32 $0x4E20, s9;
	s8 =	sadd.s32 $0x41400, s0  }
0x7: {  	s0 =	sadd.s32 $0x1A200, s0;
	s13 =	smul.u32 $0x4E200, s9;
	s20 =	sor.u32 $0x70, s9  }
0x8: {  	p3 =	seq.s32 s9, $0x0;
	p0 =	sne.s32 s9, $0x0;
	_ =	strace $0x8000004A  }
0x9: {  	[dreg:$0x4] =	wrdreg s0;
	s23 =	ssub.s32 $0x2, s1;
	s22 =	smul.u32 $0xA000, s20  }
0xa: {  	p1 =	sgt.u32 s20, $0x7C;
	p2 =	sne.s32 s1, $0x0;
	s1 =	simm.s32 $0x13980  }
0xb: {  	s20 =	simm.s32 $0x5;
	s11 =	sshrl.u32 s23, $0x1;
	s12 =	sshrl.u32 s10, $0x3  }
0xc: {  	s25 =	sadd.s32 $0x50, s10;
	s26 =	sadd.s32 s5, s13;
	s16 =	sadd.s32 $0xA0, s10  }
0xd: {  	s17 =	sadd.s32 $0xF0, s10;
	s15 =	sadd.s32 s4, s13;
	[dreg:$0x7] =	wrdreg s26  }
0xe: {  	s10 =	simm.s32 $0x50;
	s24 =	sadd.s32 s6, s12;
	[dreg:$0xb] =	wrdreg s15  }
0xf: {  	s12 =	sadd.s32 s7, s12;
	s28 =	sshrl.u32 s25, $0x3;
	[dreg:$0x5] =	wrdreg s24  }
0x10: {  	s0 =	ssub.s32 s23, s11;
	[dreg:$0x6] =	wrdreg s12;
	s14 =	sadd.s32 s6, s28  }
0x11: {  	s11 =	sshll.u32 s25, $0x4;
	s12 =	sadd.s32 s7, s28;
	[dreg:$0x8] =	wrdreg s14  }
0x12: {  	s13 =	simm.s32 $0x4;
	s29 =	sadd.s32 s5, s11;
	[dreg:$0x9] =	wrdreg s12  }
0x13: {  	s0 =	smax.u32 s0, $0x1;
	[dreg:$0xa] =	wrdreg s29;
	s14 =	smul.u32 $0xA000, s9  }
0x14: {  	s18 =	sadd.s32 s4, s11;
	[dreg:$0xd] =	wrdreg s0;
	s0 =	sshrl.u32 s22, $0x2  }
0x15: {  	[dreg:$0xc] =	wrdreg s18;
	s0 =	sadd.s32 s0, s2;
	s19 =	sshrl.u32 s14, $0x2  }
0x16: {  	s15 =	simm.s32 $0x13A00;
	[dreg:$0x12] =	wrdreg s0;
	s21 =	sadd.s32 s19, s2  }
0x17: {  	s11 =	simm.s32 $0x2;
	s23 =	sadd.s32 $0x28000, s21;
	[dreg:$0xe] =	wrdreg s21  }
0x18: {  	s12 =	simm.s32 $0x13900;
	s24 =	sadd.s32 $0x50000, s21;
	[dreg:$0xf] =	wrdreg s23  }
0x19: {  	s18 =	simm.s32 $0x16280;
	s25 =	sadd.s32 $0x78000, s21;
	[dreg:$0x10] =	wrdreg s24  }
.Ltmp0:
0x1a: {  	s26 =	sadd.s32 $0xA0000, s21;
	[dreg:$0x11] =	wrdreg s25;
	(pc) =	sbr.rel .LBB2_1-.Ltmp0, $4  }
0x1b: {  	s22 =	simm.s32 $0x7;
	s28 =	sadd.s32 $0xC8000, s21;
	[dreg:$0x13] =	wrdreg s26  }
0x1c: {  	s14 =	simm.s32 $0x1B280;
	s29 =	sadd.s32 $0xF0000, s21;
	[dreg:$0x14] =	wrdreg s28  }
0x1d: {  	s0 =	simm.s32 $0x8;
	s21 =	simm.s32 $0x13880;
	[dreg:$0x15] =	wrdreg s29  }
0x1e: {  	v0 =	vimm.f32 $0.0e+00;
	s23 =	simm.s32 $0x6;
	s25 =	simm.s32 $0xA;
	s26 =	simm.s32 $0x0  }
.LBB2_20:
0x1f: {  	s19 =	sshrl.u32 s2, $0x3;
	s21 =	simm.s32 $0x1C0B  }
0x20: {  	[hbm:s9], [sflag:s21] =	dma.local [spmem:s19], $0x27100  }
0x21: {  	_ =	swait.ge [sflag:s31], $0x27100  }
0x22: {  	[sflag:s31] =	ssyncset.done $0x0  }
0x23: {  	[sflag:s31] =	ssyncadd.s32 $0xFFFD8F00  }
.LBB2_21:
0x24: {  	s26 =	sadd.s32 $0x1, s26;
	s9 =	rddreg [dreg:$0xd]  }
0x25: {  	p4 =	sne.s32 s26, s9  }
.Ltmp1:
0x26: {  	_ = 	snop;
	(pc) =	sbr.rel @!p4 .LBB2_22-.Ltmp1, $2  }
0x27: {  	_ =	sdelay $0x2  }
0x28: {  	s21 =	simm.s32 $0x13880  }
.LBB2_1:
0x29: {  	s9 =	simm.s32 $0x0;
	s19 =	simm.s32 $0x200  }
.LBB2_2:
0x2a: {  	p4 =	sne.s32 s19, $0x9E00;
	[tilespmem:s9+$0x18AF0] =	vst v0  }
0x2b: {  	[tilespmem:s9+$0x18A80] =	vst v0  }
0x2c: {  	[tilespmem:s9+$0x18A90] =	vst v0  }
.Ltmp2:
0x2d: {  	[tilespmem:s9+$0x18AA0] =	vst v0;
	(pc) =	sbr.rel @p4 .LBB2_2-.Ltmp2, $4  }
0x2e: {  	[tilespmem:s9+$0x18AB0] =	vst v0  }
0x2f: {  	[tilespmem:s9+$0x18AC0] =	vst v0  }
0x30: {  	[tilespmem:s9+$0x18AD0] =	vst v0  }
0x31: {  	[tilespmem:s9+$0x18AE0] =	vst v0;
	s9 =	sshra.s32 s19, $0x2;
	s19 =	sadd.s32 $0x200, s19  }
0x32: {  	[tilespmem:s9+$0x18AF0] =	vst v0  }
0x33: {  	[tilespmem:s9+$0x18A80] =	vst v0  }
0x34: {  	[tilespmem:s9+$0x18A90] =	vst v0  }
0x35: {  	[tilespmem:s9+$0x18AA0] =	vst v0  }
0x36: {  	[tilespmem:s9+$0x18AB0] =	vst v0  }
0x37: {  	[tilespmem:s9+$0x18AC0] =	vst v0  }
0x38: {  	[tilespmem:s9+$0x18AD0] =	vst v0  }
0x39: {  	[tilespmem:s9+$0x18AE0] =	vst v0;
	s19 =	rddreg [dreg:$0xe]  }
0x3a: {  	[spmem:s19] =	stream.linear.scatter [tilespmem:s30], [sflag:$0xB], $0x2800, $0x38;
	[tilespmem:$0x1DA80] =	vst v63  }
0x3b: {  	_ =	swait.ge [sflag:s31], $0x2800  }
0x3c: {  	[sflag:s31] =	ssyncset.done $0x0  }
0x3d: {  	s24 =	rddreg [dreg:$0xf];
	[sflag:s31] =	ssyncadd.s32 $0xFFFFD800  }
0x3e: {  	[spmem:s24] =	stream.linear.scatter [tilespmem:s30], [sflag:$0xB], $0x2800, $0x38;
	[tilespmem:$0x1DA80] =	vst v63  }
0x3f: {  	_ =	swait.ge [sflag:s31], $0x2800  }
0x40: {  	[sflag:s31] =	ssyncset.done $0x0  }
0x41: {  	s29 =	rddreg [dreg:$0x10];
	[sflag:s31] =	ssyncadd.s32 $0xFFFFD800  }
0x42: {  	[spmem:s29] =	stream.linear.scatter [tilespmem:s30], [sflag:$0xB], $0x2800, $0x38;
	[tilespmem:$0x1DA80] =	vst v63  }
0x43: {  	_ =	swait.ge [sflag:s31], $0x2800  }
0x44: {  	[sflag:s31] =	ssyncset.done $0x0  }
0x45: {  	s19 =	rddreg [dreg:$0x11];
	[sflag:s31] =	ssyncadd.s32 $0xFFFFD800  }
0x46: {  	[spmem:s19] =	stream.linear.scatter [tilespmem:s30], [sflag:$0xB], $0x2800, $0x38;
	[tilespmem:$0x1DA80] =	vst v63  }
0x47: {  	_ =	swait.ge [sflag:s31], $0x2800  }
0x48: {  	[sflag:s31] =	ssyncset.done $0x0  }
0x49: {  	s24 =	rddreg [dreg:$0x13];
	[sflag:s31] =	ssyncadd.s32 $0xFFFFD800  }
0x4a: {  	[spmem:s24] =	stream.linear.scatter [tilespmem:s30], [sflag:$0xB], $0x2800, $0x38;
	[tilespmem:$0x1DA80] =	vst v63  }
0x4b: {  	_ =	swait.ge [sflag:s31], $0x2800  }
0x4c: {  	[sflag:s31] =	ssyncset.done $0x0  }
0x4d: {  	s29 =	rddreg [dreg:$0x14];
	[sflag:s31] =	ssyncadd.s32 $0xFFFFD800  }
0x4e: {  	[spmem:s29] =	stream.linear.scatter [tilespmem:s30], [sflag:$0xB], $0x2800, $0x38;
	[tilespmem:$0x1DA80] =	vst v63  }
0x4f: {  	_ =	swait.ge [sflag:s31], $0x2800  }
0x50: {  	[sflag:s31] =	ssyncset.done $0x0  }
0x51: {  	s19 =	rddreg [dreg:$0x15];
	[sflag:s31] =	ssyncadd.s32 $0xFFFFD800  }
0x52: {  	[spmem:s19] =	stream.linear.scatter [tilespmem:s30], [sflag:$0xB], $0x2800, $0x38;
	[tilespmem:$0x1DA80] =	vst v63  }
0x53: {  	_ =	swait.ge [sflag:s31], $0x2800  }
0x54: {  	[sflag:s31] =	ssyncset.done $0x0  }
0x55: {  	s9 =	simm.s32 @!p1 $0x18A80;
	s19 =	rddreg [dreg:$0x12];
	[sflag:s31] =	ssyncadd.s32 $0xFFFFD800  }
0x56: {  	[spmem:s19] =	stream.linear.scatter @!p1 [tilespmem:s9], [sflag:$0xB], $0x2800, $0x38;
	[tilespmem:$0x1DA80] =	vst v63  }
0x57: {  	s9 =	simm.s32 @!p1 $0xB  }
0x58: {  	_ =	swait.ge @!p1 [sflag:s9], $0x2800  }
0x59: {  	[sflag:s9] =	ssyncset.done @!p1 $0x0  }
0x5a: {  	[sflag:s9] =	ssyncadd.s32 @!p1 $0xFFFFD800  }
.Ltmp3:
0x5b: {  	[bflag:$0x0] =	sbarrier.arrive $0xFFFF;
	(pc) =	sbr.rel @p2 .LBB2_12-.Ltmp3, $4  }
0x5c: {  	s24 =	rddreg [dreg:$0x5]  }
0x5d: {  	[tilespmem:s21], [sflag:$0x1] =	stream.linear.gather [hbm4b:s24+s3], $0x50, $0x38;
	[tilespmem:$0x1DA80] =	vst v63  }
0x5e: {  	s28 =	simm.s32 $0x0;
	s29 =	rddreg [dreg:$0x6]  }
0x5f: {  	[tilespmem:s1], [sflag:$0x3] =	stream.linear.gather [hbm4b:s29+s3], $0x50, $0x38;
	[tilespmem:$0x1DA80] =	vst v63  }
0x60: {  	s9 =	rddreg [dreg:$0xb];
	s19 =	simm.s32 $0x13A80  }
0x61: {  	[tilespmem:s19], [sflag:$0x5] =	stream.linear.gather [hbm4b:s9+s28], $0x2800, $0x38;
	[tilespmem:$0x1DA80] =	vst v63  }
0x62: {  	s24 =	rddreg [dreg:$0x8]  }
0x63: {  	[tilespmem:s12], [sflag:$0x2] =	stream.linear.gather [hbm4b:s24+s28], $0x50, $0x38;
	[tilespmem:$0x1DA80] =	vst v63  }
0x64: {  	s29 =	rddreg [dreg:$0x9]  }
0x65: {  	[tilespmem:s15], [sflag:$0x4] =	stream.linear.gather [hbm4b:s29+s28], $0x50, $0x38;
	[tilespmem:$0x1DA80] =	vst v63  }
0x66: {  	s19 =	rddreg [dreg:$0xc];
	s24 =	simm.s32 $0x1  }
0x67: {  	[tilespmem:s18], [sflag:$0x6] =	stream.linear.gather [hbm4b:s19+s28], $0x2800, $0x38;
	[tilespmem:$0x1DA80] =	vst v63  }
0x68: {  	_ =	swait.ge [sflag:s24], $0x50  }
0x69: {  	[sflag:s24] =	ssyncset.done $0x0  }
0x6a: {  	s29 =	simm.s32 $0x3;
	[sflag:s24] =	ssyncadd.s32 $0xFFFFFFB0  }
0x6b: {  	_ =	swait.ge [sflag:s29], $0x50  }
0x6c: {  	[sflag:s29] =	ssyncset.done $0x0  }
0x6d: {  	[sflag:s29] =	ssyncadd.s32 $0xFFFFFFB0  }
0x6e: {  	[tilespmem:s30], [sflag:$0x7] =	stream.indirect.gather [hbm4b:s8+s10], $0x80, s21, s10, $0xb8;
	[tilespmem:$0x1DA80] =	vst v63  }
.LBB2_5:
0x6f: {  	_ =	swait.ge [sflag:s11], $0x50  }
0x70: {  	[sflag:s11] =	ssyncset.done $0x0  }
0x71: {  	[sflag:s11] =	ssyncadd.s32 $0xFFFFFFB0  }
0x72: {  	_ =	swait.ge [sflag:s13], $0x50  }
0x73: {  	[sflag:s13] =	ssyncset.done $0x0  }
0x74: {  	[sflag:s13] =	ssyncadd.s32 $0xFFFFFFB0  }
0x75: {  	[tilespmem:s14], [sflag:$0x8] =	stream.indirect.gather [hbm4b:s8+s10], $0x80, s12, s10, $0xb8;
	[tilespmem:$0x1DA80] =	vst v63  }
0x76: {  	_ =	swait.ge [sflag:s20], $0x2800  }
0x77: {  	[sflag:s20] =	ssyncset.done $0x0  }
0x78: {  	[sflag:s20] =	ssyncadd.s32 $0xFFFFD800  }
0x79: {  	_ =	swait.ge [sflag:s22], $0x2800  }
0x7a: {  	[sflag:s22] =	ssyncset.done $0x0  }
0x7b: {  	s19 =	simm.s32 $0x0;
	[sflag:s22] =	ssyncadd.s32 $0xFFFFD800  }
0x7c: {  	v6 =	vld [tilespmem:s19+$0x13A80]  }
0x7d: {  	v7 =	vld [tilespmem:s19+$0x13A90]  }
0x7e: {  	v2 =	vld [tilespmem:s19+$0x13AA0]  }
0x7f: {  	v1 =	vld [tilespmem:s19+$0x13AB0]  }
0x80: {  	v5 =	vld [tilespmem:s19+$0x18A80]  }
0x81: {  	v4 =	vld [tilespmem:s19+$0x18A90]  }
0x82: {  	s9 =	simm.s32 $0x200;
	v3 =	vld [tilespmem:s19+$0x18AA0]  }
.LBB2_6:
0x83: {  	s21 =	sshra.s32 s9, $0x2;
	p4 =	sne.s32 s9, $0x9E00;
	[tilespmem:s19+$0x18AC0] =	vst v6;
	v8 =	vld [tilespmem:s19+$0x18AB0];
	v9 =	vmov v2  }
0x84: {  	v10 =	vld [tilespmem:s21+$0x13A80];
	[tilespmem:s19+$0x18AD0] =	vst v7;
	v11 =	vmov v1  }
0x85: {  	v12 =	vld [tilespmem:s21+$0x13A90];
	v5 =	vmul.f32 v5, v6;
	[tilespmem:s19+$0x18AE0] =	vst v9  }
.Ltmp4:
0x86: {  	v2 =	vld [tilespmem:s21+$0x13AA0];
	v4 =	vmul.f32 v4, v7;
	[tilespmem:s19+$0x18AF0] =	vst v11;
	(pc) =	sbr.rel @p4 .LBB2_6-.Ltmp4, $4  }
0x87: {  	v1 =	vld [tilespmem:s21+$0x13AB0];
	[tilespmem:s19+$0x18A80] =	vst v5;
	v3 =	vmul.f32 v3, v9  }
0x88: {  	v5 =	vld [tilespmem:s21+$0x18A80];
	[tilespmem:s19+$0x18A90] =	vst v4;
	v8 =	vmul.f32 v8, v11  }
0x89: {  	v4 =	vld [tilespmem:s21+$0x18A90];
	[tilespmem:s19+$0x18AA0] =	vst v3;
	v6 =	vmov v10  }
0x8a: {  	s9 =	sadd.s32 $0x200, s9;
	v3 =	vld [tilespmem:s21+$0x18AA0];
	[tilespmem:s19+$0x18AB0] =	vst v8;
	v7 =	vmov v12;
	s19 =	smov.u32 s21  }
0x8b: {  	[tilespmem:s19+$0x18AC0] =	vst v6;
	v8 =	vld [tilespmem:s19+$0x18AB0]  }
0x8c: {  	[tilespmem:s19+$0x18AD0] =	vst v7  }
0x8d: {  	[tilespmem:s19+$0x18AE0] =	vst v2;
	v5 =	vmul.f32 v5, v6  }
0x8e: {  	[tilespmem:s19+$0x18AF0] =	vst v1;
	v4 =	vmul.f32 v4, v7  }
0x8f: {  	[tilespmem:s19+$0x18A80] =	vst v5;
	v2 =	vmul.f32 v3, v2  }
0x90: {  	[tilespmem:s19+$0x18A90] =	vst v4;
	v1 =	vmul.f32 v8, v1  }
0x91: {  	p4 =	seq.s32 s28, $0x7C;
	[tilespmem:s19+$0x18AA0] =	vst v2  }
0x92: {  	s9 =	simm.s32 @!p4 $0x9;
	[tilespmem:s19+$0x18AB0] =	vst v1;
	s19 =	smul.u32 @!p4 $0xA0, s28  }
0x93: {  	[spmem:s2] =	stream.indirect.scatter.add.f32 [tilespmem:s30], [sflag:$0x9], $0x80, s1, s10, $0xb8;
	[tilespmem:$0x1DA80] =	vst v63  }
0x94: {  	_ =	swait.ge @!p4 [sflag:s9], $0x2800  }
0x95: {  	s19 =	sadd.s32 @!p4 s19, s16;
	[sflag:s9] =	ssyncset.done @!p4 $0x0  }
0x96: {  	[sflag:s9] =	ssyncadd.s32 @!p4 $0xFFFFD800;
	s9 =	sshrl.u32 @!p4 s19, $0x3  }
0x97: {  	s29 =	simm.s32 @!p4 $0x0;
	s24 =	simm.s32 @!p4 $0x13880;
	s21 =	sadd.s32 @!p4 s6, s9  }
0x98: {  	[tilespmem:s24], [sflag:$0x1] =	stream.linear.gather @!p4 [hbm4b:s21+s29], $0x50, $0x38;
	[tilespmem:$0x1DA80] =	vst v63  }
0x99: {  	s9 =	sadd.s32 @!p4 s7, s9;
	s21 =	simm.s32 @!p4 $0x13980  }
0x9a: {  	[tilespmem:s21], [sflag:$0x3] =	stream.linear.gather @!p4 [hbm4b:s9+s29], $0x50, $0x38;
	[tilespmem:$0x1DA80] =	vst v63  }
0x9b: {  	s9 =	sshll.u32 @!p4 s19, $0x4  }
0x9c: {  	s19 =	simm.s32 @!p4 $0x13A80;
	s9 =	sadd.s32 @!p4 s4, s9  }
0x9d: {  	[tilespmem:s19], [sflag:$0x5] =	stream.linear.gather @!p4 [hbm4b:s9+s29], $0x2800, $0x38;
	[tilespmem:$0x1DA80] =	vst v63  }
0x9e: {  	s9 =	simm.s32 @!p4 $0x1  }
0x9f: {  	_ =	swait.ge @!p4 [sflag:s9], $0x50  }
0xa0: {  	[sflag:s9] =	ssyncset.done @!p4 $0x0  }
0xa1: {  	[sflag:s9] =	ssyncadd.s32 @!p4 $0xFFFFFFB0;
	s9 =	simm.s32 @!p4 $0x3  }
0xa2: {  	_ =	swait.ge @!p4 [sflag:s9], $0x50  }
0xa3: {  	[sflag:s9] =	ssyncset.done @!p4 $0x0  }
0xa4: {  	s19 =	simm.s32 @!p4 $0x18A80;
	[sflag:s9] =	ssyncadd.s32 @!p4 $0xFFFFFFB0;
	s9 =	simm.s32 @!p4 $0x50  }
0xa5: {  	[tilespmem:s19], [sflag:$0x7] =	stream.indirect.gather @!p4 [hbm4b:s8+s9], $0x80, s24, s9, $0xb8;
	[tilespmem:$0x1DA80] =	vst v63  }
0xa6: {  	_ =	swait.ge [sflag:s23], $0x2800  }
0xa7: {  	[sflag:s23] =	ssyncset.done $0x0  }
0xa8: {  	[sflag:s23] =	ssyncadd.s32 $0xFFFFD800  }
0xa9: {  	_ =	swait.ge [sflag:s0], $0x2800  }
0xaa: {  	[sflag:s0] =	ssyncset.done $0x0  }
0xab: {  	s19 =	simm.s32 $0x0;
	[sflag:s0] =	ssyncadd.s32 $0xFFFFD800  }
0xac: {  	v6 =	vld [tilespmem:s19+$0x16280]  }
0xad: {  	v7 =	vld [tilespmem:s19+$0x16290]  }
0xae: {  	v2 =	vld [tilespmem:s19+$0x162A0]  }
0xaf: {  	v1 =	vld [tilespmem:s19+$0x162B0]  }
0xb0: {  	v5 =	vld [tilespmem:s19+$0x1B280]  }
0xb1: {  	v4 =	vld [tilespmem:s19+$0x1B290]  }
0xb2: {  	s9 =	simm.s32 $0x200;
	v3 =	vld [tilespmem:s19+$0x1B2A0]  }
.LBB2_8:
0xb3: {  	s21 =	sshra.s32 s9, $0x2;
	p5 =	sne.s32 s9, $0x9E00;
	[tilespmem:s19+$0x1B2C0] =	vst v6;
	v8 =	vld [tilespmem:s19+$0x1B2B0];
	v9 =	vmov v2  }
0xb4: {  	v10 =	vld [tilespmem:s21+$0x16280];
	[tilespmem:s19+$0x1B2D0] =	vst v7;
	v11 =	vmov v1  }
0xb5: {  	v12 =	vld [tilespmem:s21+$0x16290];
	v5 =	vmul.f32 v5, v6;
	[tilespmem:s19+$0x1B2E0] =	vst v9  }
.Ltmp5:
0xb6: {  	v2 =	vld [tilespmem:s21+$0x162A0];
	v4 =	vmul.f32 v4, v7;
	[tilespmem:s19+$0x1B2F0] =	vst v11;
	(pc) =	sbr.rel @p5 .LBB2_8-.Ltmp5, $4  }
0xb7: {  	v1 =	vld [tilespmem:s21+$0x162B0];
	[tilespmem:s19+$0x1B280] =	vst v5;
	v3 =	vmul.f32 v3, v9  }
0xb8: {  	v5 =	vld [tilespmem:s21+$0x1B280];
	[tilespmem:s19+$0x1B290] =	vst v4;
	v8 =	vmul.f32 v8, v11  }
0xb9: {  	v4 =	vld [tilespmem:s21+$0x1B290];
	[tilespmem:s19+$0x1B2A0] =	vst v3;
	v6 =	vmov v10  }
0xba: {  	s9 =	sadd.s32 $0x200, s9;
	v3 =	vld [tilespmem:s21+$0x1B2A0];
	[tilespmem:s19+$0x1B2B0] =	vst v8;
	v7 =	vmov v12;
	s19 =	smov.u32 s21  }
0xbb: {  	[tilespmem:s19+$0x1B2C0] =	vst v6;
	v8 =	vld [tilespmem:s19+$0x1B2B0]  }
0xbc: {  	[tilespmem:s19+$0x1B2D0] =	vst v7  }
0xbd: {  	[tilespmem:s19+$0x1B2E0] =	vst v2;
	v5 =	vmul.f32 v5, v6  }
0xbe: {  	[tilespmem:s19+$0x1B2F0] =	vst v1;
	v4 =	vmul.f32 v4, v7  }
.Ltmp6:
0xbf: {  	[tilespmem:s19+$0x1B280] =	vst v5;
	v2 =	vmul.f32 v3, v2;
	(pc) =	sbr.rel @p4 .LBB2_11-.Ltmp6, $4  }
0xc0: {  	[tilespmem:s19+$0x1B290] =	vst v4;
	v1 =	vmul.f32 v8, v1  }
0xc1: {  	[tilespmem:s19+$0x1B2A0] =	vst v2  }
0xc2: {  	[tilespmem:s19+$0x1B2B0] =	vst v1  }
0xc3: {  	[spmem:s2] =	stream.indirect.scatter.add.f32 [tilespmem:s14], [sflag:$0xA], $0x80, s15, s10, $0xb8;
	[tilespmem:$0x1DA80] =	vst v63  }
0xc4: {  	s9 =	smul.u32 $0xA0, s28;
	_ =	sdelay $0x1  }
0xc5: {  	_ =	swait.ge [sflag:s25], $0x2800;
	s9 =	sadd.s32 s9, s17  }
0xc6: {  	[sflag:s25] =	ssyncset.done $0x0;
	s19 =	sshrl.u32 s9, $0x3  }
0xc7: {  	[sflag:s25] =	ssyncadd.s32 $0xFFFFD800;
	s21 =	sadd.s32 s6, s19  }
0xc8: {  	[tilespmem:s12], [sflag:$0x2] =	stream.linear.gather [hbm4b:s21+s3], $0x50, $0x38;
	[tilespmem:$0x1DA80] =	vst v63  }
.Ltmp7:
0xc9: {  	_ = 	snop;
	(pc) =	sbr.rel .LBB2_5-.Ltmp7, $4  }
0xca: {  	s9 =	sshll.u32 s9, $0x4;
	s19 =	sadd.s32 s7, s19  }
0xcb: {  	[tilespmem:s15], [sflag:$0x4] =	stream.linear.gather [hbm4b:s19+s3], $0x50, $0x38;
	[tilespmem:$0x1DA80] =	vst v63  }
0xcc: {  	s28 =	sadd.s32 $0x1, s28;
	s9 =	sadd.s32 s4, s9  }
0xcd: {  	[tilespmem:s18], [sflag:$0x6] =	stream.linear.gather [hbm4b:s9+s3], $0x2800, $0x38;
	[tilespmem:$0x1DA80] =	vst v63  }
.LBB2_12:
0xce: {  	s9 =	rddreg [dreg:$0x7];
	s19 =	simm.s32 $0x13A80  }
0xcf: {  	[tilespmem:s19], [sflag:$0x5] =	stream.linear.gather [hbm4b:s9+s28], $0x2800, $0x38;
	[tilespmem:$0x1DA80] =	vst v63  }
0xd0: {  	s24 =	rddreg [dreg:$0x8]  }
0xd1: {  	[tilespmem:s12], [sflag:$0x2] =	stream.linear.gather [hbm4b:s24+s28], $0x50, $0x38;
	[tilespmem:$0x1DA80] =	vst v63  }
0xd2: {  	s29 =	rddreg [dreg:$0x9]  }
0xd3: {  	[tilespmem:s15], [sflag:$0x4] =	stream.linear.gather [hbm4b:s29+s28], $0x50, $0x38;
	[tilespmem:$0x1DA80] =	vst v63  }
0xd4: {  	s19 =	rddreg [dreg:$0xa];
	s24 =	simm.s32 $0x1  }
0xd5: {  	[tilespmem:s18], [sflag:$0x6] =	stream.linear.gather [hbm4b:s19+s28], $0x2800, $0x38;
	[tilespmem:$0x1DA80] =	vst v63  }
0xd6: {  	_ =	swait.ge [sflag:s24], $0x50  }
0xd7: {  	[sflag:s24] =	ssyncset.done $0x0  }
0xd8: {  	s29 =	simm.s32 $0x3;
	[sflag:s24] =	ssyncadd.s32 $0xFFFFFFB0  }
0xd9: {  	_ =	swait.ge [sflag:s29], $0x50  }
0xda: {  	[sflag:s29] =	ssyncset.done $0x0  }
0xdb: {  	[sflag:s29] =	ssyncadd.s32 $0xFFFFFFB0  }
0xdc: {  	[tilespmem:s30], [sflag:$0x7] =	stream.indirect.gather [hbm4b:s8+s10], $0x80, s21, s10, $0xb8;
	[tilespmem:$0x1DA80] =	vst v63  }
.LBB2_13:
0xdd: {  	_ =	swait.ge [sflag:s11], $0x50  }
0xde: {  	[sflag:s11] =	ssyncset.done $0x0  }
0xdf: {  	[sflag:s11] =	ssyncadd.s32 $0xFFFFFFB0  }
0xe0: {  	_ =	swait.ge [sflag:s13], $0x50  }
0xe1: {  	[sflag:s13] =	ssyncset.done $0x0  }
0xe2: {  	[sflag:s13] =	ssyncadd.s32 $0xFFFFFFB0  }
0xe3: {  	[tilespmem:s14], [sflag:$0x8] =	stream.indirect.gather [hbm4b:s8+s10], $0x80, s12, s10, $0xb8;
	[tilespmem:$0x1DA80] =	vst v63  }
0xe4: {  	_ =	swait.ge [sflag:s20], $0x2800  }
0xe5: {  	[sflag:s20] =	ssyncset.done $0x0  }
0xe6: {  	[sflag:s20] =	ssyncadd.s32 $0xFFFFD800  }
0xe7: {  	_ =	swait.ge [sflag:s22], $0x2800  }
0xe8: {  	[sflag:s22] =	ssyncset.done $0x0  }
0xe9: {  	s19 =	simm.s32 $0x0;
	[sflag:s22] =	ssyncadd.s32 $0xFFFFD800  }
0xea: {  	v2 =	vld [tilespmem:s19+$0x13A80]  }
0xeb: {  	v7 =	vld [tilespmem:s19+$0x13A90]  }
0xec: {  	v11 =	vld [tilespmem:s19+$0x13AA0]  }
0xed: {  	s29 =	simm.s32 $0x80;
	v13 =	vld [tilespmem:s19+$0x13AB0]  }
0xee: {  	v1 =	vld [tilespmem:s29+$0x13A80]  }
0xef: {  	v4 =	vld [tilespmem:s19+$0x18AC0];
	[tilespmem:s19+$0x18AC0] =	vst v2  }
0xf0: {  	v10 =	vld [tilespmem:s19+$0x18AD0];
	[tilespmem:s19+$0x18AD0] =	vst v7  }
0xf1: {  	v12 =	vld [tilespmem:s19+$0x18AE0];
	[tilespmem:s19+$0x18AE0] =	vst v11  }
0xf2: {  	v14 =	vld [tilespmem:s19+$0x18AF0];
	[tilespmem:s19+$0x18AF0] =	vst v13  }
0xf3: {  	v5 =	vld [tilespmem:s29+$0x13A90]  }
0xf4: {  	v6 =	vmul.f32 v4, v2;
	v3 =	vld [tilespmem:s29+$0x13AA0]  }
0xf5: {  	s21 =	simm.s32 $0x100;
	v4 =	vld [tilespmem:s29+$0x13AB0]  }
0xf6: {  	v2 =	vld [tilespmem:s21+$0x13A80];
	[tilespmem:s19+$0x18A80] =	vst v6  }
0xf7: {  	v9 =	vld [tilespmem:s29+$0x18AC0];
	[tilespmem:s29+$0x18AC0] =	vst v1  }
0xf8: {  	v8 =	vld [tilespmem:s29+$0x18AD0];
	[tilespmem:s29+$0x18AD0] =	vst v5  }
0xf9: {  	v10 =	vmul.f32 v10, v7;
	v6 =	vld [tilespmem:s29+$0x18AE0];
	[tilespmem:s29+$0x18AE0] =	vst v3  }
0xfa: {  	s9 =	simm.s32 $0x600;
	v12 =	vmul.f32 v12, v11;
	v11 =	vmul.f32 v14, v13;
	v7 =	vld [tilespmem:s29+$0x18AF0];
	[tilespmem:s29+$0x18AF0] =	vst v4  }
.LBB2_14:
0xfb: {  	p4 =	sne.s32 s9, $0x9E00;
	v13 =	vld [tilespmem:s21+$0x13A90];
	[tilespmem:s19+$0x18A90] =	vst v10  }
0xfc: {  	v14 =	vld [tilespmem:s21+$0x13AA0];
	v9 =	vmul.f32 v9, v1;
	[tilespmem:s19+$0x18AA0] =	vst v12;
	v1 =	vmov v2  }
0xfd: {  	v15 =	vld [tilespmem:s21+$0x13AB0];
	v10 =	vmul.f32 v8, v5;
	[tilespmem:s19+$0x18AB0] =	vst v11;
	s19 =	smov.u32 s29;
	s29 =	smov.u32 s21;
	s21 =	sshra.s32 s9, $0x2  }
.Ltmp8:
0xfe: {  	v2 =	vld [tilespmem:s21+$0x13A80];
	[tilespmem:s19+$0x18A80] =	vst v9;
	v12 =	vmul.f32 v6, v3;
	(pc) =	sbr.rel @p4 .LBB2_14-.Ltmp8, $4  }
0xff: {  	v9 =	vld [tilespmem:s29+$0x18AC0];
	[tilespmem:s29+$0x18AC0] =	vst v1;
	v11 =	vmul.f32 v7, v4  }
0x100: {  	v8 =	vld [tilespmem:s29+$0x18AD0];
	[tilespmem:s29+$0x18AD0] =	vst v13;
	v5 =	vmov v13  }
0x101: {  	v6 =	vld [tilespmem:s29+$0x18AE0];
	[tilespmem:s29+$0x18AE0] =	vst v14;
	v3 =	vmov v14  }
0x102: {  	s9 =	sadd.s32 $0x200, s9;
	v7 =	vld [tilespmem:s29+$0x18AF0];
	[tilespmem:s29+$0x18AF0] =	vst v15;
	v4 =	vmov v15  }
0x103: {  	v13 =	vld [tilespmem:s21+$0x13A90];
	[tilespmem:s19+$0x18A90] =	vst v10  }
0x104: {  	v10 =	vld [tilespmem:s21+$0x13AA0];
	[tilespmem:s19+$0x18AA0] =	vst v12;
	v1 =	vmul.f32 v9, v1  }
0x105: {  	v9 =	vld [tilespmem:s21+$0x13AB0];
	[tilespmem:s19+$0x18AB0] =	vst v11  }
0x106: {  	[tilespmem:s29+$0x18A80] =	vst v1  }
0x107: {  	v1 =	vld [tilespmem:s21+$0x18AC0]  }
0x108: {  	[tilespmem:s21+$0x18AC0] =	vst v2;
	v11 =	vld [tilespmem:s21+$0x18AD0]  }
0x109: {  	v12 =	vld [tilespmem:s21+$0x18AE0];
	[tilespmem:s21+$0x18AD0] =	vst v13  }
0x10a: {  	v5 =	vmul.f32 v8, v5;
	v8 =	vld [tilespmem:s21+$0x18AF0];
	[tilespmem:s21+$0x18AE0] =	vst v10  }
0x10b: {  	v3 =	vmul.f32 v6, v3;
	[tilespmem:s21+$0x18AF0] =	vst v9  }
0x10c: {  	v4 =	vmul.f32 v7, v4;
	[tilespmem:s29+$0x18A90] =	vst v5  }
0x10d: {  	[tilespmem:s29+$0x18AA0] =	vst v3;
	v1 =	vmul.f32 v1, v2  }
0x10e: {  	[tilespmem:s29+$0x18AB0] =	vst v4;
	v2 =	vmul.f32 v11, v13  }
0x10f: {  	v3 =	vmul.f32 v8, v9;
	[tilespmem:s21+$0x18A80] =	vst v1  }
0x110: {  	v1 =	vmul.f32 v12, v10;
	[tilespmem:s21+$0x18A90] =	vst v2  }
0x111: {  	p4 =	seq.s32 s28, $0x7C;
	[tilespmem:s21+$0x18AB0] =	vst v3  }
0x112: {  	s9 =	simm.s32 @!p4 $0x9;
	s19 =	smul.u32 @!p4 $0xA0, s28;
	[tilespmem:s21+$0x18AA0] =	vst v1  }
0x113: {  	[spmem:s2] =	stream.indirect.scatter.add.f32 [tilespmem:s30], [sflag:$0x9], $0x80, s1, s10, $0xb8;
	[tilespmem:$0x1DA80] =	vst v63  }
0x114: {  	_ =	swait.ge @!p4 [sflag:s9], $0x2800  }
0x115: {  	s19 =	sadd.s32 @!p4 s19, s16;
	[sflag:s9] =	ssyncset.done @!p4 $0x0  }
0x116: {  	[sflag:s9] =	ssyncadd.s32 @!p4 $0xFFFFD800;
	s9 =	sshrl.u32 @!p4 s19, $0x3  }
0x117: {  	s24 =	simm.s32 @!p4 $0x0;
	s29 =	simm.s32 @!p4 $0x13880;
	s21 =	sadd.s32 @!p4 s6, s9  }
0x118: {  	[tilespmem:s29], [sflag:$0x1] =	stream.linear.gather @!p4 [hbm4b:s21+s24], $0x50, $0x38;
	[tilespmem:$0x1DA80] =	vst v63  }
0x119: {  	s9 =	sadd.s32 @!p4 s7, s9;
	s21 =	simm.s32 @!p4 $0x13980  }
0x11a: {  	[tilespmem:s21], [sflag:$0x3] =	stream.linear.gather @!p4 [hbm4b:s9+s24], $0x50, $0x38;
	[tilespmem:$0x1DA80] =	vst v63  }
0x11b: {  	s9 =	sshll.u32 @!p4 s19, $0x4  }
0x11c: {  	s19 =	simm.s32 @!p4 $0x13A80;
	s9 =	sadd.s32 @!p4 s5, s9  }
0x11d: {  	[tilespmem:s19], [sflag:$0x5] =	stream.linear.gather @!p4 [hbm4b:s9+s24], $0x2800, $0x38;
	[tilespmem:$0x1DA80] =	vst v63  }
0x11e: {  	s9 =	simm.s32 @!p4 $0x1  }
0x11f: {  	_ =	swait.ge @!p4 [sflag:s9], $0x50  }
0x120: {  	[sflag:s9] =	ssyncset.done @!p4 $0x0  }
0x121: {  	[sflag:s9] =	ssyncadd.s32 @!p4 $0xFFFFFFB0;
	s9 =	simm.s32 @!p4 $0x3  }
0x122: {  	_ =	swait.ge @!p4 [sflag:s9], $0x50  }
0x123: {  	[sflag:s9] =	ssyncset.done @!p4 $0x0  }
0x124: {  	s19 =	simm.s32 @!p4 $0x18A80;
	[sflag:s9] =	ssyncadd.s32 @!p4 $0xFFFFFFB0;
	s9 =	simm.s32 @!p4 $0x50  }
0x125: {  	[tilespmem:s19], [sflag:$0x7] =	stream.indirect.gather @!p4 [hbm4b:s8+s9], $0x80, s29, s9, $0xb8;
	[tilespmem:$0x1DA80] =	vst v63  }
0x126: {  	_ =	swait.ge [sflag:s23], $0x2800  }
0x127: {  	[sflag:s23] =	ssyncset.done $0x0  }
0x128: {  	[sflag:s23] =	ssyncadd.s32 $0xFFFFD800  }
0x129: {  	_ =	swait.ge [sflag:s0], $0x2800  }
0x12a: {  	[sflag:s0] =	ssyncset.done $0x0  }
0x12b: {  	s19 =	simm.s32 $0x0;
	[sflag:s0] =	ssyncadd.s32 $0xFFFFD800  }
0x12c: {  	v2 =	vld [tilespmem:s19+$0x16280]  }
0x12d: {  	v7 =	vld [tilespmem:s19+$0x16290]  }
0x12e: {  	v11 =	vld [tilespmem:s19+$0x162A0]  }
0x12f: {  	s29 =	simm.s32 $0x80;
	v13 =	vld [tilespmem:s19+$0x162B0]  }
0x130: {  	v1 =	vld [tilespmem:s29+$0x16280]  }
0x131: {  	v4 =	vld [tilespmem:s19+$0x1B2C0];
	[tilespmem:s19+$0x1B2C0] =	vst v2  }
0x132: {  	v10 =	vld [tilespmem:s19+$0x1B2D0];
	[tilespmem:s19+$0x1B2D0] =	vst v7  }
0x133: {  	v12 =	vld [tilespmem:s19+$0x1B2E0];
	[tilespmem:s19+$0x1B2E0] =	vst v11  }
0x134: {  	v14 =	vld [tilespmem:s19+$0x1B2F0];
	[tilespmem:s19+$0x1B2F0] =	vst v13  }
0x135: {  	v5 =	vld [tilespmem:s29+$0x16290]  }
0x136: {  	v6 =	vmul.f32 v4, v2;
	v3 =	vld [tilespmem:s29+$0x162A0]  }
0x137: {  	s21 =	simm.s32 $0x100;
	v4 =	vld [tilespmem:s29+$0x162B0]  }
0x138: {  	v2 =	vld [tilespmem:s21+$0x16280];
	[tilespmem:s19+$0x1B280] =	vst v6  }
0x139: {  	v9 =	vld [tilespmem:s29+$0x1B2C0];
	[tilespmem:s29+$0x1B2C0] =	vst v1  }
0x13a: {  	v8 =	vld [tilespmem:s29+$0x1B2D0];
	[tilespmem:s29+$0x1B2D0] =	vst v5  }
0x13b: {  	v10 =	vmul.f32 v10, v7;
	v6 =	vld [tilespmem:s29+$0x1B2E0];
	[tilespmem:s29+$0x1B2E0] =	vst v3  }
0x13c: {  	s9 =	simm.s32 $0x600;
	v12 =	vmul.f32 v12, v11;
	v11 =	vmul.f32 v14, v13;
	v7 =	vld [tilespmem:s29+$0x1B2F0];
	[tilespmem:s29+$0x1B2F0] =	vst v4  }
.LBB2_16:
0x13d: {  	p5 =	sne.s32 s9, $0x9E00;
	v13 =	vld [tilespmem:s21+$0x16290];
	[tilespmem:s19+$0x1B290] =	vst v10  }
0x13e: {  	v14 =	vld [tilespmem:s21+$0x162A0];
	v9 =	vmul.f32 v9, v1;
	[tilespmem:s19+$0x1B2A0] =	vst v12;
	v1 =	vmov v2  }
0x13f: {  	v15 =	vld [tilespmem:s21+$0x162B0];
	v10 =	vmul.f32 v8, v5;
	[tilespmem:s19+$0x1B2B0] =	vst v11;
	s19 =	smov.u32 s29;
	s29 =	smov.u32 s21;
	s21 =	sshra.s32 s9, $0x2  }
.Ltmp9:
0x140: {  	v2 =	vld [tilespmem:s21+$0x16280];
	[tilespmem:s19+$0x1B280] =	vst v9;
	v12 =	vmul.f32 v6, v3;
	(pc) =	sbr.rel @p5 .LBB2_16-.Ltmp9, $4  }
0x141: {  	v9 =	vld [tilespmem:s29+$0x1B2C0];
	[tilespmem:s29+$0x1B2C0] =	vst v1;
	v11 =	vmul.f32 v7, v4  }
0x142: {  	v8 =	vld [tilespmem:s29+$0x1B2D0];
	[tilespmem:s29+$0x1B2D0] =	vst v13;
	v5 =	vmov v13  }
0x143: {  	v6 =	vld [tilespmem:s29+$0x1B2E0];
	[tilespmem:s29+$0x1B2E0] =	vst v14;
	v3 =	vmov v14  }
0x144: {  	s9 =	sadd.s32 $0x200, s9;
	v7 =	vld [tilespmem:s29+$0x1B2F0];
	[tilespmem:s29+$0x1B2F0] =	vst v15;
	v4 =	vmov v15  }
0x145: {  	v13 =	vld [tilespmem:s21+$0x16290];
	[tilespmem:s19+$0x1B290] =	vst v10  }
0x146: {  	v10 =	vld [tilespmem:s21+$0x162A0];
	[tilespmem:s19+$0x1B2A0] =	vst v12;
	v1 =	vmul.f32 v9, v1  }
0x147: {  	v62 =	vld [tilespmem:s21+$0x162B0];
	[tilespmem:s19+$0x1B2B0] =	vst v11  }
0x148: {  	[tilespmem:s29+$0x1B280] =	vst v1  }
0x149: {  	v1 =	vld [tilespmem:s21+$0x1B2C0]  }
0x14a: {  	[tilespmem:s21+$0x1B2C0] =	vst v2;
	v11 =	vld [tilespmem:s21+$0x1B2D0]  }
0x14b: {  	v12 =	vld [tilespmem:s21+$0x1B2E0];
	[tilespmem:s21+$0x1B2D0] =	vst v13  }
0x14c: {  	v5 =	vmul.f32 v8, v5;
	v63 =	vld [tilespmem:s21+$0x1B2F0];
	[tilespmem:s21+$0x1B2E0] =	vst v10  }
0x14d: {  	v3 =	vmul.f32 v6, v3;
	[tilespmem:s21+$0x1B2F0] =	vst v62  }
0x14e: {  	v4 =	vmul.f32 v7, v4;
	[tilespmem:s29+$0x1B290] =	vst v5  }
0x14f: {  	[tilespmem:s29+$0x1B2A0] =	vst v3;
	v1 =	vmul.f32 v1, v2  }
0x150: {  	[tilespmem:s29+$0x1B2B0] =	vst v4;
	v2 =	vmul.f32 v11, v13  }
.Ltmp10:
0x151: {  	v3 =	vmul.f32 v63, v62;
	[tilespmem:s21+$0x1B280] =	vst v1;
	(pc) =	sbr.rel @p4 .LBB2_19-.Ltmp10, $4  }
0x152: {  	v1 =	vmul.f32 v12, v10;
	[tilespmem:s21+$0x1B290] =	vst v2  }
0x153: {  	[tilespmem:s21+$0x1B2B0] =	vst v3  }
0x154: {  	[tilespmem:s21+$0x1B2A0] =	vst v1  }
0x155: {  	[spmem:s2] =	stream.indirect.scatter.add.f32 [tilespmem:s14], [sflag:$0xA], $0x80, s15, s10, $0xb8;
	[tilespmem:$0x1DA80] =	vst v63  }
0x156: {  	s9 =	smul.u32 $0xA0, s28;
	_ =	sdelay $0x1  }
0x157: {  	_ =	swait.ge [sflag:s25], $0x2800;
	s9 =	sadd.s32 s9, s17  }
0x158: {  	[sflag:s25] =	ssyncset.done $0x0;
	s19 =	sshrl.u32 s9, $0x3  }
0x159: {  	[sflag:s25] =	ssyncadd.s32 $0xFFFFD800;
	s21 =	sadd.s32 s6, s19  }
0x15a: {  	[tilespmem:s12], [sflag:$0x2] =	stream.linear.gather [hbm4b:s21+s3], $0x50, $0x38;
	[tilespmem:$0x1DA80] =	vst v63  }
.Ltmp11:
0x15b: {  	_ = 	snop;
	(pc) =	sbr.rel .LBB2_13-.Ltmp11, $4  }
0x15c: {  	s9 =	sshll.u32 s9, $0x4;
	s19 =	sadd.s32 s7, s19  }
0x15d: {  	[tilespmem:s15], [sflag:$0x4] =	stream.linear.gather [hbm4b:s19+s3], $0x50, $0x38;
	[tilespmem:$0x1DA80] =	vst v63  }
0x15e: {  	s28 =	sadd.s32 $0x1, s28;
	s9 =	sadd.s32 s5, s9  }
0x15f: {  	[tilespmem:s18], [sflag:$0x6] =	stream.linear.gather [hbm4b:s9+s3], $0x2800, $0x38;
	[tilespmem:$0x1DA80] =	vst v63  }
.LBB2_11:
0x160: {  	s9 =	simm.s32 $0x9  }
0x161: {  	_ =	swait.ge [sflag:s9], $0x2800  }
0x162: {  	[sflag:s9] =	ssyncset.done $0x0  }
0x163: {  	[sflag:s9] =	ssyncadd.s32 $0xFFFFD800  }
.Ltmp12:
0x164: {  	_ =	swait.ge [sflag:s25], $0x2800;
	(pc) =	sbr.rel @!p3 .LBB2_21-.Ltmp12, $4  }
.Ltmp13:
0x165: {  	[sflag:s25] =	ssyncset.done $0x0;
	(pc) =	sbr.rel @p3 .LBB2_20-.Ltmp13, $4  }
0x166: {  	[sflag:s25] =	ssyncadd.s32 $0xFFFFD800  }
0x167: {  	[bflag:$0x0] =	sbarrier.arrive $0xFFFF  }
0x168: {  	s9 =	rddreg [dreg:$0x1]  }
0x169: {  	_ = 	snop  }
.LBB2_19:
0x16a: {  	s9 =	simm.s32 $0x9  }
0x16b: {  	_ =	swait.ge [sflag:s9], $0x2800  }
0x16c: {  	[sflag:s9] =	ssyncset.done $0x0  }
0x16d: {  	[sflag:s9] =	ssyncadd.s32 $0xFFFFD800  }
.Ltmp14:
0x16e: {  	_ =	swait.ge [sflag:s25], $0x2800;
	(pc) =	sbr.rel @p0 .LBB2_21-.Ltmp14, $4  }
.Ltmp15:
0x16f: {  	[sflag:s25] =	ssyncset.done $0x0;
	(pc) =	sbr.rel @!p0 .LBB2_20-.Ltmp15, $4  }
0x170: {  	[sflag:s25] =	ssyncadd.s32 $0xFFFFD800  }
0x171: {  	[bflag:$0x0] =	sbarrier.arrive $0xFFFF  }
0x172: {  	s9 =	rddreg [dreg:$0x4]  }
0x173: {  	_ = 	snop  }
.LBB2_22:
0x174: {  	_ =	sfence.sel $0x180000  }
0x175: {  	[bflag:$0x0] =	sbarrier.arrive $0xFFFF  }
0x176: {  	_ =	strace $0x9000004A  }
0x177: {  	[bflag:$0x2] =	sbarrier.arrive $0xFFFF  }
0x178: {  	s0 =	rddreg [dreg:$0x3]  }
0x179: {  	s0 =	sadd.s32 @!p0 $0x100000, s0  }
0x17a: {  	[sflag:s0] =	ssyncadd.tile.s32 @!p0 $0x1;
	_ =	shalt  }
.Lfunc_end2:
_tile_overlayer_lowered:
.L_overlay_start_2:
0x17b: {  	(tag) =	ssettag $0x2  }
0x17c: {  	s0 =	rddreg [dreg:$0x0];
	s2 =	stileid.u32  }
0x17d: {  	s1 =	rddreg [dreg:$0x1];
	p0 =	sne.s32 s2, $0x0  }
0x17e: {  	s3 =	rddreg [dreg:$0x2];
	[bflag:$0x3] =	sbarrier.arrive $0xFFFF;
	s2 =	simm.s32 @!p0 $0x1C0B  }
0x17f: {  	[timem:s3], [sflag:s2] =	dma.local @!p0 [hbm:s0], s1  }
0x180: {  	s0 =	simm.s32 @!p0 $0xB  }
0x181: {  	_ =	swait.ge @!p0 [sflag:s0], s1  }
0x182: {  	s1 =	ssub.s32 @!p0 $0x0, s1;
	[sflag:s0] =	ssyncset.done @!p0 $0x0  }
0x183: {  	[sflag:s0] =	ssyncadd.s32 @!p0 s1  }
0x184: {  	[bflag:$0x3] =	sbarrier.arrive $0xFFFF  }
0x185: {  	_ =	shalt  }

// kernel: kernel.15.cloned.1.call-start
scs
__scs_entry_jumppad:
0x0: {  	(pc) =	sbr.rel $0x88, $3  }
0x1: {  	(tag) =	ssettag $0x0;
	lr =	simm.s32 $0x1  }
0x2: {  	[smem:$0x3F84] =	sst lr;
	_ =	strace $0xD0000000  }
0x3: {  	_ = 	snop  }
0x4: {  	_ = 	snop  }
0x5: {  	_ = 	snop  }
0x6: {  	_ = 	snop  }
0x7: {  	_ = 	snop  }
__scs_overlays_trampoline_lowered:
0x8: {  	[smem:$0x3F93] =	sst s0  }
0x9: {  	[smem:$0x3F94] =	sst s1  }
0xa: {  	[smem:$0x3F95] =	sst s2  }
0xb: {  	[smem:$0x3F96] =	sst s3  }
0xc: {  	[smem:$0x3F97] =	sst s4  }
0xd: {  	[smem:$0x3F98] =	sst s5  }
0xe: {  	[smem:$0x3F99] =	sst s6  }
0xf: {  	[smem:$0x3F9A] =	sst s7  }
0x10: {  	[smem:$0x3F9B] =	sst s8  }
0x11: {  	[smem:$0x3F9C] =	sst s9;
	s0 =	simm.s32 @!p0 $0x0  }
0x12: {  	s1 =	sld [smem:$0x3F82];
	s0 =	simm.s32 @p0 $0x1  }
0x13: {  	[smem:$0x3F9D] =	sst s0;
	s0 =	simm.s32 @!p1 $0x0  }
0x14: {  	s2 =	sld [smem:$0x3F81];
	s0 =	simm.s32 @p1 $0x1  }
0x15: {  	[smem:$0x3F9E] =	sst s0;
	s0 =	simm.s32 @!p2 $0x0  }
0x16: {  	s3 =	sld [smem:$0x3FDB];
	s0 =	simm.s32 @p2 $0x1  }
0x17: {  	s4 =	simm.s32 $0x1BF5;
	[smem:$0x3FA0] =	sst s0  }
0x18: {  	s0 =	sld [smem:$0x3F83];
	_ =	swait.ge [sflag:s4], $0x0  }
0x19: {  	s7 =	sld [smem:$0x3F84]  }
0x1a: {  	s8 =	sadd.s32 $0xFFFFE003, lr  }
0x1b: {  	s9 =	sadd.s32 $0xFFFFFEF7, lr;
	s5 =	simm.s32 $0xFFFFFFFF;
	p2 =	slt.u32 s8, $0xFFFFF086  }
0x1c: {  	p1 =	slt.u32 s9, $0xF7A;
	s5 =	simm.s32 @!p2 $0x0  }
0x1d: {  	s5 =	simm.s32 @p1 $0x1;
	p0 =	seq.s32 s7, s2  }
0x1e: {  	s7 =	smul.u32 @!p0 $0xF7A, s2;
	p2 =	seq.s32 @!p0 s5, $0x0  }
0x1f: {  	s9 =	smul.u32 $0xF7A, s1;
	s8 =	simm.s32 @!p0 $0x1BF5;
	p2 =	por !p2, p0  }
0x20: {  	[sflag:s8] =	ssyncset.s32 @!p0 $0xFFFFF086;
	s6 =	sadd.s32 @!p0 s3, s7;
	s7 =	simm.s32 @!p0 $0x108  }
0x21: {  	s3 =	sadd.s32 s3, s9;
	s6 =	sadd.s32 @!p0 $0x88, s6;
	s7 =	simm.s32 @p2 $0x1082  }
0x22: {  	[simem:s7], [sflag:s8] =	dma.local @!p0 [hbm:s6], $0xF7A  }
0x23: {  	s9 =	sor.u32 $0xD0000000, s2;
	s6 =	simm.s32 $0x108;
	_ =	swait.ge @!p0 [sflag:s8], $0x0  }
0x24: {  	s3 =	sadd.s32 $0x88, s3;
	s6 =	simm.s32 @!p1 $0x1082;
	[sflag:s4] =	ssyncset.s32 $0xFFFFF086  }
0x25: {  	[simem:s6], [sflag:s4] =	dma.local [hbm:s3], $0xF7A  }
0x26: {  	[smem:$0x3F84] =	sst s1;
	(tag) =	ssettag s2;
	_ =	strace s9  }
0x27: {  	s1 =	sld [smem:$0x3F94]  }
0x28: {  	s2 =	sld [smem:$0x3F95]  }
0x29: {  	s4 =	sld [smem:$0x3F97]  }
0x2a: {  	p0 =	seq.s32 s5, $0x0;
	s5 =	sld [smem:$0x3F98]  }
0x2b: {  	s6 =	sld [smem:$0x3F99]  }
0x2c: {  	s7 =	sld [smem:$0x3F9A]  }
0x2d: {  	s3 =	simm.s32 $0x108;
	s8 =	sld [smem:$0x3F9B]  }
0x2e: {  	s3 =	simm.s32 @!p0 $0x1082;
	s9 =	sld [smem:$0x3F9C]  }
0x2f: {  	lr =	sadd.s32 s0, s3;
	s0 =	sld [smem:$0x3F93]  }
0x30: {  	s3 =	sld [smem:$0x3F96]  }
0x31: {  	[smem:$0x3F9F] =	sst s10  }
0x32: {  	s10 =	sld [smem:$0x3F9D];
	_ =	sdelay $0x3  }
0x33: {  	p0 =	seq.s32 s10, $0x1;
	s10 =	sld [smem:$0x3F9F];
	_ =	sdelay $0x3  }
0x34: {  	[smem:$0x3F9F] =	sst s10  }
0x35: {  	s10 =	sld [smem:$0x3F9E];
	_ =	sdelay $0x3  }
0x36: {  	p1 =	seq.s32 s10, $0x1;
	s10 =	sld [smem:$0x3F9F];
	_ =	sdelay $0x3  }
0x37: {  	[smem:$0x3F9F] =	sst s10  }
0x38: {  	s10 =	sld [smem:$0x3FA0]  }
0x39: {  	_ = 	snop;
	(pc) =	sbr.ind lr, $3  }
0x3a: {  	_ = 	snop  }
0x3b: {  	_ = 	snop  }
0x3c: {  	p2 =	seq.s32 s10, $0x1;
	s10 =	sld [smem:$0x3F9F]  }
0x3d: {  	_ =	shalt  }
0x3e: {  	_ =	shalt  }
0x3f: {  	_ =	shalt  }
0x40: {  	_ =	shalt  }
0x41: {  	_ =	shalt  }
0x42: {  	_ =	shalt  }
0x43: {  	_ =	shalt  }
0x44: {  	_ =	shalt  }
0x45: {  	_ =	shalt  }
0x46: {  	_ =	shalt  }
0x47: {  	_ =	shalt  }
0x48: {  	_ =	shalt  }
0x49: {  	_ =	shalt  }
0x4a: {  	_ =	shalt  }
0x4b: {  	_ =	shalt  }
0x4c: {  	_ =	shalt  }
0x4d: {  	_ =	shalt  }
0x4e: {  	_ =	shalt  }
0x4f: {  	_ =	shalt  }
0x50: {  	_ =	shalt  }
0x51: {  	_ =	shalt  }
0x52: {  	_ =	shalt  }
0x53: {  	_ =	shalt  }
0x54: {  	_ =	shalt  }
0x55: {  	_ =	shalt  }
0x56: {  	_ =	shalt  }
0x57: {  	_ =	shalt  }
0x58: {  	_ =	shalt  }
0x59: {  	_ =	shalt  }
0x5a: {  	_ =	shalt  }
0x5b: {  	_ =	shalt  }
0x5c: {  	_ =	shalt  }
0x5d: {  	_ =	shalt  }
0x5e: {  	_ =	shalt  }
0x5f: {  	_ =	shalt  }
0x60: {  	_ =	shalt  }
0x61: {  	_ =	shalt  }
0x62: {  	_ =	shalt  }
0x63: {  	_ =	shalt  }
0x64: {  	_ =	shalt  }
0x65: {  	_ =	shalt  }
0x66: {  	_ =	shalt  }
0x67: {  	_ =	shalt  }
0x68: {  	_ =	shalt  }
0x69: {  	_ =	shalt  }
0x6a: {  	_ =	shalt  }
0x6b: {  	_ =	shalt  }
0x6c: {  	_ =	shalt  }
0x6d: {  	_ =	shalt  }
0x6e: {  	_ =	shalt  }
0x6f: {  	_ =	shalt  }
0x70: {  	_ =	shalt  }
0x71: {  	_ =	shalt  }
0x72: {  	_ =	shalt  }
0x73: {  	_ =	shalt  }
0x74: {  	_ =	shalt  }
0x75: {  	_ =	shalt  }
0x76: {  	_ =	shalt  }
0x77: {  	_ =	shalt  }
0x78: {  	_ =	shalt  }
0x79: {  	_ =	shalt  }
0x7a: {  	_ =	shalt  }
0x7b: {  	_ =	shalt  }
0x7c: {  	_ =	shalt  }
0x7d: {  	_ =	shalt  }
0x7e: {  	_ =	shalt  }
0x7f: {  	_ =	shalt  }
0x80: {  	_ =	shalt  }
0x81: {  	_ =	shalt  }
0x82: {  	_ =	shalt  }
0x83: {  	_ =	shalt  }
0x84: {  	_ =	shalt  }
0x85: {  	_ =	shalt  }
0x86: {  	_ =	shalt  }
0x87: {  	_ =	shalt  }
.Lfunc_end0:
.L_simem_size_0:
called_computation.2_lowered:
.L_overlay_start_0:
0x88: {  	s2 =	sld [smem:$0x3FD9]  }
0x89: {  	s3 =	sld [smem:$0x3FFE];
	_ =	sdelay $0x1  }
0x8a: {  	s1 =	srdreg.scid  }
0x8b: {  	s0 =	sand.u32 $0x1, s1  }
0x8c: {  	s15 =	sshll.u32 s0, $0xA;
	s2 =	sadd.s32 s3, s2  }
0x8d: {  	s2 =	sadd.s32 s2, s15  }
0x8e: {  	[smem:$0x3FAB] =	sst s2  }
0x8f: {  	_ = 	snop  }
0x90: {  	s16 =	sld [smem:$0x3FD0];
	_ =	sdelay $0x2  }
0x91: {  	s4 =	simm.s32 $0xB;
	s5 =	simm.s32 $0x10;
	s2 =	sld [smem:$0x3FC5]  }
0x92: {  	[smem:s5], [sflag:s4] =	dma.local [hbm:s16], $0x1  }
0x93: {  	_ =	swait.eq [sflag:s4], $0x1  }
0x94: {  	[sflag:s4] =	ssyncset.done $0x0  }
0x95: {  	s17 =	sld [smem:$0x11];
	[sflag:s4] =	ssyncadd.s32 $0xFFFFFFFF  }
0x96: {  	s18 =	sld [smem:$0x12];
	(tm) =	ssettm $0x1  }
0x97: {  	s19 =	sld [smem:$0x3FFB];
	_ =	sdelay $0x3  }
0x98: {  	_ =	strace s19  }
0x99: {  	s3 =	sld [smem:$0x3FFC];
	_ =	sdelay $0x3  }
0x9a: {  	_ =	strace s3  }
0x9b: {  	s3 =	sld [smem:$0x3FFD];
	_ =	sdelay $0x3  }
0x9c: {  	_ =	strace s3  }
0x9d: {  	_ =	strace $0x8FFFFFFF  }
0x9e: {  	s20 =	sld [smem:$0x3FDB];
	_ =	sdelay $0x1  }
0x9f: {  	s6 =	simm.s32 $_scs_section_size  }
0xa0: {  	s7 =	simm.s32 $_size__tile_overlayer_lowered;
	s8 =	simm.s32 $_tile_overlayer_lowered  }
0xa1: {  	s9 =	simm.s32 $0x1BFF;
	s21 =	sshll.u32 s8, $0x1;
	s6 =	sadd.s32 s6, s20  }
0xa2: {  	s22 =	simm.s32 $0x0;
	s7 =	sshll.u32 s7, $0x1;
	s8 =	sadd.s32 s21, s6  }
0xa3: {  	[timem:s22], [sflag:s9] =	dma.local [hbm:s8], s7  }
0xa4: {  	_ =	swait.ge [sflag:s9], s7  }
0xa5: {  	s7 =	ssub.s32 $0x0, s7;
	[sflag:s9] =	ssyncset.done $0x0  }
0xa6: {  	[sflag:s9] =	ssyncadd.s32 s7;
	_ =	sdelay $0x1  }
0xa7: {  	s23 =	simm.s32 $0x1B8B  }
0xa8: {  	_ =	swait.ge [sflag:s23], $0x1  }
0xa9: {  	[sflag:s23] =	ssyncset.done $0x0  }
0xaa: {  	[sflag:s23] =	ssyncadd.s32 $0xFFFFFFFF  }
0xab: {  	s7 =	sld [smem:$0x0]  }
0xac: {  	s8 =	sand.u32 $0xFFFFFFFE, s1  }
0xad: {  	p0 =	sne.s32 s1, s8  }
0xae: {  	s8 =	sshll.u32 @p0 s8, $0xE  }
0xaf: {  	s8 =	sadd.s32 @p0 $0x11B8D, s8;
	s9 =	sshll.u32 @p0 s7, $0x11  }
0xb0: {  	s8 =	sor.u32 @p0 s9, s8  }
0xb1: {  	[sflag:s8] =	ssyncadd.remote.s32 @p0 $0x1;
	_ =	sdelay $0x1  }
0xb2: {  	s8 =	simm.s32 @p0 $0x1B8D  }
0xb3: {  	_ =	swait.eq @p0 [sflag:s8], $0x1  }
0xb4: {  	[sflag:s8] =	ssyncadd.s32 @p0 $0xFFFFFFFF  }
0xb5: {  	s9 =	sshll.u32 @!p0 s1, $0xE  }
0xb6: {  	s9 =	sor.u32 @!p0 $0x4000, s9;
	s8 =	simm.s32 @!p0 $0x1B8D  }
0xb7: {  	s7 =	sshll.u32 @!p0 s7, $0x11;
	s9 =	sadd.s32 @!p0 $0x11B8D, s9;
	_ =	swait.eq @!p0 [sflag:s8], $0x1  }
0xb8: {  	s7 =	sor.u32 @!p0 s7, s9;
	[sflag:s8] =	ssyncadd.s32 @!p0 $0xFFFFFFFF  }
0xb9: {  	s25 =	simm.s32 $0x1B8E;
	s24 =	sld [smem:$0x3FFE];
	[sflag:s7] =	ssyncadd.remote.s32 @!p0 $0x1  }
0xba: {  	s26 =	simm.s32 $execute0_lowered;
	[smem:$0x3FD2] =	sst s25  }
0xbb: {  	s8 =	sshll.u32 s26, $0x1;
	_ =	strace $0x8000004C;
	[dreg:$0x1] =	wrdreg $0xFFFFFFFF  }
0xbc: {  	s28 =	simm.s32 $_size_execute0_lowered;
	s6 =	sadd.s32 s6, s8;
	[dreg:$0x0] =	wrdreg $0x0  }
0xbd: {  	s8 =	sshll.u32 s28, $0x1;
	[dreg:$0x2] =	wrdreg s6  }
0xbe: {  	[dreg:$0x3] =	wrdreg s8  }
0xbf: {  	[dreg:$0x4] =	wrdreg $0xC0  }
0xc0: {  	_ =	task [dreg:s22], $0x5FFFF  }
0xc1: {  	[dreg:$0x1] =	wrdreg $0xFFFFFFFF  }
0xc2: {  	[dreg:$0x0] =	wrdreg $0x60  }
0xc3: {  	[dreg:$0x2] =	wrdreg s17  }
0xc4: {  	[dreg:$0x3] =	wrdreg s24  }
0xc5: {  	[dreg:$0x4] =	wrdreg s2  }
0xc6: {  	[dreg:$0x5] =	wrdreg s18  }
0xc7: {  	[dreg:$0x6] =	wrdreg $0x0  }
0xc8: {  	[dreg:$0x7] =	wrdreg $0x4000  }
0xc9: {  	[dreg:$0x8] =	wrdreg $0xA  }
0xca: {  	_ =	task.clear_ibuf [dreg:s22], $0x9FFFF;
	_ =	strace $0x9000004C  }
0xcb: {  	s29 =	simm.s32 $0xA;
	_ =	strace $0x8000004E  }
0xcc: {  	_ =	swait.ge [sflag:s29], $0x1  }
0xcd: {  	[sflag:s29] =	ssyncadd.s32 $0xFFFFFFFF  }
0xce: {  	_ =	strace $0x9000004E  }
0xcf: {  	_ =	sfence  }
0xd0: {  	s30 =	sld [smem:$0x0];
	_ =	sdelay $0x2  }
0xd1: {  	s31 =	sshll.u32 s1, $0xD;
	s1 =	sshrl.u32 s1, $0x2  }
0xd2: {  	s4 =	sand.u32 $0x4000, s31;
	s1 =	sadd.s32 s1, s30  }
0xd3: {  	s0 =	sor.u32 s4, s0;
	s1 =	sshll.u32 s1, $0x11  }
0xd4: {  	s0 =	sor.u32 s1, s0  }
0xd5: {  	s0 =	sadd.s32 $0x8F2B, s0  }
0xd6: {  	[sflag:s0] =	ssyncadd.remote.s32 $0x1  }
0xd7: {  	_ =	sfence.sel $0xFFFF  }
0xd8: {  	[dreg:$0x0] =	wrdreg $0xFFFFFFFF;
	(pc) =	sbr.abs _section_cstart, $3  }
0xd9: {  	[dreg:$0x1] =	wrdreg $0xFFFFFFFF  }
0xda: {  	_ =	task.clear_ibuf [dreg:s22], $0x2FFFF;
	_ =	strace $0x9FFFFFFF  }
0xdb: {  	(tm) =	ssettm $0x7FFFFFFF  }
tec
execute0_lowered:
.L_overlay_start_1:
0x0: {  	(tag) =	ssettag $0x1  }
0x1: {  	s0 =	rddreg [dreg:$0x0]  }
0x2: {  	s2 =	rddreg [dreg:$0x1]  }
0x3: {  	s1 =	rddreg [dreg:$0x2]  }
0x4: {  	s7 =	rddreg [dreg:$0x3]  }
0x5: {  	s3 =	rddreg [dreg:$0x4]  }
0x6: {  	s4 =	rddreg [dreg:$0x5];
	s5 =	simm.s32 $0x0  }
0x7: {  	s6 =	srdreg.scid;
	s9 =	stileid.u32;
	s28 =	simm.s32 $0x5A00  }
0x8: {  	s29 =	simm.s32 $0x7;
	s30 =	simm.s32 $0x9;
	s31 =	simm.s32 $0x8  }
0x9: {  	[smem:$0x7FF] =	sst s5;
	s8 =	sand.u32 $0x1, s6;
	s6 =	sadd.s32 $0x10400, s2  }
0xa: {  	s12 =	smul.u32 $0x2710, s9;
	s15 =	sadd.s32 $0x8F800, s2;
	s14 =	sadd.s32 $0x90000, s2  }
0xb: {  	s2 =	sadd.s32 $0x90800, s2;
	s16 =	sadd.s32 $0x2800, s3;
	s17 =	sadd.s32 $0x2800, s4  }
0xc: {  	s24 =	smul.u32 $0x27100, s9;
	_ =	strace $0x8000004D;
	[dreg:$0x7] =	wrdreg s16  }
0xd: {  	s10 =	smul.u32 $0x27100, s8;
	s11 =	ssub.s32 $0x2, s8;
	[dreg:$0x8] =	wrdreg s17  }
0xe: {  	s16 =	smul.u32 $0x271000, s8;
	p0 =	seq.s32 s8, $0x1;
	s13 =	sshrl.u32 s11, $0x1  }
0xf: {  	s7 =	smov.u32 @p0 s15;
	s14 =	smov.u32 @p0 s2;
	s10 =	sadd.s32 s12, s10  }
0x10: {  	p0 =	sne.s32 s9, $0x0;
	s11 =	ssub.s32 s11, s13;
	s18 =	sshrl.u32 s10, $0x3  }
0x11: {  	s19 =	sshll.u32 s10, $0x4;
	s20 =	sadd.s32 $0x50, s10;
	s23 =	smax.u32 s11, $0x1  }
0x12: {  	s25 =	sadd.s32 $0xF0, s10;
	s2 =	sadd.s32 $0xA0, s10;
	s12 =	sadd.s32 s6, s18  }
0x13: {  	s21 =	sshrl.u32 s20, $0x3;
	s13 =	sshll.u32 s20, $0x4;
	[dreg:$0xd] =	wrdreg s23  }
0x14: {  	s26 =	sshrl.u32 s25, $0x3;
	s18 =	simm.s32 $0x800;
	s23 =	simm.s32 $0x50  }
0x15: {  	s25 =	simm.s32 $0x5;
	s20 =	simm.s32 $0x0;
	[dreg:$0x9] =	wrdreg s12  }
.Ltmp0:
0x16: {  	s12 =	sadd.s32 s0, s19;
	s22 =	sadd.s32 s0, s13;
	(pc) =	sbr.rel .LBB2_1-.Ltmp0, $4  }
0x17: {  	s0 =	sadd.s32 s16, s0;
	s8 =	sadd.s32 s26, s6;
	s19 =	simm.s32 $0xA00  }
0x18: {  	s26 =	simm.s32 $0x3;
	[dreg:$0xa] =	wrdreg s12;
	s12 =	sadd.s32 s6, s21  }
0x19: {  	[dreg:$0xc] =	wrdreg s22;
	s15 =	sadd.s32 s24, s0;
	s22 =	simm.s32 $0x1  }
0x1a: {  	v0 =	vimm.f32 $0.0e+00;
	v1 =	vimm.f32 $1.000000000e+00;
	s24 =	simm.s32 $0x900;
	s0 =	simm.s32 $0xA;
	[dreg:$0xb] =	wrdreg s12  }
.LBB2_8:
0x1b: {  	_ =	swait.ge [sflag:s31], $0x2800  }
0x1c: {  	[sflag:s31] =	ssyncset.done $0x0  }
0x1d: {  	[sflag:s31] =	ssyncadd.s32 $0xFFFFD800  }
0x1e: {  	_ =	swait.ge [sflag:s0], $0x2800  }
0x1f: {  	[sflag:s0] =	ssyncset.done $0x0  }
0x20: {  	[sflag:s0] =	ssyncadd.s32 $0xFFFFD800  }
0x21: {  	s9 =	sshrl.u32 @!p0 s3, $0x3;
	s10 =	simm.s32 @!p0 $0x1C0B;
	[bflag:$0x0] =	sbarrier.arrive $0xFFFF  }
0x22: {  	[hbm:s7], [sflag:s10] =	dma.local @!p0 [spmem:s9], $0x800  }
0x23: {  	s9 =	simm.s32 @!p0 $0xB  }
0x24: {  	_ =	swait.ge @!p0 [sflag:s9], $0x800  }
0x25: {  	[sflag:s9] =	ssyncset.done @!p0 $0x0  }
0x26: {  	s11 =	sshrl.u32 @!p0 s4, $0x3;
	[sflag:s9] =	ssyncadd.s32 @!p0 $0xFFFFF800  }
0x27: {  	[hbm:s14], [sflag:s10] =	dma.local @!p0 [spmem:s11], $0x800  }
0x28: {  	_ =	swait.ge @!p0 [sflag:s9], $0x800  }
0x29: {  	s20 =	sadd.s32 $0x1, s20;
	s21 =	rddreg [dreg:$0xd]  }
0x2a: {  	p1 =	sne.s32 s20, s21  }
.Ltmp1:
0x2b: {  	_ = 	snop;
	(pc) =	sbr.rel @!p1 .LBB2_9-.Ltmp1, $3  }
0x2c: {  	_ =	sdelay $0x1  }
0x2d: {  	[sflag:s9] =	ssyncset.done @!p0 $0x0  }
0x2e: {  	[sflag:s9] =	ssyncadd.s32 @!p0 $0xFFFFF800  }
.LBB2_1:
0x2f: {  	s9 =	simm.s32 $0x0;
	s10 =	simm.s32 $0x200  }
.LBB2_2:
0x30: {  	p1 =	sne.s32 s10, $0x9E00;
	[tilespmem:s9+$0x5A70] =	vst v0  }
0x31: {  	[tilespmem:s9+$0xA00] =	vst v0  }
0x32: {  	[tilespmem:s9+$0x5A00] =	vst v0  }
0x33: {  	[tilespmem:s9+$0xA10] =	vst v0  }
0x34: {  	[tilespmem:s9+$0x5A10] =	vst v0  }
0x35: {  	[tilespmem:s9+$0xA20] =	vst v0  }
0x36: {  	[tilespmem:s9+$0x5A20] =	vst v0  }
0x37: {  	[tilespmem:s9+$0xA30] =	vst v0  }
0x38: {  	[tilespmem:s9+$0x5A30] =	vst v0  }
0x39: {  	[tilespmem:s9+$0xA40] =	vst v0  }
0x3a: {  	[tilespmem:s9+$0x5A40] =	vst v0  }
.Ltmp2:
0x3b: {  	[tilespmem:s9+$0xA50] =	vst v0;
	(pc) =	sbr.rel @p1 .LBB2_2-.Ltmp2, $4  }
0x3c: {  	[tilespmem:s9+$0x5A50] =	vst v0  }
0x3d: {  	[tilespmem:s9+$0xA60] =	vst v0  }
0x3e: {  	[tilespmem:s9+$0x5A60] =	vst v0  }
0x3f: {  	[tilespmem:s9+$0xA70] =	vst v0;
	s9 =	sshra.s32 s10, $0x2;
	s10 =	sadd.s32 $0x200, s10  }
0x40: {  	[tilespmem:s9+$0x5A70] =	vst v0  }
0x41: {  	[tilespmem:s9+$0xA00] =	vst v0  }
0x42: {  	[tilespmem:s9+$0x5A00] =	vst v0  }
0x43: {  	[tilespmem:s9+$0xA10] =	vst v0  }
0x44: {  	[tilespmem:s9+$0x5A10] =	vst v0  }
0x45: {  	[tilespmem:s9+$0xA20] =	vst v0  }
0x46: {  	[tilespmem:s9+$0x5A20] =	vst v0  }
0x47: {  	[tilespmem:s9+$0xA30] =	vst v0  }
0x48: {  	[tilespmem:s9+$0x5A30] =	vst v0  }
0x49: {  	[tilespmem:s9+$0xA40] =	vst v0  }
0x4a: {  	[tilespmem:s9+$0x5A40] =	vst v0  }
0x4b: {  	[tilespmem:s9+$0xA50] =	vst v0  }
0x4c: {  	[tilespmem:s9+$0x5A50] =	vst v0  }
0x4d: {  	[tilespmem:s9+$0xA60] =	vst v0  }
0x4e: {  	[tilespmem:s9+$0x5A60] =	vst v0  }
0x4f: {  	[tilespmem:s9+$0xA70] =	vst v0;
	s9 =	simm.s32 @!p0 $0xA00;
	s10 =	simm.s32 @!p0 $0xB  }
0x50: {  	[spmem:s3] =	stream.linear.scatter @!p0 [tilespmem:s9], [sflag:$0xB], $0x2800, $0x38;
	[tilespmem:$0x8200] =	vst v63  }
0x51: {  	_ =	swait.ge @!p0 [sflag:s10], $0x2800  }
0x52: {  	[sflag:s10] =	ssyncset.done @!p0 $0x0  }
0x53: {  	s11 =	rddreg [dreg:$0x7];
	[sflag:s10] =	ssyncadd.s32 @!p0 $0xFFFFD800  }
0x54: {  	[spmem:s11] =	stream.linear.scatter @!p0 [tilespmem:s9], [sflag:$0xB], $0x1800, $0x38;
	[tilespmem:$0x8200] =	vst v63  }
0x55: {  	_ =	swait.ge @!p0 [sflag:s10], $0x1800  }
0x56: {  	[sflag:s10] =	ssyncset.done @!p0 $0x0  }
0x57: {  	s9 =	simm.s32 @!p0 $0x5A00;
	[sflag:s10] =	ssyncadd.s32 @!p0 $0xFFFFE800  }
0x58: {  	[spmem:s4] =	stream.linear.scatter @!p0 [tilespmem:s9], [sflag:$0xB], $0x2800, $0x38;
	[tilespmem:$0x8200] =	vst v63  }
0x59: {  	_ =	swait.ge @!p0 [sflag:s10], $0x2800  }
0x5a: {  	[sflag:s10] =	ssyncset.done @!p0 $0x0  }
0x5b: {  	s11 =	rddreg [dreg:$0x8];
	[sflag:s10] =	ssyncadd.s32 @!p0 $0xFFFFD800  }
0x5c: {  	[spmem:s11] =	stream.linear.scatter @!p0 [tilespmem:s9], [sflag:$0xB], $0x1800, $0x38;
	[tilespmem:$0x8200] =	vst v63  }
0x5d: {  	_ =	swait.ge @!p0 [sflag:s10], $0x1800  }
0x5e: {  	[sflag:s10] =	ssyncset.done @!p0 $0x0  }
0x5f: {  	s9 =	simm.s32 $0x0;
	[sflag:s10] =	ssyncadd.s32 @!p0 $0xFFFFE800;
	s10 =	simm.s32 $0x200  }
.LBB2_4:
0x60: {  	p1 =	sne.s32 s10, $0x9E00;
	[tilespmem:s9+$0x5A70] =	vst v1  }
0x61: {  	[tilespmem:s9+$0x5A00] =	vst v1  }
0x62: {  	[tilespmem:s9+$0x5A10] =	vst v1  }
.Ltmp3:
0x63: {  	[tilespmem:s9+$0x5A20] =	vst v1;
	(pc) =	sbr.rel @p1 .LBB2_4-.Ltmp3, $4  }
0x64: {  	[tilespmem:s9+$0x5A30] =	vst v1  }
0x65: {  	[tilespmem:s9+$0x5A40] =	vst v1  }
0x66: {  	[tilespmem:s9+$0x5A50] =	vst v1  }
0x67: {  	[tilespmem:s9+$0x5A60] =	vst v1;
	s9 =	sshra.s32 s10, $0x2;
	s10 =	sadd.s32 $0x200, s10  }
0x68: {  	[tilespmem:s9+$0x5A70] =	vst v1  }
0x69: {  	[tilespmem:s9+$0x5A00] =	vst v1  }
0x6a: {  	[tilespmem:s9+$0x5A10] =	vst v1  }
0x6b: {  	[tilespmem:s9+$0x5A20] =	vst v1  }
0x6c: {  	[tilespmem:s9+$0x5A30] =	vst v1  }
0x6d: {  	[tilespmem:s9+$0x5A40] =	vst v1  }
0x6e: {  	[tilespmem:s9+$0x5A50] =	vst v1  }
0x6f: {  	[tilespmem:s9+$0x5A60] =	vst v1  }
0x70: {  	[bflag:$0x0] =	sbarrier.arrive $0xFFFF  }
0x71: {  	s21 =	simm.s32 $0x0;
	s11 =	rddreg [dreg:$0x9]  }
0x72: {  	[tilespmem:s18], [sflag:$0x1] =	stream.linear.gather [hbm4b:s11+s21], $0x50, $0x38;
	[tilespmem:$0x8200] =	vst v63  }
0x73: {  	s12 =	rddreg [dreg:$0xa]  }
0x74: {  	[tilespmem:s19], [sflag:$0x5] =	stream.linear.gather [hbm4b:s12+s21], $0x2800, $0x38;
	[tilespmem:$0x8200] =	vst v63  }
0x75: {  	s10 =	simm.s32 $0x880;
	s13 =	rddreg [dreg:$0xb]  }
0x76: {  	[tilespmem:s10], [sflag:$0x2] =	stream.linear.gather [hbm4b:s13+s21], $0x50, $0x38;
	[tilespmem:$0x8200] =	vst v63  }
0x77: {  	s17 =	simm.s32 $0x3200;
	s16 =	rddreg [dreg:$0xc]  }
0x78: {  	[tilespmem:s17], [sflag:$0x6] =	stream.linear.gather [hbm4b:s16+s21], $0x2800, $0x38;
	[tilespmem:$0x8200] =	vst v63  }
0x79: {  	_ =	swait.ge [sflag:s22], $0x50  }
0x7a: {  	s9 =	simm.s32 $0x0;
	[sflag:s22] =	ssyncset.done $0x0  }
0x7b: {  	s17 =	smov.u32 s2;
	s16 =	smov.u32 s8;
	[sflag:s22] =	ssyncadd.s32 $0xFFFFFFB0  }
0x7c: {  	[tilespmem:s24], [sflag:$0x3] =	stream.indirect.gather [hbm4b:s1+s23], $0x1, s18, s23, $0xb8;
	[tilespmem:$0x8200] =	vst v63  }
.LBB2_6:
0x7d: {  	p1 =	sgt.u32 s9, $0x3D  }
0x7e: {  	s10 =	simm.s32 @!p1 $0x2  }
0x7f: {  	_ =	swait.ge @!p1 [sflag:s10], $0x50  }
0x80: {  	s12 =	simm.s32 @!p1 $0x880;
	[sflag:s10] =	ssyncset.done @!p1 $0x0  }
0x81: {  	s11 =	simm.s32 @!p1 $0x980;
	[sflag:s10] =	ssyncadd.s32 @!p1 $0xFFFFFFB0;
	s10 =	simm.s32 @!p1 $0x50  }
0x82: {  	[tilespmem:s11], [sflag:$0x4] =	stream.indirect.gather @!p1 [hbm4b:s1+s10], $0x1, s12, s10, $0xb8;
	[tilespmem:$0x8200] =	vst v63  }
0x83: {  	_ =	swait.ge [sflag:s25], $0x2800  }
0x84: {  	[sflag:s25] =	ssyncset.done $0x0  }
0x85: {  	[sflag:s25] =	ssyncadd.s32 $0xFFFFD800  }
0x86: {  	_ =	swait.ge [sflag:s26], $0x50  }
0x87: {  	[sflag:s26] =	ssyncset.done $0x0  }
0x88: {  	[sflag:s26] =	ssyncadd.s32 $0xFFFFFFB0  }
0x89: {  	[spmem:s3] =	stream.indirect.scatter.add.f32 [tilespmem:s19], [sflag:$0x7], $0x80, s24, s23, $0xb8;
	[tilespmem:$0x8200] =	vst v63  }
0x8a: {  	_ = 	snop  }
0x8b: {  	[spmem:s4] =	stream.indirect.scatter.add.f32 [tilespmem:s28], [sflag:$0x9], $0x80, s24, s23, $0xb8;
	[tilespmem:$0x8200] =	vst v63  }
0x8c: {  	p2 =	seq.s32 s21, $0x26C00;
	_ =	swait.ge [sflag:s29], $0x2800  }
.Ltmp4:
0x8d: {  	[sflag:s29] =	ssyncset.done $0x0;
	(pc) =	sbr.rel @p2 .LBB2_8-.Ltmp4, $4  }
0x8e: {  	[sflag:s29] =	ssyncadd.s32 $0xFFFFD800  }
0x8f: {  	_ =	swait.ge [sflag:s30], $0x2800  }
0x90: {  	[sflag:s30] =	ssyncset.done $0x0  }
0x91: {  	[sflag:s30] =	ssyncadd.s32 $0xFFFFD800  }
0x92: {  	s12 =	sshrl.u32 s17, $0x3  }
0x93: {  	s13 =	sadd.s32 s21, s15;
	s12 =	sadd.s32 s6, s12  }
0x94: {  	[tilespmem:s18], [sflag:$0x1] =	stream.linear.gather [hbm4b:s12+s5], $0x50, $0x38;
	[tilespmem:$0x8200] =	vst v63  }
0x95: {  	s12 =	sadd.s32 $0xA00, s13  }
0x96: {  	[tilespmem:s19], [sflag:$0x5] =	stream.linear.gather [hbm4b:s12+s5], $0x2800, $0x38;
	[tilespmem:$0x8200] =	vst v63  }
0x97: {  	s12 =	simm.s32 @!p1 $0x1  }
0x98: {  	_ =	swait.ge @!p1 [sflag:s12], $0x50  }
0x99: {  	[sflag:s12] =	ssyncset.done @!p1 $0x0  }
0x9a: {  	s13 =	simm.s32 @!p1 $0x900;
	[sflag:s12] =	ssyncadd.s32 @!p1 $0xFFFFFFB0;
	s12 =	simm.s32 @!p1 $0x800  }
0x9b: {  	[tilespmem:s13], [sflag:$0x3] =	stream.indirect.gather @!p1 [hbm4b:s1+s10], $0x1, s12, s10, $0xb8;
	[tilespmem:$0x8200] =	vst v63  }
0x9c: {  	s12 =	simm.s32 @!p1 $0x6  }
0x9d: {  	_ =	swait.ge @!p1 [sflag:s12], $0x2800  }
0x9e: {  	[sflag:s12] =	ssyncset.done @!p1 $0x0  }
0x9f: {  	[sflag:s12] =	ssyncadd.s32 @!p1 $0xFFFFD800;
	s12 =	simm.s32 @!p1 $0x4  }
0xa0: {  	_ =	swait.ge @!p1 [sflag:s12], $0x50  }
0xa1: {  	[sflag:s12] =	ssyncset.done @!p1 $0x0  }
0xa2: {  	[sflag:s12] =	ssyncadd.s32 @!p1 $0xFFFFFFB0;
	s12 =	simm.s32 @!p1 $0x3200  }
0xa3: {  	[spmem:s3] =	stream.indirect.scatter.add.f32 @!p1 [tilespmem:s12], [sflag:$0x8], $0x80, s11, s10, $0xb8;
	[tilespmem:$0x8200] =	vst v63  }
0xa4: {  	p2 =	seq.s32 @!p1 s21, $0x26200;
	s12 =	simm.s32 @!p1 $0x5A00  }
0xa5: {  	[spmem:s4] =	stream.indirect.scatter.add.f32 @!p1 [tilespmem:s12], [sflag:$0xA], $0x80, s11, s10, $0xb8;
	[tilespmem:$0x8200] =	vst v63  }
0xa6: {  	p1 =	por p2, p1  }
0xa7: {  	s10 =	simm.s32 @!p1 $0x8  }
0xa8: {  	_ =	swait.ge @!p1 [sflag:s10], $0x2800  }
0xa9: {  	[sflag:s10] =	ssyncset.done @!p1 $0x0  }
0xaa: {  	[sflag:s10] =	ssyncadd.s32 @!p1 $0xFFFFD800;
	s10 =	simm.s32 @!p1 $0xA  }
0xab: {  	_ =	swait.ge @!p1 [sflag:s10], $0x2800  }
0xac: {  	s9 =	sadd.s32 $0x1, s9;
	s11 =	simm.s32 @!p1 $0x880;
	[sflag:s10] =	ssyncset.done @!p1 $0x0  }
.Ltmp5:
0xad: {  	[sflag:s10] =	ssyncadd.s32 @!p1 $0xFFFFD800;
	s10 =	simm.s32 @!p1 $0x0;
	(pc) =	sbr.rel .LBB2_6-.Ltmp5, $4  }
0xae: {  	[tilespmem:s11], [sflag:$0x2] =	stream.linear.gather @!p1 [hbm4b:s16+s10], $0x50, $0x38;
	[tilespmem:$0x8200] =	vst v63  }
0xaf: {  	s17 =	sadd.s32 $0xA0, s17;
	s12 =	simm.s32 @!p1 $0x3200;
	s11 =	sadd.s32 @!p1 s21, s15  }
0xb0: {  	s21 =	sadd.s32 $0xA00, s21;
	s16 =	sadd.s32 $0x14, s16;
	s11 =	sadd.s32 @!p1 $0xF00, s11  }
0xb1: {  	[tilespmem:s12], [sflag:$0x6] =	stream.linear.gather @!p1 [hbm4b:s11+s10], $0x2800, $0x38;
	[tilespmem:$0x8200] =	vst v63  }
.LBB2_9:
0xb2: {  	_ =	sfence.sel $0x180000  }
0xb3: {  	[bflag:$0x0] =	sbarrier.arrive $0xFFFF  }
0xb4: {  	_ =	strace $0x9000004D  }
0xb5: {  	[bflag:$0x2] =	sbarrier.arrive $0xFFFF  }
0xb6: {  	s0 =	rddreg [dreg:$0x6]  }
0xb7: {  	s0 =	sadd.s32 @!p0 $0x100000, s0  }
0xb8: {  	[sflag:s0] =	ssyncadd.tile.s32 @!p0 $0x1;
	_ =	shalt  }
.Lfunc_end2:
_tile_overlayer_lowered:
.L_overlay_start_2:
0xb9: {  	(tag) =	ssettag $0x2  }
0xba: {  	s0 =	rddreg [dreg:$0x0];
	s2 =	stileid.u32  }
0xbb: {  	s1 =	rddreg [dreg:$0x1];
	p0 =	sne.s32 s2, $0x0  }
0xbc: {  	s3 =	rddreg [dreg:$0x2];
	[bflag:$0x3] =	sbarrier.arrive $0xFFFF;
	s2 =	simm.s32 @!p0 $0x1C0B  }
0xbd: {  	[timem:s3], [sflag:s2] =	dma.local @!p0 [hbm:s0], s1  }
0xbe: {  	s0 =	simm.s32 @!p0 $0xB  }
0xbf: {  	_ =	swait.ge @!p0 [sflag:s0], s1  }
0xc0: {  	s1 =	ssub.s32 @!p0 $0x0, s1;
	[sflag:s0] =	ssyncset.done @!p0 $0x0  }
0xc1: {  	[sflag:s0] =	ssyncadd.s32 @!p0 s1  }
0xc2: {  	[bflag:$0x3] =	sbarrier.arrive $0xFFFF  }
0xc3: {  	_ =	shalt  }

// kernel: kernel.9.cloned.1.call-start
scs
__scs_entry_jumppad:
0x0: {  	(pc) =	sbr.rel $0x88, $3  }
0x1: {  	(tag) =	ssettag $0x0;
	lr =	simm.s32 $0x1  }
0x2: {  	[smem:$0x3F84] =	sst lr;
	_ =	strace $0xD0000000  }
0x3: {  	_ = 	snop  }
0x4: {  	_ = 	snop  }
0x5: {  	_ = 	snop  }
0x6: {  	_ = 	snop  }
0x7: {  	_ = 	snop  }
__scs_overlays_trampoline_lowered:
0x8: {  	[smem:$0x3F93] =	sst s0  }
0x9: {  	[smem:$0x3F94] =	sst s1  }
0xa: {  	[smem:$0x3F95] =	sst s2  }
0xb: {  	[smem:$0x3F96] =	sst s3  }
0xc: {  	[smem:$0x3F97] =	sst s4  }
0xd: {  	[smem:$0x3F98] =	sst s5  }
0xe: {  	[smem:$0x3F99] =	sst s6  }
0xf: {  	[smem:$0x3F9A] =	sst s7  }
0x10: {  	[smem:$0x3F9B] =	sst s8  }
0x11: {  	[smem:$0x3F9C] =	sst s9;
	s0 =	simm.s32 @!p0 $0x0  }
0x12: {  	s1 =	sld [smem:$0x3F82];
	s0 =	simm.s32 @p0 $0x1  }
0x13: {  	[smem:$0x3F9D] =	sst s0;
	s0 =	simm.s32 @!p1 $0x0  }
0x14: {  	s2 =	sld [smem:$0x3F81];
	s0 =	simm.s32 @p1 $0x1  }
0x15: {  	[smem:$0x3F9E] =	sst s0;
	s0 =	simm.s32 @!p2 $0x0  }
0x16: {  	s3 =	sld [smem:$0x3FDB];
	s0 =	simm.s32 @p2 $0x1  }
0x17: {  	s4 =	simm.s32 $0x1BF5;
	[smem:$0x3FA0] =	sst s0  }
0x18: {  	s0 =	sld [smem:$0x3F83];
	_ =	swait.ge [sflag:s4], $0x0  }
0x19: {  	s7 =	sld [smem:$0x3F84]  }
0x1a: {  	s8 =	sadd.s32 $0xFFFFE003, lr  }
0x1b: {  	s9 =	sadd.s32 $0xFFFFFEF7, lr;
	s5 =	simm.s32 $0xFFFFFFFF;
	p2 =	slt.u32 s8, $0xFFFFF086  }
0x1c: {  	p1 =	slt.u32 s9, $0xF7A;
	s5 =	simm.s32 @!p2 $0x0  }
0x1d: {  	s5 =	simm.s32 @p1 $0x1;
	p0 =	seq.s32 s7, s2  }
0x1e: {  	s7 =	smul.u32 @!p0 $0xF7A, s2;
	p2 =	seq.s32 @!p0 s5, $0x0  }
0x1f: {  	s9 =	smul.u32 $0xF7A, s1;
	s8 =	simm.s32 @!p0 $0x1BF5;
	p2 =	por !p2, p0  }
0x20: {  	[sflag:s8] =	ssyncset.s32 @!p0 $0xFFFFF086;
	s6 =	sadd.s32 @!p0 s3, s7;
	s7 =	simm.s32 @!p0 $0x108  }
0x21: {  	s3 =	sadd.s32 s3, s9;
	s6 =	sadd.s32 @!p0 $0x88, s6;
	s7 =	simm.s32 @p2 $0x1082  }
0x22: {  	[simem:s7], [sflag:s8] =	dma.local @!p0 [hbm:s6], $0xF7A  }
0x23: {  	s9 =	sor.u32 $0xD0000000, s2;
	s6 =	simm.s32 $0x108;
	_ =	swait.ge @!p0 [sflag:s8], $0x0  }
0x24: {  	s3 =	sadd.s32 $0x88, s3;
	s6 =	simm.s32 @!p1 $0x1082;
	[sflag:s4] =	ssyncset.s32 $0xFFFFF086  }
0x25: {  	[simem:s6], [sflag:s4] =	dma.local [hbm:s3], $0xF7A  }
0x26: {  	[smem:$0x3F84] =	sst s1;
	(tag) =	ssettag s2;
	_ =	strace s9  }
0x27: {  	s1 =	sld [smem:$0x3F94]  }
0x28: {  	s2 =	sld [smem:$0x3F95]  }
0x29: {  	s4 =	sld [smem:$0x3F97]  }
0x2a: {  	p0 =	seq.s32 s5, $0x0;
	s5 =	sld [smem:$0x3F98]  }
0x2b: {  	s6 =	sld [smem:$0x3F99]  }
0x2c: {  	s7 =	sld [smem:$0x3F9A]  }
0x2d: {  	s3 =	simm.s32 $0x108;
	s8 =	sld [smem:$0x3F9B]  }
0x2e: {  	s3 =	simm.s32 @!p0 $0x1082;
	s9 =	sld [smem:$0x3F9C]  }
0x2f: {  	lr =	sadd.s32 s0, s3;
	s0 =	sld [smem:$0x3F93]  }
0x30: {  	s3 =	sld [smem:$0x3F96]  }
0x31: {  	[smem:$0x3F9F] =	sst s10  }
0x32: {  	s10 =	sld [smem:$0x3F9D];
	_ =	sdelay $0x3  }
0x33: {  	p0 =	seq.s32 s10, $0x1;
	s10 =	sld [smem:$0x3F9F];
	_ =	sdelay $0x3  }
0x34: {  	[smem:$0x3F9F] =	sst s10  }
0x35: {  	s10 =	sld [smem:$0x3F9E];
	_ =	sdelay $0x3  }
0x36: {  	p1 =	seq.s32 s10, $0x1;
	s10 =	sld [smem:$0x3F9F];
	_ =	sdelay $0x3  }
0x37: {  	[smem:$0x3F9F] =	sst s10  }
0x38: {  	s10 =	sld [smem:$0x3FA0]  }
0x39: {  	_ = 	snop;
	(pc) =	sbr.ind lr, $3  }
0x3a: {  	_ = 	snop  }
0x3b: {  	_ = 	snop  }
0x3c: {  	p2 =	seq.s32 s10, $0x1;
	s10 =	sld [smem:$0x3F9F]  }
0x3d: {  	_ =	shalt  }
0x3e: {  	_ =	shalt  }
0x3f: {  	_ =	shalt  }
0x40: {  	_ =	shalt  }
0x41: {  	_ =	shalt  }
0x42: {  	_ =	shalt  }
0x43: {  	_ =	shalt  }
0x44: {  	_ =	shalt  }
0x45: {  	_ =	shalt  }
0x46: {  	_ =	shalt  }
0x47: {  	_ =	shalt  }
0x48: {  	_ =	shalt  }
0x49: {  	_ =	shalt  }
0x4a: {  	_ =	shalt  }
0x4b: {  	_ =	shalt  }
0x4c: {  	_ =	shalt  }
0x4d: {  	_ =	shalt  }
0x4e: {  	_ =	shalt  }
0x4f: {  	_ =	shalt  }
0x50: {  	_ =	shalt  }
0x51: {  	_ =	shalt  }
0x52: {  	_ =	shalt  }
0x53: {  	_ =	shalt  }
0x54: {  	_ =	shalt  }
0x55: {  	_ =	shalt  }
0x56: {  	_ =	shalt  }
0x57: {  	_ =	shalt  }
0x58: {  	_ =	shalt  }
0x59: {  	_ =	shalt  }
0x5a: {  	_ =	shalt  }
0x5b: {  	_ =	shalt  }
0x5c: {  	_ =	shalt  }
0x5d: {  	_ =	shalt  }
0x5e: {  	_ =	shalt  }
0x5f: {  	_ =	shalt  }
0x60: {  	_ =	shalt  }
0x61: {  	_ =	shalt  }
0x62: {  	_ =	shalt  }
0x63: {  	_ =	shalt  }
0x64: {  	_ =	shalt  }
0x65: {  	_ =	shalt  }
0x66: {  	_ =	shalt  }
0x67: {  	_ =	shalt  }
0x68: {  	_ =	shalt  }
0x69: {  	_ =	shalt  }
0x6a: {  	_ =	shalt  }
0x6b: {  	_ =	shalt  }
0x6c: {  	_ =	shalt  }
0x6d: {  	_ =	shalt  }
0x6e: {  	_ =	shalt  }
0x6f: {  	_ =	shalt  }
0x70: {  	_ =	shalt  }
0x71: {  	_ =	shalt  }
0x72: {  	_ =	shalt  }
0x73: {  	_ =	shalt  }
0x74: {  	_ =	shalt  }
0x75: {  	_ =	shalt  }
0x76: {  	_ =	shalt  }
0x77: {  	_ =	shalt  }
0x78: {  	_ =	shalt  }
0x79: {  	_ =	shalt  }
0x7a: {  	_ =	shalt  }
0x7b: {  	_ =	shalt  }
0x7c: {  	_ =	shalt  }
0x7d: {  	_ =	shalt  }
0x7e: {  	_ =	shalt  }
0x7f: {  	_ =	shalt  }
0x80: {  	_ =	shalt  }
0x81: {  	_ =	shalt  }
0x82: {  	_ =	shalt  }
0x83: {  	_ =	shalt  }
0x84: {  	_ =	shalt  }
0x85: {  	_ =	shalt  }
0x86: {  	_ =	shalt  }
0x87: {  	_ =	shalt  }
.Lfunc_end0:
.L_simem_size_0:
called_computation_lowered:
.L_overlay_start_0:
0x88: {  	s2 =	sld [smem:$0x3FD9]  }
0x89: {  	s3 =	sld [smem:$0x3FFE];
	_ =	sdelay $0x1  }
0x8a: {  	s1 =	srdreg.scid  }
0x8b: {  	s0 =	sand.u32 $0x1, s1  }
0x8c: {  	s14 =	sshll.u32 s0, $0xA;
	s2 =	sadd.s32 s3, s2  }
0x8d: {  	s2 =	sadd.s32 s2, s14  }
0x8e: {  	[smem:$0x3FAB] =	sst s2  }
0x8f: {  	_ = 	snop  }
0x90: {  	s2 =	sld [smem:$0x3FD0];
	_ =	sdelay $0x2  }
0x91: {  	s15 =	simm.s32 $0xB;
	s4 =	simm.s32 $0x10  }
0x92: {  	[smem:s4], [sflag:s15] =	dma.local [hbm:s2], $0x1  }
0x93: {  	_ =	swait.eq [sflag:s15], $0x1  }
0x94: {  	s16 =	sld [smem:$0x10];
	[sflag:s15] =	ssyncset.done $0x0  }
0x95: {  	s17 =	sld [smem:$0x11];
	[sflag:s15] =	ssyncadd.s32 $0xFFFFFFFF  }
0x96: {  	s18 =	sld [smem:$0x12];
	(tm) =	ssettm $0x1  }
0x97: {  	s5 =	sld [smem:$0x3FFB];
	_ =	sdelay $0x3  }
0x98: {  	_ =	strace s5  }
0x99: {  	s5 =	sld [smem:$0x3FFC];
	_ =	sdelay $0x3  }
0x9a: {  	_ =	strace s5  }
0x9b: {  	s5 =	sld [smem:$0x3FFD];
	_ =	sdelay $0x3  }
0x9c: {  	_ =	strace s5  }
0x9d: {  	_ =	strace $0x8FFFFFFF  }
0x9e: {  	s19 =	sld [smem:$0x3FDB];
	_ =	sdelay $0x1  }
0x9f: {  	s6 =	simm.s32 $_scs_section_size  }
0xa0: {  	s7 =	simm.s32 $_size__tile_overlayer_lowered;
	s8 =	simm.s32 $_tile_overlayer_lowered  }
0xa1: {  	s22 =	simm.s32 $0x1BFF;
	s21 =	sshll.u32 s8, $0x1;
	s5 =	sadd.s32 s6, s19  }
0xa2: {  	s9 =	simm.s32 $0x0;
	s20 =	sshll.u32 s7, $0x1;
	s7 =	sadd.s32 s21, s5  }
0xa3: {  	[timem:s9], [sflag:s22] =	dma.local [hbm:s7], s20  }
0xa4: {  	_ =	swait.ge [sflag:s22], s20  }
0xa5: {  	s6 =	ssub.s32 $0x0, s20;
	[sflag:s22] =	ssyncset.done $0x0  }
0xa6: {  	[sflag:s22] =	ssyncadd.s32 s6;
	_ =	sdelay $0x1  }
0xa7: {  	s23 =	simm.s32 $0x1B8B  }
0xa8: {  	_ =	swait.ge [sflag:s23], $0x1  }
0xa9: {  	[sflag:s23] =	ssyncset.done $0x0  }
0xaa: {  	s25 =	simm.s32 $0x1B8E;
	s24 =	sld [smem:$0x3FFE];
	[sflag:s23] =	ssyncadd.s32 $0xFFFFFFFF  }
0xab: {  	s26 =	simm.s32 $execute0_lowered;
	[smem:$0x3FD2] =	sst s25  }
0xac: {  	s7 =	sshll.u32 s26, $0x1;
	_ =	strace $0x80000046;
	[dreg:$0x1] =	wrdreg $0xFFFFFFFF  }
0xad: {  	s28 =	simm.s32 $_size_execute0_lowered;
	s5 =	sadd.s32 s5, s7;
	[dreg:$0x0] =	wrdreg $0x0  }
0xae: {  	s7 =	sshll.u32 s28, $0x1;
	[dreg:$0x2] =	wrdreg s5  }
0xaf: {  	[dreg:$0x3] =	wrdreg s7  }
0xb0: {  	[dreg:$0x4] =	wrdreg $0xC0  }
0xb1: {  	_ =	task [dreg:s9], $0x5FFFF  }
0xb2: {  	[dreg:$0x1] =	wrdreg $0xFFFFFFFF  }
0xb3: {  	[dreg:$0x0] =	wrdreg $0x60  }
0xb4: {  	[dreg:$0x2] =	wrdreg s17  }
0xb5: {  	[dreg:$0x3] =	wrdreg s24  }
0xb6: {  	[dreg:$0x4] =	wrdreg s16  }
0xb7: {  	[dreg:$0x5] =	wrdreg s18  }
0xb8: {  	[dreg:$0x6] =	wrdreg $0x9  }
0xb9: {  	_ =	task.clear_ibuf [dreg:s9], $0x7FFFF;
	_ =	strace $0x90000046  }
0xba: {  	s29 =	simm.s32 $0x9;
	_ =	strace $0x80000048  }
0xbb: {  	_ =	swait.ge [sflag:s29], $0x1  }
0xbc: {  	[sflag:s29] =	ssyncadd.s32 $0xFFFFFFFF  }
0xbd: {  	_ =	strace $0x90000048  }
0xbe: {  	_ =	sfence  }
0xbf: {  	s30 =	sld [smem:$0x0];
	_ =	sdelay $0x2  }
0xc0: {  	s31 =	sshll.u32 s1, $0xD;
	s1 =	sshrl.u32 s1, $0x2  }
0xc1: {  	s3 =	sand.u32 $0x4000, s31;
	s1 =	sadd.s32 s1, s30  }
0xc2: {  	s0 =	sor.u32 s3, s0;
	s1 =	sshll.u32 s1, $0x11  }
0xc3: {  	s0 =	sor.u32 s1, s0  }
0xc4: {  	s0 =	sadd.s32 $0x8F2B, s0  }
0xc5: {  	[sflag:s0] =	ssyncadd.remote.s32 $0x1  }
0xc6: {  	_ =	sfence.sel $0xFFFF  }
0xc7: {  	[dreg:$0x0] =	wrdreg $0xFFFFFFFF;
	(pc) =	sbr.abs _section_cstart, $3  }
0xc8: {  	[dreg:$0x1] =	wrdreg $0xFFFFFFFF  }
0xc9: {  	_ =	task.clear_ibuf [dreg:s9], $0x2FFFF;
	_ =	strace $0x9FFFFFFF  }
0xca: {  	(tm) =	ssettm $0x7FFFFFFF  }
0xcb: {  	_ =	shalt  }
tec
execute0_lowered:
.L_overlay_start_1:
0x0: {  	(tag) =	ssettag $0x1  }
0x1: {  	s1 =	rddreg [dreg:$0x0]  }
0x2: {  	s0 =	rddreg [dreg:$0x1]  }
0x3: {  	s2 =	rddreg [dreg:$0x2]  }
0x4: {  	s3 =	rddreg [dreg:$0x3];
	s4 =	simm.s32 $0x0;
	s5 =	srdreg.scid  }
0x5: {  	s7 =	stileid.u32;
	s28 =	simm.s32 $0x50;
	s29 =	simm.s32 $0x200  }
0x6: {  	s30 =	simm.s32 $0x5200;
	s31 =	simm.s32 $0x5;
	s15 =	simm.s32 $0x0  }
0x7: {  	[smem:$0x7FF] =	sst s4;
	s6 =	sand.u32 $0x1, s5;
	s7 =	sshll.u32 s7, $0x1  }
0x8: {  	s5 =	sadd.s32 $0x6600, s0;
	s8 =	sadd.s32 $0x1A200, s0;
	s9 =	sadd.s32 $0x8F800, s0  }
0x9: {  	_ =	strace $0x80000047;
	s10 =	ssub.s32 $0x2, s6;
	s11 =	sor.u32 s6, s7  }
0xa: {  	s6 =	sadd.s32 $0x10400, s0;
	s12 =	sshrl.u32 s10, $0x1;
	s7 =	smul.u32 $0x2710, s11  }
0xb: {  	s21 =	smul.u32 $0x27100, s11;
	s26 =	sshll.u32 s11, $0x5;
	s11 =	simm.s32 $0x6  }
0xc: {  	s19 =	ssub.s32 s10, s12;
	s3 =	sadd.s32 s3, s26;
	s26 =	simm.s32 $0x3  }
0xd: {  	s20 =	sshrl.u32 s7, $0x3;
	s13 =	sadd.s32 $0x50, s7;
	s12 =	sadd.s32 s1, s21  }
0xe: {  	s16 =	sadd.s32 $0xA0, s7;
	s17 =	sadd.s32 $0xF0, s7;
	[dreg:$0xb] =	wrdreg s3  }
0xf: {  	s0 =	smax.u32 s19, $0x1;
	s21 =	simm.s32 $0xA200;
	s3 =	simm.s32 $0x9  }
0x10: {  	s14 =	sadd.s32 s5, s20;
	s10 =	sadd.s32 s6, s20;
	[dreg:$0x7] =	wrdreg s12  }
0x11: {  	s22 =	sshrl.u32 s13, $0x3;
	s24 =	sshll.u32 s13, $0x4;
	[dreg:$0xc] =	wrdreg s0  }
.Ltmp0:
0x12: {  	s20 =	simm.s32 $0x100;
	[dreg:$0x5] =	wrdreg s14;
	(pc) =	sbr.rel .LBB2_1-.Ltmp0, $4  }
0x13: {  	s0 =	simm.s32 $0x7;
	[dreg:$0x6] =	wrdreg s10;
	s23 =	sadd.s32 s5, s22  }
0x14: {  	s12 =	simm.s32 $0x8;
	s10 =	sadd.s32 s6, s22;
	[dreg:$0x8] =	wrdreg s23  }
0x15: {  	s13 =	simm.s32 $0xA;
	s25 =	sadd.s32 s1, s24;
	[dreg:$0x9] =	wrdreg s10  }
0x16: {  	v0 =	vimm.f32 $0.0e+00;
	s22 =	simm.s32 $0xF200;
	[dreg:$0xa] =	wrdreg s25;
	s25 =	simm.s32 $0x1  }
.LBB2_10:
0x17: {  	s10 =	simm.s32 $0xB  }
0x18: {  	_ =	swait.ge [sflag:s10], $0x2800  }
0x19: {  	[sflag:s10] =	ssyncset.done $0x0  }
0x1a: {  	s18 =	simm.s32 $0xC;
	[sflag:s10] =	ssyncadd.s32 $0xFFFFD800  }
0x1b: {  	_ =	swait.ge [sflag:s18], $0x2800  }
0x1c: {  	s14 =	simm.s32 $0x14200;
	[sflag:s18] =	ssyncset.done $0x0  }
0x1d: {  	s23 =	simm.s32 $0xD;
	s19 =	rddreg [dreg:$0xb];
	[sflag:s18] =	ssyncadd.s32 $0xFFFFD800  }
0x1e: {  	[hbm4b:s19+s4] =	stream.linear.scatter [tilespmem:s14], [sflag:$0xD], $0x100, $0x38;
	[tilespmem:$0x14300] =	vst v63  }
0x1f: {  	_ =	swait.ge [sflag:s23], $0x100  }
0x20: {  	s15 =	sadd.s32 $0x1, s15;
	s24 =	rddreg [dreg:$0xc]  }
0x21: {  	p0 =	sne.s32 s15, s24  }
.Ltmp1:
0x22: {  	_ = 	snop;
	(pc) =	sbr.rel @!p0 .LBB2_11-.Ltmp1, $3  }
0x23: {  	_ =	sdelay $0x1  }
0x24: {  	[sflag:s23] =	ssyncset.done $0x0  }
0x25: {  	[sflag:s23] =	ssyncadd.s32 $0xFFFFFF00  }
.LBB2_1:
0x26: {  	[tilespmem:$0x14200] =	vst v0  }
0x27: {  	[tilespmem:$0x14280] =	vst v0  }
0x28: {  	[tilespmem:$0x14210] =	vst v0  }
0x29: {  	[tilespmem:$0x14290] =	vst v0  }
0x2a: {  	[tilespmem:$0x14220] =	vst v0  }
0x2b: {  	[tilespmem:$0x142A0] =	vst v0  }
0x2c: {  	[tilespmem:$0x14230] =	vst v0  }
0x2d: {  	[tilespmem:$0x142B0] =	vst v0  }
0x2e: {  	[tilespmem:$0x14240] =	vst v0  }
0x2f: {  	[tilespmem:$0x142C0] =	vst v0  }
0x30: {  	[tilespmem:$0x14250] =	vst v0  }
0x31: {  	[tilespmem:$0x142D0] =	vst v0  }
0x32: {  	[tilespmem:$0x14260] =	vst v0  }
0x33: {  	[tilespmem:$0x142E0] =	vst v0  }
0x34: {  	[tilespmem:$0x14270] =	vst v0  }
0x35: {  	[tilespmem:$0x142F0] =	vst v0;
	s10 =	rddreg [dreg:$0x5]  }
0x36: {  	[tilespmem:s4], [sflag:$0x1] =	stream.linear.gather [hbm4b:s10+s4], $0x50, $0x38;
	[tilespmem:$0x14300] =	vst v63  }
0x37: {  	s19 =	rddreg [dreg:$0x6]  }
0x38: {  	[tilespmem:s20], [sflag:$0x3] =	stream.linear.gather [hbm4b:s19+s4], $0x50, $0x38;
	[tilespmem:$0x14300] =	vst v63  }
0x39: {  	s23 =	rddreg [dreg:$0x7]  }
0x3a: {  	[tilespmem:s21], [sflag:$0x5] =	stream.linear.gather [hbm4b:s23+s4], $0x2800, $0x38;
	[tilespmem:$0x14300] =	vst v63  }
0x3b: {  	s24 =	rddreg [dreg:$0x8];
	s14 =	simm.s32 $0x80  }
0x3c: {  	[tilespmem:s14], [sflag:$0x2] =	stream.linear.gather [hbm4b:s24+s4], $0x50, $0x38;
	[tilespmem:$0x14300] =	vst v63  }
0x3d: {  	s18 =	rddreg [dreg:$0x9];
	s19 =	simm.s32 $0x180  }
0x3e: {  	[tilespmem:s19], [sflag:$0x4] =	stream.linear.gather [hbm4b:s18+s4], $0x50, $0x38;
	[tilespmem:$0x14300] =	vst v63  }
0x3f: {  	s23 =	rddreg [dreg:$0xa];
	s24 =	simm.s32 $0xCA00  }
0x40: {  	[tilespmem:s24], [sflag:$0x6] =	stream.linear.gather [hbm4b:s23+s4], $0x2800, $0x38;
	[tilespmem:$0x14300] =	vst v63  }
0x41: {  	_ =	swait.ge [sflag:s25], $0x50  }
0x42: {  	[sflag:s25] =	ssyncset.done $0x0  }
0x43: {  	[sflag:s25] =	ssyncadd.s32 $0xFFFFFFB0  }
0x44: {  	_ =	swait.ge [sflag:s26], $0x50  }
.Ltmp2:
0x45: {  	[sflag:s26] =	ssyncset.done $0x0;
	(pc) =	sbr.rel .LBB2_2-.Ltmp2, $4  }
0x46: {  	[sflag:s26] =	ssyncadd.s32 $0xFFFFFFB0  }
0x47: {  	[tilespmem:s29], [sflag:$0x7] =	stream.indirect.gather [hbm4b:s2+s28], $0x80, s4, s28, $0xb8;
	[tilespmem:$0x14300] =	vst v63  }
0x48: {  	s18 =	simm.s32 $0x0  }
0x49: {  	[tilespmem:s30], [sflag:$0x9] =	stream.indirect.gather [hbm4b:s8+s28], $0x80, s20, s28, $0xb8;
	[tilespmem:$0x14300] =	vst v63  }
.LBB2_9:
0x4a: {  	s18 =	sadd.s32 $0x1, s18  }
0x4b: {  	p0 =	sne.s32 s18, $0x3F  }
.Ltmp3:
0x4c: {  	_ = 	snop;
	(pc) =	sbr.rel @!p0 .LBB2_10-.Ltmp3, $1  }
0x4d: {  	_ =	sdelay $0x3  }
.LBB2_2:
0x4e: {  	s19 =	sshllo.u32 s18, $0x1  }
0x4f: {  	p0 =	sgt.u32 s19, $0x7C  }
0x50: {  	s10 =	simm.s32 @!p0 $0x2  }
0x51: {  	_ =	swait.ge @!p0 [sflag:s10], $0x50  }
0x52: {  	[sflag:s10] =	ssyncset.done @!p0 $0x0  }
0x53: {  	[sflag:s10] =	ssyncadd.s32 @!p0 $0xFFFFFFB0;
	s10 =	simm.s32 @!p0 $0x4  }
0x54: {  	_ =	swait.ge @!p0 [sflag:s10], $0x50  }
0x55: {  	s14 =	simm.s32 @!p0 $0x80;
	[sflag:s10] =	ssyncset.done @!p0 $0x0  }
0x56: {  	s23 =	simm.s32 @!p0 $0x2A00;
	[sflag:s10] =	ssyncadd.s32 @!p0 $0xFFFFFFB0;
	s10 =	simm.s32 @!p0 $0x50  }
0x57: {  	[tilespmem:s23], [sflag:$0x8] =	stream.indirect.gather @!p0 [hbm4b:s2+s10], $0x80, s14, s10, $0xb8;
	[tilespmem:$0x14300] =	vst v63  }
0x58: {  	p1 =	seq.s32 s18, $0x0;
	s14 =	simm.s32 @!p0 $0x180;
	s23 =	simm.s32 @!p0 $0x7A00  }
0x59: {  	[tilespmem:s23], [sflag:$0xA] =	stream.indirect.gather @!p0 [hbm4b:s8+s10], $0x80, s14, s10, $0xb8;
	[tilespmem:$0x14300] =	vst v63  }
0x5a: {  	s10 =	simm.s32 @!p1 $0xB  }
0x5b: {  	_ =	swait.ge @!p1 [sflag:s10], $0x2800  }
0x5c: {  	[sflag:s10] =	ssyncset.done @!p1 $0x0  }
0x5d: {  	[sflag:s10] =	ssyncadd.s32 @!p1 $0xFFFFD800  }
0x5e: {  	_ =	swait.ge [sflag:s31], $0x2800  }
0x5f: {  	[sflag:s31] =	ssyncset.done $0x0  }
0x60: {  	[sflag:s31] =	ssyncadd.s32 $0xFFFFD800  }
0x61: {  	_ =	swait.ge [sflag:s0], $0x2800  }
0x62: {  	[sflag:s0] =	ssyncset.done $0x0  }
0x63: {  	[sflag:s0] =	ssyncadd.s32 $0xFFFFD800  }
0x64: {  	_ =	swait.ge [sflag:s3], $0x2800  }
0x65: {  	[sflag:s3] =	ssyncset.done $0x0  }
0x66: {  	s23 =	simm.s32 $0x0;
	[sflag:s3] =	ssyncadd.s32 $0xFFFFD800  }
0x67: {  	v1 =	vld [tilespmem:s23+$0xA270]  }
0x68: {  	v2 =	vld [tilespmem:s23+$0x270]  }
0x69: {  	v3 =	vld [tilespmem:s23+$0xA200]  }
0x6a: {  	v5 =	vld [tilespmem:s23+$0x200]  }
0x6b: {  	v6 =	vld [tilespmem:s23+$0xA210]  }
0x6c: {  	v7 =	vld [tilespmem:s23+$0x210]  }
0x6d: {  	v10 =	vld [tilespmem:s23+$0xA230]  }
0x6e: {  	v11 =	vld [tilespmem:s23+$0x230]  }
0x6f: {  	v12 =	vld [tilespmem:s23+$0xA240]  }
0x70: {  	v13 =	vld [tilespmem:s23+$0x240]  }
0x71: {  	v14 =	vld [tilespmem:s23+$0xA250]  }
0x72: {  	v15 =	vld [tilespmem:s23+$0x250]  }
0x73: {  	v16 =	vld [tilespmem:s23+$0xA260]  }
0x74: {  	v17 =	vld [tilespmem:s23+$0x260]  }
0x75: {  	v4 =	vld [tilespmem:s23+$0x5270]  }
0x76: {  	v18 =	vld [tilespmem:s23+$0x5200];
	v1 =	vadd.f32 v2, v1;
	v3 =	vadd.f32 v5, v3  }
0x77: {  	v19 =	vld [tilespmem:s23+$0x5210];
	v6 =	vadd.f32 v7, v6;
	v23 =	vadd.f32 v11, v10  }
0x78: {  	v8 =	vld [tilespmem:s23+$0xA220];
	v22 =	vadd.f32 v13, v12;
	v21 =	vadd.f32 v15, v14  }
0x79: {  	v9 =	vld [tilespmem:s23+$0x220];
	v20 =	vadd.f32 v17, v16;
	v16 =	vimm.f32 $0.0e+00;
	v15 =	vimm.f32 $0.0e+00  }
0x7a: {  	v28 =	vld [tilespmem:s23+$0x5230];
	v10 =	vimm.f32 $0.0e+00;
	v14 =	vimm.f32 $0.0e+00;
	v1 =	vadd.f32 v4, v1  }
0x7b: {  	v7 =	vld [tilespmem:s23+$0x5220];
	v11 =	vimm.f32 $0.0e+00;
	v12 =	vimm.f32 $0.0e+00;
	v13 =	vadd.f32 v18, v3  }
0x7c: {  	v27 =	vld [tilespmem:s23+$0x5240];
	v4 =	vimm.f32 $0.0e+00;
	v18 =	vadd.f32 v19, v6;
	v5 =	vmul.f32 v1, v1  }
0x7d: {  	v25 =	vld [tilespmem:s23+$0x5250];
	v6 =	vimm.f32 $0.0e+00;
	v2 =	vadd.f32 v1, v4;
	v3 =	vadd.f32 v13, v4  }
0x7e: {  	s24 =	simm.s32 $0x80;
	v26 =	vld [tilespmem:s23+$0x5260];
	[tilespmem:s23+$0xF270] =	vst v1;
	v19 =	vmul.f32 v13, v13;
	v1 =	vadd.f32 v5, v4;
	v5 =	vadd.f32 v9, v8  }
0x7f: {  	v24 =	vld [tilespmem:s24+$0xA270];
	[tilespmem:s23+$0xF200] =	vst v13;
	v13 =	vimm.f32 $0.0e+00;
	v8 =	vimm.f32 $0.0e+00;
	v9 =	vimm.f32 $0.0e+00  }
0x80: {  	s10 =	simm.s32 $0x400;
	v17 =	vadd.f32 v7, v5;
	v7 =	vimm.f32 $0.0e+00;
	v5 =	vimm.f32 $0.0e+00  }
.LBB2_3:
0x81: {  	p2 =	sne.s32 s10, $0x9E00;
	v29 =	vld [tilespmem:s24+$0x270];
	[tilespmem:s23+$0xF210] =	vst v18;
	v4 =	vadd.f32 v18, v4;
	v18 =	vmul.f32 v18, v18;
	v23 =	vadd.f32 v28, v23  }
0x82: {  	v28 =	vld [tilespmem:s24+$0xA200];
	v16 =	vadd.f32 v19, v16;
	[tilespmem:s23+$0xF220] =	vst v17;
	v19 =	vmul.f32 v17, v17;
	v22 =	vadd.f32 v27, v22  }
0x83: {  	v27 =	vld [tilespmem:s24+$0x5270];
	v15 =	vadd.f32 v18, v15;
	[tilespmem:s23+$0xF230] =	vst v23;
	v18 =	vmul.f32 v23, v23;
	v21 =	vadd.f32 v25, v21  }
0x84: {  	v25 =	vld [tilespmem:s24+$0x200];
	v10 =	vadd.f32 v19, v10;
	[tilespmem:s23+$0xF240] =	vst v22;
	v19 =	vmul.f32 v22, v22;
	v20 =	vadd.f32 v26, v20  }
0x85: {  	v14 =	vadd.f32 v17, v14;
	v26 =	vld [tilespmem:s24+$0xA210];
	v11 =	vadd.f32 v18, v11;
	[tilespmem:s23+$0xF250] =	vst v21;
	v17 =	vmul.f32 v21, v21  }
0x86: {  	v18 =	vld [tilespmem:s24+$0x210];
	v24 =	vadd.f32 v29, v24;
	v12 =	vadd.f32 v19, v12;
	[tilespmem:s23+$0xF260] =	vst v20;
	v19 =	vmul.f32 v20, v20;
	s23 =	smov.u32 s24  }
0x87: {  	v8 =	vadd.f32 v23, v8;
	v29 =	vld [tilespmem:s23+$0xA220];
	v9 =	vadd.f32 v17, v9  }
0x88: {  	v17 =	vld [tilespmem:s23+$0x220];
	v23 =	vadd.f32 v27, v24;
	v6 =	vadd.f32 v19, v6  }
0x89: {  	v13 =	vadd.f32 v22, v13;
	v19 =	vadd.f32 v25, v28;
	v24 =	vld [tilespmem:s23+$0xA230]  }
0x8a: {  	v7 =	vadd.f32 v21, v7;
	v5 =	vadd.f32 v20, v5;
	v22 =	vld [tilespmem:s23+$0x230];
	[tilespmem:s23+$0xF270] =	vst v23;
	v25 =	vmul.f32 v23, v23  }
0x8b: {  	v2 =	vadd.f32 v23, v2;
	v18 =	vadd.f32 v18, v26;
	v20 =	vld [tilespmem:s23+$0xA240]  }
0x8c: {  	v21 =	vld [tilespmem:s23+$0x240];
	v1 =	vadd.f32 v25, v1  }
0x8d: {  	v17 =	vadd.f32 v17, v29;
	v25 =	vld [tilespmem:s23+$0xA250]  }
0x8e: {  	v26 =	vld [tilespmem:s23+$0x250]  }
0x8f: {  	v23 =	vadd.f32 v22, v24;
	v24 =	vld [tilespmem:s23+$0xA260]  }
0x90: {  	v29 =	vld [tilespmem:s23+$0x260]  }
0x91: {  	v30 =	vld [tilespmem:s23+$0x5200];
	v22 =	vadd.f32 v21, v20  }
0x92: {  	v31 =	vld [tilespmem:s23+$0x5210]  }
0x93: {  	v32 =	vld [tilespmem:s23+$0x5220];
	v21 =	vadd.f32 v26, v25  }
.Ltmp4:
0x94: {  	v28 =	vld [tilespmem:s23+$0x5230];
	(pc) =	sbr.rel @p2 .LBB2_3-.Ltmp4, $4  }
0x95: {  	v27 =	vld [tilespmem:s23+$0x5240];
	v20 =	vadd.f32 v29, v24  }
0x96: {  	v19 =	vadd.f32 v30, v19;
	v25 =	vld [tilespmem:s23+$0x5250]  }
0x97: {  	s24 =	sshra.s32 s10, $0x2;
	v18 =	vadd.f32 v31, v18;
	v26 =	vld [tilespmem:s23+$0x5260]  }
0x98: {  	s10 =	sadd.s32 $0x200, s10;
	v24 =	vld [tilespmem:s24+$0xA270];
	[tilespmem:s23+$0xF200] =	vst v19;
	v3 =	vadd.f32 v19, v3;
	v19 =	vmul.f32 v19, v19;
	v17 =	vadd.f32 v32, v17  }
0x99: {  	v29 =	vld [tilespmem:s24+$0x270];
	[tilespmem:s23+$0xF210] =	vst v18;
	v23 =	vadd.f32 v28, v23  }
0x9a: {  	v30 =	vld [tilespmem:s24+$0xA200];
	[tilespmem:s23+$0xF220] =	vst v17;
	v22 =	vadd.f32 v27, v22  }
0x9b: {  	v48 =	vld [tilespmem:s24+$0x5270];
	[tilespmem:s23+$0xF230] =	vst v23;
	v21 =	vadd.f32 v25, v21  }
0x9c: {  	v49 =	vld [tilespmem:s24+$0x200];
	[tilespmem:s23+$0xF240] =	vst v22;
	v20 =	vadd.f32 v26, v20  }
0x9d: {  	v50 =	vld [tilespmem:s24+$0xA210];
	[tilespmem:s23+$0xF250] =	vst v21  }
0x9e: {  	v51 =	vld [tilespmem:s24+$0x210];
	[tilespmem:s23+$0xF260] =	vst v20  }
0x9f: {  	v52 =	vld [tilespmem:s24+$0xA220]  }
0xa0: {  	v31 =	vld [tilespmem:s24+$0x220]  }
0xa1: {  	v53 =	vld [tilespmem:s24+$0xA230]  }
0xa2: {  	v32 =	vld [tilespmem:s24+$0x230]  }
0xa3: {  	v33 =	vld [tilespmem:s24+$0xA240]  }
0xa4: {  	v34 =	vld [tilespmem:s24+$0x240]  }
0xa5: {  	v35 =	vld [tilespmem:s24+$0xA250]  }
0xa6: {  	v36 =	vld [tilespmem:s24+$0x250]  }
0xa7: {  	v37 =	vld [tilespmem:s24+$0xA260]  }
0xa8: {  	v38 =	vld [tilespmem:s24+$0x260]  }
0xa9: {  	v39 =	vld [tilespmem:s24+$0x5200]  }
0xaa: {  	v40 =	vld [tilespmem:s24+$0x5210]  }
0xab: {  	v24 =	vadd.f32 v29, v24;
	v41 =	vld [tilespmem:s24+$0x5220]  }
0xac: {  	v54 =	vld [tilespmem:s24+$0x5230];
	v27 =	vadd.f32 v49, v30  }
0xad: {  	v55 =	vld [tilespmem:s24+$0x5240];
	v24 =	vadd.f32 v48, v24;
	v25 =	vadd.f32 v51, v50  }
0xae: {  	v56 =	vld [tilespmem:s24+$0x5250];
	v29 =	vadd.f32 v31, v52;
	v27 =	vadd.f32 v39, v27  }
0xaf: {  	v57 =	vld [tilespmem:s24+$0x5260];
	[tilespmem:s24+$0xF270] =	vst v24;
	v28 =	vadd.f32 v32, v53;
	v25 =	vadd.f32 v40, v25  }
0xb0: {  	v33 =	vadd.f32 v34, v33;
	v29 =	vadd.f32 v41, v29;
	[tilespmem:s24+$0xF200] =	vst v27  }
0xb1: {  	v58 =	vadd.f32 v36, v35;
	v28 =	vadd.f32 v54, v28;
	[tilespmem:s24+$0xF210] =	vst v25  }
0xb2: {  	v59 =	vadd.f32 v38, v37;
	v26 =	vadd.f32 v55, v33;
	[tilespmem:s24+$0xF220] =	vst v29  }
0xb3: {  	v4 =	vadd.f32 v18, v4;
	v60 =	vmul.f32 v18, v18;
	v31 =	vadd.f32 v56, v58;
	[tilespmem:s24+$0xF230] =	vst v28  }
0xb4: {  	v16 =	vadd.f32 v19, v16;
	v61 =	vmul.f32 v17, v17;
	v30 =	vadd.f32 v57, v59;
	[tilespmem:s24+$0xF240] =	vst v26  }
0xb5: {  	v14 =	vadd.f32 v17, v14;
	v15 =	vadd.f32 v60, v15;
	v62 =	vmul.f32 v23, v23;
	[tilespmem:s24+$0xF250] =	vst v31  }
0xb6: {  	v8 =	vadd.f32 v23, v8;
	v63 =	vmul.f32 v22, v22;
	v10 =	vadd.f32 v61, v10;
	[tilespmem:s24+$0xF260] =	vst v30  }
0xb7: {  	v13 =	vadd.f32 v22, v13;
	v11 =	vadd.f32 v62, v11;
	v37 =	vld [tilespmem:$0x14200]  }
0xb8: {  	v7 =	vadd.f32 v21, v7;
	v12 =	vadd.f32 v63, v12;
	v35 =	vmul.f32 v21, v21;
	v38 =	vld [tilespmem:$0x14280]  }
0xb9: {  	v5 =	vadd.f32 v20, v5;
	v36 =	vmul.f32 v20, v20;
	v39 =	vmul.f32 v27, v27;
	v41 =	vld [tilespmem:$0x14290]  }
0xba: {  	v9 =	vadd.f32 v35, v9;
	v3 =	vadd.f32 v27, v3;
	v42 =	vmul.f32 v25, v25;
	v44 =	vld [tilespmem:$0x142A0]  }
0xbb: {  	v6 =	vadd.f32 v36, v6;
	v16 =	vadd.f32 v39, v16;
	v45 =	vmul.f32 v29, v29;
	v50 =	vld [tilespmem:$0x142C0]  }
0xbc: {  	v51 =	vmul.f32 v26, v26;
	v40 =	vld [tilespmem:$0x14210];
	v15 =	vadd.f32 v42, v15;
	v3 =	vadd.f32 v37, v3  }
0xbd: {  	v53 =	vld [tilespmem:$0x142D0];
	v10 =	vadd.f32 v45, v10;
	v16 =	vadd.f32 v38, v16  }
0xbe: {  	v54 =	vmul.f32 v31, v31;
	v43 =	vld [tilespmem:$0x14220];
	v12 =	vadd.f32 v51, v12;
	v15 =	vadd.f32 v41, v15;
	[tilespmem:$0x14200] =	vst v3  }
0xbf: {  	v4 =	vadd.f32 v25, v4;
	v56 =	vld [tilespmem:$0x142E0];
	v10 =	vadd.f32 v44, v10;
	[tilespmem:$0x14280] =	vst v16  }
0xc0: {  	v57 =	vmul.f32 v30, v30;
	v46 =	vld [tilespmem:$0x14230];
	v9 =	vadd.f32 v54, v9;
	v58 =	vadd.f32 v50, v12;
	[tilespmem:$0x14290] =	vst v15  }
0xc1: {  	v14 =	vadd.f32 v29, v14;
	v59 =	vld [tilespmem:$0x14270];
	v3 =	vadd.f32 v40, v4;
	[tilespmem:$0x142A0] =	vst v10  }
0xc2: {  	v49 =	vld [tilespmem:$0x14240];
	v6 =	vadd.f32 v57, v6;
	v62 =	vadd.f32 v53, v9;
	[tilespmem:$0x142C0] =	vst v58  }
0xc3: {  	v8 =	vadd.f32 v28, v8;
	v60 =	vld [tilespmem:$0x142F0];
	[tilespmem:$0x14210] =	vst v3;
	v3 =	vadd.f32 v43, v14  }
0xc4: {  	v61 =	vmul.f32 v24, v24;
	v2 =	vadd.f32 v24, v2;
	v52 =	vld [tilespmem:$0x14250];
	v63 =	vadd.f32 v56, v6;
	[tilespmem:$0x142D0] =	vst v62  }
0xc5: {  	v13 =	vadd.f32 v26, v13;
	v47 =	vld [tilespmem:$0x142B0];
	[tilespmem:$0x14220] =	vst v3;
	v3 =	vadd.f32 v46, v8  }
0xc6: {  	v1 =	vadd.f32 v61, v1;
	v48 =	vmul.f32 v28, v28;
	v55 =	vld [tilespmem:$0x14260];
	v2 =	vadd.f32 v59, v2;
	[tilespmem:$0x142E0] =	vst v63  }
0xc7: {  	v7 =	vadd.f32 v31, v7;
	[tilespmem:$0x14230] =	vst v3;
	v3 =	vadd.f32 v49, v13  }
0xc8: {  	v11 =	vadd.f32 v48, v11;
	v1 =	vadd.f32 v60, v1;
	[tilespmem:$0x14270] =	vst v2  }
0xc9: {  	p2 =	seq.s32 s18, $0x3E;
	s23 =	smul.u32 $0xA0, s18;
	v5 =	vadd.f32 v30, v5;
	[tilespmem:$0x14240] =	vst v3;
	v3 =	vadd.f32 v52, v7  }
.Ltmp5:
0xca: {  	v4 =	vadd.f32 v47, v11;
	[tilespmem:$0x142F0] =	vst v1;
	(pc) =	sbr.rel @p2 .LBB2_10-.Ltmp5, $4  }
0xcb: {  	s10 =	sadd.s32 s7, s23;
	[tilespmem:$0x14250] =	vst v3;
	v3 =	vadd.f32 v55, v5  }
0xcc: {  	s10 =	sshll.u32 s10, $0x4;
	[tilespmem:$0x142B0] =	vst v4  }
0xcd: {  	s10 =	sadd.s32 s9, s10;
	[tilespmem:$0x14260] =	vst v3  }
0xce: {  	[hbm4b:s10+s4] =	stream.linear.scatter [tilespmem:s22], [sflag:$0xB], $0x2800, $0x38;
	[tilespmem:$0x14300] =	vst v63  }
0xcf: {  	s10 =	sadd.s32 s23, s16  }
0xd0: {  	s14 =	sshrl.u32 s10, $0x3  }
0xd1: {  	s24 =	sadd.s32 s5, s14  }
0xd2: {  	[tilespmem:s4], [sflag:$0x1] =	stream.linear.gather [hbm4b:s24+s4], $0x50, $0x38;
	[tilespmem:$0x14300] =	vst v63  }
.Ltmp6:
0xd3: {  	_ = 	snop;
	(pc) =	sbr.rel @p0 .LBB2_9-.Ltmp6, $4  }
0xd4: {  	s10 =	sshll.u32 s10, $0x4;
	s14 =	sadd.s32 s6, s14  }
0xd5: {  	[tilespmem:s20], [sflag:$0x3] =	stream.linear.gather [hbm4b:s14+s4], $0x50, $0x38;
	[tilespmem:$0x14300] =	vst v63  }
0xd6: {  	s10 =	sadd.s32 s1, s10  }
0xd7: {  	[tilespmem:s21], [sflag:$0x5] =	stream.linear.gather [hbm4b:s10+s4], $0x2800, $0x38;
	[tilespmem:$0x14300] =	vst v63  }
0xd8: {  	_ =	swait.ge [sflag:s25], $0x50  }
0xd9: {  	[sflag:s25] =	ssyncset.done $0x0  }
0xda: {  	[sflag:s25] =	ssyncadd.s32 $0xFFFFFFB0  }
0xdb: {  	_ =	swait.ge [sflag:s26], $0x50  }
0xdc: {  	[sflag:s26] =	ssyncset.done $0x0  }
0xdd: {  	[sflag:s26] =	ssyncadd.s32 $0xFFFFFFB0  }
0xde: {  	[tilespmem:s29], [sflag:$0x7] =	stream.indirect.gather [hbm4b:s2+s28], $0x80, s4, s28, $0xb8;
	[tilespmem:$0x14300] =	vst v63  }
0xdf: {  	s10 =	simm.s32 @!p1 $0xC  }
0xe0: {  	[tilespmem:s30], [sflag:$0x9] =	stream.indirect.gather [hbm4b:s8+s28], $0x80, s20, s28, $0xb8;
	[tilespmem:$0x14300] =	vst v63  }
0xe1: {  	_ =	swait.ge @!p1 [sflag:s10], $0x2800  }
0xe2: {  	[sflag:s10] =	ssyncset.done @!p1 $0x0  }
0xe3: {  	[sflag:s10] =	ssyncadd.s32 @!p1 $0xFFFFD800  }
0xe4: {  	_ =	swait.ge [sflag:s11], $0x2800  }
0xe5: {  	[sflag:s11] =	ssyncset.done $0x0  }
0xe6: {  	[sflag:s11] =	ssyncadd.s32 $0xFFFFD800  }
0xe7: {  	_ =	swait.ge [sflag:s12], $0x2800  }
0xe8: {  	[sflag:s12] =	ssyncset.done $0x0  }
0xe9: {  	[sflag:s12] =	ssyncadd.s32 $0xFFFFD800  }
0xea: {  	_ =	swait.ge [sflag:s13], $0x2800  }
0xeb: {  	[sflag:s13] =	ssyncset.done $0x0  }
0xec: {  	s24 =	simm.s32 $0x0;
	[sflag:s13] =	ssyncadd.s32 $0xFFFFD800  }
0xed: {  	v1 =	vld [tilespmem:s24+$0xCA70]  }
0xee: {  	v2 =	vld [tilespmem:s24+$0x2A70]  }
0xef: {  	v3 =	vld [tilespmem:s24+$0xCA00]  }
0xf0: {  	v5 =	vld [tilespmem:s24+$0x2A00]  }
0xf1: {  	v6 =	vld [tilespmem:s24+$0xCA10]  }
0xf2: {  	v7 =	vld [tilespmem:s24+$0x2A10]  }
0xf3: {  	v10 =	vld [tilespmem:s24+$0xCA30]  }
0xf4: {  	v11 =	vld [tilespmem:s24+$0x2A30]  }
0xf5: {  	v12 =	vld [tilespmem:s24+$0xCA40]  }
0xf6: {  	v13 =	vld [tilespmem:s24+$0x2A40]  }
0xf7: {  	v14 =	vld [tilespmem:s24+$0xCA50]  }
0xf8: {  	v15 =	vld [tilespmem:s24+$0x2A50]  }
0xf9: {  	v16 =	vld [tilespmem:s24+$0xCA60]  }
0xfa: {  	v17 =	vld [tilespmem:s24+$0x2A60]  }
0xfb: {  	v4 =	vld [tilespmem:s24+$0x7A70]  }
0xfc: {  	v18 =	vld [tilespmem:s24+$0x7A00];
	v1 =	vadd.f32 v2, v1;
	v3 =	vadd.f32 v5, v3  }
0xfd: {  	v19 =	vld [tilespmem:s24+$0x7A10];
	v6 =	vadd.f32 v7, v6;
	v23 =	vadd.f32 v11, v10  }
0xfe: {  	v8 =	vld [tilespmem:s24+$0xCA20];
	v22 =	vadd.f32 v13, v12;
	v21 =	vadd.f32 v15, v14  }
0xff: {  	v9 =	vld [tilespmem:s24+$0x2A20];
	v20 =	vadd.f32 v17, v16;
	v16 =	vimm.f32 $0.0e+00;
	v15 =	vimm.f32 $0.0e+00  }
0x100: {  	v28 =	vld [tilespmem:s24+$0x7A30];
	v10 =	vimm.f32 $0.0e+00;
	v14 =	vimm.f32 $0.0e+00;
	v1 =	vadd.f32 v4, v1  }
0x101: {  	v7 =	vld [tilespmem:s24+$0x7A20];
	v11 =	vimm.f32 $0.0e+00;
	v12 =	vimm.f32 $0.0e+00;
	v13 =	vadd.f32 v18, v3  }
0x102: {  	v27 =	vld [tilespmem:s24+$0x7A40];
	v4 =	vimm.f32 $0.0e+00;
	v18 =	vadd.f32 v19, v6;
	v5 =	vmul.f32 v1, v1  }
0x103: {  	v25 =	vld [tilespmem:s24+$0x7A50];
	v6 =	vimm.f32 $0.0e+00;
	v2 =	vadd.f32 v1, v4;
	v3 =	vadd.f32 v13, v4  }
0x104: {  	s10 =	simm.s32 $0x80;
	v26 =	vld [tilespmem:s24+$0x7A60];
	[tilespmem:s24+$0x11A70] =	vst v1;
	v19 =	vmul.f32 v13, v13;
	v1 =	vadd.f32 v5, v4;
	v5 =	vadd.f32 v9, v8  }
0x105: {  	v24 =	vld [tilespmem:s10+$0xCA70];
	[tilespmem:s24+$0x11A00] =	vst v13;
	v13 =	vimm.f32 $0.0e+00;
	v8 =	vimm.f32 $0.0e+00;
	v9 =	vimm.f32 $0.0e+00  }
0x106: {  	s14 =	simm.s32 $0x400;
	v17 =	vadd.f32 v7, v5;
	v7 =	vimm.f32 $0.0e+00;
	v5 =	vimm.f32 $0.0e+00  }
.LBB2_7:
0x107: {  	p0 =	sne.s32 s14, $0x9E00;
	v29 =	vld [tilespmem:s10+$0x2A70];
	[tilespmem:s24+$0x11A10] =	vst v18;
	v4 =	vadd.f32 v18, v4;
	v18 =	vmul.f32 v18, v18;
	v23 =	vadd.f32 v28, v23  }
0x108: {  	v28 =	vld [tilespmem:s10+$0xCA00];
	v16 =	vadd.f32 v19, v16;
	[tilespmem:s24+$0x11A20] =	vst v17;
	v19 =	vmul.f32 v17, v17;
	v22 =	vadd.f32 v27, v22  }
0x109: {  	v27 =	vld [tilespmem:s10+$0x7A70];
	v15 =	vadd.f32 v18, v15;
	[tilespmem:s24+$0x11A30] =	vst v23;
	v18 =	vmul.f32 v23, v23;
	v21 =	vadd.f32 v25, v21  }
0x10a: {  	v25 =	vld [tilespmem:s10+$0x2A00];
	v10 =	vadd.f32 v19, v10;
	[tilespmem:s24+$0x11A40] =	vst v22;
	v19 =	vmul.f32 v22, v22;
	v20 =	vadd.f32 v26, v20  }
0x10b: {  	v14 =	vadd.f32 v17, v14;
	v26 =	vld [tilespmem:s10+$0xCA10];
	v11 =	vadd.f32 v18, v11;
	[tilespmem:s24+$0x11A50] =	vst v21;
	v17 =	vmul.f32 v21, v21  }
0x10c: {  	v18 =	vld [tilespmem:s10+$0x2A10];
	v24 =	vadd.f32 v29, v24;
	v12 =	vadd.f32 v19, v12;
	[tilespmem:s24+$0x11A60] =	vst v20;
	v19 =	vmul.f32 v20, v20;
	s24 =	smov.u32 s10  }
0x10d: {  	v8 =	vadd.f32 v23, v8;
	v29 =	vld [tilespmem:s24+$0xCA20];
	v9 =	vadd.f32 v17, v9  }
0x10e: {  	v17 =	vld [tilespmem:s24+$0x2A20];
	v23 =	vadd.f32 v27, v24;
	v6 =	vadd.f32 v19, v6  }
0x10f: {  	v13 =	vadd.f32 v22, v13;
	v19 =	vadd.f32 v25, v28;
	v24 =	vld [tilespmem:s24+$0xCA30]  }
0x110: {  	v7 =	vadd.f32 v21, v7;
	v5 =	vadd.f32 v20, v5;
	v22 =	vld [tilespmem:s24+$0x2A30];
	[tilespmem:s24+$0x11A70] =	vst v23;
	v25 =	vmul.f32 v23, v23  }
0x111: {  	v2 =	vadd.f32 v23, v2;
	v18 =	vadd.f32 v18, v26;
	v20 =	vld [tilespmem:s24+$0xCA40]  }
0x112: {  	v21 =	vld [tilespmem:s24+$0x2A40];
	v1 =	vadd.f32 v25, v1  }
0x113: {  	v17 =	vadd.f32 v17, v29;
	v25 =	vld [tilespmem:s24+$0xCA50]  }
0x114: {  	v26 =	vld [tilespmem:s24+$0x2A50]  }
0x115: {  	v23 =	vadd.f32 v22, v24;
	v24 =	vld [tilespmem:s24+$0xCA60]  }
0x116: {  	v29 =	vld [tilespmem:s24+$0x2A60]  }
0x117: {  	v30 =	vld [tilespmem:s24+$0x7A00];
	v22 =	vadd.f32 v21, v20  }
0x118: {  	v31 =	vld [tilespmem:s24+$0x7A10]  }
0x119: {  	v32 =	vld [tilespmem:s24+$0x7A20];
	v21 =	vadd.f32 v26, v25  }
.Ltmp7:
0x11a: {  	v28 =	vld [tilespmem:s24+$0x7A30];
	(pc) =	sbr.rel @p0 .LBB2_7-.Ltmp7, $4  }
0x11b: {  	v27 =	vld [tilespmem:s24+$0x7A40];
	v20 =	vadd.f32 v29, v24  }
0x11c: {  	v19 =	vadd.f32 v30, v19;
	v25 =	vld [tilespmem:s24+$0x7A50]  }
0x11d: {  	s10 =	sshra.s32 s14, $0x2;
	v18 =	vadd.f32 v31, v18;
	v26 =	vld [tilespmem:s24+$0x7A60]  }
0x11e: {  	s14 =	sadd.s32 $0x200, s14;
	v24 =	vld [tilespmem:s10+$0xCA70];
	[tilespmem:s24+$0x11A00] =	vst v19;
	v3 =	vadd.f32 v19, v3;
	v19 =	vmul.f32 v19, v19;
	v17 =	vadd.f32 v32, v17  }
0x11f: {  	v29 =	vld [tilespmem:s10+$0x2A70];
	[tilespmem:s24+$0x11A10] =	vst v18;
	v23 =	vadd.f32 v28, v23  }
0x120: {  	v30 =	vld [tilespmem:s10+$0xCA00];
	[tilespmem:s24+$0x11A20] =	vst v17;
	v22 =	vadd.f32 v27, v22  }
0x121: {  	v48 =	vld [tilespmem:s10+$0x7A70];
	[tilespmem:s24+$0x11A30] =	vst v23;
	v21 =	vadd.f32 v25, v21  }
0x122: {  	v49 =	vld [tilespmem:s10+$0x2A00];
	[tilespmem:s24+$0x11A40] =	vst v22;
	v20 =	vadd.f32 v26, v20  }
0x123: {  	v50 =	vld [tilespmem:s10+$0xCA10];
	[tilespmem:s24+$0x11A50] =	vst v21  }
0x124: {  	v51 =	vld [tilespmem:s10+$0x2A10];
	[tilespmem:s24+$0x11A60] =	vst v20  }
0x125: {  	v52 =	vld [tilespmem:s10+$0xCA20]  }
0x126: {  	v31 =	vld [tilespmem:s10+$0x2A20]  }
0x127: {  	v53 =	vld [tilespmem:s10+$0xCA30]  }
0x128: {  	v32 =	vld [tilespmem:s10+$0x2A30]  }
0x129: {  	v33 =	vld [tilespmem:s10+$0xCA40]  }
0x12a: {  	v34 =	vld [tilespmem:s10+$0x2A40]  }
0x12b: {  	v35 =	vld [tilespmem:s10+$0xCA50]  }
0x12c: {  	v36 =	vld [tilespmem:s10+$0x2A50]  }
0x12d: {  	v37 =	vld [tilespmem:s10+$0xCA60]  }
0x12e: {  	v38 =	vld [tilespmem:s10+$0x2A60]  }
0x12f: {  	v39 =	vld [tilespmem:s10+$0x7A00]  }
0x130: {  	v40 =	vld [tilespmem:s10+$0x7A10]  }
0x131: {  	v24 =	vadd.f32 v29, v24;
	v41 =	vld [tilespmem:s10+$0x7A20]  }
0x132: {  	v54 =	vld [tilespmem:s10+$0x7A30];
	v27 =	vadd.f32 v49, v30  }
0x133: {  	v55 =	vld [tilespmem:s10+$0x7A40];
	v24 =	vadd.f32 v48, v24;
	v25 =	vadd.f32 v51, v50  }
0x134: {  	v56 =	vld [tilespmem:s10+$0x7A50];
	v29 =	vadd.f32 v31, v52;
	v27 =	vadd.f32 v39, v27  }
0x135: {  	v57 =	vld [tilespmem:s10+$0x7A60];
	[tilespmem:s10+$0x11A70] =	vst v24;
	v28 =	vadd.f32 v32, v53;
	v25 =	vadd.f32 v40, v25  }
0x136: {  	v33 =	vadd.f32 v34, v33;
	v29 =	vadd.f32 v41, v29;
	[tilespmem:s10+$0x11A00] =	vst v27  }
0x137: {  	v58 =	vadd.f32 v36, v35;
	v28 =	vadd.f32 v54, v28;
	[tilespmem:s10+$0x11A10] =	vst v25  }
0x138: {  	v59 =	vadd.f32 v38, v37;
	v26 =	vadd.f32 v55, v33;
	[tilespmem:s10+$0x11A20] =	vst v29  }
0x139: {  	v4 =	vadd.f32 v18, v4;
	v60 =	vmul.f32 v18, v18;
	v31 =	vadd.f32 v56, v58;
	[tilespmem:s10+$0x11A30] =	vst v28  }
0x13a: {  	v16 =	vadd.f32 v19, v16;
	v61 =	vmul.f32 v17, v17;
	v30 =	vadd.f32 v57, v59;
	[tilespmem:s10+$0x11A40] =	vst v26  }
0x13b: {  	v14 =	vadd.f32 v17, v14;
	v15 =	vadd.f32 v60, v15;
	v62 =	vmul.f32 v23, v23;
	[tilespmem:s10+$0x11A50] =	vst v31  }
0x13c: {  	v8 =	vadd.f32 v23, v8;
	v63 =	vmul.f32 v22, v22;
	v10 =	vadd.f32 v61, v10;
	[tilespmem:s10+$0x11A60] =	vst v30  }
0x13d: {  	v13 =	vadd.f32 v22, v13;
	v11 =	vadd.f32 v62, v11;
	v37 =	vld [tilespmem:$0x14200]  }
0x13e: {  	v7 =	vadd.f32 v21, v7;
	v12 =	vadd.f32 v63, v12;
	v35 =	vmul.f32 v21, v21;
	v38 =	vld [tilespmem:$0x14280]  }
0x13f: {  	v5 =	vadd.f32 v20, v5;
	v36 =	vmul.f32 v20, v20;
	v39 =	vmul.f32 v27, v27;
	v41 =	vld [tilespmem:$0x14290]  }
0x140: {  	v9 =	vadd.f32 v35, v9;
	v3 =	vadd.f32 v27, v3;
	v42 =	vmul.f32 v25, v25;
	v44 =	vld [tilespmem:$0x142A0]  }
0x141: {  	v6 =	vadd.f32 v36, v6;
	v16 =	vadd.f32 v39, v16;
	v45 =	vmul.f32 v29, v29;
	v50 =	vld [tilespmem:$0x142C0]  }
0x142: {  	v51 =	vmul.f32 v26, v26;
	v40 =	vld [tilespmem:$0x14210];
	v15 =	vadd.f32 v42, v15;
	v3 =	vadd.f32 v37, v3  }
0x143: {  	v53 =	vld [tilespmem:$0x142D0];
	v10 =	vadd.f32 v45, v10;
	v16 =	vadd.f32 v38, v16  }
0x144: {  	v54 =	vmul.f32 v31, v31;
	v43 =	vld [tilespmem:$0x14220];
	v12 =	vadd.f32 v51, v12;
	v15 =	vadd.f32 v41, v15;
	[tilespmem:$0x14200] =	vst v3  }
0x145: {  	v4 =	vadd.f32 v25, v4;
	v56 =	vld [tilespmem:$0x142E0];
	v10 =	vadd.f32 v44, v10;
	[tilespmem:$0x14280] =	vst v16  }
0x146: {  	v57 =	vmul.f32 v30, v30;
	v46 =	vld [tilespmem:$0x14230];
	v9 =	vadd.f32 v54, v9;
	v58 =	vadd.f32 v50, v12;
	[tilespmem:$0x14290] =	vst v15  }
0x147: {  	v14 =	vadd.f32 v29, v14;
	v59 =	vld [tilespmem:$0x14270];
	v3 =	vadd.f32 v40, v4;
	[tilespmem:$0x142A0] =	vst v10  }
0x148: {  	v49 =	vld [tilespmem:$0x14240];
	v6 =	vadd.f32 v57, v6;
	v62 =	vadd.f32 v53, v9;
	[tilespmem:$0x142C0] =	vst v58  }
0x149: {  	v8 =	vadd.f32 v28, v8;
	v60 =	vld [tilespmem:$0x142F0];
	[tilespmem:$0x14210] =	vst v3;
	v3 =	vadd.f32 v43, v14  }
0x14a: {  	v61 =	vmul.f32 v24, v24;
	v2 =	vadd.f32 v24, v2;
	v52 =	vld [tilespmem:$0x14250];
	v63 =	vadd.f32 v56, v6;
	[tilespmem:$0x142D0] =	vst v62  }
0x14b: {  	v13 =	vadd.f32 v26, v13;
	v47 =	vld [tilespmem:$0x142B0];
	[tilespmem:$0x14220] =	vst v3;
	v3 =	vadd.f32 v46, v8  }
0x14c: {  	v1 =	vadd.f32 v61, v1;
	v48 =	vmul.f32 v28, v28;
	v55 =	vld [tilespmem:$0x14260];
	v2 =	vadd.f32 v59, v2;
	[tilespmem:$0x142E0] =	vst v63  }
0x14d: {  	v7 =	vadd.f32 v31, v7;
	[tilespmem:$0x14230] =	vst v3;
	v3 =	vadd.f32 v49, v13  }
0x14e: {  	v11 =	vadd.f32 v48, v11;
	v1 =	vadd.f32 v60, v1;
	[tilespmem:$0x14270] =	vst v2  }
0x14f: {  	s24 =	smul.u32 $0x50, s19;
	v5 =	vadd.f32 v30, v5;
	[tilespmem:$0x14240] =	vst v3;
	v3 =	vadd.f32 v52, v7  }
0x150: {  	v4 =	vadd.f32 v47, v11;
	[tilespmem:$0x142F0] =	vst v1  }
0x151: {  	s10 =	sadd.s32 s7, s24;
	[tilespmem:$0x14250] =	vst v3;
	v3 =	vadd.f32 v55, v5  }
0x152: {  	s10 =	sshll.u32 s10, $0x4;
	[tilespmem:$0x142B0] =	vst v4  }
0x153: {  	s14 =	simm.s32 $0x11A00;
	p0 =	sgt.u32 s18, $0x3C;
	s10 =	sadd.s32 s9, s10;
	[tilespmem:$0x14260] =	vst v3  }
0x154: {  	[hbm4b:s10+s4] =	stream.linear.scatter [tilespmem:s14], [sflag:$0xC], $0x2800, $0x38;
	[tilespmem:$0x14300] =	vst v63  }
0x155: {  	s10 =	sadd.s32 @!p0 s23, s17  }
0x156: {  	s14 =	sshrl.u32 @!p0 s10, $0x3  }
0x157: {  	s24 =	simm.s32 @!p0 $0x80;
	s23 =	simm.s32 @!p0 $0x0;
	s19 =	sadd.s32 @!p0 s5, s14  }
0x158: {  	[tilespmem:s24], [sflag:$0x2] =	stream.linear.gather @!p0 [hbm4b:s19+s23], $0x50, $0x38;
	[tilespmem:$0x14300] =	vst v63  }
.Ltmp8:
0x159: {  	_ = 	snop;
	(pc) =	sbr.rel .LBB2_9-.Ltmp8, $4  }
0x15a: {  	s10 =	sshll.u32 @!p0 s10, $0x4;
	s14 =	sadd.s32 @!p0 s6, s14;
	s19 =	simm.s32 @!p0 $0x180  }
0x15b: {  	[tilespmem:s19], [sflag:$0x4] =	stream.linear.gather @!p0 [hbm4b:s14+s23], $0x50, $0x38;
	[tilespmem:$0x14300] =	vst v63  }
0x15c: {  	s10 =	sadd.s32 @!p0 s1, s10;
	s14 =	simm.s32 @!p0 $0xCA00  }
0x15d: {  	[tilespmem:s14], [sflag:$0x6] =	stream.linear.gather @!p0 [hbm4b:s10+s23], $0x2800, $0x38;
	[tilespmem:$0x14300] =	vst v63  }
.LBB2_11:
0x15e: {  	_ =	sfence.sel $0x180000  }
0x15f: {  	[bflag:$0x0] =	sbarrier.arrive $0xFFFF  }
0x160: {  	_ =	strace $0x90000047  }
0x161: {  	s0 =	stileid.u32;
	[bflag:$0x2] =	sbarrier.arrive $0xFFFF  }
0x162: {  	p0 =	sne.s32 s0, $0x0;
	s0 =	rddreg [dreg:$0x4]  }
0x163: {  	s0 =	sadd.s32 @!p0 $0x100000, s0  }
0x164: {  	[sflag:s0] =	ssyncadd.tile.s32 @!p0 $0x1;
	_ =	shalt  }
.Lfunc_end2:
_tile_overlayer_lowered:
.L_overlay_start_2:
0x165: {  	(tag) =	ssettag $0x2  }
0x166: {  	s0 =	rddreg [dreg:$0x0];
	s2 =	stileid.u32  }
0x167: {  	s1 =	rddreg [dreg:$0x1];
	p0 =	sne.s32 s2, $0x0  }
0x168: {  	s3 =	rddreg [dreg:$0x2];
	[bflag:$0x3] =	sbarrier.arrive $0xFFFF;
	s2 =	simm.s32 @!p0 $0x1C0D  }
0x169: {  	[timem:s3], [sflag:s2] =	dma.local @!p0 [hbm:s0], s1  }
0x16a: {  	s0 =	simm.s32 @!p0 $0xD  }
0x16b: {  	_ =	swait.ge @!p0 [sflag:s0], s1  }
0x16c: {  	s1 =	ssub.s32 @!p0 $0x0, s1;
	[sflag:s0] =	ssyncset.done @!p0 $0x0  }
0x16d: {  	[sflag:s0] =	ssyncadd.s32 @!p0 s1  }
0x16e: {  	[bflag:$0x3] =	sbarrier.arrive $0xFFFF  }
0x16f: {  	_ =	shalt  }

</sc_bundles>
